<compile_context>
chip_gen: v7x
topology: tpu7x:2x2x1
jax: 0.10.2.dev20260603
libtpu: 0.0.44.dev20260713+nightly
codegen_flags: <defaults>
</compile_context>

<pallas_src>
import functools

import jax
import jax.numpy as jnp
from jax import lax
from jax.experimental import pallas as pl
from jax.experimental.pallas import tpu as pltpu
from jax.experimental.pallas import tpu_sc as plsc

NC = 2
NS = 16
NW = NC * NS
CH = 125


def _sc_gather(src2, xt):
    nw, ew = src2.shape
    f, n = xt.shape
    ewp = ((ew + 15) // 16) * 16
    ngr = ewp // 16
    mesh = plsc.VectorSubcoreMesh(core_axis_name="c", subcore_axis_name="s")

    @functools.partial(
        pl.kernel,
        out_type=jax.ShapeDtypeStruct((f, nw * ew), jnp.float32),
        mesh=mesh,
        compiler_params=pltpu.CompilerParams(use_tc_tiling_on_sc=False, needs_layout_passes=False),
        scratch_types=[
            pltpu.VMEM((f, n), jnp.float32),
            pltpu.VMEM((ewp,), jnp.int32),
            pltpu.VMEM((f, ewp), jnp.float32),
        ],
    )
    def gather_kernel(src_hbm, xt_hbm, xst_hbm, xt_v, idx_v, xst_v):
        wid = lax.axis_index("s") * NC + lax.axis_index("c")
        pltpu.sync_copy(xt_hbm, xt_v)
        pltpu.sync_copy(src_hbm.at[wid], idx_v.at[pl.ds(0, ew)])
        lanes = lax.iota(jnp.int32, 16)
        tail = idx_v[pl.ds(ewp - 16, 16)]
        idx_v[pl.ds(ewp - 16, 16)] = jnp.where(lanes < 16 - (ewp - ew),
                                               tail, 0)

        @plsc.parallel_loop(0, ngr, unroll=8)
        def _(q):
            base = q * 16
            idx16 = idx_v[pl.ds(base, 16)]
            for ff in range(f):
                row = jnp.full((16,), ff, jnp.int32)
                xst_v[ff, pl.ds(base, 16)] = plsc.load_gather(
                    xt_v, [row, idx16])
        pltpu.sync_copy(xst_v.at[:, pl.ds(0, ew)],
                        xst_hbm.at[:, pl.ds(wid * ew, ew)])

    return gather_kernel(src2, xt)


def _sc_scatter(dst3, msgt, n):
    nw, nch, ch = dst3.shape
    ew = nch * ch
    hch = 8
    nh = nch // hch
    hew = hch * ch
    unr = 16
    rpt = n // NS
    span0 = ((n // NS + 7) // 8) * 8
    last = n - span0 * (NS - 1)
    rptp = ((span0 + 15) // 16) * 16
    mesh = plsc.VectorSubcoreMesh(core_axis_name="c", subcore_axis_name="s")

    @functools.partial(
        pl.kernel,
        out_type=jax.ShapeDtypeStruct((NC, 16, n), jnp.float32),
        mesh=mesh,
        compiler_params=pltpu.CompilerParams(use_tc_tiling_on_sc=False, needs_layout_passes=False),
        scratch_types=[
            pltpu.VMEM((nch, ch), jnp.int32),
            pltpu.VMEM((16, hew), jnp.float32),
            pltpu.VMEM((hch, ch, 16), jnp.float32),
            pltpu.VMEM((rptp, 16), jnp.float32),
            pltpu.VMEM((16, rptp + 1), jnp.float32),
            pltpu.VMEM_SHARED((n, 16), jnp.float32),
            pltpu.SemaphoreType.DMA,
        ],
    )
    def scatter_kernel(dst_hbm, msgt_hbm, out_hbm, idx_v, msgt_v, msg_v,
                       zero_v, aggt_v, agg_sh, sem):
        cid = lax.axis_index("c")
        sid = lax.axis_index("s")
        wid = sid * NC + cid
        lanes = lax.iota(jnp.int32, 16)

        def zbody(i, carry):
            zero_v[i] = jnp.zeros((16,), jnp.float32)
            return carry

        lax.fori_loop(0, rptp, zbody, 0)
        pltpu.sync_copy(zero_v.at[pl.ds(0, rpt)],
                        agg_sh.at[pl.ds(sid * rpt, rpt)])
        pltpu.sync_copy(dst_hbm.at[wid], idx_v)
        plsc.subcore_barrier()

        for h in range(nh):
            pltpu.sync_copy(
                msgt_hbm.at[:, pl.ds(wid * ew + h * hew, hew)], msgt_v)

            @plsc.parallel_loop(0, hch * ch, unroll=unr)
            def _(e):
                col = jnp.full((16,), e, jnp.int32)
                v = plsc.load_gather(msgt_v, [lanes, col])
                msg_v[e // ch, e % ch] = v

            def sbody(j, carry):
                pltpu.async_copy(msg_v.at[j],
                                 agg_sh.at[idx_v.at[h * hch + j]],
                                 sem, add=True)
                return carry

            lax.fori_loop(0, hch, sbody, 0)

            def dbody(j, carry):
                pltpu.make_async_copy(msg_v.at[j],
                                      agg_sh.at[idx_v.at[h * hch + j]],
                                      sem).wait()
                return carry

            lax.fori_loop(0, hch, dbody, 0)

        plsc.subcore_barrier()

        off = sid * span0

        @pl.when(sid < NS - 1)
        def _():
            pltpu.sync_copy(agg_sh.at[pl.ds(off, span0)],
                            zero_v.at[pl.ds(0, span0)])

        @pl.when(sid == NS - 1)
        def _():
            pltpu.sync_copy(agg_sh.at[pl.ds(off, last)],
                            zero_v.at[pl.ds(0, last)])

        @plsc.parallel_loop(0, rptp, unroll=unr)
        def _(r):
            v = zero_v[r]
            plsc.store_scatter(aggt_v, [lanes, jnp.full((16,), r, jnp.int32)],
                               v)

        @pl.when(sid < NS - 1)
        def _():
            pltpu.sync_copy(aggt_v.at[:, pl.ds(0, span0)],
                            out_hbm.at[cid, :, pl.ds(off, span0)])

        @pl.when(sid == NS - 1)
        def _():
            pltpu.sync_copy(aggt_v.at[:, pl.ds(0, last)],
                            out_hbm.at[cid, :, pl.ds(off, last)])

    return scatter_kernel(dst3, msgt)


def _tc_dense(pseudo_t, xs_t, w, cvec, rt):
    d, e = pseudo_t.shape
    koi = w.shape[0]
    o, oi = rt.shape
    k = koi // oi
    eb = 32000
    grid = e // eb

    def body(p_ref, xs_ref, w_ref, c_ref, rt_ref, out_ref):
        p = p_ref[...]
        fmat = jnp.concatenate([p * p, p], axis=0)
        arg = lax.dot_general(w_ref[...], fmat,
                              (((1,), (0,)), ((), ())),
                              preferred_element_type=jnp.float32)
        g = jnp.exp(-(arg + c_ref[...]))
        gm = g[0:oi]
        for kk in range(1, k):
            gm = gm + g[kk * oi:(kk + 1) * oi]
        prod = gm * jnp.tile(xs_ref[...], (o, 1))
        msg = lax.dot_general(rt_ref[...], prod,
                              (((1,), (0,)), ((), ())),
                              preferred_element_type=jnp.float32)
        out_ref[...] = jnp.concatenate(
            [msg,
             jnp.ones((1, eb), jnp.float32),
             jnp.zeros((16 - o - 1, eb), jnp.float32)], axis=0)

    return pl.pallas_call(
        body,
        grid=(grid,),
        in_specs=[
            pl.BlockSpec((d, eb), lambda i: (0, i)),
            pl.BlockSpec((xs_t.shape[0], eb), lambda i: (0, i)),
            pl.BlockSpec(w.shape, lambda i: (0, 0)),
            pl.BlockSpec(cvec.shape, lambda i: (0, 0)),
            pl.BlockSpec(rt.shape, lambda i: (0, 0)),
        ],
        out_specs=pl.BlockSpec((16, eb), lambda i: (0, i)),
        out_shape=jax.ShapeDtypeStruct((16, e), jnp.float32),
    )(pseudo_t, xs_t, w, cvec, rt)


def _tc_combine(agg2t, xt, root, bias):
    i_f, n = xt.shape
    o = root.shape[0]
    bias2 = bias[:, None]

    def body(a_ref, xt_ref, root_ref, b_ref, out_ref):
        a = a_ref[...]
        s = a[0] + a[1]
        msg = s[0:o]
        deg = s[o:o + 1]
        dense = lax.dot_general(root_ref[...], xt_ref[...],
                                (((1,), (0,)), ((), ())),
                                preferred_element_type=jnp.float32)
        out_ref[...] = msg / jnp.maximum(deg, 1.0) + dense + b_ref[...]

    return pl.pallas_call(
        body,
        out_shape=jax.ShapeDtypeStruct((o, n), jnp.float32),
    )(agg2t, xt, root, bias2)


def kernel(edge_index, pseudo, x, mean, covariance, root, bias):
    e = edge_index.shape[1]
    n, i_f = x.shape
    o, _, k, d = mean.shape
    ew = e // NW
    nch = ew // CH
    src2 = edge_index[0].reshape(NW, ew)
    dst3 = edge_index[1].reshape(NW, nch, CH)

    mu = jnp.transpose(mean, (2, 0, 1, 3)).reshape(k * o * i_f, d)
    iv = 1.0 / (2.0 * jnp.transpose(covariance, (2, 0, 1, 3)
                                    ).reshape(k * o * i_f, d) ** 2 + 1e-8)
    w = jnp.concatenate([iv, -2.0 * mu * iv], axis=1)
    cvec = jnp.sum(mu * mu * iv, axis=1)[:, None]
    rt = jnp.repeat(jnp.eye(o, dtype=jnp.float32), i_f, axis=1) / k

    xt = x.T
    xs_t = _sc_gather(src2, xt)
    msg16_t = _tc_dense(pseudo.T, xs_t, w, cvec, rt)
    agg2t = _sc_scatter(dst3, msg16_t, n)
    return _tc_combine(agg2t, xt, root, bias).T

# --- scband reference (transcript-rebuilt; emitter-appended) ---
"""Pipeline reference for scband-mo-conv-50405736185998 (READ-ONLY COPY).

The authoritative reference and input builder live on the scoring server;
editing this copy changes nothing except your own understanding.
"""

import jax, jax.numpy as jnp
import numpy as np

N_NODES = 10000
N_EDGES = 160000
IN_F = 8
OUT_F = 8
DIM = 3
KERNEL = 2


def setup_inputs(seed: int = 0) -> dict:
    key = jax.random.key(seed)
    k1, k2, k3, k4, k5, k6, k7 = jax.random.split(key, 7)
    edge_index = jax.random.randint(k1, (2, N_EDGES), 0, N_NODES, dtype=jnp.int32)
    pseudo = jax.random.uniform(k2, (N_EDGES, DIM), dtype=jnp.float32)
    x = jax.random.normal(k3, (N_NODES, IN_F), dtype=jnp.float32)
    bound = 1.0 / np.sqrt(IN_F * KERNEL * DIM)
    # Gaussian means live in pseudo-coordinate space [0,1]
    mean = jax.random.uniform(k4, (OUT_F, IN_F, KERNEL, DIM), minval=0.0, maxval=1.0, dtype=jnp.float32)
    # covariance (std-dev) offset away from zero for numerical stability
    covariance = jax.random.uniform(k5, (OUT_F, IN_F, KERNEL, DIM), minval=0.1, maxval=1.0, dtype=jnp.float32)
    root = jax.random.uniform(k6, (OUT_F, IN_F), minval=-bound, maxval=bound, dtype=jnp.float32)
    bias = jax.random.uniform(k7, (OUT_F,), minval=-bound, maxval=bound, dtype=jnp.float32)
    return {"edge_index": edge_index, "pseudo": pseudo, "x": x,
            "mean": mean, "covariance": covariance, "root": root, "bias": bias}


def reference(edge_index, pseudo, x, mean, covariance, root, bias):
    # MoNet / GMM convolution:
    #   g_{e,o,i,k} = exp(-0.5 * sum_d (u_{e,d} - mu_{o,i,k,d})^2 / sigma_{o,i,k,d}^2)
    #   out[n, o]   = mean_{e: dst(e)=n} sum_i x[src(e), i] * mean_k g_{e,o,i,k}
    #                 + (x @ root^T)[n, o] + bias[o]
    src = edge_index[0]
    dst = edge_index[1]
    O, I, K, D = mean.shape
    mu = mean.reshape(-1, D)                      # [OIK, D]
    inv2 = 1.0 / (2.0 * covariance.reshape(-1, D) ** 2 + 1e-8)  # [OIK, D]
    # expand -(u - mu)^2 * inv2 = -(u^2*inv2 - 2*u*mu*inv2 + mu^2*inv2) as matmuls
    quad = (pseudo ** 2) @ inv2.T                 # [E, OIK]
    lin = pseudo @ (2.0 * mu * inv2).T            # [E, OIK]
    const = jnp.sum(mu ** 2 * inv2, axis=-1)      # [OIK]
    g = jnp.exp(-(quad - lin + const[None, :]))   # [E, OIK]
    g = g.reshape(-1, O, I, K).mean(axis=-1)      # [E, O, I]
    xs = jnp.take(x, src, axis=0)                 # gather  [E, I]
    msg = jnp.einsum('eoi,ei->eo', g, xs)         # [E, O]
    agg = jax.ops.segment_sum(msg, dst, num_segments=x.shape[0])  # scatter-add [N, O]
    deg = jax.ops.segment_sum(jnp.ones_like(msg[:, 0]), dst, num_segments=x.shape[0])
    agg = agg / jnp.maximum(deg, 1.0)[:, None]
    out = agg + x @ root.T + bias[None, :]
    return out

if __name__ == "__main__":
    import jax
    _d = setup_inputs()
    print(jax.jit(kernel)(*tuple(_d.values())))

</pallas_src>

<mosaic_0001>
#map = affine_map<(d0, d1) -> (0, 0)>
module attributes {stable_mosaic.version = 14 : i64} {
  func.func @gather_kernel(%arg0: i32, %arg1: i32, %arg2: memref<32x5000xi32, #tpu.memory_space<hbm>>, %arg3: memref<8x10000xf32, #tpu.memory_space<hbm>>, %arg4: memref<8x160000xf32, #tpu.memory_space<hbm>>, %arg5: memref<8x10000xf32, #tpu.memory_space<vmem>>, %arg6: memref<5008xi32, #tpu.memory_space<vmem>>, %arg7: memref<8x5008xf32, #tpu.memory_space<vmem>>) attributes {dimension_semantics = [#tpu.dimension_semantics<core_parallel>, #tpu.dimension_semantics<subcore_parallel>], iteration_bounds = array<i64: 2, 16>, scalar_prefetch = 0 : i64, scratch_operands = 3 : i64, tpu.core_type = #tpu.core_type<sc_vector_subcore>, window_params = [{transform_indices = #map}, {transform_indices = #map}, {transform_indices = #map}]} {
    %mul3A = arith.constant 2 : i32
    %mul3A_0 = arith.muli %arg1, %mul3A : i32
    %add3A = arith.addi %mul3A_0, %arg0 : i32
    "tpu.region"() ({
      %run_scoped3A = tpu.sem_alloc : memref<!tpu.dma_semaphore, #tpu.memory_space<semaphore_mem>>
      tpu.enqueue_dma source(%arg3 : memref<8x10000xf32, #tpu.memory_space<hbm>>) target(%arg5 : memref<8x10000xf32, #tpu.memory_space<vmem>>) target_semaphore(%run_scoped3A : memref<!tpu.dma_semaphore, #tpu.memory_space<semaphore_mem>>)
      tpu.wait_dma2 semaphore(%run_scoped3A : memref<!tpu.dma_semaphore, #tpu.memory_space<semaphore_mem>>) src(%arg3 : memref<8x10000xf32, #tpu.memory_space<hbm>>) dst(%arg5 : memref<8x10000xf32, #tpu.memory_space<vmem>>)
      tpu.yield
    }) : () -> ()
    "tpu.region"() ({
      %run_scoped3A = tpu.sem_alloc : memref<!tpu.dma_semaphore, #tpu.memory_space<semaphore_mem>>
      %dma_start3A = arith.constant 0 : i32
      %dma_start3A_9 = tpu.memref_slice %arg6[%dma_start3A] : memref<5008xi32, #tpu.memory_space<vmem>> -> memref<5000xi32, #tpu.memory_space<vmem>>
      %dma_start3A_10 = arith.constant 0 : i32
      %dma_start3A_11 = tpu.memref_slice %arg2[%add3A, %dma_start3A_10] : memref<32x5000xi32, #tpu.memory_space<hbm>> -> memref<1x5000xi32, #tpu.memory_space<hbm>>
      %dma_start3A_12 = tpu.memref_squeeze %dma_start3A_11 : memref<1x5000xi32, #tpu.memory_space<hbm>> -> memref<5000xi32, #tpu.memory_space<hbm>>
      %dma_start3A_13 = arith.constant 0 : i32
      %dma_start3A_14 = tpu.memref_slice %arg6[%dma_start3A_13] : memref<5008xi32, #tpu.memory_space<vmem>> -> memref<5000xi32, #tpu.memory_space<vmem>>
      %dma_start3A_15 = arith.constant 0 : i32
      %dma_start3A_16 = tpu.memref_slice %arg2[%add3A, %dma_start3A_15] : memref<32x5000xi32, #tpu.memory_space<hbm>> -> memref<1x5000xi32, #tpu.memory_space<hbm>>
      %dma_start3A_17 = tpu.memref_squeeze %dma_start3A_16 : memref<1x5000xi32, #tpu.memory_space<hbm>> -> memref<5000xi32, #tpu.memory_space<hbm>>
      tpu.enqueue_dma source(%dma_start3A_17 : memref<5000xi32, #tpu.memory_space<hbm>>) target(%dma_start3A_14 : memref<5000xi32, #tpu.memory_space<vmem>>) target_semaphore(%run_scoped3A : memref<!tpu.dma_semaphore, #tpu.memory_space<semaphore_mem>>)
      %dma_wait3A = arith.constant 0 : i32
      %dma_wait3A_18 = tpu.memref_slice %arg6[%dma_wait3A] : memref<5008xi32, #tpu.memory_space<vmem>> -> memref<5000xi32, #tpu.memory_space<vmem>>
      %dma_wait3A_19 = arith.constant 0 : i32
      %dma_wait3A_20 = tpu.memref_slice %arg2[%add3A, %dma_wait3A_19] : memref<32x5000xi32, #tpu.memory_space<hbm>> -> memref<1x5000xi32, #tpu.memory_space<hbm>>
      %dma_wait3A_21 = tpu.memref_squeeze %dma_wait3A_20 : memref<1x5000xi32, #tpu.memory_space<hbm>> -> memref<5000xi32, #tpu.memory_space<hbm>>
      %dma_wait3A_22 = arith.constant 0 : i32
      %dma_wait3A_23 = tpu.memref_slice %arg6[%dma_wait3A_22] : memref<5008xi32, #tpu.memory_space<vmem>> -> memref<5000xi32, #tpu.memory_space<vmem>>
      %dma_wait3A_24 = arith.constant 0 : i32
      %dma_wait3A_25 = tpu.memref_slice %arg2[%add3A, %dma_wait3A_24] : memref<32x5000xi32, #tpu.memory_space<hbm>> -> memref<1x5000xi32, #tpu.memory_space<hbm>>
      %dma_wait3A_26 = tpu.memref_squeeze %dma_wait3A_25 : memref<1x5000xi32, #tpu.memory_space<hbm>> -> memref<5000xi32, #tpu.memory_space<hbm>>
      tpu.wait_dma2 semaphore(%run_scoped3A : memref<!tpu.dma_semaphore, #tpu.memory_space<semaphore_mem>>) src(%dma_wait3A_26 : memref<5000xi32, #tpu.memory_space<hbm>>) dst(%dma_wait3A_23 : memref<5000xi32, #tpu.memory_space<vmem>>)
      tpu.yield
    }) : () -> ()
    %iota3A = tpu.iota {dimensions = array<i32: 0>} : vector<16xi32>
    %get3A = arith.constant 4992 : index
    %get3A_1 = tpu.vector_load %arg6[%get3A] {strides = array<i32>} : memref<5008xi32, #tpu.memory_space<vmem>>, vector<16xi32>,
    %lt3A = arith.constant 8 : i32
    %lt3A_2 = vector.broadcast %lt3A : i32 to vector<16xi32>
    %lt3A_3 = arith.cmpi slt, %iota3A, %lt3A_2 : vector<16xi32>
    %jit3A = arith.constant 0 : i32
    %broadcast_in_dim3A = vector.broadcast %jit3A : i32 to vector<16xi32>
    %select_n3A = arith.select %lt3A_3, %get3A_1, %broadcast_in_dim3A : vector<16xi1>, vector<16xi32>
    %swap3A = arith.constant 4992 : index
    %swap3A_4 = tpu.vector_load %arg6[%swap3A] {strides = array<i32>} : memref<5008xi32, #tpu.memory_space<vmem>>, vector<16xi32>,
    tpu.vector_store %arg6[%swap3A], %select_n3A {strides = array<i32>} : memref<5008xi32, #tpu.memory_space<vmem>>, vector<16xi32>,
    %parallel_loop3A = arith.constant 0 : i32
    %parallel_loop3A_5 = arith.constant 313 : i32
    %parallel_loop3A_6 = arith.constant 1 : i32
    scf.for %parallel_loop3A_9 = %parallel_loop3A to %parallel_loop3A_5 step %parallel_loop3A_6  : i32 {
      %parallel_loop3A_10 = arith.constant 16 : i32
      %parallel_loop3A_11 = arith.muli %parallel_loop3A_9, %parallel_loop3A_10 : i32
      %parallel_loop3A_12 = arith.index_cast %parallel_loop3A_11 : i32 to index
      %parallel_loop3A_13 = tpu.vector_load %arg6[%parallel_loop3A_12] {strides = array<i32>} : memref<5008xi32, #tpu.memory_space<vmem>>, vector<16xi32>,
      %parallel_loop3A_14 = arith.constant 0 : i32
      %parallel_loop3A_15 = vector.broadcast %parallel_loop3A_14 : i32 to vector<16xi32>
      %parallel_loop3A_16 = tpu.vector_load_idx %arg5[%parallel_loop3A_15, %parallel_loop3A_13] : memref<8x10000xf32, #tpu.memory_space<vmem>>[vector<16xi32>, vector<16xi32>], vector<16xf32>,
      %parallel_loop3A_17 = arith.constant 0 : i32
      %parallel_loop3A_18 = arith.index_cast %parallel_loop3A_17 : i32 to index
      %parallel_loop3A_19 = arith.index_cast %parallel_loop3A_11 : i32 to index
      %parallel_loop3A_20 = tpu.vector_load %arg7[%parallel_loop3A_18, %parallel_loop3A_19] {strides = array<i32>} : memref<8x5008xf32, #tpu.memory_space<vmem>>, vector<16xf32>,
      tpu.vector_store %arg7[%parallel_loop3A_18, %parallel_loop3A_19], %parallel_loop3A_16 {strides = array<i32>} : memref<8x5008xf32, #tpu.memory_space<vmem>>, vector<16xf32>,
      %parallel_loop3A_21 = arith.constant 1 : i32
      %parallel_loop3A_22 = vector.broadcast %parallel_loop3A_21 : i32 to vector<16xi32>
      %parallel_loop3A_23 = tpu.vector_load_idx %arg5[%parallel_loop3A_22, %parallel_loop3A_13] : memref<8x10000xf32, #tpu.memory_space<vmem>>[vector<16xi32>, vector<16xi32>], vector<16xf32>,
      %parallel_loop3A_24 = arith.constant 1 : i32
      %parallel_loop3A_25 = arith.index_cast %parallel_loop3A_24 : i32 to index
      %parallel_loop3A_26 = arith.index_cast %parallel_loop3A_11 : i32 to index
      %parallel_loop3A_27 = tpu.vector_load %arg7[%parallel_loop3A_25, %parallel_loop3A_26] {strides = array<i32>} : memref<8x5008xf32, #tpu.memory_space<vmem>>, vector<16xf32>,
      tpu.vector_store %arg7[%parallel_loop3A_25, %parallel_loop3A_26], %parallel_loop3A_23 {strides = array<i32>} : memref<8x5008xf32, #tpu.memory_space<vmem>>, vector<16xf32>,
      %parallel_loop3A_28 = arith.constant 2 : i32
      %parallel_loop3A_29 = vector.broadcast %parallel_loop3A_28 : i32 to vector<16xi32>
      %parallel_loop3A_30 = tpu.vector_load_idx %arg5[%parallel_loop3A_29, %parallel_loop3A_13] : memref<8x10000xf32, #tpu.memory_space<vmem>>[vector<16xi32>, vector<16xi32>], vector<16xf32>,
      %parallel_loop3A_31 = arith.constant 2 : i32
      %parallel_loop3A_32 = arith.index_cast %parallel_loop3A_31 : i32 to index
      %parallel_loop3A_33 = arith.index_cast %parallel_loop3A_11 : i32 to index
      %parallel_loop3A_34 = tpu.vector_load %arg7[%parallel_loop3A_32, %parallel_loop3A_33] {strides = array<i32>} : memref<8x5008xf32, #tpu.memory_space<vmem>>, vector<16xf32>,
      tpu.vector_store %arg7[%parallel_loop3A_32, %parallel_loop3A_33], %parallel_loop3A_30 {strides = array<i32>} : memref<8x5008xf32, #tpu.memory_space<vmem>>, vector<16xf32>,
      %parallel_loop3A_35 = arith.constant 3 : i32
      %parallel_loop3A_36 = vector.broadcast %parallel_loop3A_35 : i32 to vector<16xi32>
      %parallel_loop3A_37 = tpu.vector_load_idx %arg5[%parallel_loop3A_36, %parallel_loop3A_13] : memref<8x10000xf32, #tpu.memory_space<vmem>>[vector<16xi32>, vector<16xi32>], vector<16xf32>,
      %parallel_loop3A_38 = arith.constant 3 : i32
      %parallel_loop3A_39 = arith.index_cast %parallel_loop3A_38 : i32 to index
      %parallel_loop3A_40 = arith.index_cast %parallel_loop3A_11 : i32 to index
      %parallel_loop3A_41 = tpu.vector_load %arg7[%parallel_loop3A_39, %parallel_loop3A_40] {strides = array<i32>} : memref<8x5008xf32, #tpu.memory_space<vmem>>, vector<16xf32>,
      tpu.vector_store %arg7[%parallel_loop3A_39, %parallel_loop3A_40], %parallel_loop3A_37 {strides = array<i32>} : memref<8x5008xf32, #tpu.memory_space<vmem>>, vector<16xf32>,
      %parallel_loop3A_42 = arith.constant 4 : i32
      %parallel_loop3A_43 = vector.broadcast %parallel_loop3A_42 : i32 to vector<16xi32>
      %parallel_loop3A_44 = tpu.vector_load_idx %arg5[%parallel_loop3A_43, %parallel_loop3A_13] : memref<8x10000xf32, #tpu.memory_space<vmem>>[vector<16xi32>, vector<16xi32>], vector<16xf32>,
      %parallel_loop3A_45 = arith.constant 4 : i32
      %parallel_loop3A_46 = arith.index_cast %parallel_loop3A_45 : i32 to index
      %parallel_loop3A_47 = arith.index_cast %parallel_loop3A_11 : i32 to index
      %parallel_loop3A_48 = tpu.vector_load %arg7[%parallel_loop3A_46, %parallel_loop3A_47] {strides = array<i32>} : memref<8x5008xf32, #tpu.memory_space<vmem>>, vector<16xf32>,
      tpu.vector_store %arg7[%parallel_loop3A_46, %parallel_loop3A_47], %parallel_loop3A_44 {strides = array<i32>} : memref<8x5008xf32, #tpu.memory_space<vmem>>, vector<16xf32>,
      %parallel_loop3A_49 = arith.constant 5 : i32
      %parallel_loop3A_50 = vector.broadcast %parallel_loop3A_49 : i32 to vector<16xi32>
      %parallel_loop3A_51 = tpu.vector_load_idx %arg5[%parallel_loop3A_50, %parallel_loop3A_13] : memref<8x10000xf32, #tpu.memory_space<vmem>>[vector<16xi32>, vector<16xi32>], vector<16xf32>,
      %parallel_loop3A_52 = arith.constant 5 : i32
      %parallel_loop3A_53 = arith.index_cast %parallel_loop3A_52 : i32 to index
      %parallel_loop3A_54 = arith.index_cast %parallel_loop3A_11 : i32 to index
      %parallel_loop3A_55 = tpu.vector_load %arg7[%parallel_loop3A_53, %parallel_loop3A_54] {strides = array<i32>} : memref<8x5008xf32, #tpu.memory_space<vmem>>, vector<16xf32>,
      tpu.vector_store %arg7[%parallel_loop3A_53, %parallel_loop3A_54], %parallel_loop3A_51 {strides = array<i32>} : memref<8x5008xf32, #tpu.memory_space<vmem>>, vector<16xf32>,
      %parallel_loop3A_56 = arith.constant 6 : i32
      %parallel_loop3A_57 = vector.broadcast %parallel_loop3A_56 : i32 to vector<16xi32>
      %parallel_loop3A_58 = tpu.vector_load_idx %arg5[%parallel_loop3A_57, %parallel_loop3A_13] : memref<8x10000xf32, #tpu.memory_space<vmem>>[vector<16xi32>, vector<16xi32>], vector<16xf32>,
      %parallel_loop3A_59 = arith.constant 6 : i32
      %parallel_loop3A_60 = arith.index_cast %parallel_loop3A_59 : i32 to index
      %parallel_loop3A_61 = arith.index_cast %parallel_loop3A_11 : i32 to index
      %parallel_loop3A_62 = tpu.vector_load %arg7[%parallel_loop3A_60, %parallel_loop3A_61] {strides = array<i32>} : memref<8x5008xf32, #tpu.memory_space<vmem>>, vector<16xf32>,
      tpu.vector_store %arg7[%parallel_loop3A_60, %parallel_loop3A_61], %parallel_loop3A_58 {strides = array<i32>} : memref<8x5008xf32, #tpu.memory_space<vmem>>, vector<16xf32>,
      %parallel_loop3A_63 = arith.constant 7 : i32
      %parallel_loop3A_64 = vector.broadcast %parallel_loop3A_63 : i32 to vector<16xi32>
      %parallel_loop3A_65 = tpu.vector_load_idx %arg5[%parallel_loop3A_64, %parallel_loop3A_13] : memref<8x10000xf32, #tpu.memory_space<vmem>>[vector<16xi32>, vector<16xi32>], vector<16xf32>,
      %parallel_loop3A_66 = arith.constant 7 : i32
      %parallel_loop3A_67 = arith.index_cast %parallel_loop3A_66 : i32 to index
      %parallel_loop3A_68 = arith.index_cast %parallel_loop3A_11 : i32 to index
      %parallel_loop3A_69 = tpu.vector_load %arg7[%parallel_loop3A_67, %parallel_loop3A_68] {strides = array<i32>} : memref<8x5008xf32, #tpu.memory_space<vmem>>, vector<16xf32>,
      tpu.vector_store %arg7[%parallel_loop3A_67, %parallel_loop3A_68], %parallel_loop3A_65 {strides = array<i32>} : memref<8x5008xf32, #tpu.memory_space<vmem>>, vector<16xf32>,
    } {sc.loop_unroll_factor = 8 : i64, sc.parallel_access}
    %mul3A_7 = arith.constant 5000 : i32
    %mul3A_8 = arith.muli %add3A, %mul3A_7 : i32
    "tpu.region"() ({
      %run_scoped3A = tpu.sem_alloc : memref<!tpu.dma_semaphore, #tpu.memory_space<semaphore_mem>>
      %dma_start3A = arith.constant 0 : i32
      %dma_start3A_9 = arith.constant 0 : i32
      %dma_start3A_10 = tpu.memref_slice %arg7[%dma_start3A, %dma_start3A_9] : memref<8x5008xf32, #tpu.memory_space<vmem>> -> memref<8x5000xf32, #tpu.memory_space<vmem>>
      %dma_start3A_11 = arith.constant 0 : i32
      %dma_start3A_12 = tpu.memref_slice %arg4[%dma_start3A_11, %mul3A_8] : memref<8x160000xf32, #tpu.memory_space<hbm>> -> memref<8x5000xf32, #tpu.memory_space<hbm>>
      %dma_start3A_13 = arith.constant 0 : i32
      %dma_start3A_14 = tpu.memref_slice %arg4[%dma_start3A_13, %mul3A_8] : memref<8x160000xf32, #tpu.memory_space<hbm>> -> memref<8x5000xf32, #tpu.memory_space<hbm>>
      %dma_start3A_15 = arith.constant 0 : i32
      %dma_start3A_16 = arith.constant 0 : i32
      %dma_start3A_17 = tpu.memref_slice %arg7[%dma_start3A_15, %dma_start3A_16] : memref<8x5008xf32, #tpu.memory_space<vmem>> -> memref<8x5000xf32, #tpu.memory_space<vmem>>
      tpu.enqueue_dma source(%dma_start3A_17 : memref<8x5000xf32, #tpu.memory_space<vmem>>) target(%dma_start3A_14 : memref<8x5000xf32, #tpu.memory_space<hbm>>) target_semaphore(%run_scoped3A : memref<!tpu.dma_semaphore, #tpu.memory_space<semaphore_mem>>)
      %dma_wait3A = arith.constant 0 : i32
      %dma_wait3A_18 = arith.constant 0 : i32
      %dma_wait3A_19 = tpu.memref_slice %arg7[%dma_wait3A, %dma_wait3A_18] : memref<8x5008xf32, #tpu.memory_space<vmem>> -> memref<8x5000xf32, #tpu.memory_space<vmem>>
      %dma_wait3A_20 = arith.constant 0 : i32
      %dma_wait3A_21 = tpu.memref_slice %arg4[%dma_wait3A_20, %mul3A_8] : memref<8x160000xf32, #tpu.memory_space<hbm>> -> memref<8x5000xf32, #tpu.memory_space<hbm>>
      %dma_wait3A_22 = arith.constant 0 : i32
      %dma_wait3A_23 = tpu.memref_slice %arg4[%dma_wait3A_22, %mul3A_8] : memref<8x160000xf32, #tpu.memory_space<hbm>> -> memref<8x5000xf32, #tpu.memory_space<hbm>>
      %dma_wait3A_24 = arith.constant 0 : i32
      %dma_wait3A_25 = arith.constant 0 : i32
      %dma_wait3A_26 = tpu.memref_slice %arg7[%dma_wait3A_24, %dma_wait3A_25] : memref<8x5008xf32, #tpu.memory_space<vmem>> -> memref<8x5000xf32, #tpu.memory_space<vmem>>
      tpu.wait_dma2 semaphore(%run_scoped3A : memref<!tpu.dma_semaphore, #tpu.memory_space<semaphore_mem>>) src(%dma_wait3A_26 : memref<8x5000xf32, #tpu.memory_space<vmem>>) dst(%dma_wait3A_23 : memref<8x5000xf32, #tpu.memory_space<hbm>>)
      tpu.yield
    }) : () -> ()
    return
  }
}

#map = affine_map<(d0, d1) -> (0, 0, 0)>
#map1 = affine_map<(d0, d1) -> (0, 0)>
module attributes {stable_mosaic.version = 14 : i64} {
  func.func @scatter_kernel(%arg0: i32, %arg1: i32, %arg2: memref<32x40x125xi32, #tpu.memory_space<hbm>>, %arg3: memref<16x160000xf32, #tpu.memory_space<hbm>>, %arg4: memref<2x16x10000xf32, #tpu.memory_space<hbm>>, %arg5: memref<40x125xi32, #tpu.memory_space<vmem>>, %arg6: memref<16x1000xf32, #tpu.memory_space<vmem>>, %arg7: memref<8x125x16xf32, #tpu.memory_space<vmem>>, %arg8: memref<640x16xf32, #tpu.memory_space<vmem>>, %arg9: memref<16x641xf32, #tpu.memory_space<vmem>>, %arg10: memref<10000x16xf32, #tpu.memory_space<vmem_shared>>, %arg11: memref<!tpu.dma_semaphore, #tpu.memory_space<semaphore_mem>>) attributes {dimension_semantics = [#tpu.dimension_semantics<core_parallel>, #tpu.dimension_semantics<subcore_parallel>], iteration_bounds = array<i64: 2, 16>, scalar_prefetch = 0 : i64, scratch_operands = 7 : i64, tpu.core_type = #tpu.core_type<sc_vector_subcore>, window_params = [{transform_indices = #map}, {transform_indices = #map1}, {transform_indices = #map}]} {
    %mul3A = arith.constant 2 : i32
    %mul3A_0 = arith.muli %arg1, %mul3A : i32
    %add3A = arith.addi %mul3A_0, %arg0 : i32
    %iota3A = tpu.iota {dimensions = array<i32: 0>} : vector<16xi32>
    %scan3A = arith.constant 0 : i32
    %scan3A_1 = arith.constant 0 : i32
    %scan3A_2 = arith.constant 640 : i32
    %scan3A_3 = arith.addi %scan3A_1, %scan3A_2 : i32
    %scan3A_4 = arith.constant 1 : i32
    scf.for %scan3A_124 = %scan3A_1 to %scan3A_3 step %scan3A_4  : i32 {
      %broadcast_in_dim3A = arith.constant 0.000000e+00 : f32
      %broadcast_in_dim3A_125 = vector.broadcast %broadcast_in_dim3A : f32 to vector<16xf32>
      %swap3A = arith.index_cast %scan3A_124 : i32 to index
      %swap3A_126 = arith.constant 0 : index
      %swap3A_127 = tpu.vector_load %arg8[%swap3A, %swap3A_126] {strides = array<i32>} : memref<640x16xf32, #tpu.memory_space<vmem>>, vector<16xf32>,
      tpu.vector_store %arg8[%swap3A, %swap3A_126], %broadcast_in_dim3A_125 {strides = array<i32>} : memref<640x16xf32, #tpu.memory_space<vmem>>, vector<16xf32>,
    }
    %scan3A_5 = arith.constant 640 : i32
    %mul3A_6 = arith.constant 625 : i32
    %mul3A_7 = arith.muli %arg1, %mul3A_6 : i32
    "tpu.region"() ({
      %run_scoped3A = tpu.sem_alloc : memref<!tpu.dma_semaphore, #tpu.memory_space<semaphore_mem>>
      %dma_start3A = arith.constant 0 : i32
      %dma_start3A_124 = arith.constant 0 : i32
      %dma_start3A_125 = tpu.memref_slice %arg8[%dma_start3A, %dma_start3A_124] : memref<640x16xf32, #tpu.memory_space<vmem>> -> memref<625x16xf32, #tpu.memory_space<vmem>>
      %dma_start3A_126 = arith.constant 0 : i32
      %dma_start3A_127 = tpu.memref_slice %arg10[%mul3A_7, %dma_start3A_126] : memref<10000x16xf32, #tpu.memory_space<vmem_shared>> -> memref<625x16xf32, #tpu.memory_space<vmem_shared>>
      %dma_start3A_128 = arith.constant 0 : i32
      %dma_start3A_129 = tpu.memref_slice %arg10[%mul3A_7, %dma_start3A_128] : memref<10000x16xf32, #tpu.memory_space<vmem_shared>> -> memref<625x16xf32, #tpu.memory_space<vmem_shared>>
      %dma_start3A_130 = arith.constant 0 : i32
      %dma_start3A_131 = arith.constant 0 : i32
      %dma_start3A_132 = tpu.memref_slice %arg8[%dma_start3A_130, %dma_start3A_131] : memref<640x16xf32, #tpu.memory_space<vmem>> -> memref<625x16xf32, #tpu.memory_space<vmem>>
      tpu.enqueue_dma source(%dma_start3A_132 : memref<625x16xf32, #tpu.memory_space<vmem>>) target(%dma_start3A_129 : memref<625x16xf32, #tpu.memory_space<vmem_shared>>) target_semaphore(%run_scoped3A : memref<!tpu.dma_semaphore, #tpu.memory_space<semaphore_mem>>)
      %dma_wait3A = arith.constant 0 : i32
      %dma_wait3A_133 = arith.constant 0 : i32
      %dma_wait3A_134 = tpu.memref_slice %arg8[%dma_wait3A, %dma_wait3A_133] : memref<640x16xf32, #tpu.memory_space<vmem>> -> memref<625x16xf32, #tpu.memory_space<vmem>>
      %dma_wait3A_135 = arith.constant 0 : i32
      %dma_wait3A_136 = tpu.memref_slice %arg10[%mul3A_7, %dma_wait3A_135] : memref<10000x16xf32, #tpu.memory_space<vmem_shared>> -> memref<625x16xf32, #tpu.memory_space<vmem_shared>>
      %dma_wait3A_137 = arith.constant 0 : i32
      %dma_wait3A_138 = tpu.memref_slice %arg10[%mul3A_7, %dma_wait3A_137] : memref<10000x16xf32, #tpu.memory_space<vmem_shared>> -> memref<625x16xf32, #tpu.memory_space<vmem_shared>>
      %dma_wait3A_139 = arith.constant 0 : i32
      %dma_wait3A_140 = arith.constant 0 : i32
      %dma_wait3A_141 = tpu.memref_slice %arg8[%dma_wait3A_139, %dma_wait3A_140] : memref<640x16xf32, #tpu.memory_space<vmem>> -> memref<625x16xf32, #tpu.memory_space<vmem>>
      tpu.wait_dma2 semaphore(%run_scoped3A : memref<!tpu.dma_semaphore, #tpu.memory_space<semaphore_mem>>) src(%dma_wait3A_141 : memref<625x16xf32, #tpu.memory_space<vmem>>) dst(%dma_wait3A_138 : memref<625x16xf32, #tpu.memory_space<vmem_shared>>)
      tpu.yield
    }) : () -> ()
    "tpu.region"() ({
      %run_scoped3A = tpu.sem_alloc : memref<!tpu.dma_semaphore, #tpu.memory_space<semaphore_mem>>
      %dma_start3A = arith.constant 0 : i32
      %dma_start3A_124 = arith.constant 0 : i32
      %dma_start3A_125 = tpu.memref_slice %arg2[%add3A, %dma_start3A, %dma_start3A_124] : memref<32x40x125xi32, #tpu.memory_space<hbm>> -> memref<1x40x125xi32, #tpu.memory_space<hbm>>
      %dma_start3A_126 = tpu.memref_squeeze %dma_start3A_125 : memref<1x40x125xi32, #tpu.memory_space<hbm>> -> memref<40x125xi32, #tpu.memory_space<hbm>>
      %dma_start3A_127 = arith.constant 0 : i32
      %dma_start3A_128 = arith.constant 0 : i32
      %dma_start3A_129 = tpu.memref_slice %arg2[%add3A, %dma_start3A_127, %dma_start3A_128] : memref<32x40x125xi32, #tpu.memory_space<hbm>> -> memref<1x40x125xi32, #tpu.memory_space<hbm>>
      %dma_start3A_130 = tpu.memref_squeeze %dma_start3A_129 : memref<1x40x125xi32, #tpu.memory_space<hbm>> -> memref<40x125xi32, #tpu.memory_space<hbm>>
      tpu.enqueue_dma source(%dma_start3A_130 : memref<40x125xi32, #tpu.memory_space<hbm>>) target(%arg5 : memref<40x125xi32, #tpu.memory_space<vmem>>) target_semaphore(%run_scoped3A : memref<!tpu.dma_semaphore, #tpu.memory_space<semaphore_mem>>)
      %dma_wait3A = arith.constant 0 : i32
      %dma_wait3A_131 = arith.constant 0 : i32
      %dma_wait3A_132 = tpu.memref_slice %arg2[%add3A, %dma_wait3A, %dma_wait3A_131] : memref<32x40x125xi32, #tpu.memory_space<hbm>> -> memref<1x40x125xi32, #tpu.memory_space<hbm>>
      %dma_wait3A_133 = tpu.memref_squeeze %dma_wait3A_132 : memref<1x40x125xi32, #tpu.memory_space<hbm>> -> memref<40x125xi32, #tpu.memory_space<hbm>>
      %dma_wait3A_134 = arith.constant 0 : i32
      %dma_wait3A_135 = arith.constant 0 : i32
      %dma_wait3A_136 = tpu.memref_slice %arg2[%add3A, %dma_wait3A_134, %dma_wait3A_135] : memref<32x40x125xi32, #tpu.memory_space<hbm>> -> memref<1x40x125xi32, #tpu.memory_space<hbm>>
      %dma_wait3A_137 = tpu.memref_squeeze %dma_wait3A_136 : memref<1x40x125xi32, #tpu.memory_space<hbm>> -> memref<40x125xi32, #tpu.memory_space<hbm>>
      tpu.wait_dma2 semaphore(%run_scoped3A : memref<!tpu.dma_semaphore, #tpu.memory_space<semaphore_mem>>) src(%dma_wait3A_137 : memref<40x125xi32, #tpu.memory_space<hbm>>) dst(%arg5 : memref<40x125xi32, #tpu.memory_space<vmem>>)
      tpu.yield
    }) : () -> ()
    %barrier3A = arith.constant 0 : index
    tpu.barrier barrier_id(%barrier3A)
    %mul3A_8 = arith.constant 5000 : i32
    %mul3A_9 = arith.muli %add3A, %mul3A_8 : i32
    %add3A_10 = arith.constant 0 : i32
    %add3A_11 = arith.addi %mul3A_9, %add3A_10 : i32
    "tpu.region"() ({
      %run_scoped3A = tpu.sem_alloc : memref<!tpu.dma_semaphore, #tpu.memory_space<semaphore_mem>>
      %dma_start3A = arith.constant 0 : i32
      %dma_start3A_124 = tpu.memref_slice %arg3[%dma_start3A, %add3A_11] : memref<16x160000xf32, #tpu.memory_space<hbm>> -> memref<16x1000xf32, #tpu.memory_space<hbm>>
      %dma_start3A_125 = arith.constant 0 : i32
      %dma_start3A_126 = tpu.memref_slice %arg3[%dma_start3A_125, %add3A_11] : memref<16x160000xf32, #tpu.memory_space<hbm>> -> memref<16x1000xf32, #tpu.memory_space<hbm>>
      tpu.enqueue_dma source(%dma_start3A_126 : memref<16x1000xf32, #tpu.memory_space<hbm>>) target(%arg6 : memref<16x1000xf32, #tpu.memory_space<vmem>>) target_semaphore(%run_scoped3A : memref<!tpu.dma_semaphore, #tpu.memory_space<semaphore_mem>>)
      %dma_wait3A = arith.constant 0 : i32
      %dma_wait3A_127 = tpu.memref_slice %arg3[%dma_wait3A, %add3A_11] : memref<16x160000xf32, #tpu.memory_space<hbm>> -> memref<16x1000xf32, #tpu.memory_space<hbm>>
      %dma_wait3A_128 = arith.constant 0 : i32
      %dma_wait3A_129 = tpu.memref_slice %arg3[%dma_wait3A_128, %add3A_11] : memref<16x160000xf32, #tpu.memory_space<hbm>> -> memref<16x1000xf32, #tpu.memory_space<hbm>>
      tpu.wait_dma2 semaphore(%run_scoped3A : memref<!tpu.dma_semaphore, #tpu.memory_space<semaphore_mem>>) src(%dma_wait3A_129 : memref<16x1000xf32, #tpu.memory_space<hbm>>) dst(%arg6 : memref<16x1000xf32, #tpu.memory_space<vmem>>)
      tpu.yield
    }) : () -> ()
    %parallel_loop3A = arith.constant 0 : i32
    %parallel_loop3A_12 = arith.constant 1000 : i32
    %parallel_loop3A_13 = arith.constant 1 : i32
    scf.for %parallel_loop3A_124 = %parallel_loop3A to %parallel_loop3A_12 step %parallel_loop3A_13  : i32 {
      %parallel_loop3A_125 = vector.broadcast %parallel_loop3A_124 : i32 to vector<16xi32>
      %parallel_loop3A_126 = tpu.vector_load_idx %arg6[%iota3A, %parallel_loop3A_125] : memref<16x1000xf32, #tpu.memory_space<vmem>>[vector<16xi32>, vector<16xi32>], vector<16xf32>,
      %parallel_loop3A_127 = arith.constant 125 : i32
      %parallel_loop3A_128 = arith.divsi %parallel_loop3A_124, %parallel_loop3A_127 : i32
      %parallel_loop3A_129 = arith.constant 0 : i32
      %parallel_loop3A_130 = arith.cmpi sgt, %parallel_loop3A_124, %parallel_loop3A_129 : i32
      %parallel_loop3A_131 = arith.extui %parallel_loop3A_130 : i1 to i32
      %parallel_loop3A_132 = arith.constant 0 : i32
      %parallel_loop3A_133 = arith.cmpi slt, %parallel_loop3A_124, %parallel_loop3A_132 : i32
      %parallel_loop3A_134 = arith.extui %parallel_loop3A_133 : i1 to i32
      %parallel_loop3A_135 = arith.subi %parallel_loop3A_131, %parallel_loop3A_134 : i32
      %parallel_loop3A_136 = arith.constant 0 : i32
      %parallel_loop3A_137 = arith.cmpi sgt, %parallel_loop3A_127, %parallel_loop3A_136 : i32
      %parallel_loop3A_138 = arith.extui %parallel_loop3A_137 : i1 to i32
      %parallel_loop3A_139 = arith.constant 0 : i32
      %parallel_loop3A_140 = arith.cmpi slt, %parallel_loop3A_127, %parallel_loop3A_139 : i32
      %parallel_loop3A_141 = arith.extui %parallel_loop3A_140 : i1 to i32
      %parallel_loop3A_142 = arith.subi %parallel_loop3A_138, %parallel_loop3A_141 : i32
      %parallel_loop3A_143 = arith.cmpi ne, %parallel_loop3A_135, %parallel_loop3A_142 : i32
      %parallel_loop3A_144 = arith.remsi %parallel_loop3A_124, %parallel_loop3A_127 : i32
      %parallel_loop3A_145 = arith.constant 0 : i32
      %parallel_loop3A_146 = arith.cmpi ne, %parallel_loop3A_144, %parallel_loop3A_145 : i32
      %parallel_loop3A_147 = arith.andi %parallel_loop3A_143, %parallel_loop3A_146 : i1
      %parallel_loop3A_148 = arith.constant 1 : i32
      %parallel_loop3A_149 = arith.subi %parallel_loop3A_128, %parallel_loop3A_148 : i32
      %parallel_loop3A_150 = arith.select %parallel_loop3A_147, %parallel_loop3A_149, %parallel_loop3A_128 : i32
      %parallel_loop3A_151 = arith.constant 125 : i32
      %parallel_loop3A_152 = arith.constant 0 : i32
      %parallel_loop3A_153 = arith.cmpi eq, %parallel_loop3A_151, %parallel_loop3A_152 : i32
      %parallel_loop3A_154 = arith.constant 1 : i32
      %parallel_loop3A_155 = arith.select %parallel_loop3A_153, %parallel_loop3A_154, %parallel_loop3A_151 : i32
      %parallel_loop3A_156 = arith.remsi %parallel_loop3A_124, %parallel_loop3A_155 : i32
      %parallel_loop3A_157 = arith.constant 0 : i32
      %parallel_loop3A_158 = arith.cmpi ne, %parallel_loop3A_156, %parallel_loop3A_157 : i32
      %parallel_loop3A_159 = arith.constant 0 : i32
      %parallel_loop3A_160 = arith.cmpi slt, %parallel_loop3A_156, %parallel_loop3A_159 : i32
      %parallel_loop3A_161 = arith.constant 0 : i32
      %parallel_loop3A_162 = arith.cmpi slt, %parallel_loop3A_155, %parallel_loop3A_161 : i32
      %parallel_loop3A_163 = arith.xori %parallel_loop3A_160, %parallel_loop3A_162 : i1
      %parallel_loop3A_164 = arith.andi %parallel_loop3A_163, %parallel_loop3A_158 : i1
      %parallel_loop3A_165 = arith.addi %parallel_loop3A_156, %parallel_loop3A_155 : i32
      %parallel_loop3A_166 = arith.select %parallel_loop3A_164, %parallel_loop3A_165, %parallel_loop3A_156 : i32
      %parallel_loop3A_167 = arith.index_cast %parallel_loop3A_150 : i32 to index
      %parallel_loop3A_168 = arith.index_cast %parallel_loop3A_166 : i32 to index
      %parallel_loop3A_169 = arith.constant 0 : index
      %parallel_loop3A_170 = tpu.vector_load %arg7[%parallel_loop3A_167, %parallel_loop3A_168, %parallel_loop3A_169] {strides = array<i32>} : memref<8x125x16xf32, #tpu.memory_space<vmem>>, vector<16xf32>,
      tpu.vector_store %arg7[%parallel_loop3A_167, %parallel_loop3A_168, %parallel_loop3A_169], %parallel_loop3A_126 {strides = array<i32>} : memref<8x125x16xf32, #tpu.memory_space<vmem>>, vector<16xf32>,
    } {sc.loop_unroll_factor = 16 : i64, sc.parallel_access}
    %scan3A_14 = arith.constant 0 : i32
    %scan3A_15 = arith.constant 0 : i32
    %scan3A_16 = arith.constant 8 : i32
    %scan3A_17 = arith.addi %scan3A_15, %scan3A_16 : i32
    %scan3A_18 = arith.constant 1 : i32
    scf.for %scan3A_124 = %scan3A_15 to %scan3A_17 step %scan3A_18  : i32 {
      %add3A_125 = arith.constant 0 : i32
      %add3A_126 = arith.addi %add3A_125, %scan3A_124 : i32
      %dma_start3A = arith.constant 0 : i32
      %dma_start3A_127 = arith.constant 0 : i32
      %dma_start3A_128 = tpu.memref_slice %arg7[%scan3A_124, %dma_start3A, %dma_start3A_127] : memref<8x125x16xf32, #tpu.memory_space<vmem>> -> memref<1x125x16xf32, #tpu.memory_space<vmem>>
      %dma_start3A_129 = tpu.memref_squeeze %dma_start3A_128 : memref<1x125x16xf32, #tpu.memory_space<vmem>> -> memref<125x16xf32, #tpu.memory_space<vmem>>
      %dma_start3A_130 = arith.constant 0 : i32
      %dma_start3A_131 = tpu.memref_slice %arg5[%add3A_126, %dma_start3A_130] : memref<40x125xi32, #tpu.memory_space<vmem>> -> memref<1x125xi32, #tpu.memory_space<vmem>>
      %dma_start3A_132 = tpu.memref_squeeze %dma_start3A_131 : memref<1x125xi32, #tpu.memory_space<vmem>> -> memref<125xi32, #tpu.memory_space<vmem>>
      %dma_start3A_133 = arith.constant 0 : i32
      %dma_start3A_134 = arith.constant 0 : i32
      %dma_start3A_135 = tpu.memref_slice %arg10[%dma_start3A_133, %dma_start3A_134] : memref<10000x16xf32, #tpu.memory_space<vmem_shared>> -> memref<10000x16xf32, #tpu.memory_space<vmem_shared>>
      tpu.enqueue_indirect_dma source(%dma_start3A_129 : memref<125x16xf32, #tpu.memory_space<vmem>>) target(%dma_start3A_135 : memref<10000x16xf32, #tpu.memory_space<vmem_shared>>) offsets(%dma_start3A_132 : memref<125xi32, #tpu.memory_space<vmem>>) semaphore(%arg11 : memref<!tpu.dma_semaphore, #tpu.memory_space<semaphore_mem>>) {add = true}
    }
    %scan3A_19 = arith.constant 8 : i32
    %scan3A_20 = arith.constant 0 : i32
    %scan3A_21 = arith.constant 0 : i32
    %scan3A_22 = arith.constant 8 : i32
    %scan3A_23 = arith.addi %scan3A_21, %scan3A_22 : i32
    %scan3A_24 = arith.constant 1 : i32
    scf.for %scan3A_124 = %scan3A_21 to %scan3A_23 step %scan3A_24  : i32 {
      %add3A_125 = arith.constant 0 : i32
      %add3A_126 = arith.addi %add3A_125, %scan3A_124 : i32
      %dma_wait3A = arith.constant 0 : i32
      %dma_wait3A_127 = arith.constant 0 : i32
      %dma_wait3A_128 = tpu.memref_slice %arg7[%scan3A_124, %dma_wait3A, %dma_wait3A_127] : memref<8x125x16xf32, #tpu.memory_space<vmem>> -> memref<1x125x16xf32, #tpu.memory_space<vmem>>
      %dma_wait3A_129 = tpu.memref_squeeze %dma_wait3A_128 : memref<1x125x16xf32, #tpu.memory_space<vmem>> -> memref<125x16xf32, #tpu.memory_space<vmem>>
      %dma_wait3A_130 = arith.constant 0 : i32
      %dma_wait3A_131 = tpu.memref_slice %arg5[%add3A_126, %dma_wait3A_130] : memref<40x125xi32, #tpu.memory_space<vmem>> -> memref<1x125xi32, #tpu.memory_space<vmem>>
      %dma_wait3A_132 = tpu.memref_squeeze %dma_wait3A_131 : memref<1x125xi32, #tpu.memory_space<vmem>> -> memref<125xi32, #tpu.memory_space<vmem>>
      %dma_wait3A_133 = arith.constant 0 : i32
      %dma_wait3A_134 = arith.constant 0 : i32
      %dma_wait3A_135 = tpu.memref_slice %arg10[%dma_wait3A_133, %dma_wait3A_134] : memref<10000x16xf32, #tpu.memory_space<vmem_shared>> -> memref<10000x16xf32, #tpu.memory_space<vmem_shared>>
      tpu.wait_indirect_dma semaphore(%arg11 : memref<!tpu.dma_semaphore, #tpu.memory_space<semaphore_mem>>) src(%dma_wait3A_129 : memref<125x16xf32, #tpu.memory_space<vmem>>) dst(%dma_wait3A_135 : memref<10000x16xf32, #tpu.memory_space<vmem_shared>>)
    }
    %scan3A_25 = arith.constant 8 : i32
    %mul3A_26 = arith.constant 5000 : i32
    %mul3A_27 = arith.muli %add3A, %mul3A_26 : i32
    %add3A_28 = arith.constant 1000 : i32
    %add3A_29 = arith.addi %mul3A_27, %add3A_28 : i32
    "tpu.region"() ({
      %run_scoped3A = tpu.sem_alloc : memref<!tpu.dma_semaphore, #tpu.memory_space<semaphore_mem>>
      %dma_start3A = arith.constant 0 : i32
      %dma_start3A_124 = tpu.memref_slice %arg3[%dma_start3A, %add3A_29] : memref<16x160000xf32, #tpu.memory_space<hbm>> -> memref<16x1000xf32, #tpu.memory_space<hbm>>
      %dma_start3A_125 = arith.constant 0 : i32
      %dma_start3A_126 = tpu.memref_slice %arg3[%dma_start3A_125, %add3A_29] : memref<16x160000xf32, #tpu.memory_space<hbm>> -> memref<16x1000xf32, #tpu.memory_space<hbm>>
      tpu.enqueue_dma source(%dma_start3A_126 : memref<16x1000xf32, #tpu.memory_space<hbm>>) target(%arg6 : memref<16x1000xf32, #tpu.memory_space<vmem>>) target_semaphore(%run_scoped3A : memref<!tpu.dma_semaphore, #tpu.memory_space<semaphore_mem>>)
      %dma_wait3A = arith.constant 0 : i32
      %dma_wait3A_127 = tpu.memref_slice %arg3[%dma_wait3A, %add3A_29] : memref<16x160000xf32, #tpu.memory_space<hbm>> -> memref<16x1000xf32, #tpu.memory_space<hbm>>
      %dma_wait3A_128 = arith.constant 0 : i32
      %dma_wait3A_129 = tpu.memref_slice %arg3[%dma_wait3A_128, %add3A_29] : memref<16x160000xf32, #tpu.memory_space<hbm>> -> memref<16x1000xf32, #tpu.memory_space<hbm>>
      tpu.wait_dma2 semaphore(%run_scoped3A : memref<!tpu.dma_semaphore, #tpu.memory_space<semaphore_mem>>) src(%dma_wait3A_129 : memref<16x1000xf32, #tpu.memory_space<hbm>>) dst(%arg6 : memref<16x1000xf32, #tpu.memory_space<vmem>>)
      tpu.yield
    }) : () -> ()
    %parallel_loop3A_30 = arith.constant 0 : i32
    %parallel_loop3A_31 = arith.constant 1000 : i32
    %parallel_loop3A_32 = arith.constant 1 : i32
    scf.for %parallel_loop3A_124 = %parallel_loop3A_30 to %parallel_loop3A_31 step %parallel_loop3A_32  : i32 {
      %parallel_loop3A_125 = vector.broadcast %parallel_loop3A_124 : i32 to vector<16xi32>
      %parallel_loop3A_126 = tpu.vector_load_idx %arg6[%iota3A, %parallel_loop3A_125] : memref<16x1000xf32, #tpu.memory_space<vmem>>[vector<16xi32>, vector<16xi32>], vector<16xf32>,
      %parallel_loop3A_127 = arith.constant 125 : i32
      %parallel_loop3A_128 = arith.divsi %parallel_loop3A_124, %parallel_loop3A_127 : i32
      %parallel_loop3A_129 = arith.constant 0 : i32
      %parallel_loop3A_130 = arith.cmpi sgt, %parallel_loop3A_124, %parallel_loop3A_129 : i32
      %parallel_loop3A_131 = arith.extui %parallel_loop3A_130 : i1 to i32
      %parallel_loop3A_132 = arith.constant 0 : i32
      %parallel_loop3A_133 = arith.cmpi slt, %parallel_loop3A_124, %parallel_loop3A_132 : i32
      %parallel_loop3A_134 = arith.extui %parallel_loop3A_133 : i1 to i32
      %parallel_loop3A_135 = arith.subi %parallel_loop3A_131, %parallel_loop3A_134 : i32
      %parallel_loop3A_136 = arith.constant 0 : i32
      %parallel_loop3A_137 = arith.cmpi sgt, %parallel_loop3A_127, %parallel_loop3A_136 : i32
      %parallel_loop3A_138 = arith.extui %parallel_loop3A_137 : i1 to i32
      %parallel_loop3A_139 = arith.constant 0 : i32
      %parallel_loop3A_140 = arith.cmpi slt, %parallel_loop3A_127, %parallel_loop3A_139 : i32
      %parallel_loop3A_141 = arith.extui %parallel_loop3A_140 : i1 to i32
      %parallel_loop3A_142 = arith.subi %parallel_loop3A_138, %parallel_loop3A_141 : i32
      %parallel_loop3A_143 = arith.cmpi ne, %parallel_loop3A_135, %parallel_loop3A_142 : i32
      %parallel_loop3A_144 = arith.remsi %parallel_loop3A_124, %parallel_loop3A_127 : i32
      %parallel_loop3A_145 = arith.constant 0 : i32
      %parallel_loop3A_146 = arith.cmpi ne, %parallel_loop3A_144, %parallel_loop3A_145 : i32
      %parallel_loop3A_147 = arith.andi %parallel_loop3A_143, %parallel_loop3A_146 : i1
      %parallel_loop3A_148 = arith.constant 1 : i32
      %parallel_loop3A_149 = arith.subi %parallel_loop3A_128, %parallel_loop3A_148 : i32
      %parallel_loop3A_150 = arith.select %parallel_loop3A_147, %parallel_loop3A_149, %parallel_loop3A_128 : i32
      %parallel_loop3A_151 = arith.constant 125 : i32
      %parallel_loop3A_152 = arith.constant 0 : i32
      %parallel_loop3A_153 = arith.cmpi eq, %parallel_loop3A_151, %parallel_loop3A_152 : i32
      %parallel_loop3A_154 = arith.constant 1 : i32
      %parallel_loop3A_155 = arith.select %parallel_loop3A_153, %parallel_loop3A_154, %parallel_loop3A_151 : i32
      %parallel_loop3A_156 = arith.remsi %parallel_loop3A_124, %parallel_loop3A_155 : i32
      %parallel_loop3A_157 = arith.constant 0 : i32
      %parallel_loop3A_158 = arith.cmpi ne, %parallel_loop3A_156, %parallel_loop3A_157 : i32
      %parallel_loop3A_159 = arith.constant 0 : i32
      %parallel_loop3A_160 = arith.cmpi slt, %parallel_loop3A_156, %parallel_loop3A_159 : i32
      %parallel_loop3A_161 = arith.constant 0 : i32
      %parallel_loop3A_162 = arith.cmpi slt, %parallel_loop3A_155, %parallel_loop3A_161 : i32
      %parallel_loop3A_163 = arith.xori %parallel_loop3A_160, %parallel_loop3A_162 : i1
      %parallel_loop3A_164 = arith.andi %parallel_loop3A_163, %parallel_loop3A_158 : i1
      %parallel_loop3A_165 = arith.addi %parallel_loop3A_156, %parallel_loop3A_155 : i32
      %parallel_loop3A_166 = arith.select %parallel_loop3A_164, %parallel_loop3A_165, %parallel_loop3A_156 : i32
      %parallel_loop3A_167 = arith.index_cast %parallel_loop3A_150 : i32 to index
      %parallel_loop3A_168 = arith.index_cast %parallel_loop3A_166 : i32 to index
      %parallel_loop3A_169 = arith.constant 0 : index
      %parallel_loop3A_170 = tpu.vector_load %arg7[%parallel_loop3A_167, %parallel_loop3A_168, %parallel_loop3A_169] {strides = array<i32>} : memref<8x125x16xf32, #tpu.memory_space<vmem>>, vector<16xf32>,
      tpu.vector_store %arg7[%parallel_loop3A_167, %parallel_loop3A_168, %parallel_loop3A_169], %parallel_loop3A_126 {strides = array<i32>} : memref<8x125x16xf32, #tpu.memory_space<vmem>>, vector<16xf32>,
    } {sc.loop_unroll_factor = 16 : i64, sc.parallel_access}
    %scan3A_33 = arith.constant 0 : i32
    %scan3A_34 = arith.constant 0 : i32
    %scan3A_35 = arith.constant 8 : i32
    %scan3A_36 = arith.addi %scan3A_34, %scan3A_35 : i32
    %scan3A_37 = arith.constant 1 : i32
    scf.for %scan3A_124 = %scan3A_34 to %scan3A_36 step %scan3A_37  : i32 {
      %add3A_125 = arith.constant 8 : i32
      %add3A_126 = arith.addi %add3A_125, %scan3A_124 : i32
      %dma_start3A = arith.constant 0 : i32
      %dma_start3A_127 = arith.constant 0 : i32
      %dma_start3A_128 = tpu.memref_slice %arg7[%scan3A_124, %dma_start3A, %dma_start3A_127] : memref<8x125x16xf32, #tpu.memory_space<vmem>> -> memref<1x125x16xf32, #tpu.memory_space<vmem>>
      %dma_start3A_129 = tpu.memref_squeeze %dma_start3A_128 : memref<1x125x16xf32, #tpu.memory_space<vmem>> -> memref<125x16xf32, #tpu.memory_space<vmem>>
      %dma_start3A_130 = arith.constant 0 : i32
      %dma_start3A_131 = tpu.memref_slice %arg5[%add3A_126, %dma_start3A_130] : memref<40x125xi32, #tpu.memory_space<vmem>> -> memref<1x125xi32, #tpu.memory_space<vmem>>
      %dma_start3A_132 = tpu.memref_squeeze %dma_start3A_131 : memref<1x125xi32, #tpu.memory_space<vmem>> -> memref<125xi32, #tpu.memory_space<vmem>>
      %dma_start3A_133 = arith.constant 0 : i32
      %dma_start3A_134 = arith.constant 0 : i32
      %dma_start3A_135 = tpu.memref_slice %arg10[%dma_start3A_133, %dma_start3A_134] : memref<10000x16xf32, #tpu.memory_space<vmem_shared>> -> memref<10000x16xf32, #tpu.memory_space<vmem_shared>>
      tpu.enqueue_indirect_dma source(%dma_start3A_129 : memref<125x16xf32, #tpu.memory_space<vmem>>) target(%dma_start3A_135 : memref<10000x16xf32, #tpu.memory_space<vmem_shared>>) offsets(%dma_start3A_132 : memref<125xi32, #tpu.memory_space<vmem>>) semaphore(%arg11 : memref<!tpu.dma_semaphore, #tpu.memory_space<semaphore_mem>>) {add = true}
    }
    %scan3A_38 = arith.constant 8 : i32
    %scan3A_39 = arith.constant 0 : i32
    %scan3A_40 = arith.constant 0 : i32
    %scan3A_41 = arith.constant 8 : i32
    %scan3A_42 = arith.addi %scan3A_40, %scan3A_41 : i32
    %scan3A_43 = arith.constant 1 : i32
    scf.for %scan3A_124 = %scan3A_40 to %scan3A_42 step %scan3A_43  : i32 {
      %add3A_125 = arith.constant 8 : i32
      %add3A_126 = arith.addi %add3A_125, %scan3A_124 : i32
      %dma_wait3A = arith.constant 0 : i32
      %dma_wait3A_127 = arith.constant 0 : i32
      %dma_wait3A_128 = tpu.memref_slice %arg7[%scan3A_124, %dma_wait3A, %dma_wait3A_127] : memref<8x125x16xf32, #tpu.memory_space<vmem>> -> memref<1x125x16xf32, #tpu.memory_space<vmem>>
      %dma_wait3A_129 = tpu.memref_squeeze %dma_wait3A_128 : memref<1x125x16xf32, #tpu.memory_space<vmem>> -> memref<125x16xf32, #tpu.memory_space<vmem>>
      %dma_wait3A_130 = arith.constant 0 : i32
      %dma_wait3A_131 = tpu.memref_slice %arg5[%add3A_126, %dma_wait3A_130] : memref<40x125xi32, #tpu.memory_space<vmem>> -> memref<1x125xi32, #tpu.memory_space<vmem>>
      %dma_wait3A_132 = tpu.memref_squeeze %dma_wait3A_131 : memref<1x125xi32, #tpu.memory_space<vmem>> -> memref<125xi32, #tpu.memory_space<vmem>>
      %dma_wait3A_133 = arith.constant 0 : i32
      %dma_wait3A_134 = arith.constant 0 : i32
      %dma_wait3A_135 = tpu.memref_slice %arg10[%dma_wait3A_133, %dma_wait3A_134] : memref<10000x16xf32, #tpu.memory_space<vmem_shared>> -> memref<10000x16xf32, #tpu.memory_space<vmem_shared>>
      tpu.wait_indirect_dma semaphore(%arg11 : memref<!tpu.dma_semaphore, #tpu.memory_space<semaphore_mem>>) src(%dma_wait3A_129 : memref<125x16xf32, #tpu.memory_space<vmem>>) dst(%dma_wait3A_135 : memref<10000x16xf32, #tpu.memory_space<vmem_shared>>)
    }
    %scan3A_44 = arith.constant 8 : i32
    %mul3A_45 = arith.constant 5000 : i32
    %mul3A_46 = arith.muli %add3A, %mul3A_45 : i32
    %add3A_47 = arith.constant 2000 : i32
    %add3A_48 = arith.addi %mul3A_46, %add3A_47 : i32
    "tpu.region"() ({
      %run_scoped3A = tpu.sem_alloc : memref<!tpu.dma_semaphore, #tpu.memory_space<semaphore_mem>>
      %dma_start3A = arith.constant 0 : i32
      %dma_start3A_124 = tpu.memref_slice %arg3[%dma_start3A, %add3A_48] : memref<16x160000xf32, #tpu.memory_space<hbm>> -> memref<16x1000xf32, #tpu.memory_space<hbm>>
      %dma_start3A_125 = arith.constant 0 : i32
      %dma_start3A_126 = tpu.memref_slice %arg3[%dma_start3A_125, %add3A_48] : memref<16x160000xf32, #tpu.memory_space<hbm>> -> memref<16x1000xf32, #tpu.memory_space<hbm>>
      tpu.enqueue_dma source(%dma_start3A_126 : memref<16x1000xf32, #tpu.memory_space<hbm>>) target(%arg6 : memref<16x1000xf32, #tpu.memory_space<vmem>>) target_semaphore(%run_scoped3A : memref<!tpu.dma_semaphore, #tpu.memory_space<semaphore_mem>>)
      %dma_wait3A = arith.constant 0 : i32
      %dma_wait3A_127 = tpu.memref_slice %arg3[%dma_wait3A, %add3A_48] : memref<16x160000xf32, #tpu.memory_space<hbm>> -> memref<16x1000xf32, #tpu.memory_space<hbm>>
      %dma_wait3A_128 = arith.constant 0 : i32
      %dma_wait3A_129 = tpu.memref_slice %arg3[%dma_wait3A_128, %add3A_48] : memref<16x160000xf32, #tpu.memory_space<hbm>> -> memref<16x1000xf32, #tpu.memory_space<hbm>>
      tpu.wait_dma2 semaphore(%run_scoped3A : memref<!tpu.dma_semaphore, #tpu.memory_space<semaphore_mem>>) src(%dma_wait3A_129 : memref<16x1000xf32, #tpu.memory_space<hbm>>) dst(%arg6 : memref<16x1000xf32, #tpu.memory_space<vmem>>)
      tpu.yield
    }) : () -> ()
    %parallel_loop3A_49 = arith.constant 0 : i32
    %parallel_loop3A_50 = arith.constant 1000 : i32
    %parallel_loop3A_51 = arith.constant 1 : i32
    scf.for %parallel_loop3A_124 = %parallel_loop3A_49 to %parallel_loop3A_50 step %parallel_loop3A_51  : i32 {
      %parallel_loop3A_125 = vector.broadcast %parallel_loop3A_124 : i32 to vector<16xi32>
      %parallel_loop3A_126 = tpu.vector_load_idx %arg6[%iota3A, %parallel_loop3A_125] : memref<16x1000xf32, #tpu.memory_space<vmem>>[vector<16xi32>, vector<16xi32>], vector<16xf32>,
      %parallel_loop3A_127 = arith.constant 125 : i32
      %parallel_loop3A_128 = arith.divsi %parallel_loop3A_124, %parallel_loop3A_127 : i32
      %parallel_loop3A_129 = arith.constant 0 : i32
      %parallel_loop3A_130 = arith.cmpi sgt, %parallel_loop3A_124, %parallel_loop3A_129 : i32
      %parallel_loop3A_131 = arith.extui %parallel_loop3A_130 : i1 to i32
      %parallel_loop3A_132 = arith.constant 0 : i32
      %parallel_loop3A_133 = arith.cmpi slt, %parallel_loop3A_124, %parallel_loop3A_132 : i32
      %parallel_loop3A_134 = arith.extui %parallel_loop3A_133 : i1 to i32
      %parallel_loop3A_135 = arith.subi %parallel_loop3A_131, %parallel_loop3A_134 : i32
      %parallel_loop3A_136 = arith.constant 0 : i32
      %parallel_loop3A_137 = arith.cmpi sgt, %parallel_loop3A_127, %parallel_loop3A_136 : i32
      %parallel_loop3A_138 = arith.extui %parallel_loop3A_137 : i1 to i32
      %parallel_loop3A_139 = arith.constant 0 : i32
      %parallel_loop3A_140 = arith.cmpi slt, %parallel_loop3A_127, %parallel_loop3A_139 : i32
      %parallel_loop3A_141 = arith.extui %parallel_loop3A_140 : i1 to i32
      %parallel_loop3A_142 = arith.subi %parallel_loop3A_138, %parallel_loop3A_141 : i32
      %parallel_loop3A_143 = arith.cmpi ne, %parallel_loop3A_135, %parallel_loop3A_142 : i32
      %parallel_loop3A_144 = arith.remsi %parallel_loop3A_124, %parallel_loop3A_127 : i32
      %parallel_loop3A_145 = arith.constant 0 : i32
      %parallel_loop3A_146 = arith.cmpi ne, %parallel_loop3A_144, %parallel_loop3A_145 : i32
      %parallel_loop3A_147 = arith.andi %parallel_loop3A_143, %parallel_loop3A_146 : i1
      %parallel_loop3A_148 = arith.constant 1 : i32
      %parallel_loop3A_149 = arith.subi %parallel_loop3A_128, %parallel_loop3A_148 : i32
      %parallel_loop3A_150 = arith.select %parallel_loop3A_147, %parallel_loop3A_149, %parallel_loop3A_128 : i32
      %parallel_loop3A_151 = arith.constant 125 : i32
      %parallel_loop3A_152 = arith.constant 0 : i32
      %parallel_loop3A_153 = arith.cmpi eq, %parallel_loop3A_151, %parallel_loop3A_152 : i32
      %parallel_loop3A_154 = arith.constant 1 : i32
      %parallel_loop3A_155 = arith.select %parallel_loop3A_153, %parallel_loop3A_154, %parallel_loop3A_151 : i32
      %parallel_loop3A_156 = arith.remsi %parallel_loop3A_124, %parallel_loop3A_155 : i32
      %parallel_loop3A_157 = arith.constant 0 : i32
      %parallel_loop3A_158 = arith.cmpi ne, %parallel_loop3A_156, %parallel_loop3A_157 : i32
      %parallel_loop3A_159 = arith.constant 0 : i32
      %parallel_loop3A_160 = arith.cmpi slt, %parallel_loop3A_156, %parallel_loop3A_159 : i32
      %parallel_loop3A_161 = arith.constant 0 : i32
      %parallel_loop3A_162 = arith.cmpi slt, %parallel_loop3A_155, %parallel_loop3A_161 : i32
      %parallel_loop3A_163 = arith.xori %parallel_loop3A_160, %parallel_loop3A_162 : i1
      %parallel_loop3A_164 = arith.andi %parallel_loop3A_163, %parallel_loop3A_158 : i1
      %parallel_loop3A_165 = arith.addi %parallel_loop3A_156, %parallel_loop3A_155 : i32
      %parallel_loop3A_166 = arith.select %parallel_loop3A_164, %parallel_loop3A_165, %parallel_loop3A_156 : i32
      %parallel_loop3A_167 = arith.index_cast %parallel_loop3A_150 : i32 to index
      %parallel_loop3A_168 = arith.index_cast %parallel_loop3A_166 : i32 to index
      %parallel_loop3A_169 = arith.constant 0 : index
      %parallel_loop3A_170 = tpu.vector_load %arg7[%parallel_loop3A_167, %parallel_loop3A_168, %parallel_loop3A_169] {strides = array<i32>} : memref<8x125x16xf32, #tpu.memory_space<vmem>>, vector<16xf32>,
      tpu.vector_store %arg7[%parallel_loop3A_167, %parallel_loop3A_168, %parallel_loop3A_169], %parallel_loop3A_126 {strides = array<i32>} : memref<8x125x16xf32, #tpu.memory_space<vmem>>, vector<16xf32>,
    } {sc.loop_unroll_factor = 16 : i64, sc.parallel_access}
    %scan3A_52 = arith.constant 0 : i32
    %scan3A_53 = arith.constant 0 : i32
    %scan3A_54 = arith.constant 8 : i32
    %scan3A_55 = arith.addi %scan3A_53, %scan3A_54 : i32
    %scan3A_56 = arith.constant 1 : i32
    scf.for %scan3A_124 = %scan3A_53 to %scan3A_55 step %scan3A_56  : i32 {
      %add3A_125 = arith.constant 16 : i32
      %add3A_126 = arith.addi %add3A_125, %scan3A_124 : i32
      %dma_start3A = arith.constant 0 : i32
      %dma_start3A_127 = arith.constant 0 : i32
      %dma_start3A_128 = tpu.memref_slice %arg7[%scan3A_124, %dma_start3A, %dma_start3A_127] : memref<8x125x16xf32, #tpu.memory_space<vmem>> -> memref<1x125x16xf32, #tpu.memory_space<vmem>>
      %dma_start3A_129 = tpu.memref_squeeze %dma_start3A_128 : memref<1x125x16xf32, #tpu.memory_space<vmem>> -> memref<125x16xf32, #tpu.memory_space<vmem>>
      %dma_start3A_130 = arith.constant 0 : i32
      %dma_start3A_131 = tpu.memref_slice %arg5[%add3A_126, %dma_start3A_130] : memref<40x125xi32, #tpu.memory_space<vmem>> -> memref<1x125xi32, #tpu.memory_space<vmem>>
      %dma_start3A_132 = tpu.memref_squeeze %dma_start3A_131 : memref<1x125xi32, #tpu.memory_space<vmem>> -> memref<125xi32, #tpu.memory_space<vmem>>
      %dma_start3A_133 = arith.constant 0 : i32
      %dma_start3A_134 = arith.constant 0 : i32
      %dma_start3A_135 = tpu.memref_slice %arg10[%dma_start3A_133, %dma_start3A_134] : memref<10000x16xf32, #tpu.memory_space<vmem_shared>> -> memref<10000x16xf32, #tpu.memory_space<vmem_shared>>
      tpu.enqueue_indirect_dma source(%dma_start3A_129 : memref<125x16xf32, #tpu.memory_space<vmem>>) target(%dma_start3A_135 : memref<10000x16xf32, #tpu.memory_space<vmem_shared>>) offsets(%dma_start3A_132 : memref<125xi32, #tpu.memory_space<vmem>>) semaphore(%arg11 : memref<!tpu.dma_semaphore, #tpu.memory_space<semaphore_mem>>) {add = true}
    }
    %scan3A_57 = arith.constant 8 : i32
    %scan3A_58 = arith.constant 0 : i32
    %scan3A_59 = arith.constant 0 : i32
    %scan3A_60 = arith.constant 8 : i32
    %scan3A_61 = arith.addi %scan3A_59, %scan3A_60 : i32
    %scan3A_62 = arith.constant 1 : i32
    scf.for %scan3A_124 = %scan3A_59 to %scan3A_61 step %scan3A_62  : i32 {
      %add3A_125 = arith.constant 16 : i32
      %add3A_126 = arith.addi %add3A_125, %scan3A_124 : i32
      %dma_wait3A = arith.constant 0 : i32
      %dma_wait3A_127 = arith.constant 0 : i32
      %dma_wait3A_128 = tpu.memref_slice %arg7[%scan3A_124, %dma_wait3A, %dma_wait3A_127] : memref<8x125x16xf32, #tpu.memory_space<vmem>> -> memref<1x125x16xf32, #tpu.memory_space<vmem>>
      %dma_wait3A_129 = tpu.memref_squeeze %dma_wait3A_128 : memref<1x125x16xf32, #tpu.memory_space<vmem>> -> memref<125x16xf32, #tpu.memory_space<vmem>>
      %dma_wait3A_130 = arith.constant 0 : i32
      %dma_wait3A_131 = tpu.memref_slice %arg5[%add3A_126, %dma_wait3A_130] : memref<40x125xi32, #tpu.memory_space<vmem>> -> memref<1x125xi32, #tpu.memory_space<vmem>>
      %dma_wait3A_132 = tpu.memref_squeeze %dma_wait3A_131 : memref<1x125xi32, #tpu.memory_space<vmem>> -> memref<125xi32, #tpu.memory_space<vmem>>
      %dma_wait3A_133 = arith.constant 0 : i32
      %dma_wait3A_134 = arith.constant 0 : i32
      %dma_wait3A_135 = tpu.memref_slice %arg10[%dma_wait3A_133, %dma_wait3A_134] : memref<10000x16xf32, #tpu.memory_space<vmem_shared>> -> memref<10000x16xf32, #tpu.memory_space<vmem_shared>>
      tpu.wait_indirect_dma semaphore(%arg11 : memref<!tpu.dma_semaphore, #tpu.memory_space<semaphore_mem>>) src(%dma_wait3A_129 : memref<125x16xf32, #tpu.memory_space<vmem>>) dst(%dma_wait3A_135 : memref<10000x16xf32, #tpu.memory_space<vmem_shared>>)
    }
    %scan3A_63 = arith.constant 8 : i32
    %mul3A_64 = arith.constant 5000 : i32
    %mul3A_65 = arith.muli %add3A, %mul3A_64 : i32
    %add3A_66 = arith.constant 3000 : i32
    %add3A_67 = arith.addi %mul3A_65, %add3A_66 : i32
    "tpu.region"() ({
      %run_scoped3A = tpu.sem_alloc : memref<!tpu.dma_semaphore, #tpu.memory_space<semaphore_mem>>
      %dma_start3A = arith.constant 0 : i32
      %dma_start3A_124 = tpu.memref_slice %arg3[%dma_start3A, %add3A_67] : memref<16x160000xf32, #tpu.memory_space<hbm>> -> memref<16x1000xf32, #tpu.memory_space<hbm>>
      %dma_start3A_125 = arith.constant 0 : i32
      %dma_start3A_126 = tpu.memref_slice %arg3[%dma_start3A_125, %add3A_67] : memref<16x160000xf32, #tpu.memory_space<hbm>> -> memref<16x1000xf32, #tpu.memory_space<hbm>>
      tpu.enqueue_dma source(%dma_start3A_126 : memref<16x1000xf32, #tpu.memory_space<hbm>>) target(%arg6 : memref<16x1000xf32, #tpu.memory_space<vmem>>) target_semaphore(%run_scoped3A : memref<!tpu.dma_semaphore, #tpu.memory_space<semaphore_mem>>)
      %dma_wait3A = arith.constant 0 : i32
      %dma_wait3A_127 = tpu.memref_slice %arg3[%dma_wait3A, %add3A_67] : memref<16x160000xf32, #tpu.memory_space<hbm>> -> memref<16x1000xf32, #tpu.memory_space<hbm>>
      %dma_wait3A_128 = arith.constant 0 : i32
      %dma_wait3A_129 = tpu.memref_slice %arg3[%dma_wait3A_128, %add3A_67] : memref<16x160000xf32, #tpu.memory_space<hbm>> -> memref<16x1000xf32, #tpu.memory_space<hbm>>
      tpu.wait_dma2 semaphore(%run_scoped3A : memref<!tpu.dma_semaphore, #tpu.memory_space<semaphore_mem>>) src(%dma_wait3A_129 : memref<16x1000xf32, #tpu.memory_space<hbm>>) dst(%arg6 : memref<16x1000xf32, #tpu.memory_space<vmem>>)
      tpu.yield
    }) : () -> ()
    %parallel_loop3A_68 = arith.constant 0 : i32
    %parallel_loop3A_69 = arith.constant 1000 : i32
    %parallel_loop3A_70 = arith.constant 1 : i32
    scf.for %parallel_loop3A_124 = %parallel_loop3A_68 to %parallel_loop3A_69 step %parallel_loop3A_70  : i32 {
      %parallel_loop3A_125 = vector.broadcast %parallel_loop3A_124 : i32 to vector<16xi32>
      %parallel_loop3A_126 = tpu.vector_load_idx %arg6[%iota3A, %parallel_loop3A_125] : memref<16x1000xf32, #tpu.memory_space<vmem>>[vector<16xi32>, vector<16xi32>], vector<16xf32>,
      %parallel_loop3A_127 = arith.constant 125 : i32
      %parallel_loop3A_128 = arith.divsi %parallel_loop3A_124, %parallel_loop3A_127 : i32
      %parallel_loop3A_129 = arith.constant 0 : i32
      %parallel_loop3A_130 = arith.cmpi sgt, %parallel_loop3A_124, %parallel_loop3A_129 : i32
      %parallel_loop3A_131 = arith.extui %parallel_loop3A_130 : i1 to i32
      %parallel_loop3A_132 = arith.constant 0 : i32
      %parallel_loop3A_133 = arith.cmpi slt, %parallel_loop3A_124, %parallel_loop3A_132 : i32
      %parallel_loop3A_134 = arith.extui %parallel_loop3A_133 : i1 to i32
      %parallel_loop3A_135 = arith.subi %parallel_loop3A_131, %parallel_loop3A_134 : i32
      %parallel_loop3A_136 = arith.constant 0 : i32
      %parallel_loop3A_137 = arith.cmpi sgt, %parallel_loop3A_127, %parallel_loop3A_136 : i32
      %parallel_loop3A_138 = arith.extui %parallel_loop3A_137 : i1 to i32
      %parallel_loop3A_139 = arith.constant 0 : i32
      %parallel_loop3A_140 = arith.cmpi slt, %parallel_loop3A_127, %parallel_loop3A_139 : i32
      %parallel_loop3A_141 = arith.extui %parallel_loop3A_140 : i1 to i32
      %parallel_loop3A_142 = arith.subi %parallel_loop3A_138, %parallel_loop3A_141 : i32
      %parallel_loop3A_143 = arith.cmpi ne, %parallel_loop3A_135, %parallel_loop3A_142 : i32
      %parallel_loop3A_144 = arith.remsi %parallel_loop3A_124, %parallel_loop3A_127 : i32
      %parallel_loop3A_145 = arith.constant 0 : i32
      %parallel_loop3A_146 = arith.cmpi ne, %parallel_loop3A_144, %parallel_loop3A_145 : i32
      %parallel_loop3A_147 = arith.andi %parallel_loop3A_143, %parallel_loop3A_146 : i1
      %parallel_loop3A_148 = arith.constant 1 : i32
      %parallel_loop3A_149 = arith.subi %parallel_loop3A_128, %parallel_loop3A_148 : i32
      %parallel_loop3A_150 = arith.select %parallel_loop3A_147, %parallel_loop3A_149, %parallel_loop3A_128 : i32
      %parallel_loop3A_151 = arith.constant 125 : i32
      %parallel_loop3A_152 = arith.constant 0 : i32
      %parallel_loop3A_153 = arith.cmpi eq, %parallel_loop3A_151, %parallel_loop3A_152 : i32
      %parallel_loop3A_154 = arith.constant 1 : i32
      %parallel_loop3A_155 = arith.select %parallel_loop3A_153, %parallel_loop3A_154, %parallel_loop3A_151 : i32
      %parallel_loop3A_156 = arith.remsi %parallel_loop3A_124, %parallel_loop3A_155 : i32
      %parallel_loop3A_157 = arith.constant 0 : i32
      %parallel_loop3A_158 = arith.cmpi ne, %parallel_loop3A_156, %parallel_loop3A_157 : i32
      %parallel_loop3A_159 = arith.constant 0 : i32
      %parallel_loop3A_160 = arith.cmpi slt, %parallel_loop3A_156, %parallel_loop3A_159 : i32
      %parallel_loop3A_161 = arith.constant 0 : i32
      %parallel_loop3A_162 = arith.cmpi slt, %parallel_loop3A_155, %parallel_loop3A_161 : i32
      %parallel_loop3A_163 = arith.xori %parallel_loop3A_160, %parallel_loop3A_162 : i1
      %parallel_loop3A_164 = arith.andi %parallel_loop3A_163, %parallel_loop3A_158 : i1
      %parallel_loop3A_165 = arith.addi %parallel_loop3A_156, %parallel_loop3A_155 : i32
      %parallel_loop3A_166 = arith.select %parallel_loop3A_164, %parallel_loop3A_165, %parallel_loop3A_156 : i32
      %parallel_loop3A_167 = arith.index_cast %parallel_loop3A_150 : i32 to index
      %parallel_loop3A_168 = arith.index_cast %parallel_loop3A_166 : i32 to index
      %parallel_loop3A_169 = arith.constant 0 : index
      %parallel_loop3A_170 = tpu.vector_load %arg7[%parallel_loop3A_167, %parallel_loop3A_168, %parallel_loop3A_169] {strides = array<i32>} : memref<8x125x16xf32, #tpu.memory_space<vmem>>, vector<16xf32>,
      tpu.vector_store %arg7[%parallel_loop3A_167, %parallel_loop3A_168, %parallel_loop3A_169], %parallel_loop3A_126 {strides = array<i32>} : memref<8x125x16xf32, #tpu.memory_space<vmem>>, vector<16xf32>,
    } {sc.loop_unroll_factor = 16 : i64, sc.parallel_access}
    %scan3A_71 = arith.constant 0 : i32
    %scan3A_72 = arith.constant 0 : i32
    %scan3A_73 = arith.constant 8 : i32
    %scan3A_74 = arith.addi %scan3A_72, %scan3A_73 : i32
    %scan3A_75 = arith.constant 1 : i32
    scf.for %scan3A_124 = %scan3A_72 to %scan3A_74 step %scan3A_75  : i32 {
      %add3A_125 = arith.constant 24 : i32
      %add3A_126 = arith.addi %add3A_125, %scan3A_124 : i32
      %dma_start3A = arith.constant 0 : i32
      %dma_start3A_127 = arith.constant 0 : i32
      %dma_start3A_128 = tpu.memref_slice %arg7[%scan3A_124, %dma_start3A, %dma_start3A_127] : memref<8x125x16xf32, #tpu.memory_space<vmem>> -> memref<1x125x16xf32, #tpu.memory_space<vmem>>
      %dma_start3A_129 = tpu.memref_squeeze %dma_start3A_128 : memref<1x125x16xf32, #tpu.memory_space<vmem>> -> memref<125x16xf32, #tpu.memory_space<vmem>>
      %dma_start3A_130 = arith.constant 0 : i32
      %dma_start3A_131 = tpu.memref_slice %arg5[%add3A_126, %dma_start3A_130] : memref<40x125xi32, #tpu.memory_space<vmem>> -> memref<1x125xi32, #tpu.memory_space<vmem>>
      %dma_start3A_132 = tpu.memref_squeeze %dma_start3A_131 : memref<1x125xi32, #tpu.memory_space<vmem>> -> memref<125xi32, #tpu.memory_space<vmem>>
      %dma_start3A_133 = arith.constant 0 : i32
      %dma_start3A_134 = arith.constant 0 : i32
      %dma_start3A_135 = tpu.memref_slice %arg10[%dma_start3A_133, %dma_start3A_134] : memref<10000x16xf32, #tpu.memory_space<vmem_shared>> -> memref<10000x16xf32, #tpu.memory_space<vmem_shared>>
      tpu.enqueue_indirect_dma source(%dma_start3A_129 : memref<125x16xf32, #tpu.memory_space<vmem>>) target(%dma_start3A_135 : memref<10000x16xf32, #tpu.memory_space<vmem_shared>>) offsets(%dma_start3A_132 : memref<125xi32, #tpu.memory_space<vmem>>) semaphore(%arg11 : memref<!tpu.dma_semaphore, #tpu.memory_space<semaphore_mem>>) {add = true}
    }
    %scan3A_76 = arith.constant 8 : i32
    %scan3A_77 = arith.constant 0 : i32
    %scan3A_78 = arith.constant 0 : i32
    %scan3A_79 = arith.constant 8 : i32
    %scan3A_80 = arith.addi %scan3A_78, %scan3A_79 : i32
    %scan3A_81 = arith.constant 1 : i32
    scf.for %scan3A_124 = %scan3A_78 to %scan3A_80 step %scan3A_81  : i32 {
      %add3A_125 = arith.constant 24 : i32
      %add3A_126 = arith.addi %add3A_125, %scan3A_124 : i32
      %dma_wait3A = arith.constant 0 : i32
      %dma_wait3A_127 = arith.constant 0 : i32
      %dma_wait3A_128 = tpu.memref_slice %arg7[%scan3A_124, %dma_wait3A, %dma_wait3A_127] : memref<8x125x16xf32, #tpu.memory_space<vmem>> -> memref<1x125x16xf32, #tpu.memory_space<vmem>>
      %dma_wait3A_129 = tpu.memref_squeeze %dma_wait3A_128 : memref<1x125x16xf32, #tpu.memory_space<vmem>> -> memref<125x16xf32, #tpu.memory_space<vmem>>
      %dma_wait3A_130 = arith.constant 0 : i32
      %dma_wait3A_131 = tpu.memref_slice %arg5[%add3A_126, %dma_wait3A_130] : memref<40x125xi32, #tpu.memory_space<vmem>> -> memref<1x125xi32, #tpu.memory_space<vmem>>
      %dma_wait3A_132 = tpu.memref_squeeze %dma_wait3A_131 : memref<1x125xi32, #tpu.memory_space<vmem>> -> memref<125xi32, #tpu.memory_space<vmem>>
      %dma_wait3A_133 = arith.constant 0 : i32
      %dma_wait3A_134 = arith.constant 0 : i32
      %dma_wait3A_135 = tpu.memref_slice %arg10[%dma_wait3A_133, %dma_wait3A_134] : memref<10000x16xf32, #tpu.memory_space<vmem_shared>> -> memref<10000x16xf32, #tpu.memory_space<vmem_shared>>
      tpu.wait_indirect_dma semaphore(%arg11 : memref<!tpu.dma_semaphore, #tpu.memory_space<semaphore_mem>>) src(%dma_wait3A_129 : memref<125x16xf32, #tpu.memory_space<vmem>>) dst(%dma_wait3A_135 : memref<10000x16xf32, #tpu.memory_space<vmem_shared>>)
    }
    %scan3A_82 = arith.constant 8 : i32
    %mul3A_83 = arith.constant 5000 : i32
    %mul3A_84 = arith.muli %add3A, %mul3A_83 : i32
    %add3A_85 = arith.constant 4000 : i32
    %add3A_86 = arith.addi %mul3A_84, %add3A_85 : i32
    "tpu.region"() ({
      %run_scoped3A = tpu.sem_alloc : memref<!tpu.dma_semaphore, #tpu.memory_space<semaphore_mem>>
      %dma_start3A = arith.constant 0 : i32
      %dma_start3A_124 = tpu.memref_slice %arg3[%dma_start3A, %add3A_86] : memref<16x160000xf32, #tpu.memory_space<hbm>> -> memref<16x1000xf32, #tpu.memory_space<hbm>>
      %dma_start3A_125 = arith.constant 0 : i32
      %dma_start3A_126 = tpu.memref_slice %arg3[%dma_start3A_125, %add3A_86] : memref<16x160000xf32, #tpu.memory_space<hbm>> -> memref<16x1000xf32, #tpu.memory_space<hbm>>
      tpu.enqueue_dma source(%dma_start3A_126 : memref<16x1000xf32, #tpu.memory_space<hbm>>) target(%arg6 : memref<16x1000xf32, #tpu.memory_space<vmem>>) target_semaphore(%run_scoped3A : memref<!tpu.dma_semaphore, #tpu.memory_space<semaphore_mem>>)
      %dma_wait3A = arith.constant 0 : i32
      %dma_wait3A_127 = tpu.memref_slice %arg3[%dma_wait3A, %add3A_86] : memref<16x160000xf32, #tpu.memory_space<hbm>> -> memref<16x1000xf32, #tpu.memory_space<hbm>>
      %dma_wait3A_128 = arith.constant 0 : i32
      %dma_wait3A_129 = tpu.memref_slice %arg3[%dma_wait3A_128, %add3A_86] : memref<16x160000xf32, #tpu.memory_space<hbm>> -> memref<16x1000xf32, #tpu.memory_space<hbm>>
      tpu.wait_dma2 semaphore(%run_scoped3A : memref<!tpu.dma_semaphore, #tpu.memory_space<semaphore_mem>>) src(%dma_wait3A_129 : memref<16x1000xf32, #tpu.memory_space<hbm>>) dst(%arg6 : memref<16x1000xf32, #tpu.memory_space<vmem>>)
      tpu.yield
    }) : () -> ()
    %parallel_loop3A_87 = arith.constant 0 : i32
    %parallel_loop3A_88 = arith.constant 1000 : i32
    %parallel_loop3A_89 = arith.constant 1 : i32
    scf.for %parallel_loop3A_124 = %parallel_loop3A_87 to %parallel_loop3A_88 step %parallel_loop3A_89  : i32 {
      %parallel_loop3A_125 = vector.broadcast %parallel_loop3A_124 : i32 to vector<16xi32>
      %parallel_loop3A_126 = tpu.vector_load_idx %arg6[%iota3A, %parallel_loop3A_125] : memref<16x1000xf32, #tpu.memory_space<vmem>>[vector<16xi32>, vector<16xi32>], vector<16xf32>,
      %parallel_loop3A_127 = arith.constant 125 : i32
      %parallel_loop3A_128 = arith.divsi %parallel_loop3A_124, %parallel_loop3A_127 : i32
      %parallel_loop3A_129 = arith.constant 0 : i32
      %parallel_loop3A_130 = arith.cmpi sgt, %parallel_loop3A_124, %parallel_loop3A_129 : i32
      %parallel_loop3A_131 = arith.extui %parallel_loop3A_130 : i1 to i32
      %parallel_loop3A_132 = arith.constant 0 : i32
      %parallel_loop3A_133 = arith.cmpi slt, %parallel_loop3A_124, %parallel_loop3A_132 : i32
      %parallel_loop3A_134 = arith.extui %parallel_loop3A_133 : i1 to i32
      %parallel_loop3A_135 = arith.subi %parallel_loop3A_131, %parallel_loop3A_134 : i32
      %parallel_loop3A_136 = arith.constant 0 : i32
      %parallel_loop3A_137 = arith.cmpi sgt, %parallel_loop3A_127, %parallel_loop3A_136 : i32
      %parallel_loop3A_138 = arith.extui %parallel_loop3A_137 : i1 to i32
      %parallel_loop3A_139 = arith.constant 0 : i32
      %parallel_loop3A_140 = arith.cmpi slt, %parallel_loop3A_127, %parallel_loop3A_139 : i32
      %parallel_loop3A_141 = arith.extui %parallel_loop3A_140 : i1 to i32
      %parallel_loop3A_142 = arith.subi %parallel_loop3A_138, %parallel_loop3A_141 : i32
      %parallel_loop3A_143 = arith.cmpi ne, %parallel_loop3A_135, %parallel_loop3A_142 : i32
      %parallel_loop3A_144 = arith.remsi %parallel_loop3A_124, %parallel_loop3A_127 : i32
      %parallel_loop3A_145 = arith.constant 0 : i32
      %parallel_loop3A_146 = arith.cmpi ne, %parallel_loop3A_144, %parallel_loop3A_145 : i32
      %parallel_loop3A_147 = arith.andi %parallel_loop3A_143, %parallel_loop3A_146 : i1
      %parallel_loop3A_148 = arith.constant 1 : i32
      %parallel_loop3A_149 = arith.subi %parallel_loop3A_128, %parallel_loop3A_148 : i32
      %parallel_loop3A_150 = arith.select %parallel_loop3A_147, %parallel_loop3A_149, %parallel_loop3A_128 : i32
      %parallel_loop3A_151 = arith.constant 125 : i32
      %parallel_loop3A_152 = arith.constant 0 : i32
      %parallel_loop3A_153 = arith.cmpi eq, %parallel_loop3A_151, %parallel_loop3A_152 : i32
      %parallel_loop3A_154 = arith.constant 1 : i32
      %parallel_loop3A_155 = arith.select %parallel_loop3A_153, %parallel_loop3A_154, %parallel_loop3A_151 : i32
      %parallel_loop3A_156 = arith.remsi %parallel_loop3A_124, %parallel_loop3A_155 : i32
      %parallel_loop3A_157 = arith.constant 0 : i32
      %parallel_loop3A_158 = arith.cmpi ne, %parallel_loop3A_156, %parallel_loop3A_157 : i32
      %parallel_loop3A_159 = arith.constant 0 : i32
      %parallel_loop3A_160 = arith.cmpi slt, %parallel_loop3A_156, %parallel_loop3A_159 : i32
      %parallel_loop3A_161 = arith.constant 0 : i32
      %parallel_loop3A_162 = arith.cmpi slt, %parallel_loop3A_155, %parallel_loop3A_161 : i32
      %parallel_loop3A_163 = arith.xori %parallel_loop3A_160, %parallel_loop3A_162 : i1
      %parallel_loop3A_164 = arith.andi %parallel_loop3A_163, %parallel_loop3A_158 : i1
      %parallel_loop3A_165 = arith.addi %parallel_loop3A_156, %parallel_loop3A_155 : i32
      %parallel_loop3A_166 = arith.select %parallel_loop3A_164, %parallel_loop3A_165, %parallel_loop3A_156 : i32
      %parallel_loop3A_167 = arith.index_cast %parallel_loop3A_150 : i32 to index
      %parallel_loop3A_168 = arith.index_cast %parallel_loop3A_166 : i32 to index
      %parallel_loop3A_169 = arith.constant 0 : index
      %parallel_loop3A_170 = tpu.vector_load %arg7[%parallel_loop3A_167, %parallel_loop3A_168, %parallel_loop3A_169] {strides = array<i32>} : memref<8x125x16xf32, #tpu.memory_space<vmem>>, vector<16xf32>,
      tpu.vector_store %arg7[%parallel_loop3A_167, %parallel_loop3A_168, %parallel_loop3A_169], %parallel_loop3A_126 {strides = array<i32>} : memref<8x125x16xf32, #tpu.memory_space<vmem>>, vector<16xf32>,
    } {sc.loop_unroll_factor = 16 : i64, sc.parallel_access}
    %scan3A_90 = arith.constant 0 : i32
    %scan3A_91 = arith.constant 0 : i32
    %scan3A_92 = arith.constant 8 : i32
    %scan3A_93 = arith.addi %scan3A_91, %scan3A_92 : i32
    %scan3A_94 = arith.constant 1 : i32
    scf.for %scan3A_124 = %scan3A_91 to %scan3A_93 step %scan3A_94  : i32 {
      %add3A_125 = arith.constant 32 : i32
      %add3A_126 = arith.addi %add3A_125, %scan3A_124 : i32
      %dma_start3A = arith.constant 0 : i32
      %dma_start3A_127 = arith.constant 0 : i32
      %dma_start3A_128 = tpu.memref_slice %arg7[%scan3A_124, %dma_start3A, %dma_start3A_127] : memref<8x125x16xf32, #tpu.memory_space<vmem>> -> memref<1x125x16xf32, #tpu.memory_space<vmem>>
      %dma_start3A_129 = tpu.memref_squeeze %dma_start3A_128 : memref<1x125x16xf32, #tpu.memory_space<vmem>> -> memref<125x16xf32, #tpu.memory_space<vmem>>
      %dma_start3A_130 = arith.constant 0 : i32
      %dma_start3A_131 = tpu.memref_slice %arg5[%add3A_126, %dma_start3A_130] : memref<40x125xi32, #tpu.memory_space<vmem>> -> memref<1x125xi32, #tpu.memory_space<vmem>>
      %dma_start3A_132 = tpu.memref_squeeze %dma_start3A_131 : memref<1x125xi32, #tpu.memory_space<vmem>> -> memref<125xi32, #tpu.memory_space<vmem>>
      %dma_start3A_133 = arith.constant 0 : i32
      %dma_start3A_134 = arith.constant 0 : i32
      %dma_start3A_135 = tpu.memref_slice %arg10[%dma_start3A_133, %dma_start3A_134] : memref<10000x16xf32, #tpu.memory_space<vmem_shared>> -> memref<10000x16xf32, #tpu.memory_space<vmem_shared>>
      tpu.enqueue_indirect_dma source(%dma_start3A_129 : memref<125x16xf32, #tpu.memory_space<vmem>>) target(%dma_start3A_135 : memref<10000x16xf32, #tpu.memory_space<vmem_shared>>) offsets(%dma_start3A_132 : memref<125xi32, #tpu.memory_space<vmem>>) semaphore(%arg11 : memref<!tpu.dma_semaphore, #tpu.memory_space<semaphore_mem>>) {add = true}
    }
    %scan3A_95 = arith.constant 8 : i32
    %scan3A_96 = arith.constant 0 : i32
    %scan3A_97 = arith.constant 0 : i32
    %scan3A_98 = arith.constant 8 : i32
    %scan3A_99 = arith.addi %scan3A_97, %scan3A_98 : i32
    %scan3A_100 = arith.constant 1 : i32
    scf.for %scan3A_124 = %scan3A_97 to %scan3A_99 step %scan3A_100  : i32 {
      %add3A_125 = arith.constant 32 : i32
      %add3A_126 = arith.addi %add3A_125, %scan3A_124 : i32
      %dma_wait3A = arith.constant 0 : i32
      %dma_wait3A_127 = arith.constant 0 : i32
      %dma_wait3A_128 = tpu.memref_slice %arg7[%scan3A_124, %dma_wait3A, %dma_wait3A_127] : memref<8x125x16xf32, #tpu.memory_space<vmem>> -> memref<1x125x16xf32, #tpu.memory_space<vmem>>
      %dma_wait3A_129 = tpu.memref_squeeze %dma_wait3A_128 : memref<1x125x16xf32, #tpu.memory_space<vmem>> -> memref<125x16xf32, #tpu.memory_space<vmem>>
      %dma_wait3A_130 = arith.constant 0 : i32
      %dma_wait3A_131 = tpu.memref_slice %arg5[%add3A_126, %dma_wait3A_130] : memref<40x125xi32, #tpu.memory_space<vmem>> -> memref<1x125xi32, #tpu.memory_space<vmem>>
      %dma_wait3A_132 = tpu.memref_squeeze %dma_wait3A_131 : memref<1x125xi32, #tpu.memory_space<vmem>> -> memref<125xi32, #tpu.memory_space<vmem>>
      %dma_wait3A_133 = arith.constant 0 : i32
      %dma_wait3A_134 = arith.constant 0 : i32
      %dma_wait3A_135 = tpu.memref_slice %arg10[%dma_wait3A_133, %dma_wait3A_134] : memref<10000x16xf32, #tpu.memory_space<vmem_shared>> -> memref<10000x16xf32, #tpu.memory_space<vmem_shared>>
      tpu.wait_indirect_dma semaphore(%arg11 : memref<!tpu.dma_semaphore, #tpu.memory_space<semaphore_mem>>) src(%dma_wait3A_129 : memref<125x16xf32, #tpu.memory_space<vmem>>) dst(%dma_wait3A_135 : memref<10000x16xf32, #tpu.memory_space<vmem_shared>>)
    }
    %scan3A_101 = arith.constant 8 : i32
    %barrier3A_102 = arith.constant 0 : index
    tpu.barrier barrier_id(%barrier3A_102)
    %mul3A_103 = arith.constant 632 : i32
    %mul3A_104 = arith.muli %arg1, %mul3A_103 : i32
    %lt3A = arith.constant 15 : i32
    %lt3A_105 = arith.cmpi slt, %arg1, %lt3A : i32
    %convert_element_type3A = arith.extui %lt3A_105 : i1 to i32
    %cond3A = arith.constant 0 : i32
    %cond3A_106 = arith.cmpi ne, %convert_element_type3A, %cond3A : i32
    scf.if %cond3A_106 {
      "tpu.region"() ({
        %run_scoped3A = tpu.sem_alloc : memref<!tpu.dma_semaphore, #tpu.memory_space<semaphore_mem>>
        %dma_start3A = arith.constant 0 : i32
        %dma_start3A_124 = arith.constant 0 : i32
        %dma_start3A_125 = tpu.memref_slice %arg8[%dma_start3A, %dma_start3A_124] : memref<640x16xf32, #tpu.memory_space<vmem>> -> memref<632x16xf32, #tpu.memory_space<vmem>>
        %dma_start3A_126 = arith.constant 0 : i32
        %dma_start3A_127 = tpu.memref_slice %arg10[%mul3A_104, %dma_start3A_126] : memref<10000x16xf32, #tpu.memory_space<vmem_shared>> -> memref<632x16xf32, #tpu.memory_space<vmem_shared>>
        %dma_start3A_128 = arith.constant 0 : i32
        %dma_start3A_129 = arith.constant 0 : i32
        %dma_start3A_130 = tpu.memref_slice %arg8[%dma_start3A_128, %dma_start3A_129] : memref<640x16xf32, #tpu.memory_space<vmem>> -> memref<632x16xf32, #tpu.memory_space<vmem>>
        %dma_start3A_131 = arith.constant 0 : i32
        %dma_start3A_132 = tpu.memref_slice %arg10[%mul3A_104, %dma_start3A_131] : memref<10000x16xf32, #tpu.memory_space<vmem_shared>> -> memref<632x16xf32, #tpu.memory_space<vmem_shared>>
        tpu.enqueue_dma source(%dma_start3A_132 : memref<632x16xf32, #tpu.memory_space<vmem_shared>>) target(%dma_start3A_130 : memref<632x16xf32, #tpu.memory_space<vmem>>) target_semaphore(%run_scoped3A : memref<!tpu.dma_semaphore, #tpu.memory_space<semaphore_mem>>)
        %dma_wait3A = arith.constant 0 : i32
        %dma_wait3A_133 = arith.constant 0 : i32
        %dma_wait3A_134 = tpu.memref_slice %arg8[%dma_wait3A, %dma_wait3A_133] : memref<640x16xf32, #tpu.memory_space<vmem>> -> memref<632x16xf32, #tpu.memory_space<vmem>>
        %dma_wait3A_135 = arith.constant 0 : i32
        %dma_wait3A_136 = tpu.memref_slice %arg10[%mul3A_104, %dma_wait3A_135] : memref<10000x16xf32, #tpu.memory_space<vmem_shared>> -> memref<632x16xf32, #tpu.memory_space<vmem_shared>>
        %dma_wait3A_137 = arith.constant 0 : i32
        %dma_wait3A_138 = arith.constant 0 : i32
        %dma_wait3A_139 = tpu.memref_slice %arg8[%dma_wait3A_137, %dma_wait3A_138] : memref<640x16xf32, #tpu.memory_space<vmem>> -> memref<632x16xf32, #tpu.memory_space<vmem>>
        %dma_wait3A_140 = arith.constant 0 : i32
        %dma_wait3A_141 = tpu.memref_slice %arg10[%mul3A_104, %dma_wait3A_140] : memref<10000x16xf32, #tpu.memory_space<vmem_shared>> -> memref<632x16xf32, #tpu.memory_space<vmem_shared>>
        tpu.wait_dma2 semaphore(%run_scoped3A : memref<!tpu.dma_semaphore, #tpu.memory_space<semaphore_mem>>) src(%dma_wait3A_141 : memref<632x16xf32, #tpu.memory_space<vmem_shared>>) dst(%dma_wait3A_139 : memref<632x16xf32, #tpu.memory_space<vmem>>)
        tpu.yield
      }) : () -> ()
    } else {
    }
    %eq3A = arith.constant 15 : i32
    %eq3A_107 = arith.cmpi eq, %arg1, %eq3A : i32
    %convert_element_type3A_108 = arith.extui %eq3A_107 : i1 to i32
    %cond3A_109 = arith.constant 0 : i32
    %cond3A_110 = arith.cmpi ne, %convert_element_type3A_108, %cond3A_109 : i32
    scf.if %cond3A_110 {
      "tpu.region"() ({
        %run_scoped3A = tpu.sem_alloc : memref<!tpu.dma_semaphore, #tpu.memory_space<semaphore_mem>>
        %dma_start3A = arith.constant 0 : i32
        %dma_start3A_124 = arith.constant 0 : i32
        %dma_start3A_125 = tpu.memref_slice %arg8[%dma_start3A, %dma_start3A_124] : memref<640x16xf32, #tpu.memory_space<vmem>> -> memref<520x16xf32, #tpu.memory_space<vmem>>
        %dma_start3A_126 = arith.constant 0 : i32
        %dma_start3A_127 = tpu.memref_slice %arg10[%mul3A_104, %dma_start3A_126] : memref<10000x16xf32, #tpu.memory_space<vmem_shared>> -> memref<520x16xf32, #tpu.memory_space<vmem_shared>>
        %dma_start3A_128 = arith.constant 0 : i32
        %dma_start3A_129 = arith.constant 0 : i32
        %dma_start3A_130 = tpu.memref_slice %arg8[%dma_start3A_128, %dma_start3A_129] : memref<640x16xf32, #tpu.memory_space<vmem>> -> memref<520x16xf32, #tpu.memory_space<vmem>>
        %dma_start3A_131 = arith.constant 0 : i32
        %dma_start3A_132 = tpu.memref_slice %arg10[%mul3A_104, %dma_start3A_131] : memref<10000x16xf32, #tpu.memory_space<vmem_shared>> -> memref<520x16xf32, #tpu.memory_space<vmem_shared>>
        tpu.enqueue_dma source(%dma_start3A_132 : memref<520x16xf32, #tpu.memory_space<vmem_shared>>) target(%dma_start3A_130 : memref<520x16xf32, #tpu.memory_space<vmem>>) target_semaphore(%run_scoped3A : memref<!tpu.dma_semaphore, #tpu.memory_space<semaphore_mem>>)
        %dma_wait3A = arith.constant 0 : i32
        %dma_wait3A_133 = arith.constant 0 : i32
        %dma_wait3A_134 = tpu.memref_slice %arg8[%dma_wait3A, %dma_wait3A_133] : memref<640x16xf32, #tpu.memory_space<vmem>> -> memref<520x16xf32, #tpu.memory_space<vmem>>
        %dma_wait3A_135 = arith.constant 0 : i32
        %dma_wait3A_136 = tpu.memref_slice %arg10[%mul3A_104, %dma_wait3A_135] : memref<10000x16xf32, #tpu.memory_space<vmem_shared>> -> memref<520x16xf32, #tpu.memory_space<vmem_shared>>
        %dma_wait3A_137 = arith.constant 0 : i32
        %dma_wait3A_138 = arith.constant 0 : i32
        %dma_wait3A_139 = tpu.memref_slice %arg8[%dma_wait3A_137, %dma_wait3A_138] : memref<640x16xf32, #tpu.memory_space<vmem>> -> memref<520x16xf32, #tpu.memory_space<vmem>>
        %dma_wait3A_140 = arith.constant 0 : i32
        %dma_wait3A_141 = tpu.memref_slice %arg10[%mul3A_104, %dma_wait3A_140] : memref<10000x16xf32, #tpu.memory_space<vmem_shared>> -> memref<520x16xf32, #tpu.memory_space<vmem_shared>>
        tpu.wait_dma2 semaphore(%run_scoped3A : memref<!tpu.dma_semaphore, #tpu.memory_space<semaphore_mem>>) src(%dma_wait3A_141 : memref<520x16xf32, #tpu.memory_space<vmem_shared>>) dst(%dma_wait3A_139 : memref<520x16xf32, #tpu.memory_space<vmem>>)
        tpu.yield
      }) : () -> ()
    } else {
    }
    %parallel_loop3A_111 = arith.constant 0 : i32
    %parallel_loop3A_112 = arith.constant 640 : i32
    %parallel_loop3A_113 = arith.constant 1 : i32
    scf.for %parallel_loop3A_124 = %parallel_loop3A_111 to %parallel_loop3A_112 step %parallel_loop3A_113  : i32 {
      %parallel_loop3A_125 = arith.index_cast %parallel_loop3A_124 : i32 to index
      %parallel_loop3A_126 = arith.constant 0 : index
      %parallel_loop3A_127 = tpu.vector_load %arg8[%parallel_loop3A_125, %parallel_loop3A_126] {strides = array<i32>} : memref<640x16xf32, #tpu.memory_space<vmem>>, vector<16xf32>,
      %parallel_loop3A_128 = vector.broadcast %parallel_loop3A_124 : i32 to vector<16xi32>
      tpu.vector_store_idx %arg9[%iota3A, %parallel_loop3A_128], %parallel_loop3A_127 : memref<16x641xf32, #tpu.memory_space<vmem>>[vector<16xi32>, vector<16xi32>], vector<16xf32>,
    } {sc.loop_unroll_factor = 16 : i64, sc.parallel_access}
    %lt3A_114 = arith.constant 15 : i32
    %lt3A_115 = arith.cmpi slt, %arg1, %lt3A_114 : i32
    %convert_element_type3A_116 = arith.extui %lt3A_115 : i1 to i32
    %cond3A_117 = arith.constant 0 : i32
    %cond3A_118 = arith.cmpi ne, %convert_element_type3A_116, %cond3A_117 : i32
    scf.if %cond3A_118 {
      "tpu.region"() ({
        %run_scoped3A = tpu.sem_alloc : memref<!tpu.dma_semaphore, #tpu.memory_space<semaphore_mem>>
        %dma_start3A = arith.constant 0 : i32
        %dma_start3A_124 = arith.constant 0 : i32
        %dma_start3A_125 = tpu.memref_slice %arg9[%dma_start3A, %dma_start3A_124] : memref<16x641xf32, #tpu.memory_space<vmem>> -> memref<16x632xf32, #tpu.memory_space<vmem>>
        %dma_start3A_126 = arith.constant 0 : i32
        %dma_start3A_127 = tpu.memref_slice %arg4[%arg0, %dma_start3A_126, %mul3A_104] : memref<2x16x10000xf32, #tpu.memory_space<hbm>> -> memref<1x16x632xf32, #tpu.memory_space<hbm>>
        %dma_start3A_128 = tpu.memref_squeeze %dma_start3A_127 : memref<1x16x632xf32, #tpu.memory_space<hbm>> -> memref<16x632xf32, #tpu.memory_space<hbm>>
        %dma_start3A_129 = arith.constant 0 : i32
        %dma_start3A_130 = tpu.memref_slice %arg4[%arg0, %dma_start3A_129, %mul3A_104] : memref<2x16x10000xf32, #tpu.memory_space<hbm>> -> memref<1x16x632xf32, #tpu.memory_space<hbm>>
        %dma_start3A_131 = tpu.memref_squeeze %dma_start3A_130 : memref<1x16x632xf32, #tpu.memory_space<hbm>> -> memref<16x632xf32, #tpu.memory_space<hbm>>
        %dma_start3A_132 = arith.constant 0 : i32
        %dma_start3A_133 = arith.constant 0 : i32
        %dma_start3A_134 = tpu.memref_slice %arg9[%dma_start3A_132, %dma_start3A_133] : memref<16x641xf32, #tpu.memory_space<vmem>> -> memref<16x632xf32, #tpu.memory_space<vmem>>
        tpu.enqueue_dma source(%dma_start3A_134 : memref<16x632xf32, #tpu.memory_space<vmem>>) target(%dma_start3A_131 : memref<16x632xf32, #tpu.memory_space<hbm>>) target_semaphore(%run_scoped3A : memref<!tpu.dma_semaphore, #tpu.memory_space<semaphore_mem>>)
        %dma_wait3A = arith.constant 0 : i32
        %dma_wait3A_135 = arith.constant 0 : i32
        %dma_wait3A_136 = tpu.memref_slice %arg9[%dma_wait3A, %dma_wait3A_135] : memref<16x641xf32, #tpu.memory_space<vmem>> -> memref<16x632xf32, #tpu.memory_space<vmem>>
        %dma_wait3A_137 = arith.constant 0 : i32
        %dma_wait3A_138 = tpu.memref_slice %arg4[%arg0, %dma_wait3A_137, %mul3A_104] : memref<2x16x10000xf32, #tpu.memory_space<hbm>> -> memref<1x16x632xf32, #tpu.memory_space<hbm>>
        %dma_wait3A_139 = tpu.memref_squeeze %dma_wait3A_138 : memref<1x16x632xf32, #tpu.memory_space<hbm>> -> memref<16x632xf32, #tpu.memory_space<hbm>>
        %dma_wait3A_140 = arith.constant 0 : i32
        %dma_wait3A_141 = tpu.memref_slice %arg4[%arg0, %dma_wait3A_140, %mul3A_104] : memref<2x16x10000xf32, #tpu.memory_space<hbm>> -> memref<1x16x632xf32, #tpu.memory_space<hbm>>
        %dma_wait3A_142 = tpu.memref_squeeze %dma_wait3A_141 : memref<1x16x632xf32, #tpu.memory_space<hbm>> -> memref<16x632xf32, #tpu.memory_space<hbm>>
        %dma_wait3A_143 = arith.constant 0 : i32
        %dma_wait3A_144 = arith.constant 0 : i32
        %dma_wait3A_145 = tpu.memref_slice %arg9[%dma_wait3A_143, %dma_wait3A_144] : memref<16x641xf32, #tpu.memory_space<vmem>> -> memref<16x632xf32, #tpu.memory_space<vmem>>
        tpu.wait_dma2 semaphore(%run_scoped3A : memref<!tpu.dma_semaphore, #tpu.memory_space<semaphore_mem>>) src(%dma_wait3A_145 : memref<16x632xf32, #tpu.memory_space<vmem>>) dst(%dma_wait3A_142 : memref<16x632xf32, #tpu.memory_space<hbm>>)
        tpu.yield
      }) : () -> ()
    } else {
    }
    %eq3A_119 = arith.constant 15 : i32
    %eq3A_120 = arith.cmpi eq, %arg1, %eq3A_119 : i32
    %convert_element_type3A_121 = arith.extui %eq3A_120 : i1 to i32
    %cond3A_122 = arith.constant 0 : i32
    %cond3A_123 = arith.cmpi ne, %convert_element_type3A_121, %cond3A_122 : i32
    scf.if %cond3A_123 {
      "tpu.region"() ({
        %run_scoped3A = tpu.sem_alloc : memref<!tpu.dma_semaphore, #tpu.memory_space<semaphore_mem>>
        %dma_start3A = arith.constant 0 : i32
        %dma_start3A_124 = arith.constant 0 : i32
        %dma_start3A_125 = tpu.memref_slice %arg9[%dma_start3A, %dma_start3A_124] : memref<16x641xf32, #tpu.memory_space<vmem>> -> memref<16x520xf32, #tpu.memory_space<vmem>>
        %dma_start3A_126 = arith.constant 0 : i32
        %dma_start3A_127 = tpu.memref_slice %arg4[%arg0, %dma_start3A_126, %mul3A_104] : memref<2x16x10000xf32, #tpu.memory_space<hbm>> -> memref<1x16x520xf32, #tpu.memory_space<hbm>>
        %dma_start3A_128 = tpu.memref_squeeze %dma_start3A_127 : memref<1x16x520xf32, #tpu.memory_space<hbm>> -> memref<16x520xf32, #tpu.memory_space<hbm>>
        %dma_start3A_129 = arith.constant 0 : i32
        %dma_start3A_130 = tpu.memref_slice %arg4[%arg0, %dma_start3A_129, %mul3A_104] : memref<2x16x10000xf32, #tpu.memory_space<hbm>> -> memref<1x16x520xf32, #tpu.memory_space<hbm>>
        %dma_start3A_131 = tpu.memref_squeeze %dma_start3A_130 : memref<1x16x520xf32, #tpu.memory_space<hbm>> -> memref<16x520xf32, #tpu.memory_space<hbm>>
        %dma_start3A_132 = arith.constant 0 : i32
        %dma_start3A_133 = arith.constant 0 : i32
        %dma_start3A_134 = tpu.memref_slice %arg9[%dma_start3A_132, %dma_start3A_133] : memref<16x641xf32, #tpu.memory_space<vmem>> -> memref<16x520xf32, #tpu.memory_space<vmem>>
        tpu.enqueue_dma source(%dma_start3A_134 : memref<16x520xf32, #tpu.memory_space<vmem>>) target(%dma_start3A_131 : memref<16x520xf32, #tpu.memory_space<hbm>>) target_semaphore(%run_scoped3A : memref<!tpu.dma_semaphore, #tpu.memory_space<semaphore_mem>>)
        %dma_wait3A = arith.constant 0 : i32
        %dma_wait3A_135 = arith.constant 0 : i32
        %dma_wait3A_136 = tpu.memref_slice %arg9[%dma_wait3A, %dma_wait3A_135] : memref<16x641xf32, #tpu.memory_space<vmem>> -> memref<16x520xf32, #tpu.memory_space<vmem>>
        %dma_wait3A_137 = arith.constant 0 : i32
        %dma_wait3A_138 = tpu.memref_slice %arg4[%arg0, %dma_wait3A_137, %mul3A_104] : memref<2x16x10000xf32, #tpu.memory_space<hbm>> -> memref<1x16x520xf32, #tpu.memory_space<hbm>>
        %dma_wait3A_139 = tpu.memref_squeeze %dma_wait3A_138 : memref<1x16x520xf32, #tpu.memory_space<hbm>> -> memref<16x520xf32, #tpu.memory_space<hbm>>
        %dma_wait3A_140 = arith.constant 0 : i32
        %dma_wait3A_141 = tpu.memref_slice %arg4[%arg0, %dma_wait3A_140, %mul3A_104] : memref<2x16x10000xf32, #tpu.memory_space<hbm>> -> memref<1x16x520xf32, #tpu.memory_space<hbm>>
        %dma_wait3A_142 = tpu.memref_squeeze %dma_wait3A_141 : memref<1x16x520xf32, #tpu.memory_space<hbm>> -> memref<16x520xf32, #tpu.memory_space<hbm>>
        %dma_wait3A_143 = arith.constant 0 : i32
        %dma_wait3A_144 = arith.constant 0 : i32
        %dma_wait3A_145 = tpu.memref_slice %arg9[%dma_wait3A_143, %dma_wait3A_144] : memref<16x641xf32, #tpu.memory_space<vmem>> -> memref<16x520xf32, #tpu.memory_space<vmem>>
        tpu.wait_dma2 semaphore(%run_scoped3A : memref<!tpu.dma_semaphore, #tpu.memory_space<semaphore_mem>>) src(%dma_wait3A_145 : memref<16x520xf32, #tpu.memory_space<vmem>>) dst(%dma_wait3A_142 : memref<16x520xf32, #tpu.memory_space<hbm>>)
        tpu.yield
      }) : () -> ()
    } else {
    }
    return
  }
}

module attributes {stable_mosaic.version = 14 : i64} {
  func.func @body(%arg0: i32, %arg1: memref<3x32000xf32, #tpu.memory_space<vmem>>, %arg2: memref<8x32000xf32, #tpu.memory_space<vmem>>, %arg3: memref<128x6xf32, #tpu.memory_space<vmem>>, %arg4: memref<128x1xf32, #tpu.memory_space<vmem>>, %arg5: memref<8x64xf32, #tpu.memory_space<vmem>>, %arg6: memref<16x32000xf32, #tpu.memory_space<vmem>>) attributes {dimension_semantics = [#tpu.dimension_semantics<arbitrary>], iteration_bounds = array<i64: 5>, scalar_prefetch = 0 : i64, scratch_operands = 0 : i64, tpu.core_type = #tpu.core_type<tc>, window_params = [{transform_indices = @transform_0, window_bounds = array<i64: 3, 32000>}, {transform_indices = @transform_1, window_bounds = array<i64: 8, 32000>}, {pipeline_mode = #tpu.pipeline_mode<synchronous>, transform_indices = @transform_2, window_bounds = array<i64: 128, 6>}, {pipeline_mode = #tpu.pipeline_mode<synchronous>, transform_indices = @transform_3, window_bounds = array<i64: 128, 1>}, {pipeline_mode = #tpu.pipeline_mode<synchronous>, transform_indices = @transform_4, window_bounds = array<i64: 8, 64>}, {transform_indices = @transform_5, window_bounds = array<i64: 16, 32000>}]} {
    %get3A = arith.constant 0 : index
    %get3A_0 = arith.constant 0 : index
    %get3A_1 = vector.load %arg1[%get3A, %get3A_0] : memref<3x32000xf32, #tpu.memory_space<vmem>>, vector<3x32000xf32>
    %mul3A = arith.mulf %get3A_1, %get3A_1 : vector<3x32000xf32>
    %concatenate3A = tpu.concatenate %mul3A, %get3A_1 in 0 : vector<3x32000xf32>, vector<3x32000xf32> -> vector<6x32000xf32>
    %get3A_2 = arith.constant 0 : index
    %get3A_3 = arith.constant 0 : index
    %get3A_4 = vector.load %arg3[%get3A_2, %get3A_3] : memref<128x6xf32, #tpu.memory_space<vmem>>, vector<128x6xf32>
    %dot_general3A = arith.constant dense<0.000000e+00> : vector<128x32000xf32>
    %dot_general3A_5 = tpu.matmul %get3A_4, %concatenate3A, %dot_general3A {dimension_numbers = #tpu.dot_dimension_numbers<[1], [0], [0], [1], [0, 0, 1, 1], [], []>, transpose_lhs_hint = false} : vector<128x6xf32>, vector<6x32000xf32>, vector<128x32000xf32> -> vector<128x32000xf32>
    %get3A_6 = arith.constant 0 : index
    %get3A_7 = arith.constant 0 : index
    %get3A_8 = vector.load %arg4[%get3A_6, %get3A_7] : memref<128x1xf32, #tpu.memory_space<vmem>>, vector<128x1xf32>
    %add3A = vector.broadcast %get3A_8 : vector<128x1xf32> to vector<128x32000xf32>
    %add3A_9 = arith.addf %dot_general3A_5, %add3A : vector<128x32000xf32>
    %neg3A = arith.constant 0.000000e+00 : f32
    %neg3A_10 = vector.broadcast %neg3A : f32 to vector<128x32000xf32>
    %neg3A_11 = arith.subf %neg3A_10, %add3A_9 : vector<128x32000xf32>
    %exp3A = math.exp %neg3A_11 : vector<128x32000xf32>
    %slice3A = vector.extract_strided_slice %exp3A {offsets = [0, 0], sizes = [64, 32000], strides = [1, 1]} : vector<128x32000xf32> to vector<64x32000xf32>
    %slice3A_12 = vector.extract_strided_slice %exp3A {offsets = [64, 0], sizes = [64, 32000], strides = [1, 1]} : vector<128x32000xf32> to vector<64x32000xf32>
    %add3A_13 = arith.addf %slice3A, %slice3A_12 : vector<64x32000xf32>
    %get3A_14 = arith.constant 0 : index
    %get3A_15 = arith.constant 0 : index
    %get3A_16 = vector.load %arg2[%get3A_14, %get3A_15] : memref<8x32000xf32, #tpu.memory_space<vmem>>, vector<8x32000xf32>
    %tile3A = tpu.concatenate %get3A_16, %get3A_16, %get3A_16, %get3A_16, %get3A_16, %get3A_16, %get3A_16, %get3A_16 in 0 : vector<8x32000xf32>, vector<8x32000xf32>, vector<8x32000xf32>, vector<8x32000xf32>, vector<8x32000xf32>, vector<8x32000xf32>, vector<8x32000xf32>, vector<8x32000xf32> -> vector<64x32000xf32>
    %mul3A_17 = arith.mulf %add3A_13, %tile3A : vector<64x32000xf32>
    %get3A_18 = arith.constant 0 : index
    %get3A_19 = arith.constant 0 : index
    %get3A_20 = vector.load %arg5[%get3A_18, %get3A_19] : memref<8x64xf32, #tpu.memory_space<vmem>>, vector<8x64xf32>
    %dot_general3A_21 = arith.constant dense<0.000000e+00> : vector<8x32000xf32>
    %dot_general3A_22 = tpu.matmul %get3A_20, %mul3A_17, %dot_general3A_21 {dimension_numbers = #tpu.dot_dimension_numbers<[1], [0], [0], [1], [0, 0, 1, 1], [], []>, transpose_lhs_hint = false} : vector<8x64xf32>, vector<64x32000xf32>, vector<8x32000xf32> -> vector<8x32000xf32>
    %broadcast_in_dim3A = arith.constant 1.000000e+00 : f32
    %broadcast_in_dim3A_23 = vector.broadcast %broadcast_in_dim3A : f32 to vector<1x32000xf32>
    %broadcast_in_dim3A_24 = arith.constant 0.000000e+00 : f32
    %broadcast_in_dim3A_25 = vector.broadcast %broadcast_in_dim3A_24 : f32 to vector<7x32000xf32>
    %concatenate3A_26 = tpu.concatenate %dot_general3A_22, %broadcast_in_dim3A_23, %broadcast_in_dim3A_25 in 0 : vector<8x32000xf32>, vector<1x32000xf32>, vector<7x32000xf32> -> vector<16x32000xf32>
    %swap3A = arith.constant 0 : index
    %swap3A_27 = arith.constant 0 : index
    %swap3A_28 = vector.load %arg6[%swap3A, %swap3A_27] : memref<16x32000xf32, #tpu.memory_space<vmem>>, vector<16x32000xf32>
    tpu.vector_store %arg6[%swap3A, %swap3A_27], %concatenate3A_26 {strides = array<i32>} : memref<16x32000xf32, #tpu.memory_space<vmem>>, vector<16x32000xf32>,
    return
  }
  func.func @transform_0(%arg0: i32) -> (i32, i32) {
    %c0_i32 = arith.constant 0 : i32
    %c0_i32_0 = arith.constant 0 : i32
    return %c0_i32, %arg0 : i32, i32
  }
  func.func @transform_1(%arg0: i32) -> (i32, i32) {
    %c0_i32 = arith.constant 0 : i32
    %c0_i32_0 = arith.constant 0 : i32
    return %c0_i32, %arg0 : i32, i32
  }
  func.func @transform_2(%arg0: i32) -> (i32, i32) {
    %c0_i32 = arith.constant 0 : i32
    %c0_i32_0 = arith.constant 0 : i32
    %c0_i32_1 = arith.constant 0 : i32
    return %c0_i32, %c0_i32_0 : i32, i32
  }
  func.func @transform_3(%arg0: i32) -> (i32, i32) {
    %c0_i32 = arith.constant 0 : i32
    %c0_i32_0 = arith.constant 0 : i32
    %c0_i32_1 = arith.constant 0 : i32
    return %c0_i32, %c0_i32_0 : i32, i32
  }
  func.func @transform_4(%arg0: i32) -> (i32, i32) {
    %c0_i32 = arith.constant 0 : i32
    %c0_i32_0 = arith.constant 0 : i32
    %c0_i32_1 = arith.constant 0 : i32
    return %c0_i32, %c0_i32_0 : i32, i32
  }
  func.func @transform_5(%arg0: i32) -> (i32, i32) {
    %c0_i32 = arith.constant 0 : i32
    %c0_i32_0 = arith.constant 0 : i32
    return %c0_i32, %arg0 : i32, i32
  }
}

module attributes {stable_mosaic.version = 14 : i64} {
  func.func @body(%arg0: memref<2x16x10000xf32, #tpu.memory_space<vmem>>, %arg1: memref<8x10000xf32, #tpu.memory_space<vmem>>, %arg2: memref<8x8xf32, #tpu.memory_space<vmem>>, %arg3: memref<8x1xf32, #tpu.memory_space<vmem>>, %arg4: memref<8x10000xf32, #tpu.memory_space<vmem>>) attributes {dimension_semantics = [], scalar_prefetch = 0 : i64, scratch_operands = 0 : i64, tpu.core_type = #tpu.core_type<tc>} {
    %get3A = arith.constant 0 : index
    %get3A_0 = arith.constant 0 : index
    %get3A_1 = arith.constant 0 : index
    %get3A_2 = vector.load %arg0[%get3A, %get3A_0, %get3A_1] : memref<2x16x10000xf32, #tpu.memory_space<vmem>>, vector<2x16x10000xf32>
    %slice3A = vector.extract_strided_slice %get3A_2 {offsets = [0, 0, 0], sizes = [1, 16, 10000], strides = [1, 1, 1]} : vector<2x16x10000xf32> to vector<1x16x10000xf32>
    %squeeze3A = vector.shape_cast %slice3A : vector<1x16x10000xf32> to vector<16x10000xf32>
    %slice3A_3 = vector.extract_strided_slice %get3A_2 {offsets = [1, 0, 0], sizes = [1, 16, 10000], strides = [1, 1, 1]} : vector<2x16x10000xf32> to vector<1x16x10000xf32>
    %squeeze3A_4 = vector.shape_cast %slice3A_3 : vector<1x16x10000xf32> to vector<16x10000xf32>
    %add3A = arith.addf %squeeze3A, %squeeze3A_4 : vector<16x10000xf32>
    %slice3A_5 = vector.extract_strided_slice %add3A {offsets = [0, 0], sizes = [8, 10000], strides = [1, 1]} : vector<16x10000xf32> to vector<8x10000xf32>
    %slice3A_6 = vector.extract_strided_slice %add3A {offsets = [8, 0], sizes = [1, 10000], strides = [1, 1]} : vector<16x10000xf32> to vector<1x10000xf32>
    %get3A_7 = arith.constant 0 : index
    %get3A_8 = arith.constant 0 : index
    %get3A_9 = vector.load %arg2[%get3A_7, %get3A_8] : memref<8x8xf32, #tpu.memory_space<vmem>>, vector<8x8xf32>
    %get3A_10 = arith.constant 0 : index
    %get3A_11 = arith.constant 0 : index
    %get3A_12 = vector.load %arg1[%get3A_10, %get3A_11] : memref<8x10000xf32, #tpu.memory_space<vmem>>, vector<8x10000xf32>
    %dot_general3A = arith.constant dense<0.000000e+00> : vector<8x10000xf32>
    %dot_general3A_13 = tpu.matmul %get3A_9, %get3A_12, %dot_general3A {dimension_numbers = #tpu.dot_dimension_numbers<[1], [0], [0], [1], [0, 0, 1, 1], [], []>, transpose_lhs_hint = false} : vector<8x8xf32>, vector<8x10000xf32>, vector<8x10000xf32> -> vector<8x10000xf32>
    %max3A = arith.constant 1.000000e+00 : f32
    %max3A_14 = vector.broadcast %max3A : f32 to vector<1x10000xf32>
    %max3A_15 = arith.maximumf %slice3A_6, %max3A_14 : vector<1x10000xf32>
    %div3A = vector.broadcast %max3A_15 : vector<1x10000xf32> to vector<8x10000xf32>
    %div3A_16 = arith.divf %slice3A_5, %div3A : vector<8x10000xf32>
    %add3A_17 = arith.addf %div3A_16, %dot_general3A_13 : vector<8x10000xf32>
    %get3A_18 = arith.constant 0 : index
    %get3A_19 = arith.constant 0 : index
    %get3A_20 = vector.load %arg3[%get3A_18, %get3A_19] : memref<8x1xf32, #tpu.memory_space<vmem>>, vector<8x1xf32>
    %add3A_21 = vector.broadcast %get3A_20 : vector<8x1xf32> to vector<8x10000xf32>
    %add3A_22 = arith.addf %add3A_17, %add3A_21 : vector<8x10000xf32>
    %swap3A = arith.constant 0 : index
    %swap3A_23 = arith.constant 0 : index
    %swap3A_24 = vector.load %arg4[%swap3A, %swap3A_23] : memref<8x10000xf32, #tpu.memory_space<vmem>>, vector<8x10000xf32>
    tpu.vector_store %arg4[%swap3A, %swap3A_23], %add3A_22 {strides = array<i32>} : memref<8x10000xf32, #tpu.memory_space<vmem>>, vector<8x10000xf32>,
    return
  }
}

</mosaic_0001>

<sc_bundles>
// kernel: kernel.6.cloned.1.call-start
scs
__scs_entry_jumppad:
0x0: {  	(pc) =	sbr.rel $0x88, $3  }
0x1: {  	(tag) =	ssettag $0x0;
	lr =	simm.s32 $0x1  }
0x2: {  	[smem:$0x3F9A] =	sst lr;
	_ =	strace $0xD0000000  }
0x3: {  	_ = 	snop  }
0x4: {  	_ = 	snop  }
0x5: {  	_ = 	snop  }
0x6: {  	_ = 	snop  }
0x7: {  	_ = 	snop  }
__scs_overlays_trampoline_lowered:
0x8: {  	[smem:$0x3FA9] =	sst s0  }
0x9: {  	[smem:$0x3FAA] =	sst s1  }
0xa: {  	[smem:$0x3FAB] =	sst s2  }
0xb: {  	[smem:$0x3FAC] =	sst s3  }
0xc: {  	[smem:$0x3FAD] =	sst s4  }
0xd: {  	[smem:$0x3FAE] =	sst s5  }
0xe: {  	[smem:$0x3FAF] =	sst s6  }
0xf: {  	[smem:$0x3FB0] =	sst s7  }
0x10: {  	[smem:$0x3FB1] =	sst s8  }
0x11: {  	[smem:$0x3FB2] =	sst s9;
	s0 =	simm.s32 @!p0 $0x0  }
0x12: {  	s1 =	sld [smem:$0x3F98];
	s0 =	simm.s32 @p0 $0x1  }
0x13: {  	[smem:$0x3FB3] =	sst s0;
	s0 =	simm.s32 @!p1 $0x0  }
0x14: {  	s2 =	sld [smem:$0x3F97];
	s0 =	simm.s32 @p1 $0x1  }
0x15: {  	[smem:$0x3FB4] =	sst s0;
	s0 =	simm.s32 @!p2 $0x0  }
0x16: {  	s3 =	sld [smem:$0x3FDB];
	s0 =	simm.s32 @p2 $0x1  }
0x17: {  	s4 =	simm.s32 $0x1BF5;
	[smem:$0x3FB6] =	sst s0  }
0x18: {  	s0 =	sld [smem:$0x3F99];
	_ =	swait.ge [sflag:s4], $0x0  }
0x19: {  	s7 =	sld [smem:$0x3F9A]  }
0x1a: {  	s8 =	sadd.s32 $0xFFFFE003, lr  }
0x1b: {  	s9 =	sadd.s32 $0xFFFFFEF7, lr;
	s5 =	simm.s32 $0xFFFFFFFF;
	p2 =	slt.u32 s8, $0xFFFFF086  }
0x1c: {  	p1 =	slt.u32 s9, $0xF7A;
	s5 =	simm.s32 @!p2 $0x0  }
0x1d: {  	s5 =	simm.s32 @p1 $0x1;
	p0 =	seq.s32 s7, s2  }
0x1e: {  	s7 =	smul.u32 @!p0 $0xF7A, s2;
	p2 =	seq.s32 @!p0 s5, $0x0  }
0x1f: {  	s9 =	smul.u32 $0xF7A, s1;
	s8 =	simm.s32 @!p0 $0x1BF5;
	p2 =	por !p2, p0  }
0x20: {  	[sflag:s8] =	ssyncset.s32 @!p0 $0xFFFFF086;
	s6 =	sadd.s32 @!p0 s3, s7;
	s7 =	simm.s32 @!p0 $0x108  }
0x21: {  	s3 =	sadd.s32 s3, s9;
	s6 =	sadd.s32 @!p0 $0x88, s6;
	s7 =	simm.s32 @p2 $0x1082  }
0x22: {  	[simem:s7], [sflag:s8] =	dma.local @!p0 [hbm:s6], $0xF7A  }
0x23: {  	s9 =	sor.u32 $0xD0000000, s2;
	s6 =	simm.s32 $0x108;
	_ =	swait.ge @!p0 [sflag:s8], $0x0  }
0x24: {  	s3 =	sadd.s32 $0x88, s3;
	s6 =	simm.s32 @!p1 $0x1082;
	[sflag:s4] =	ssyncset.s32 $0xFFFFF086  }
0x25: {  	[simem:s6], [sflag:s4] =	dma.local [hbm:s3], $0xF7A  }
0x26: {  	[smem:$0x3F9A] =	sst s1;
	(tag) =	ssettag s2;
	_ =	strace s9  }
0x27: {  	s1 =	sld [smem:$0x3FAA]  }
0x28: {  	s2 =	sld [smem:$0x3FAB]  }
0x29: {  	s4 =	sld [smem:$0x3FAD]  }
0x2a: {  	p0 =	seq.s32 s5, $0x0;
	s5 =	sld [smem:$0x3FAE]  }
0x2b: {  	s6 =	sld [smem:$0x3FAF]  }
0x2c: {  	s7 =	sld [smem:$0x3FB0]  }
0x2d: {  	s3 =	simm.s32 $0x108;
	s8 =	sld [smem:$0x3FB1]  }
0x2e: {  	s3 =	simm.s32 @!p0 $0x1082;
	s9 =	sld [smem:$0x3FB2]  }
0x2f: {  	lr =	sadd.s32 s0, s3;
	s0 =	sld [smem:$0x3FA9]  }
0x30: {  	s3 =	sld [smem:$0x3FAC]  }
0x31: {  	[smem:$0x3FB5] =	sst s10  }
0x32: {  	s10 =	sld [smem:$0x3FB3];
	_ =	sdelay $0x3  }
0x33: {  	p0 =	seq.s32 s10, $0x1;
	s10 =	sld [smem:$0x3FB5];
	_ =	sdelay $0x3  }
0x34: {  	[smem:$0x3FB5] =	sst s10  }
0x35: {  	s10 =	sld [smem:$0x3FB4];
	_ =	sdelay $0x3  }
0x36: {  	p1 =	seq.s32 s10, $0x1;
	s10 =	sld [smem:$0x3FB5];
	_ =	sdelay $0x3  }
0x37: {  	[smem:$0x3FB5] =	sst s10  }
0x38: {  	s10 =	sld [smem:$0x3FB6]  }
0x39: {  	_ = 	snop;
	(pc) =	sbr.ind lr, $3  }
0x3a: {  	_ = 	snop  }
0x3b: {  	_ = 	snop  }
0x3c: {  	p2 =	seq.s32 s10, $0x1;
	s10 =	sld [smem:$0x3FB5]  }
0x3d: {  	_ =	shalt  }
0x3e: {  	_ =	shalt  }
0x3f: {  	_ =	shalt  }
0x40: {  	_ =	shalt  }
0x41: {  	_ =	shalt  }
0x42: {  	_ =	shalt  }
0x43: {  	_ =	shalt  }
0x44: {  	_ =	shalt  }
0x45: {  	_ =	shalt  }
0x46: {  	_ =	shalt  }
0x47: {  	_ =	shalt  }
0x48: {  	_ =	shalt  }
0x49: {  	_ =	shalt  }
0x4a: {  	_ =	shalt  }
0x4b: {  	_ =	shalt  }
0x4c: {  	_ =	shalt  }
0x4d: {  	_ =	shalt  }
0x4e: {  	_ =	shalt  }
0x4f: {  	_ =	shalt  }
0x50: {  	_ =	shalt  }
0x51: {  	_ =	shalt  }
0x52: {  	_ =	shalt  }
0x53: {  	_ =	shalt  }
0x54: {  	_ =	shalt  }
0x55: {  	_ =	shalt  }
0x56: {  	_ =	shalt  }
0x57: {  	_ =	shalt  }
0x58: {  	_ =	shalt  }
0x59: {  	_ =	shalt  }
0x5a: {  	_ =	shalt  }
0x5b: {  	_ =	shalt  }
0x5c: {  	_ =	shalt  }
0x5d: {  	_ =	shalt  }
0x5e: {  	_ =	shalt  }
0x5f: {  	_ =	shalt  }
0x60: {  	_ =	shalt  }
0x61: {  	_ =	shalt  }
0x62: {  	_ =	shalt  }
0x63: {  	_ =	shalt  }
0x64: {  	_ =	shalt  }
0x65: {  	_ =	shalt  }
0x66: {  	_ =	shalt  }
0x67: {  	_ =	shalt  }
0x68: {  	_ =	shalt  }
0x69: {  	_ =	shalt  }
0x6a: {  	_ =	shalt  }
0x6b: {  	_ =	shalt  }
0x6c: {  	_ =	shalt  }
0x6d: {  	_ =	shalt  }
0x6e: {  	_ =	shalt  }
0x6f: {  	_ =	shalt  }
0x70: {  	_ =	shalt  }
0x71: {  	_ =	shalt  }
0x72: {  	_ =	shalt  }
0x73: {  	_ =	shalt  }
0x74: {  	_ =	shalt  }
0x75: {  	_ =	shalt  }
0x76: {  	_ =	shalt  }
0x77: {  	_ =	shalt  }
0x78: {  	_ =	shalt  }
0x79: {  	_ =	shalt  }
0x7a: {  	_ =	shalt  }
0x7b: {  	_ =	shalt  }
0x7c: {  	_ =	shalt  }
0x7d: {  	_ =	shalt  }
0x7e: {  	_ =	shalt  }
0x7f: {  	_ =	shalt  }
0x80: {  	_ =	shalt  }
0x81: {  	_ =	shalt  }
0x82: {  	_ =	shalt  }
0x83: {  	_ =	shalt  }
0x84: {  	_ =	shalt  }
0x85: {  	_ =	shalt  }
0x86: {  	_ =	shalt  }
0x87: {  	_ =	shalt  }
.Lfunc_end0:
.L_simem_size_0:
called_computation_lowered:
.L_overlay_start_0:
0x88: {  	s2 =	sld [smem:$0x3FD9]  }
0x89: {  	s3 =	sld [smem:$0x3FFE];
	_ =	sdelay $0x1  }
0x8a: {  	s1 =	srdreg.scid  }
0x8b: {  	s0 =	sand.u32 $0x1, s1  }
0x8c: {  	s17 =	sshll.u32 s0, $0xA;
	s2 =	sadd.s32 s3, s2  }
0x8d: {  	s2 =	sadd.s32 s2, s17  }
0x8e: {  	[smem:$0x3FC1] =	sst s2  }
0x8f: {  	_ = 	snop  }
0x90: {  	s2 =	sld [smem:$0x3FD0];
	(tm) =	ssettm $0x1  }
0x91: {  	s18 =	sld [smem:$0x3FFB];
	_ =	sdelay $0x3  }
0x92: {  	_ =	strace s18  }
0x93: {  	s3 =	sld [smem:$0x3FFC];
	_ =	sdelay $0x3  }
0x94: {  	_ =	strace s3  }
0x95: {  	s3 =	sld [smem:$0x3FFD];
	_ =	sdelay $0x3  }
0x96: {  	_ =	strace s3  }
0x97: {  	_ =	strace $0x8FFFFFFF  }
0x98: {  	s19 =	sld [smem:$0x3FDB];
	_ =	sdelay $0x1  }
0x99: {  	s4 =	simm.s32 $_scs_section_size  }
0x9a: {  	s5 =	simm.s32 $_size__tile_overlayer_lowered;
	s6 =	simm.s32 $_tile_overlayer_lowered  }
0x9b: {  	s22 =	simm.s32 $0x1BFF;
	s21 =	sshll.u32 s6, $0x1;
	s3 =	sadd.s32 s4, s19  }
0x9c: {  	s7 =	simm.s32 $0x0;
	s20 =	sshll.u32 s5, $0x1;
	s5 =	sadd.s32 s21, s3  }
0x9d: {  	[timem:s7], [sflag:s22] =	dma.local [hbm:s5], s20  }
0x9e: {  	_ =	swait.ge [sflag:s22], s20  }
0x9f: {  	s4 =	ssub.s32 $0x0, s20;
	[sflag:s22] =	ssyncset.done $0x0  }
0xa0: {  	[sflag:s22] =	ssyncadd.s32 s4;
	_ =	sdelay $0x1  }
0xa1: {  	s23 =	simm.s32 $0x1B8B  }
0xa2: {  	_ =	swait.ge [sflag:s23], $0x1  }
0xa3: {  	[sflag:s23] =	ssyncset.done $0x0  }
0xa4: {  	s25 =	simm.s32 $0x1B8E;
	s24 =	sld [smem:$0x3FFE];
	[sflag:s23] =	ssyncadd.s32 $0xFFFFFFFF  }
0xa5: {  	s26 =	simm.s32 $execute0_lowered;
	[smem:$0x3FD2] =	sst s25  }
0xa6: {  	s5 =	sshll.u32 s26, $0x1;
	_ =	strace $0x80000046;
	[dreg:$0x1] =	wrdreg $0xFFFFFFFF  }
0xa7: {  	s28 =	simm.s32 $_size_execute0_lowered;
	s3 =	sadd.s32 s3, s5;
	[dreg:$0x0] =	wrdreg $0x0  }
0xa8: {  	s5 =	sshll.u32 s28, $0x1;
	[dreg:$0x2] =	wrdreg s3  }
0xa9: {  	[dreg:$0x3] =	wrdreg s5  }
0xaa: {  	[dreg:$0x4] =	wrdreg $0xC0  }
0xab: {  	_ =	task [dreg:s7], $0x5FFFF  }
0xac: {  	[dreg:$0x1] =	wrdreg $0xFFFFFFFF  }
0xad: {  	[dreg:$0x0] =	wrdreg $0x60  }
0xae: {  	[dreg:$0x2] =	wrdreg s24  }
0xaf: {  	[dreg:$0x3] =	wrdreg s2  }
0xb0: {  	[dreg:$0x4] =	wrdreg $0x9  }
0xb1: {  	_ =	task.clear_ibuf [dreg:s7], $0x5FFFF;
	_ =	strace $0x90000046  }
0xb2: {  	s29 =	simm.s32 $0x9;
	_ =	strace $0x80000048  }
0xb3: {  	_ =	swait.ge [sflag:s29], $0x1  }
0xb4: {  	[sflag:s29] =	ssyncadd.s32 $0xFFFFFFFF  }
0xb5: {  	_ =	strace $0x90000048  }
0xb6: {  	_ =	sfence  }
0xb7: {  	s30 =	sld [smem:$0x0];
	_ =	sdelay $0x2  }
0xb8: {  	s31 =	sshll.u32 s1, $0xD;
	s1 =	sshrl.u32 s1, $0x2  }
0xb9: {  	s3 =	sand.u32 $0x4000, s31;
	s1 =	sadd.s32 s1, s30  }
0xba: {  	s0 =	sor.u32 s3, s0;
	s1 =	sshll.u32 s1, $0x11  }
0xbb: {  	s0 =	sor.u32 s1, s0  }
0xbc: {  	s0 =	sadd.s32 $0x8F2B, s0  }
0xbd: {  	[sflag:s0] =	ssyncadd.remote.s32 $0x1  }
0xbe: {  	_ =	sfence.sel $0xFFFF  }
0xbf: {  	[dreg:$0x0] =	wrdreg $0xFFFFFFFF;
	(pc) =	sbr.abs _section_cstart, $3  }
0xc0: {  	[dreg:$0x1] =	wrdreg $0xFFFFFFFF  }
0xc1: {  	_ =	task.clear_ibuf [dreg:s7], $0x2FFFF;
	_ =	strace $0x9FFFFFFF  }
0xc2: {  	(tm) =	ssettm $0x7FFFFFFF  }
0xc3: {  	_ =	shalt  }
tec
execute0_lowered:
.L_overlay_start_1:
0x0: {  	(tag) =	ssettag $0x1  }
0x1: {  	s4 =	rddreg [dreg:$0x0];
	s1 =	srdreg.scid  }
0x2: {  	s0 =	stileid.u32;
	s2 =	rddreg [dreg:$0x1]  }
0x3: {  	s8 =	simm.s32 $0x13880;
	s9 =	simm.s32 $0x14C10;
	s11 =	simm.s32 $0x15FA0  }
0x4: {  	s13 =	simm.s32 $0x17330;
	s15 =	simm.s32 $0x186C0;
	s17 =	simm.s32 $0x19A50  }
0x5: {  	s19 =	simm.s32 $0x1ADE0;
	s5 =	sand.u32 $0x1, s1;
	s3 =	sshll.u32 s0, $0x1  }
0x6: {  	s21 =	simm.s32 $0x1C170;
	s23 =	simm.s32 $0x1D500;
	s6 =	sor.u32 s5, s3  }
0x7: {  	s1 =	rddreg [dreg:$0x2];
	s3 =	simm.s32 $0x0;
	s6 =	smul.u32 $0x271, s6  }
0x8: {  	s24 =	simm.s32 $0x0;
	s5 =	ssub.s32 $0x2, s5;
	[smem:$0x7FF] =	sst s3  }
0x9: {  	s7 =	sshrl.u32 s5, $0x1;
	_ =	strace $0x80000047;
	s6 =	sadd.s32 s6, s4  }
0xa: {  	s7 =	ssub.s32 s5, s7;
	s4 =	sadd.s32 $0x800, s6;
	s5 =	sadd.s32 $0x5800, s6  }
0xb: {  	s6 =	smax.u32 s7, $0x1;
	s7 =	simm.s32 $0x1;
	s10 =	sadd.s32 $0x4E20, s5  }
0xc: {  	s12 =	sadd.s32 $0x9C40, s5;
	s14 =	sadd.s32 $0xEA60, s5;
	s16 =	sadd.s32 $0x13880, s5  }
0xd: {  	vm0 =	vmmov $0xff;
	s18 =	sadd.s32 $0x186A0, s5;
	s20 =	sadd.s32 $0x1D4C0, s5;
	s22 =	sadd.s32 $0x222E0, s5  }
.LBB2_1:
0xe: {  	[tilespmem:s3], [sflag:$0x1] =	stream.linear.gather [hbm4b:s2+s3], $0x13880, $0x38;
	[tilespmem:$0x1E890] =	vst v63  }
0xf: {  	_ =	swait.ge [sflag:s7], $0x13880  }
0x10: {  	[sflag:s7] =	ssyncset.done $0x0  }
0x11: {  	[sflag:s7] =	ssyncadd.s32 $0xFFFEC780  }
0x12: {  	[tilespmem:s8], [sflag:$0x1] =	stream.linear.gather [hbm4b:s4+s3], $0x1388, $0x38;
	[tilespmem:$0x1E890] =	vst v63  }
0x13: {  	_ =	swait.ge [sflag:s7], $0x1388  }
0x14: {  	[sflag:s7] =	ssyncset.done $0x0  }
0x15: {  	[sflag:s7] =	ssyncadd.s32 $0xFFFFEC78  }
0x16: {  	v0 =	vld [tilespmem:$0x14C00];
	_ =	sdelay $0x4  }
0x17: {  	v0 =	vnsel vm0, $0x0, v0  }
0x18: {  	s25 =	simm.s32 $0x0;
	[tilespmem:$0x14C00] =	vst v0  }
0x19: {  	v7 =	vld [tilespmem:s25+$0x138F0]  }
0x1a: {  	v6 =	vld [tilespmem:s25+$0x13880]  }
0x1b: {  	v5 =	vld [tilespmem:s25+$0x13890]  }
0x1c: {  	v4 =	vld [tilespmem:s25+$0x138A0]  }
0x1d: {  	v3 =	vld [tilespmem:s25+$0x138B0]  }
0x1e: {  	v2 =	vld [tilespmem:s25+$0x138C0]  }
0x1f: {  	v1 =	vld [tilespmem:s25+$0x138D0]  }
0x20: {  	v0 =	vld [tilespmem:s25+$0x138E0]  }
0x21: {  	v8 =	vld.idx.msk [tilespmem:v7+s3+$0x0], $0xffff  }
0x22: {  	v9 =	vld.idx.msk [tilespmem:v6+s3+$0x0], $0xffff  }
0x23: {  	v10 =	vld.idx.msk [tilespmem:v5+s3+$0x0], $0xffff  }
0x24: {  	v11 =	vadd.s32 $0x2710, v7;
	v12 =	vld.idx.msk [tilespmem:v4+s3+$0x0], $0xffff  }
0x25: {  	v13 =	vadd.s32 $0x2710, v6;
	v14 =	vld.idx.msk [tilespmem:v3+s3+$0x0], $0xffff  }
0x26: {  	v15 =	vadd.s32 $0x2710, v5;
	v16 =	vld.idx.msk [tilespmem:v2+s3+$0x0], $0xffff  }
0x27: {  	v17 =	vadd.s32 $0x2710, v4;
	v18 =	vld.idx.msk [tilespmem:v1+s3+$0x0], $0xffff;
	[tilespmem:s25+$0x14C80] =	vst v8  }
0x28: {  	v19 =	vadd.s32 $0x2710, v1;
	[tilespmem:s25+$0x14C20] =	vst v10;
	v10 =	vld.idx.msk [tilespmem:v0+s3+$0x0], $0xffff  }
0x29: {  	v8 =	vadd.s32 $0x2710, v3;
	[tilespmem:s25+$0x14C10] =	vst v9;
	v9 =	vld.idx.msk [tilespmem:v11+s3+$0x0], $0xffff  }
0x2a: {  	[tilespmem:s25+$0x14C30] =	vst v12;
	v11 =	vadd.s32 $0x2710, v2;
	v13 =	vld.idx.msk [tilespmem:v13+s3+$0x0], $0xffff  }
0x2b: {  	v27 =	vadd.s32 $0x2710, v0;
	[tilespmem:s25+$0x14C40] =	vst v14;
	v15 =	vld.idx.msk [tilespmem:v15+s3+$0x0], $0xffff  }
0x2c: {  	v26 =	vadd.s32 $0x4E20, v7;
	[tilespmem:s25+$0x14C60] =	vst v18;
	v17 =	vld.idx.msk [tilespmem:v17+s3+$0x0], $0xffff  }
0x2d: {  	v28 =	vadd.s32 $0x4E20, v6;
	[tilespmem:s25+$0x14C50] =	vst v16;
	v31 =	vld.idx.msk [tilespmem:v19+s3+$0x0], $0xffff  }
0x2e: {  	v29 =	vadd.s32 $0x4E20, v5;
	v8 =	vld.idx.msk [tilespmem:v8+s3+$0x0], $0xffff;
	[tilespmem:s25+$0x14C70] =	vst v10  }
0x2f: {  	v34 =	vadd.s32 $0x4E20, v1;
	v11 =	vld.idx.msk [tilespmem:v11+s3+$0x0], $0xffff;
	[tilespmem:s25+$0x16010] =	vst v9  }
0x30: {  	v9 =	vadd.s32 $0x4E20, v4;
	[tilespmem:s25+$0x15FA0] =	vst v13;
	v14 =	vld.idx.msk [tilespmem:v27+s3+$0x0], $0xffff  }
0x31: {  	v30 =	vadd.s32 $0x4E20, v3;
	[tilespmem:s25+$0x15FB0] =	vst v15;
	v10 =	vld.idx.msk [tilespmem:v26+s3+$0x0], $0xffff  }
0x32: {  	v33 =	vadd.s32 $0x4E20, v2;
	[tilespmem:s25+$0x15FC0] =	vst v17;
	v16 =	vld.idx.msk [tilespmem:v28+s3+$0x0], $0xffff  }
0x33: {  	v32 =	vadd.s32 $0x7530, v7;
	[tilespmem:s25+$0x15FF0] =	vst v31;
	v18 =	vld.idx.msk [tilespmem:v29+s3+$0x0], $0xffff  }
0x34: {  	v37 =	vld.idx.msk [tilespmem:v34+s3+$0x0], $0xffff;
	[tilespmem:s25+$0x15FD0] =	vst v8;
	v8 =	vadd.s32 $0x4E20, v0  }
0x35: {  	v9 =	vld.idx.msk [tilespmem:v9+s3+$0x0], $0xffff;
	[tilespmem:s25+$0x15FE0] =	vst v11;
	v11 =	vadd.s32 $0x7530, v6  }
0x36: {  	v12 =	vld.idx.msk [tilespmem:v30+s3+$0x0], $0xffff;
	[tilespmem:s25+$0x173A0] =	vst v10;
	v10 =	vadd.s32 $0x7530, v5  }
0x37: {  	v36 =	vadd.s32 $0x7530, v4;
	[tilespmem:s25+$0x16000] =	vst v14;
	v19 =	vld.idx.msk [tilespmem:v33+s3+$0x0], $0xffff  }
0x38: {  	v39 =	vadd.s32 $0x7530, v3;
	[tilespmem:s25+$0x17330] =	vst v16;
	v35 =	vld.idx.msk [tilespmem:v32+s3+$0x0], $0xffff  }
0x39: {  	v40 =	vadd.s32 $0x7530, v2;
	[tilespmem:s25+$0x17340] =	vst v18;
	v8 =	vld.idx.msk [tilespmem:v8+s3+$0x0], $0xffff  }
0x3a: {  	v38 =	vadd.s32 $0x9C40, v7;
	[tilespmem:s25+$0x17380] =	vst v37;
	v11 =	vld.idx.msk [tilespmem:v11+s3+$0x0], $0xffff  }
0x3b: {  	[tilespmem:s25+$0x17350] =	vst v9;
	v9 =	vadd.s32 $0x7530, v1;
	v10 =	vld.idx.msk [tilespmem:v10+s3+$0x0], $0xffff  }
0x3c: {  	v41 =	vadd.s32 $0x7530, v0;
	[tilespmem:s25+$0x17360] =	vst v12;
	v15 =	vld.idx.msk [tilespmem:v36+s3+$0x0], $0xffff  }
0x3d: {  	v42 =	vadd.s32 $0x9C40, v6;
	[tilespmem:s25+$0x17370] =	vst v19;
	v17 =	vld.idx.msk [tilespmem:v39+s3+$0x0], $0xffff  }
0x3e: {  	v43 =	vadd.s32 $0x9C40, v5;
	[tilespmem:s25+$0x18730] =	vst v35;
	v44 =	vld.idx.msk [tilespmem:v40+s3+$0x0], $0xffff  }
0x3f: {  	v45 =	vadd.s32 $0x9C40, v4;
	v16 =	vld.idx.msk [tilespmem:v38+s3+$0x0], $0xffff;
	[tilespmem:s25+$0x17390] =	vst v8  }
0x40: {  	v46 =	vadd.s32 $0x9C40, v2;
	[tilespmem:s25+$0x186C0] =	vst v11;
	v9 =	vld.idx.msk [tilespmem:v9+s3+$0x0], $0xffff  }
0x41: {  	v8 =	vadd.s32 $0xC350, v7;
	[tilespmem:s25+$0x186D0] =	vst v10;
	v10 =	vld.idx.msk [tilespmem:v41+s3+$0x0], $0xffff  }
0x42: {  	v11 =	vadd.s32 $0x9C40, v3;
	v13 =	vld.idx.msk [tilespmem:v42+s3+$0x0], $0xffff;
	[tilespmem:s25+$0x186E0] =	vst v15  }
0x43: {  	v47 =	vadd.s32 $0x9C40, v1;
	[tilespmem:s25+$0x186F0] =	vst v17;
	v19 =	vld.idx.msk [tilespmem:v43+s3+$0x0], $0xffff  }
0x44: {  	v48 =	vadd.s32 $0x9C40, v0;
	v18 =	vld.idx.msk [tilespmem:v45+s3+$0x0], $0xffff;
	[tilespmem:s25+$0x18700] =	vst v44  }
0x45: {  	v49 =	vadd.s32 $0xC350, v6;
	[tilespmem:s25+$0x19AC0] =	vst v16;
	v12 =	vld.idx.msk [tilespmem:v46+s3+$0x0], $0xffff  }
0x46: {  	v50 =	vadd.s32 $0xC350, v5;
	v8 =	vld.idx.msk [tilespmem:v8+s3+$0x0], $0xffff;
	[tilespmem:s25+$0x18710] =	vst v9  }
0x47: {  	v53 =	vadd.s32 $0xC350, v2;
	v11 =	vld.idx.msk [tilespmem:v11+s3+$0x0], $0xffff;
	[tilespmem:s25+$0x18720] =	vst v10  }
0x48: {  	v9 =	vadd.s32 $0xEA60, v7;
	[tilespmem:s25+$0x19A50] =	vst v13;
	v51 =	vld.idx.msk [tilespmem:v47+s3+$0x0], $0xffff  }
0x49: {  	v10 =	vadd.s32 $0xC350, v4;
	[tilespmem:s25+$0x19A60] =	vst v19;
	v16 =	vld.idx.msk [tilespmem:v48+s3+$0x0], $0xffff  }
0x4a: {  	v52 =	vadd.s32 $0xC350, v3;
	v17 =	vld.idx.msk [tilespmem:v49+s3+$0x0], $0xffff;
	[tilespmem:s25+$0x19A70] =	vst v18  }
0x4b: {  	v54 =	vadd.s32 $0xC350, v0;
	v14 =	vld.idx.msk [tilespmem:v50+s3+$0x0], $0xffff;
	[tilespmem:s25+$0x19A90] =	vst v12  }
0x4c: {  	[tilespmem:s25+$0x1AE50] =	vst v8;
	v8 =	vadd.s32 $0xC350, v1;
	v57 =	vld.idx.msk [tilespmem:v53+s3+$0x0], $0xffff  }
0x4d: {  	v56 =	vadd.s32 $0xEA60, v5;
	v9 =	vld.idx.msk [tilespmem:v9+s3+$0x0], $0xffff;
	[tilespmem:s25+$0x19A80] =	vst v11  }
0x4e: {  	v11 =	vadd.s32 $0xEA60, v6;
	v10 =	vld.idx.msk [tilespmem:v10+s3+$0x0], $0xffff;
	[tilespmem:s25+$0x19AA0] =	vst v51  }
0x4f: {  	v7 =	vadd.s32 $0x11170, v7;
	v55 =	vld.idx.msk [tilespmem:v52+s3+$0x0], $0xffff;
	[tilespmem:s25+$0x19AB0] =	vst v16  }
0x50: {  	v58 =	vadd.s32 $0xEA60, v4;
	[tilespmem:s25+$0x1ADE0] =	vst v17;
	v18 =	vld.idx.msk [tilespmem:v54+s3+$0x0], $0xffff  }
0x51: {  	v59 =	vadd.s32 $0xEA60, v3;
	[tilespmem:s25+$0x1ADF0] =	vst v14;
	v8 =	vld.idx.msk [tilespmem:v8+s3+$0x0], $0xffff  }
0x52: {  	v13 =	vld.idx.msk [tilespmem:v56+s3+$0x0], $0xffff;
	[tilespmem:s25+$0x1C1E0] =	vst v9;
	v9 =	vadd.s32 $0xEA60, v2  }
0x53: {  	v60 =	vadd.s32 $0xEA60, v1;
	[tilespmem:s25+$0x1AE20] =	vst v57;
	v11 =	vld.idx.msk [tilespmem:v11+s3+$0x0], $0xffff  }
0x54: {  	v5 =	vadd.s32 $0x11170, v5;
	v7 =	vld.idx.msk [tilespmem:v7+s3+$0x0], $0xffff;
	[tilespmem:s25+$0x1AE00] =	vst v10  }
0x55: {  	v10 =	vadd.s32 $0xEA60, v0;
	[tilespmem:s25+$0x1AE10] =	vst v55;
	v61 =	vld.idx.msk [tilespmem:v58+s3+$0x0], $0xffff  }
0x56: {  	v6 =	vadd.s32 $0x11170, v6;
	v62 =	vld.idx.msk [tilespmem:v59+s3+$0x0], $0xffff;
	[tilespmem:s25+$0x1AE40] =	vst v18  }
0x57: {  	v63 =	vadd.s32 $0x11170, v4;
	[tilespmem:s25+$0x1AE30] =	vst v8;
	v9 =	vld.idx.msk [tilespmem:v9+s3+$0x0], $0xffff  }
0x58: {  	v3 =	vadd.s32 $0x11170, v3;
	[tilespmem:s25+$0x1C180] =	vst v13;
	v14 =	vld.idx.msk [tilespmem:v60+s3+$0x0], $0xffff  }
0x59: {  	v2 =	vadd.s32 $0x11170, v2;
	[tilespmem:s25+$0x1C170] =	vst v11;
	v4 =	vld.idx.msk [tilespmem:v5+s3+$0x0], $0xffff  }
0x5a: {  	[tilespmem:s25+$0x1D570] =	vst v7;
	v7 =	vld.idx.msk [tilespmem:v10+s3+$0x0], $0xffff;
	v10 =	vadd.s32 $0x11170, v1  }
0x5b: {  	v8 =	vld.idx.msk [tilespmem:v6+s3+$0x0], $0xffff;
	v1 =	vadd.s32 $0x11170, v0;
	[tilespmem:s25+$0x1C190] =	vst v61  }
0x5c: {  	[tilespmem:s25+$0x1C1A0] =	vst v62;
	v6 =	vld.idx.msk [tilespmem:v63+s3+$0x0], $0xffff  }
0x5d: {  	v3 =	vld.idx.msk [tilespmem:v3+s3+$0x0], $0xffff;
	[tilespmem:s25+$0x1C1B0] =	vst v9  }
0x5e: {  	[tilespmem:s25+$0x1C1C0] =	vst v14;
	v5 =	vld.idx.msk [tilespmem:v2+s3+$0x0], $0xffff  }
0x5f: {  	s26 =	simm.s32 $0x0;
	s28 =	simm.s32 $0x200;
	v2 =	vld.idx.msk [tilespmem:v10+s3+$0x0], $0xffff;
	[tilespmem:s25+$0x1C1D0] =	vst v7  }
.LBB2_2:
0x60: {  	s29 =	sshra.s32 s28, $0x2;
	s26 =	sadd.s32 $0x8, s26;
	[tilespmem:s25+$0x1D500] =	vst v8;
	v1 =	vld.idx.msk [tilespmem:v1+s3+$0x0], $0xffff  }
0x61: {  	v0 =	vld [tilespmem:s29+$0x138F0];
	p0 =	slt.u32 s26, $0x130;
	[tilespmem:s25+$0x1D510] =	vst v4  }
0x62: {  	v4 =	vld [tilespmem:s29+$0x13880];
	[tilespmem:s25+$0x1D520] =	vst v6  }
0x63: {  	v6 =	vld [tilespmem:s29+$0x13890];
	[tilespmem:s25+$0x1D530] =	vst v3  }
0x64: {  	v3 =	vld [tilespmem:s29+$0x138A0];
	[tilespmem:s25+$0x1D540] =	vst v5  }
0x65: {  	v5 =	vld [tilespmem:s29+$0x138B0];
	[tilespmem:s25+$0x1D550] =	vst v2  }
0x66: {  	v2 =	vld [tilespmem:s29+$0x138C0];
	[tilespmem:s25+$0x1D560] =	vst v1;
	s25 =	smov.u32 s29  }
0x67: {  	v1 =	vadd.s32 $0x2710, v4;
	v22 =	vadd.s32 $0x4E20, v4;
	v23 =	vadd.s32 $0x7530, v4;
	v24 =	vld [tilespmem:s25+$0x138D0]  }
0x68: {  	v7 =	vadd.s32 $0x2710, v6;
	v25 =	vadd.s32 $0x4E20, v6;
	v26 =	vadd.s32 $0x7530, v6;
	v27 =	vld [tilespmem:s25+$0x138E0]  }
0x69: {  	v8 =	vadd.s32 $0x2710, v3;
	v28 =	vadd.s32 $0x4E20, v3;
	v29 =	vadd.s32 $0x7530, v3;
	v9 =	vld.idx.msk [tilespmem:v0+s3+$0x0], $0xffff  }
0x6a: {  	v10 =	vld.idx.msk [tilespmem:v4+s3+$0x0], $0xffff;
	v13 =	vadd.s32 $0x2710, v5;
	v30 =	vadd.s32 $0x4E20, v5;
	v31 =	vadd.s32 $0x7530, v5  }
0x6b: {  	v12 =	vadd.s32 $0x2710, v0;
	v11 =	vld.idx.msk [tilespmem:v6+s3+$0x0], $0xffff;
	v32 =	vadd.s32 $0x2710, v2;
	v33 =	vadd.s32 $0x4E20, v2  }
0x6c: {  	v34 =	vadd.s32 $0x7530, v2;
	v14 =	vld.idx.msk [tilespmem:v3+s3+$0x0], $0xffff;
	v35 =	vadd.s32 $0x2710, v24;
	v36 =	vadd.s32 $0x4E20, v24  }
0x6d: {  	v37 =	vadd.s32 $0x7530, v24;
	v19 =	vld.idx.msk [tilespmem:v5+s3+$0x0], $0xffff;
	v38 =	vadd.s32 $0x2710, v27;
	v39 =	vadd.s32 $0x4E20, v27  }
0x6e: {  	v40 =	vadd.s32 $0x9C40, v4;
	v41 =	vadd.s32 $0x9C40, v6;
	v43 =	vadd.s32 $0x7530, v27;
	v42 =	vld.idx.msk [tilespmem:v2+s3+$0x0], $0xffff  }
0x6f: {  	v44 =	vadd.s32 $0x9C40, v3;
	v45 =	vadd.s32 $0x9C40, v5;
	v46 =	vadd.s32 $0x9C40, v2;
	v47 =	vld.idx.msk [tilespmem:v24+s3+$0x0], $0xffff;
	[tilespmem:s25+$0x14C80] =	vst v9  }
0x70: {  	v20 =	vadd.s32 $0xC350, v4;
	v48 =	vadd.s32 $0x9C40, v24;
	v49 =	vadd.s32 $0x9C40, v27;
	[tilespmem:s25+$0x14C10] =	vst v10;
	v50 =	vld.idx.msk [tilespmem:v12+s3+$0x0], $0xffff  }
0x71: {  	v21 =	vadd.s32 $0xC350, v6;
	v18 =	vadd.s32 $0xC350, v3;
	v16 =	vadd.s32 $0xC350, v5;
	[tilespmem:s25+$0x14C20] =	vst v11;
	v51 =	vld.idx.msk [tilespmem:v27+s3+$0x0], $0xffff  }
0x72: {  	v53 =	vadd.s32 $0x4E20, v0;
	v17 =	vadd.s32 $0xC350, v2;
	v15 =	vadd.s32 $0xC350, v24;
	v52 =	vld.idx.msk [tilespmem:v1+s3+$0x0], $0xffff;
	[tilespmem:s25+$0x14C30] =	vst v14  }
0x73: {  	v12 =	vadd.s32 $0xEA60, v4;
	v10 =	vadd.s32 $0xEA60, v6;
	v54 =	vld.idx.msk [tilespmem:v7+s3+$0x0], $0xffff;
	[tilespmem:s25+$0x14C40] =	vst v19;
	v19 =	vadd.s32 $0xC350, v27  }
0x74: {  	v9 =	vadd.s32 $0xEA60, v2;
	v11 =	vadd.s32 $0xEA60, v5;
	v14 =	vadd.s32 $0xEA60, v3;
	v55 =	vld.idx.msk [tilespmem:v8+s3+$0x0], $0xffff;
	[tilespmem:s25+$0x14C50] =	vst v42  }
0x75: {  	v4 =	vadd.s32 $0x11170, v4;
	v8 =	vadd.s32 $0xEA60, v27;
	v42 =	vld.idx.msk [tilespmem:v13+s3+$0x0], $0xffff;
	[tilespmem:s25+$0x14C60] =	vst v47;
	v13 =	vadd.s32 $0xEA60, v24  }
0x76: {  	v7 =	vadd.s32 $0x11170, v6;
	v6 =	vadd.s32 $0x11170, v3;
	v3 =	vadd.s32 $0x11170, v5;
	v32 =	vld.idx.msk [tilespmem:v32+s3+$0x0], $0xffff;
	[tilespmem:s25+$0x16010] =	vst v50  }
0x77: {  	v1 =	vadd.s32 $0x11170, v27;
	v5 =	vadd.s32 $0x11170, v2;
	v2 =	vadd.s32 $0x11170, v24;
	[tilespmem:s25+$0x14C70] =	vst v51;
	v24 =	vld.idx.msk [tilespmem:v53+s3+$0x0], $0xffff  }
0x78: {  	[tilespmem:s25+$0x15FA0] =	vst v52;
	v27 =	vld.idx.msk [tilespmem:v35+s3+$0x0], $0xffff  }
0x79: {  	[tilespmem:s25+$0x15FB0] =	vst v54;
	v35 =	vld.idx.msk [tilespmem:v38+s3+$0x0], $0xffff;
	v38 =	vadd.s32 $0x7530, v0  }
0x7a: {  	v22 =	vld.idx.msk [tilespmem:v22+s3+$0x0], $0xffff;
	[tilespmem:s25+$0x15FC0] =	vst v55  }
0x7b: {  	v25 =	vld.idx.msk [tilespmem:v25+s3+$0x0], $0xffff;
	[tilespmem:s25+$0x15FD0] =	vst v42  }
0x7c: {  	v28 =	vld.idx.msk [tilespmem:v28+s3+$0x0], $0xffff;
	[tilespmem:s25+$0x15FE0] =	vst v32  }
0x7d: {  	v30 =	vld.idx.msk [tilespmem:v30+s3+$0x0], $0xffff;
	[tilespmem:s25+$0x173A0] =	vst v24  }
0x7e: {  	[tilespmem:s25+$0x15FF0] =	vst v27;
	v24 =	vld.idx.msk [tilespmem:v38+s3+$0x0], $0xffff  }
0x7f: {  	v27 =	vld.idx.msk [tilespmem:v33+s3+$0x0], $0xffff;
	[tilespmem:s25+$0x16000] =	vst v35  }
0x80: {  	v32 =	vadd.s32 $0x9C40, v0;
	[tilespmem:s25+$0x17330] =	vst v22;
	v22 =	vld.idx.msk [tilespmem:v36+s3+$0x0], $0xffff  }
0x81: {  	[tilespmem:s25+$0x17340] =	vst v25;
	v25 =	vld.idx.msk [tilespmem:v39+s3+$0x0], $0xffff  }
0x82: {  	v23 =	vld.idx.msk [tilespmem:v23+s3+$0x0], $0xffff;
	[tilespmem:s25+$0x17350] =	vst v28  }
0x83: {  	v26 =	vld.idx.msk [tilespmem:v26+s3+$0x0], $0xffff;
	[tilespmem:s25+$0x17360] =	vst v30  }
0x84: {  	v28 =	vld.idx.msk [tilespmem:v29+s3+$0x0], $0xffff;
	[tilespmem:s25+$0x18730] =	vst v24  }
0x85: {  	[tilespmem:s25+$0x17370] =	vst v27;
	v24 =	vld.idx.msk [tilespmem:v32+s3+$0x0], $0xffff  }
0x86: {  	v27 =	vld.idx.msk [tilespmem:v31+s3+$0x0], $0xffff;
	[tilespmem:s25+$0x17380] =	vst v22  }
0x87: {  	v22 =	vld.idx.msk [tilespmem:v34+s3+$0x0], $0xffff;
	[tilespmem:s25+$0x17390] =	vst v25;
	v25 =	vadd.s32 $0xC350, v0  }
0x88: {  	[tilespmem:s25+$0x186C0] =	vst v23;
	v23 =	vld.idx.msk [tilespmem:v37+s3+$0x0], $0xffff  }
0x89: {  	[tilespmem:s25+$0x186D0] =	vst v26;
	v26 =	vld.idx.msk [tilespmem:v43+s3+$0x0], $0xffff  }
0x8a: {  	v29 =	vld.idx.msk [tilespmem:v40+s3+$0x0], $0xffff;
	[tilespmem:s25+$0x186E0] =	vst v28  }
0x8b: {  	v28 =	vld.idx.msk [tilespmem:v41+s3+$0x0], $0xffff;
	[tilespmem:s25+$0x19AC0] =	vst v24  }
0x8c: {  	[tilespmem:s25+$0x186F0] =	vst v27;
	v24 =	vld.idx.msk [tilespmem:v25+s3+$0x0], $0xffff  }
0x8d: {  	v25 =	vld.idx.msk [tilespmem:v44+s3+$0x0], $0xffff;
	[tilespmem:s25+$0x18700] =	vst v22  }
0x8e: {  	v22 =	vld.idx.msk [tilespmem:v45+s3+$0x0], $0xffff;
	[tilespmem:s25+$0x18710] =	vst v23;
	v23 =	vadd.s32 $0xEA60, v0  }
0x8f: {  	v27 =	vld.idx.msk [tilespmem:v46+s3+$0x0], $0xffff;
	[tilespmem:s25+$0x18720] =	vst v26  }
0x90: {  	[tilespmem:s25+$0x19A50] =	vst v29;
	v26 =	vld.idx.msk [tilespmem:v48+s3+$0x0], $0xffff  }
0x91: {  	[tilespmem:s25+$0x19A60] =	vst v28;
	v28 =	vld.idx.msk [tilespmem:v49+s3+$0x0], $0xffff  }
0x92: {  	v20 =	vld.idx.msk [tilespmem:v20+s3+$0x0], $0xffff;
	[tilespmem:s25+$0x1AE50] =	vst v24  }
0x93: {  	[tilespmem:s25+$0x19A70] =	vst v25;
	v23 =	vld.idx.msk [tilespmem:v23+s3+$0x0], $0xffff  }
0x94: {  	v21 =	vld.idx.msk [tilespmem:v21+s3+$0x0], $0xffff;
	[tilespmem:s25+$0x19A80] =	vst v22  }
0x95: {  	v0 =	vadd.s32 $0x11170, v0;
	v18 =	vld.idx.msk [tilespmem:v18+s3+$0x0], $0xffff;
	[tilespmem:s25+$0x19A90] =	vst v27  }
0x96: {  	v16 =	vld.idx.msk [tilespmem:v16+s3+$0x0], $0xffff;
	[tilespmem:s25+$0x19AA0] =	vst v26  }
0x97: {  	v17 =	vld.idx.msk [tilespmem:v17+s3+$0x0], $0xffff;
	[tilespmem:s25+$0x19AB0] =	vst v28  }
0x98: {  	[tilespmem:s25+$0x1ADE0] =	vst v20;
	v15 =	vld.idx.msk [tilespmem:v15+s3+$0x0], $0xffff  }
0x99: {  	v19 =	vld.idx.msk [tilespmem:v19+s3+$0x0], $0xffff;
	[tilespmem:s25+$0x1C1E0] =	vst v23  }
0x9a: {  	[tilespmem:s25+$0x1ADF0] =	vst v21;
	v0 =	vld.idx.msk [tilespmem:v0+s3+$0x0], $0xffff  }
0x9b: {  	v12 =	vld.idx.msk [tilespmem:v12+s3+$0x0], $0xffff;
	[tilespmem:s25+$0x1AE00] =	vst v18  }
0x9c: {  	v10 =	vld.idx.msk [tilespmem:v10+s3+$0x0], $0xffff;
	[tilespmem:s25+$0x1AE10] =	vst v16  }
0x9d: {  	v14 =	vld.idx.msk [tilespmem:v14+s3+$0x0], $0xffff;
	[tilespmem:s25+$0x1AE20] =	vst v17  }
0x9e: {  	v11 =	vld.idx.msk [tilespmem:v11+s3+$0x0], $0xffff;
	[tilespmem:s25+$0x1AE30] =	vst v15  }
0x9f: {  	v9 =	vld.idx.msk [tilespmem:v9+s3+$0x0], $0xffff;
	[tilespmem:s25+$0x1AE40] =	vst v19  }
0xa0: {  	v13 =	vld.idx.msk [tilespmem:v13+s3+$0x0], $0xffff;
	[tilespmem:s25+$0x1D570] =	vst v0  }
0xa1: {  	[tilespmem:s25+$0x1C170] =	vst v12;
	v0 =	vld.idx.msk [tilespmem:v8+s3+$0x0], $0xffff  }
0xa2: {  	v8 =	vld.idx.msk [tilespmem:v4+s3+$0x0], $0xffff;
	[tilespmem:s25+$0x1C180] =	vst v10  }
.Ltmp0:
0xa3: {  	v4 =	vld.idx.msk [tilespmem:v7+s3+$0x0], $0xffff;
	[tilespmem:s25+$0x1C190] =	vst v14;
	(pc) =	sbr.rel @p0 .LBB2_2-.Ltmp0, $4  }
0xa4: {  	v6 =	vld.idx.msk [tilespmem:v6+s3+$0x0], $0xffff;
	[tilespmem:s25+$0x1C1A0] =	vst v11  }
0xa5: {  	v3 =	vld.idx.msk [tilespmem:v3+s3+$0x0], $0xffff;
	[tilespmem:s25+$0x1C1B0] =	vst v9  }
0xa6: {  	v5 =	vld.idx.msk [tilespmem:v5+s3+$0x0], $0xffff;
	[tilespmem:s25+$0x1C1C0] =	vst v13  }
0xa7: {  	s28 =	sadd.s32 $0x200, s28;
	v2 =	vld.idx.msk [tilespmem:v2+s3+$0x0], $0xffff;
	[tilespmem:s25+$0x1C1D0] =	vst v0  }
0xa8: {  	_ =	sdelay $0x2  }
0xa9: {  	[tilespmem:s25+$0x1D500] =	vst v8  }
0xaa: {  	v0 =	vld.idx.msk [tilespmem:v1+s3+$0x0], $0xffff;
	[tilespmem:s25+$0x1D510] =	vst v4  }
0xab: {  	[tilespmem:s25+$0x1D520] =	vst v6  }
0xac: {  	[tilespmem:s25+$0x1D530] =	vst v3  }
0xad: {  	[tilespmem:s25+$0x1D540] =	vst v5  }
0xae: {  	[tilespmem:s25+$0x1D550] =	vst v2  }
0xaf: {  	[tilespmem:s25+$0x1D560] =	vst v0  }
0xb0: {  	v0 =	vld [tilespmem:$0x14C00];
	_ =	sdelay $0x7  }
0xb1: {  	v57 =	vld.idx.msk [tilespmem:v0+s3+$0x0], $0xffff  }
0xb2: {  	v58 =	vadd.s32 $0x2710, v0;
	_ =	sdelay $0x3  }
0xb3: {  	[tilespmem:$0x15F90] =	vst v57  }
0xb4: {  	v1 =	vld.idx.msk [tilespmem:v58+s3+$0x0], $0xffff  }
0xb5: {  	v59 =	vadd.s32 $0x4E20, v0;
	_ =	sdelay $0x3  }
0xb6: {  	[tilespmem:$0x17320] =	vst v1  }
0xb7: {  	v1 =	vld.idx.msk [tilespmem:v59+s3+$0x0], $0xffff  }
0xb8: {  	v60 =	vadd.s32 $0x7530, v0;
	_ =	sdelay $0x3  }
0xb9: {  	[tilespmem:$0x186B0] =	vst v1  }
0xba: {  	v1 =	vld.idx.msk [tilespmem:v60+s3+$0x0], $0xffff  }
0xbb: {  	v61 =	vadd.s32 $0x9C40, v0;
	_ =	sdelay $0x3  }
0xbc: {  	[tilespmem:$0x19A40] =	vst v1  }
0xbd: {  	v1 =	vld.idx.msk [tilespmem:v61+s3+$0x0], $0xffff  }
0xbe: {  	v62 =	vadd.s32 $0xC350, v0;
	_ =	sdelay $0x3  }
0xbf: {  	[tilespmem:$0x1ADD0] =	vst v1  }
0xc0: {  	v1 =	vld.idx.msk [tilespmem:v62+s3+$0x0], $0xffff  }
0xc1: {  	v63 =	vadd.s32 $0xEA60, v0;
	_ =	sdelay $0x3  }
0xc2: {  	[tilespmem:$0x1C160] =	vst v1  }
0xc3: {  	v1 =	vld.idx.msk [tilespmem:v63+s3+$0x0], $0xffff  }
0xc4: {  	v0 =	vadd.s32 $0x11170, v0;
	_ =	sdelay $0x3  }
0xc5: {  	[tilespmem:$0x1D4F0] =	vst v1  }
0xc6: {  	v0 =	vld.idx.msk [tilespmem:v0+s3+$0x0], $0xffff;
	_ =	sdelay $0x4  }
0xc7: {  	[tilespmem:$0x1E880] =	vst v0  }
0xc8: {  	[hbm4b:s5+s3] =	stream.linear.scatter [tilespmem:s9], [sflag:$0x1], $0x1388, $0x38;
	[tilespmem:$0x1E890] =	vst v63  }
0xc9: {  	_ = 	snop  }
0xca: {  	[hbm4b:s10+s3] =	stream.linear.scatter [tilespmem:s11], [sflag:$0x1], $0x1388, $0x38;
	[tilespmem:$0x1E890] =	vst v63  }
0xcb: {  	_ = 	snop  }
0xcc: {  	[hbm4b:s12+s3] =	stream.linear.scatter [tilespmem:s13], [sflag:$0x1], $0x1388, $0x38;
	[tilespmem:$0x1E890] =	vst v63  }
0xcd: {  	_ = 	snop  }
0xce: {  	[hbm4b:s14+s3] =	stream.linear.scatter [tilespmem:s15], [sflag:$0x1], $0x1388, $0x38;
	[tilespmem:$0x1E890] =	vst v63  }
0xcf: {  	_ = 	snop  }
0xd0: {  	[hbm4b:s16+s3] =	stream.linear.scatter [tilespmem:s17], [sflag:$0x1], $0x1388, $0x38;
	[tilespmem:$0x1E890] =	vst v63  }
0xd1: {  	s24 =	sadd.s32 $0x1, s24  }
0xd2: {  	[hbm4b:s18+s3] =	stream.linear.scatter [tilespmem:s19], [sflag:$0x1], $0x1388, $0x38;
	[tilespmem:$0x1E890] =	vst v63  }
0xd3: {  	p0 =	sne.s32 s24, s6  }
0xd4: {  	[hbm4b:s20+s3] =	stream.linear.scatter [tilespmem:s21], [sflag:$0x1], $0x1388, $0x38;
	[tilespmem:$0x1E890] =	vst v63  }
.Ltmp1:
0xd5: {  	_ = 	snop;
	(pc) =	sbr.rel @p0 .LBB2_1-.Ltmp1, $4  }
0xd6: {  	[hbm4b:s22+s3] =	stream.linear.scatter [tilespmem:s23], [sflag:$0x1], $0x1388, $0x38;
	[tilespmem:$0x1E890] =	vst v63  }
0xd7: {  	_ =	swait.ge [sflag:s7], $0x9C40  }
0xd8: {  	[sflag:s7] =	ssyncset.done $0x0  }
0xd9: {  	[sflag:s7] =	ssyncadd.s32 $0xFFFF63C0  }
0xda: {  	_ =	sfence.sel $0x180000  }
0xdb: {  	[bflag:$0x0] =	sbarrier.arrive $0xFFFF  }
0xdc: {  	p0 =	sne.s32 s0, $0x0;
	_ =	strace $0x90000047  }
0xdd: {  	s0 =	sadd.s32 @!p0 $0x100000, s1;
	[bflag:$0x2] =	sbarrier.arrive $0xFFFF  }
0xde: {  	[sflag:s0] =	ssyncadd.tile.s32 @!p0 $0x1;
	_ =	shalt  }
.Lfunc_end2:
_tile_overlayer_lowered:
.L_overlay_start_2:
0xdf: {  	(tag) =	ssettag $0x2  }
0xe0: {  	s0 =	rddreg [dreg:$0x0];
	s2 =	stileid.u32  }
0xe1: {  	s1 =	rddreg [dreg:$0x1];
	p0 =	sne.s32 s2, $0x0  }
0xe2: {  	s3 =	rddreg [dreg:$0x2];
	[bflag:$0x3] =	sbarrier.arrive $0xFFFF;
	s2 =	simm.s32 @!p0 $0x1C01  }
0xe3: {  	[timem:s3], [sflag:s2] =	dma.local @!p0 [hbm:s0], s1  }
0xe4: {  	s0 =	simm.s32 @!p0 $0x1  }
0xe5: {  	_ =	swait.ge @!p0 [sflag:s0], s1  }
0xe6: {  	s1 =	ssub.s32 @!p0 $0x0, s1;
	[sflag:s0] =	ssyncset.done @!p0 $0x0  }
0xe7: {  	[sflag:s0] =	ssyncadd.s32 @!p0 s1  }
0xe8: {  	[bflag:$0x3] =	sbarrier.arrive $0xFFFF  }
0xe9: {  	_ =	shalt  }

// kernel: kernel.9.cloned.1.call-start
scs
__scs_entry_jumppad:
0x0: {  	(pc) =	sbr.rel $0x88, $3  }
0x1: {  	(tag) =	ssettag $0x0;
	lr =	simm.s32 $0x1  }
0x2: {  	[smem:$0x3F9A] =	sst lr;
	_ =	strace $0xD0000000  }
0x3: {  	_ = 	snop  }
0x4: {  	_ = 	snop  }
0x5: {  	_ = 	snop  }
0x6: {  	_ = 	snop  }
0x7: {  	_ = 	snop  }
__scs_overlays_trampoline_lowered:
0x8: {  	[smem:$0x3FA9] =	sst s0  }
0x9: {  	[smem:$0x3FAA] =	sst s1  }
0xa: {  	[smem:$0x3FAB] =	sst s2  }
0xb: {  	[smem:$0x3FAC] =	sst s3  }
0xc: {  	[smem:$0x3FAD] =	sst s4  }
0xd: {  	[smem:$0x3FAE] =	sst s5  }
0xe: {  	[smem:$0x3FAF] =	sst s6  }
0xf: {  	[smem:$0x3FB0] =	sst s7  }
0x10: {  	[smem:$0x3FB1] =	sst s8  }
0x11: {  	[smem:$0x3FB2] =	sst s9;
	s0 =	simm.s32 @!p0 $0x0  }
0x12: {  	s1 =	sld [smem:$0x3F98];
	s0 =	simm.s32 @p0 $0x1  }
0x13: {  	[smem:$0x3FB3] =	sst s0;
	s0 =	simm.s32 @!p1 $0x0  }
0x14: {  	s2 =	sld [smem:$0x3F97];
	s0 =	simm.s32 @p1 $0x1  }
0x15: {  	[smem:$0x3FB4] =	sst s0;
	s0 =	simm.s32 @!p2 $0x0  }
0x16: {  	s3 =	sld [smem:$0x3FDB];
	s0 =	simm.s32 @p2 $0x1  }
0x17: {  	s4 =	simm.s32 $0x1BF5;
	[smem:$0x3FB6] =	sst s0  }
0x18: {  	s0 =	sld [smem:$0x3F99];
	_ =	swait.ge [sflag:s4], $0x0  }
0x19: {  	s7 =	sld [smem:$0x3F9A]  }
0x1a: {  	s8 =	sadd.s32 $0xFFFFE003, lr  }
0x1b: {  	s9 =	sadd.s32 $0xFFFFFEF7, lr;
	s5 =	simm.s32 $0xFFFFFFFF;
	p2 =	slt.u32 s8, $0xFFFFF086  }
0x1c: {  	p1 =	slt.u32 s9, $0xF7A;
	s5 =	simm.s32 @!p2 $0x0  }
0x1d: {  	s5 =	simm.s32 @p1 $0x1;
	p0 =	seq.s32 s7, s2  }
0x1e: {  	s7 =	smul.u32 @!p0 $0xF7A, s2;
	p2 =	seq.s32 @!p0 s5, $0x0  }
0x1f: {  	s9 =	smul.u32 $0xF7A, s1;
	s8 =	simm.s32 @!p0 $0x1BF5;
	p2 =	por !p2, p0  }
0x20: {  	[sflag:s8] =	ssyncset.s32 @!p0 $0xFFFFF086;
	s6 =	sadd.s32 @!p0 s3, s7;
	s7 =	simm.s32 @!p0 $0x108  }
0x21: {  	s3 =	sadd.s32 s3, s9;
	s6 =	sadd.s32 @!p0 $0x88, s6;
	s7 =	simm.s32 @p2 $0x1082  }
0x22: {  	[simem:s7], [sflag:s8] =	dma.local @!p0 [hbm:s6], $0xF7A  }
0x23: {  	s9 =	sor.u32 $0xD0000000, s2;
	s6 =	simm.s32 $0x108;
	_ =	swait.ge @!p0 [sflag:s8], $0x0  }
0x24: {  	s3 =	sadd.s32 $0x88, s3;
	s6 =	simm.s32 @!p1 $0x1082;
	[sflag:s4] =	ssyncset.s32 $0xFFFFF086  }
0x25: {  	[simem:s6], [sflag:s4] =	dma.local [hbm:s3], $0xF7A  }
0x26: {  	[smem:$0x3F9A] =	sst s1;
	(tag) =	ssettag s2;
	_ =	strace s9  }
0x27: {  	s1 =	sld [smem:$0x3FAA]  }
0x28: {  	s2 =	sld [smem:$0x3FAB]  }
0x29: {  	s4 =	sld [smem:$0x3FAD]  }
0x2a: {  	p0 =	seq.s32 s5, $0x0;
	s5 =	sld [smem:$0x3FAE]  }
0x2b: {  	s6 =	sld [smem:$0x3FAF]  }
0x2c: {  	s7 =	sld [smem:$0x3FB0]  }
0x2d: {  	s3 =	simm.s32 $0x108;
	s8 =	sld [smem:$0x3FB1]  }
0x2e: {  	s3 =	simm.s32 @!p0 $0x1082;
	s9 =	sld [smem:$0x3FB2]  }
0x2f: {  	lr =	sadd.s32 s0, s3;
	s0 =	sld [smem:$0x3FA9]  }
0x30: {  	s3 =	sld [smem:$0x3FAC]  }
0x31: {  	[smem:$0x3FB5] =	sst s10  }
0x32: {  	s10 =	sld [smem:$0x3FB3];
	_ =	sdelay $0x3  }
0x33: {  	p0 =	seq.s32 s10, $0x1;
	s10 =	sld [smem:$0x3FB5];
	_ =	sdelay $0x3  }
0x34: {  	[smem:$0x3FB5] =	sst s10  }
0x35: {  	s10 =	sld [smem:$0x3FB4];
	_ =	sdelay $0x3  }
0x36: {  	p1 =	seq.s32 s10, $0x1;
	s10 =	sld [smem:$0x3FB5];
	_ =	sdelay $0x3  }
0x37: {  	[smem:$0x3FB5] =	sst s10  }
0x38: {  	s10 =	sld [smem:$0x3FB6]  }
0x39: {  	_ = 	snop;
	(pc) =	sbr.ind lr, $3  }
0x3a: {  	_ = 	snop  }
0x3b: {  	_ = 	snop  }
0x3c: {  	p2 =	seq.s32 s10, $0x1;
	s10 =	sld [smem:$0x3FB5]  }
0x3d: {  	_ =	shalt  }
0x3e: {  	_ =	shalt  }
0x3f: {  	_ =	shalt  }
0x40: {  	_ =	shalt  }
0x41: {  	_ =	shalt  }
0x42: {  	_ =	shalt  }
0x43: {  	_ =	shalt  }
0x44: {  	_ =	shalt  }
0x45: {  	_ =	shalt  }
0x46: {  	_ =	shalt  }
0x47: {  	_ =	shalt  }
0x48: {  	_ =	shalt  }
0x49: {  	_ =	shalt  }
0x4a: {  	_ =	shalt  }
0x4b: {  	_ =	shalt  }
0x4c: {  	_ =	shalt  }
0x4d: {  	_ =	shalt  }
0x4e: {  	_ =	shalt  }
0x4f: {  	_ =	shalt  }
0x50: {  	_ =	shalt  }
0x51: {  	_ =	shalt  }
0x52: {  	_ =	shalt  }
0x53: {  	_ =	shalt  }
0x54: {  	_ =	shalt  }
0x55: {  	_ =	shalt  }
0x56: {  	_ =	shalt  }
0x57: {  	_ =	shalt  }
0x58: {  	_ =	shalt  }
0x59: {  	_ =	shalt  }
0x5a: {  	_ =	shalt  }
0x5b: {  	_ =	shalt  }
0x5c: {  	_ =	shalt  }
0x5d: {  	_ =	shalt  }
0x5e: {  	_ =	shalt  }
0x5f: {  	_ =	shalt  }
0x60: {  	_ =	shalt  }
0x61: {  	_ =	shalt  }
0x62: {  	_ =	shalt  }
0x63: {  	_ =	shalt  }
0x64: {  	_ =	shalt  }
0x65: {  	_ =	shalt  }
0x66: {  	_ =	shalt  }
0x67: {  	_ =	shalt  }
0x68: {  	_ =	shalt  }
0x69: {  	_ =	shalt  }
0x6a: {  	_ =	shalt  }
0x6b: {  	_ =	shalt  }
0x6c: {  	_ =	shalt  }
0x6d: {  	_ =	shalt  }
0x6e: {  	_ =	shalt  }
0x6f: {  	_ =	shalt  }
0x70: {  	_ =	shalt  }
0x71: {  	_ =	shalt  }
0x72: {  	_ =	shalt  }
0x73: {  	_ =	shalt  }
0x74: {  	_ =	shalt  }
0x75: {  	_ =	shalt  }
0x76: {  	_ =	shalt  }
0x77: {  	_ =	shalt  }
0x78: {  	_ =	shalt  }
0x79: {  	_ =	shalt  }
0x7a: {  	_ =	shalt  }
0x7b: {  	_ =	shalt  }
0x7c: {  	_ =	shalt  }
0x7d: {  	_ =	shalt  }
0x7e: {  	_ =	shalt  }
0x7f: {  	_ =	shalt  }
0x80: {  	_ =	shalt  }
0x81: {  	_ =	shalt  }
0x82: {  	_ =	shalt  }
0x83: {  	_ =	shalt  }
0x84: {  	_ =	shalt  }
0x85: {  	_ =	shalt  }
0x86: {  	_ =	shalt  }
0x87: {  	_ =	shalt  }
.Lfunc_end0:
.L_simem_size_0:
called_computation.1_lowered:
.L_overlay_start_0:
0x88: {  	s2 =	sld [smem:$0x3FD9]  }
0x89: {  	s3 =	sld [smem:$0x3FFE];
	_ =	sdelay $0x1  }
0x8a: {  	s1 =	srdreg.scid  }
0x8b: {  	s0 =	sand.u32 $0x1, s1  }
0x8c: {  	s16 =	sshll.u32 s0, $0xA;
	s2 =	sadd.s32 s3, s2  }
0x8d: {  	s2 =	sadd.s32 s2, s16  }
0x8e: {  	[smem:$0x3FC1] =	sst s2  }
0x8f: {  	_ = 	snop  }
0x90: {  	(tm) =	ssettm $0x1  }
0x91: {  	s17 =	sld [smem:$0x3FFB];
	_ =	sdelay $0x3  }
0x92: {  	_ =	strace s17  }
0x93: {  	s2 =	sld [smem:$0x3FFC];
	_ =	sdelay $0x3  }
0x94: {  	_ =	strace s2  }
0x95: {  	s2 =	sld [smem:$0x3FFD];
	_ =	sdelay $0x3  }
0x96: {  	_ =	strace s2  }
0x97: {  	_ =	strace $0x8FFFFFFF  }
0x98: {  	s18 =	sld [smem:$0x3FDB];
	_ =	sdelay $0x1  }
0x99: {  	s19 =	simm.s32 $_scs_section_size  }
0x9a: {  	s4 =	simm.s32 $_size__tile_overlayer_lowered;
	s5 =	simm.s32 $_tile_overlayer_lowered  }
0x9b: {  	s22 =	simm.s32 $0x1BFF;
	s21 =	sshll.u32 s5, $0x1;
	s2 =	sadd.s32 s19, s18  }
0x9c: {  	s6 =	simm.s32 $0x0;
	s20 =	sshll.u32 s4, $0x1;
	s4 =	sadd.s32 s21, s2  }
0x9d: {  	[timem:s6], [sflag:s22] =	dma.local [hbm:s4], s20  }
0x9e: {  	_ =	swait.ge [sflag:s22], s20  }
0x9f: {  	s3 =	ssub.s32 $0x0, s20;
	[sflag:s22] =	ssyncset.done $0x0  }
0xa0: {  	[sflag:s22] =	ssyncadd.s32 s3;
	_ =	sdelay $0x1  }
0xa1: {  	s23 =	simm.s32 $0x1B8B  }
0xa2: {  	_ =	swait.ge [sflag:s23], $0x1  }
0xa3: {  	[sflag:s23] =	ssyncset.done $0x0  }
0xa4: {  	s25 =	simm.s32 $0x1B8E;
	s24 =	sld [smem:$0x3FFE];
	[sflag:s23] =	ssyncadd.s32 $0xFFFFFFFF  }
0xa5: {  	s26 =	simm.s32 $execute0_lowered;
	[smem:$0x3FD2] =	sst s25  }
0xa6: {  	s4 =	sshll.u32 s26, $0x1;
	_ =	strace $0x80000049;
	[dreg:$0x1] =	wrdreg $0xFFFFFFFF  }
0xa7: {  	s28 =	simm.s32 $_size_execute0_lowered;
	s2 =	sadd.s32 s2, s4;
	[dreg:$0x0] =	wrdreg $0x0  }
0xa8: {  	s4 =	sshll.u32 s28, $0x1;
	[dreg:$0x2] =	wrdreg s2  }
0xa9: {  	[dreg:$0x3] =	wrdreg s4  }
0xaa: {  	[dreg:$0x4] =	wrdreg $0xC0  }
0xab: {  	_ =	task [dreg:s6], $0x5FFFF  }
0xac: {  	[dreg:$0x1] =	wrdreg $0xFFFFFFFF  }
0xad: {  	[dreg:$0x0] =	wrdreg $0x60  }
0xae: {  	[dreg:$0x2] =	wrdreg s24  }
0xaf: {  	[dreg:$0x3] =	wrdreg $0xE1800  }
0xb0: {  	[dreg:$0x4] =	wrdreg $0x9  }
0xb1: {  	_ =	task.clear_ibuf [dreg:s6], $0x5FFFF;
	_ =	strace $0x90000049  }
0xb2: {  	s29 =	simm.s32 $0x9;
	_ =	strace $0x8000004B  }
0xb3: {  	_ =	swait.ge [sflag:s29], $0x1  }
0xb4: {  	[sflag:s29] =	ssyncadd.s32 $0xFFFFFFFF  }
0xb5: {  	_ =	strace $0x9000004B  }
0xb6: {  	_ =	sfence  }
0xb7: {  	s30 =	sld [smem:$0x0];
	_ =	sdelay $0x2  }
0xb8: {  	s31 =	sshll.u32 s1, $0xD;
	s1 =	sshrl.u32 s1, $0x2  }
0xb9: {  	s3 =	sand.u32 $0x4000, s31;
	s1 =	sadd.s32 s1, s30  }
0xba: {  	s0 =	sor.u32 s3, s0;
	s1 =	sshll.u32 s1, $0x11  }
0xbb: {  	s0 =	sor.u32 s1, s0  }
0xbc: {  	s0 =	sadd.s32 $0x8F2B, s0  }
0xbd: {  	[sflag:s0] =	ssyncadd.remote.s32 $0x1  }
0xbe: {  	_ =	sfence.sel $0xFFFF  }
0xbf: {  	[dreg:$0x0] =	wrdreg $0xFFFFFFFF;
	(pc) =	sbr.abs _section_cstart, $3  }
0xc0: {  	[dreg:$0x1] =	wrdreg $0xFFFFFFFF  }
0xc1: {  	_ =	task.clear_ibuf [dreg:s6], $0x2FFFF;
	_ =	strace $0x9FFFFFFF  }
0xc2: {  	(tm) =	ssettm $0x7FFFFFFF  }
0xc3: {  	_ =	shalt  }
tec
execute0_lowered:
.L_overlay_start_1:
0x0: {  	(tag) =	ssettag $0x1  }
0x1: {  	s0 =	rddreg [dreg:$0x0];
	s1 =	srdreg.scid  }
0x2: {  	s8 =	stileid.u32;
	s9 =	rddreg [dreg:$0x1]  }
0x3: {  	s3 =	simm.s32 $0x0;
	s1 =	sand.u32 $0x1, s1;
	s4 =	smul.u32 $0x9C40, s8  }
0x4: {  	s2 =	sshll.u32 s8, $0x1;
	[smem:$0x7FF] =	sst s3;
	s24 =	smul.u32 $0x278, s8  }
0x5: {  	s5 =	sadd.s32 $0x31A00, s0;
	s25 =	smul.u32 $0x9E00, s8;
	s30 =	sadd.s32 $0x25080, s9  }
0x6: {  	s2 =	sor.u32 s1, s2;
	s6 =	ssub.s32 $0x2, s1;
	s1 =	smul.u32 $0x27100, s1  }
0x7: {  	_ =	strace $0x8000004A;
	[smem:$0x7FA] =	sst s30;
	s19 =	smul.u32 $0x280, s2  }
0x8: {  	s7 =	sshrl.u32 s6, $0x1;
	s4 =	sshrl.u32 s4, $0x2;
	s2 =	smul.u32 $0x1388, s2  }
0x9: {  	s28 =	sshrl.u32 s25, $0x2;
	s6 =	ssub.s32 s6, s7;
	s4 =	sadd.s32 s4, s9  }
0xa: {  	s29 =	sadd.s32 s24, s1;
	s1 =	sadd.s32 $0x2508, s1;
	s3 =	sadd.s32 s19, s0  }
0xb: {  	[smem:$0x7F2] =	sst s4;
	s20 =	sshrl.u32 s2, $0x3;
	s31 =	smax.u32 s6, $0x1  }
0xc: {  	s21 =	sadd.s32 $0x3E8, s2;
	s3 =	sadd.s32 $0x2CA00, s3;
	[smem:$0x7FD] =	sst s31  }
0xd: {  	s22 =	sadd.s32 s5, s20;
	s23 =	sshrl.u32 s21, $0x3;
	[smem:$0x7F3] =	sst s3  }
0xe: {  	v5 =	vlaneseq.u32;
	s2 =	sadd.s32 $0xBB8, s2;
	s3 =	sadd.s32 s5, s23;
	[smem:$0x7F7] =	sst s22  }
0xf: {  	v2 =	vimm.s32 $0x0;
	vm0 =	vcmask $0x300;
	v0 =	vmul.u32 $0x3E8, v5;
	s2 =	sshrl.u32 s2, $0x3;
	s10 =	sadd.s32 $0xFA, s22;
	[smem:$0x7F4] =	sst s3  }
0x10: {  	v1 =	vimm.f32 $0.0e+00;
	v2 =	vsel vm0, $0x3, v2;
	s0 =	sadd.s32 $0x800, s0;
	s2 =	sadd.s32 s5, s2;
	[smem:$0x7F5] =	sst s10  }
.Ltmp0:
0x11: {  	v5 =	vmul.u32 $0x288, v5;
	v3 =	vor.u32 $0x1, v0;
	v4 =	vor.u32 $0x2, v0;
	[smem:$0x7F6] =	sst s2;
	s2 =	sadd.s32 s28, s9;
	(pc) =	sbr.rel .LBB2_1-.Ltmp0, $4  }
0x12: {  	v6 =	vor.u32 $0x3, v0;
	v7 =	vor.u32 $0x4, v0;
	v8 =	vor.u32 $0x5, v0;
	s26 =	sadd.s32 $0x1F4, s22;
	[smem:$0x7F9] =	sst s2;
	s2 =	sshrl.u32 s29, $0x3  }
0x13: {  	v9 =	vor.u32 $0x6, v0;
	v10 =	vor.u32 $0x7, v0;
	v11 =	vor.u32 $0x1, v5;
	s1 =	sshrl.u32 s1, $0x3;
	[smem:$0x7F8] =	sst s26;
	s2 =	sadd.s32 s0, s2  }
0x14: {  	p0 =	seq.s32 s8, $0xF;
	v12 =	vor.u32 $0x2, v5;
	v13 =	vor.u32 $0x3, v5;
	v14 =	vor.u32 $0x4, v5;
	s0 =	sadd.s32 s0, s1;
	[smem:$0x7FB] =	sst s2  }
0x15: {  	v15 =	vor.u32 $0x5, v5;
	v16 =	vor.u32 $0x6, v5;
	v17 =	vor.u32 $0x7, v5;
	s9 =	simm.s32 $0x1400;
	s1 =	simm.s32 $0x0;
	[smem:$0x7FC] =	sst s0  }
.LBB2_37:
0x16: {  	s2 =	sld [smem:$0x7FC];
	_ =	sdelay $0x2  }
0x17: {  	[hbm4b:s2+s1] =	stream.linear.scatter [tilespmem:s5], [sflag:$0x2], $0x208, $0x38;
	[tilespmem:$0x10890] =	vst v63  }
0x18: {  	s3 =	simm.s32 $0xBB88;
	s0 =	sadd.s32 $0x4E2, s2  }
0x19: {  	[hbm4b:s0+s1] =	stream.linear.scatter [tilespmem:s3], [sflag:$0x2], $0x208, $0x38;
	[tilespmem:$0x10890] =	vst v63  }
0x1a: {  	s31 =	simm.s32 $0xBE10;
	s30 =	sadd.s32 $0x9C4, s2  }
0x1b: {  	[hbm4b:s30+s1] =	stream.linear.scatter [tilespmem:s31], [sflag:$0x2], $0x208, $0x38;
	[tilespmem:$0x10890] =	vst v63  }
0x1c: {  	s4 =	simm.s32 $0xC098;
	s3 =	sadd.s32 $0xEA6, s2  }
0x1d: {  	[hbm4b:s3+s1] =	stream.linear.scatter [tilespmem:s4], [sflag:$0x2], $0x208, $0x38;
	[tilespmem:$0x10890] =	vst v63  }
0x1e: {  	s6 =	simm.s32 $0xC320;
	s5 =	sadd.s32 $0x1388, s2  }
0x1f: {  	[hbm4b:s5+s1] =	stream.linear.scatter [tilespmem:s6], [sflag:$0x2], $0x208, $0x38;
	[tilespmem:$0x10890] =	vst v63  }
0x20: {  	s8 =	simm.s32 $0xC5A8;
	s7 =	sadd.s32 $0x186A, s2  }
0x21: {  	[hbm4b:s7+s1] =	stream.linear.scatter [tilespmem:s8], [sflag:$0x2], $0x208, $0x38;
	[tilespmem:$0x10890] =	vst v63  }
0x22: {  	s11 =	simm.s32 $0xC830;
	s10 =	sadd.s32 $0x1D4C, s2  }
0x23: {  	[hbm4b:s10+s1] =	stream.linear.scatter [tilespmem:s11], [sflag:$0x2], $0x208, $0x38;
	[tilespmem:$0x10890] =	vst v63  }
0x24: {  	s13 =	simm.s32 $0xCAB8;
	s12 =	sadd.s32 $0x222E, s2  }
0x25: {  	[hbm4b:s12+s1] =	stream.linear.scatter [tilespmem:s13], [sflag:$0x2], $0x208, $0x38;
	[tilespmem:$0x10890] =	vst v63  }
0x26: {  	s15 =	simm.s32 $0xCD40;
	s14 =	sadd.s32 $0x2710, s2  }
0x27: {  	[hbm4b:s14+s1] =	stream.linear.scatter [tilespmem:s15], [sflag:$0x2], $0x208, $0x38;
	[tilespmem:$0x10890] =	vst v63  }
0x28: {  	s17 =	simm.s32 $0xCFC8;
	s16 =	sadd.s32 $0x2BF2, s2  }
0x29: {  	[hbm4b:s16+s1] =	stream.linear.scatter [tilespmem:s17], [sflag:$0x2], $0x208, $0x38;
	[tilespmem:$0x10890] =	vst v63  }
0x2a: {  	s19 =	simm.s32 $0xD250;
	s18 =	sadd.s32 $0x30D4, s2  }
0x2b: {  	[hbm4b:s18+s1] =	stream.linear.scatter [tilespmem:s19], [sflag:$0x2], $0x208, $0x38;
	[tilespmem:$0x10890] =	vst v63  }
0x2c: {  	s21 =	simm.s32 $0xD4D8;
	s20 =	sadd.s32 $0x35B6, s2  }
0x2d: {  	[hbm4b:s20+s1] =	stream.linear.scatter [tilespmem:s21], [sflag:$0x2], $0x208, $0x38;
	[tilespmem:$0x10890] =	vst v63  }
0x2e: {  	s23 =	simm.s32 $0xD760;
	s22 =	sadd.s32 $0x3A98, s2  }
0x2f: {  	[hbm4b:s22+s1] =	stream.linear.scatter [tilespmem:s23], [sflag:$0x2], $0x208, $0x38;
	[tilespmem:$0x10890] =	vst v63  }
0x30: {  	s25 =	simm.s32 $0xD9E8;
	s24 =	sadd.s32 $0x3F7A, s2  }
0x31: {  	[hbm4b:s24+s1] =	stream.linear.scatter [tilespmem:s25], [sflag:$0x2], $0x208, $0x38;
	[tilespmem:$0x10890] =	vst v63  }
0x32: {  	s28 =	simm.s32 $0xDC70;
	s26 =	sadd.s32 $0x445C, s2  }
0x33: {  	[hbm4b:s26+s1] =	stream.linear.scatter [tilespmem:s28], [sflag:$0x2], $0x208, $0x38;
	[tilespmem:$0x10890] =	vst v63  }
0x34: {  	s29 =	sadd.s32 $0x493E, s2;
	s30 =	simm.s32 $0xDEF8;
	s31 =	simm.s32 $0x2  }
0x35: {  	[hbm4b:s29+s1] =	stream.linear.scatter [tilespmem:s30], [sflag:$0x2], $0x208, $0x38;
	[tilespmem:$0x10890] =	vst v63  }
0x36: {  	_ =	swait.ge [sflag:s31], $0x2080  }
0x37: {  	[sflag:s31] =	ssyncset.done $0x0  }
0x38: {  	s1 =	sld [smem:$0x7F1];
	[sflag:s31] =	ssyncadd.s32 $0xFFFFDF80  }
.LBB2_38:
0x39: {  	s0 =	sld [smem:$0x7FD];
	_ =	sdelay $0x1  }
0x3a: {  	s1 =	sadd.s32 $0x1, s1  }
0x3b: {  	p1 =	sne.s32 s1, s0  }
.Ltmp1:
0x3c: {  	_ = 	snop;
	(pc) =	sbr.rel @!p1 .LBB2_39-.Ltmp1, $1  }
0x3d: {  	_ =	sdelay $0x3  }
.LBB2_1:
0x3e: {  	[smem:$0x7F1] =	sst s1;
	s0 =	simm.s32 $0x40;
	s1 =	simm.s32 $0x0  }
.LBB2_2:
0x3f: {  	p1 =	sne.s32 s0, $0x9FC0;
	[tilespmem:s1+$0x9100] =	vst v1;
	s1 =	smov.u32 s0;
	s0 =	sadd.s32 $0x40, s0  }
.Ltmp2:
0x40: {  	(pc) =	sbr.rel @p1 .LBB2_2-.Ltmp2, $2  }
0x41: {  	_ =	sdelay $0x2  }
0x42: {  	s1 =	sshra.s32 s1, $0x2  }
0x43: {  	s0 =	sld [smem:$0x7F2];
	_ =	sdelay $0x1  }
0x44: {  	[tilespmem:s1+$0x9100] =	vst v1;
	s18 =	simm.s32 $0x9100;
	s7 =	simm.s32 $0x2  }
0x45: {  	[spmem:s0] =	stream.linear.scatter [tilespmem:s18], [sflag:$0x2], $0x2710, $0x38;
	[tilespmem:$0x10890] =	vst v63  }
0x46: {  	_ =	swait.ge [sflag:s7], $0x2710  }
0x47: {  	s20 =	sld [smem:$0x7F3]  }
0x48: {  	[sflag:s7] =	ssyncset.done $0x0  }
0x49: {  	s19 =	simm.s32 $0x0;
	s1 =	simm.s32 $0xF;
	[sflag:s7] =	ssyncadd.s32 $0xFFFFD8F0  }
0x4a: {  	[tilespmem:s19], [sflag:$0x2] =	stream.linear.gather [hbm4b:s20+s19], $0x1400, $0x38;
	[tilespmem:$0x10890] =	vst v63  }
0x4b: {  	s3 =	simm.s32 $0x3E8;
	s4 =	simm.s32 $0x27100;
	_ =	swait.ge [sflag:s7], $0x1400  }
0x4c: {  	s10 =	simm.s32 $0x1;
	s8 =	simm.s32 $0x2;
	[sflag:s7] =	ssyncset.done $0x0  }
0x4d: {  	s12 =	simm.s32 $0x3;
	s11 =	simm.s32 $0x4;
	[sflag:s7] =	ssyncadd.s32 $0xFFFFEC00  }
0x4e: {  	s25 =	simm.s32 $0x5;
	s0 =	smul.u32 $0x625, s1;
	[bflag:$0x0] =	sbarrier.arrive $0xFFFF  }
0x4f: {  	s15 =	simm.s32 $0x6;
	s26 =	simm.s32 $0x7;
	s2 =	sld [smem:$0x7F7]  }
0x50: {  	p1 =	por $0x1, $0x1;
	s21 =	sadd.s32 $0xFFFFF9DB, s0;
	s5 =	sadd.s32 $0xFFFFA3D5, s0  }
0x51: {  	s6 =	sadd.s32 $0xFFFFA9FA, s0;
	s13 =	sadd.s32 $0xFFFFB01F, s0;
	s14 =	sadd.s32 $0xFFFFB644, s0  }
0x52: {  	[tilespmem:s9], [sflag:$0x2] =	stream.strided.gather [hbm4b:s2+s3], $0x3E80, s4, s3, $0x38;
	[tilespmem:$0x10890] =	vst v63  }
0x53: {  	s16 =	sadd.s32 $0xFFFFC28E, s0;
	s17 =	sadd.s32 $0xFFFFC8B3, s0;
	s2 =	sshrl.u32 s21, $0x10  }
0x54: {  	s18 =	sadd.s32 $0xFFFFE76C, s0;
	s5 =	sshrl.u32 s5, $0x10;
	s22 =	ssub.s32 $0xE, s2  }
0x55: {  	s24 =	sshrl.u32 s6, $0x10;
	s13 =	sshrl.u32 s13, $0x10;
	s4 =	sand.u32 $0xFFFE, s22  }
0x56: {  	s14 =	sshrl.u32 s14, $0x10;
	s16 =	sshrl.u32 s16, $0x10;
	s4 =	sshrl.u32 s4, $0x1  }
0x57: {  	s17 =	sshrl.u32 s17, $0x10;
	s30 =	sshrl.u32 s18, $0x10;
	s2 =	sadd.s32 s2, s4  }
0x58: {  	s18 =	simm.s32 $0xB;
	s31 =	ssub.s32 $0xB, s30;
	s2 =	sand.u32 $0xFFC0, s2  }
0x59: {  	s20 =	sadd.s32 $0xFFFFCED8, s0;
	s19 =	sadd.s32 $0xFFFFE147, s0;
	s2 =	sshrl.u32 s2, $0x6  }
0x5a: {  	s28 =	sshrl.u32 s19, $0x10;
	s19 =	simm.s32 $0xC;
	s23 =	smul.u32 $0x7D, s2  }
0x5b: {  	s20 =	sshrl.u32 s20, $0x10;
	v32 =	vmov s19;
	s19 =	sadd.s32 $0xFFFFED91, s0;
	[dreg:$0x12] =	wrdreg s18  }
0x5c: {  	s3 =	simm.s32 $0xE;
	s2 =	smul.u32 $0x1F40, s2;
	s23 =	ssub.s32 $0xE, s23  }
0x5d: {  	s21 =	sadd.s32 $0xFFFFD4FD, s0;
	s22 =	sadd.s32 $0xFFFFDB22, s0;
	s23 =	sand.u32 $0xFFFF, s23  }
0x5e: {  	s4 =	sadd.s32 $0xFFFFBC69, s0;
	s2 =	sshrl.u32 s2, $0x2;
	s6 =	sshll.u32 s23, $0x4  }
0x5f: {  	s23 =	sshrl.u32 s4, $0x10;
	s4 =	ssub.s32 $0x0, s5;
	s2 =	sadd.s32 s6, s2  }
0x60: {  	v18 =	vmov s3;
	s4 =	sand.u32 $0xFFFE, s4;
	s6 =	ssub.s32 $0x1, s24;
	s3 =	ssub.s32 $0x4, s23  }
0x61: {  	[smem:$0x7F0] =	sst s2;
	s2 =	sshrl.u32 s4, $0x1;
	s4 =	sand.u32 $0xFFFE, s6  }
0x62: {  	s6 =	simm.s32 $0x0;
	s2 =	sadd.s32 s5, s2;
	s4 =	sshrl.u32 s4, $0x1  }
0x63: {  	[smem:$0x7EB] =	sst s2;
	s2 =	ssub.s32 $0x2, s13;
	s4 =	sadd.s32 s24, s4  }
0x64: {  	s24 =	ssub.s32 $0x3, s14;
	s5 =	sand.u32 $0xFFFE, s2;
	[smem:$0x7EC] =	sst s4  }
0x65: {  	s4 =	sand.u32 $0xFFFE, s24;
	s24 =	sshrl.u32 s21, $0x10;
	s21 =	simm.s32 $0x5  }
0x66: {  	s2 =	ssub.s32 $0x5, s16;
	s5 =	sshrl.u32 s5, $0x1;
	[dreg:$0x3] =	wrdreg s21  }
0x67: {  	s21 =	sand.u32 $0xFFFE, s2;
	s13 =	sadd.s32 s13, s5;
	s5 =	sand.u32 $0xFFFE, s3  }
0x68: {  	s3 =	ssub.s32 $0x6, s17;
	s21 =	sshrl.u32 s21, $0x1;
	[smem:$0x7ED] =	sst s13  }
0x69: {  	v19 =	vmov s1;
	v20 =	vmov s10;
	s13 =	sshrl.u32 s4, $0x1;
	s5 =	sshrl.u32 s5, $0x1;
	s29 =	sadd.s32 s16, s21  }
0x6a: {  	v21 =	vmov s8;
	v22 =	vmov s12;
	v24 =	vmov s25;
	s4 =	ssub.s32 $0x7, s20;
	s16 =	ssub.s32 $0x8, s24;
	s25 =	sadd.s32 s14, s13  }
0x6b: {  	v23 =	vmov s11;
	v25 =	vmov s15;
	v26 =	vmov s26;
	s14 =	sadd.s32 s23, s5;
	s5 =	sand.u32 $0xFFFE, s3;
	s21 =	sand.u32 $0xFFFE, s4  }
0x6c: {  	v20 =	vshrl.u32 v20, $0x3;
	v21 =	vshrl.u32 v21, $0x3;
	v22 =	vshrl.u32 v22, $0x3;
	s3 =	simm.s32 $0xA;
	s4 =	simm.s32 $0xD;
	[smem:$0x7EE] =	sst s25  }
0x6d: {  	v23 =	vshrl.u32 v23, $0x3;
	v24 =	vshrl.u32 v24, $0x3;
	v25 =	vshrl.u32 v25, $0x3;
	s25 =	sshrl.u32 s22, $0x10;
	s22 =	simm.s32 $0x8;
	s5 =	sshrl.u32 s5, $0x1  }
0x6e: {  	v26 =	vshrl.u32 v26, $0x3;
	v19 =	vshrl.u32 v19, $0x3;
	v20 =	vshll.u32 v20, v2;
	[dreg:$0x17] =	wrdreg s4;
	s14 =	sand.u32 $0xFFC0, s14;
	s13 =	sadd.s32 s17, s5  }
0x6f: {  	v21 =	vshll.u32 v21, v2;
	v22 =	vshll.u32 v22, v2;
	v23 =	vshll.u32 v23, v2;
	s5 =	sand.u32 $0xFFFE, s16;
	s17 =	sshrl.u32 s21, $0x1;
	s21 =	ssub.s32 $0x9, s25  }
0x70: {  	v24 =	vshll.u32 v24, v2;
	v25 =	vshll.u32 v25, v2;
	v26 =	vshll.u32 v26, v2;
	s16 =	simm.s32 $0xB;
	[smem:$0x7EF] =	sst s13;
	s5 =	sshrl.u32 s5, $0x1  }
0x71: {  	v20 =	vbroadcast v20, $0x0;
	v21 =	vbroadcast v21, $0x0;
	v18 =	vshrl.u32 v18, $0x3;
	s13 =	sadd.s32 s20, s17;
	s2 =	sand.u32 $0xFFFE, s21;
	s17 =	simm.s32 $0xA  }
0x72: {  	v22 =	vbroadcast v22, $0x0;
	v18 =	vshll.u32 v18, v2;
	v27 =	vmov s6;
	s21 =	simm.s32 $0xD;
	s23 =	sadd.s32 s24, s5;
	s24 =	ssub.s32 $0xA, s28  }
0x73: {  	v23 =	vbroadcast v23, $0x0;
	v18 =	vbroadcast v18, $0x0;
	v27 =	vshrl.u32 v27, $0x3;
	s20 =	sshrl.u32 s2, $0x1;
	[dreg:$0x1c] =	wrdreg s17;
	s17 =	sand.u32 $0xFFFE, s31  }
0x74: {  	v24 =	vbroadcast v24, $0x0;
	v27 =	vshll.u32 v27, v2;
	v33 =	vmov s21;
	s21 =	sshrl.u32 s0, $0x10;
	s13 =	sand.u32 $0xFFC0, s13;
	s5 =	sand.u32 $0xFFFE, s24  }
0x75: {  	v18 =	vadd.s32 v9, v18;
	v27 =	vbroadcast v27, $0x0;
	v31 =	vmov s16;
	s24 =	simm.s32 $0x9;
	s16 =	sadd.s32 s25, s20;
	s25 =	simm.s32 $0xC  }
0x76: {  	v25 =	vbroadcast v25, $0x0;
	v26 =	vbroadcast v26, $0x0;
	v20 =	vadd.s32 v3, v20;
	s18 =	sshrl.u32 s17, $0x1;
	s4 =	ssub.s32 $0xF, s21;
	[smem:$0x7EA] =	sst s25  }
0x77: {  	v21 =	vadd.s32 v4, v21;
	v22 =	vadd.s32 v6, v22;
	v27 =	vadd.s32 v0, v27;
	s23 =	sand.u32 $0xFFC0, s23;
	s5 =	sshrl.u32 s5, $0x1;
	_ =	swait.ge [sflag:s7], $0x3E80  }
0x78: {  	v35 =	vadd.s32 v7, v23;
	v36 =	vadd.s32 v9, v25;
	v28 =	vmov s22;
	s20 =	sadd.s32 s30, s18;
	s30 =	sadd.s32 $0xFFFFF3B6, s0;
	[sflag:s7] =	ssyncset.done $0x0  }
0x79: {  	v26 =	vadd.s32 v10, v26;
	v32 =	vshrl.u32 v32, $0x3;
	v28 =	vshrl.u32 v28, $0x3;
	s16 =	sand.u32 $0xFFC0, s16;
	s28 =	sadd.s32 s28, s5;
	[sflag:s7] =	ssyncadd.s32 $0xFFFFC180  }
0x7a: {  	v30 =	vmov s3;
	v23 =	vshll.u32 v28, v2;
	v29 =	vmov s24;
	s5 =	sshrl.u32 s19, $0x10;
	s30 =	sshrl.u32 s30, $0x10;
	s20 =	sand.u32 $0xFFC0, s20;
	v34 =	vld.idx.msk [tilespmem:v18+s9+$0x0], $0xffff  }
0x7b: {  	v30 =	vshrl.u32 v30, $0x3;
	v28 =	vbroadcast v23, $0x0;
	v29 =	vshrl.u32 v29, $0x3;
	s16 =	sshrl.u32 s16, $0x6;
	s31 =	ssub.s32 $0xC, s5;
	s18 =	sld [smem:$0x7EC];
	v18 =	vld.idx.msk [tilespmem:v20+s9+$0x0], $0xffff  }
0x7c: {  	v31 =	vshrl.u32 v31, $0x3;
	s2 =	ssub.s32 $0xD, s30;
	s19 =	sld [smem:$0x7ED];
	s28 =	sand.u32 $0xFFC0, s28;
	v20 =	vadd.s32 v8, v24;
	v24 =	vshll.u32 v29, v2;
	v25 =	vld.idx.msk [tilespmem:v27+s9+$0x0], $0xffff  }
0x7d: {  	v37 =	vadd.s32 v0, v28;
	s31 =	sand.u32 $0xFFFE, s31;
	s0 =	sand.u32 $0xFFFE, s2;
	s2 =	sand.u32 $0xFFFE, s4;
	v27 =	vshll.u32 v30, v2;
	v23 =	vld.idx.msk [tilespmem:v21+s9+$0x0], $0xffff;
	v24 =	vbroadcast v24, $0x0  }
0x7e: {  	v33 =	vshrl.u32 v33, $0x3;
	s7 =	sld [smem:$0x7EB];
	s28 =	sshrl.u32 s28, $0x6;
	s31 =	sshrl.u32 s31, $0x1;
	v21 =	vshll.u32 v31, v2;
	v28 =	vld.idx.msk [tilespmem:v22+s9+$0x0], $0xffff;
	v27 =	vbroadcast v27, $0x0  }
0x7f: {  	s0 =	sshrl.u32 s0, $0x1;
	s2 =	sshrl.u32 s2, $0x1;
	v22 =	vshll.u32 v32, v2;
	v30 =	vld.idx.msk [tilespmem:v35+s9+$0x0], $0xffff;
	s25 =	sadd.s32 s5, s31;
	v21 =	vbroadcast v21, $0x0;
	v24 =	vadd.s32 v3, v24  }
0x80: {  	v31 =	vshll.u32 v33, v2;
	v32 =	vld.idx.msk [tilespmem:v26+s9+$0x0], $0xffff;
	s5 =	sadd.s32 s30, s0;
	s17 =	sadd.s32 s21, s2;
	s4 =	sand.u32 $0xFFC0, s18;
	v22 =	vbroadcast v22, $0x0;
	v61 =	vadd.s32 v4, v27  }
0x81: {  	v19 =	vshll.u32 v19, v2;
	s30 =	sand.u32 $0xFFC0, s19;
	s2 =	sld [smem:$0x7EE];
	s19 =	sand.u32 $0xFFC0, s29;
	v21 =	vadd.s32 v6, v21;
	v29 =	vld.idx.msk [tilespmem:v20+s9+$0x0], $0xffff;
	v20 =	vbroadcast v31, $0x0  }
0x82: {  	v19 =	vbroadcast v19, $0x0;
	s21 =	sand.u32 $0xFFC0, s7;
	s7 =	sld [smem:$0x7EF];
	s18 =	sand.u32 $0xFFC0, s25;
	v62 =	vadd.s32 v7, v22;
	v27 =	vld.idx.msk [tilespmem:v37+s9+$0x0], $0xffff  }
0x83: {  	s5 =	sand.u32 $0xFFC0, s5;
	s29 =	sand.u32 $0xFFC0, s17;
	s4 =	sshrl.u32 s4, $0x6;
	v31 =	vld.idx.msk [tilespmem:v36+s9+$0x0], $0xffff;
	v20 =	vadd.s32 v8, v20  }
0x84: {  	v63 =	vadd.s32 v10, v19;
	s30 =	sshrl.u32 s30, $0x6;
	s17 =	sshrl.u32 s19, $0x6;
	s19 =	sld [smem:$0x7F0];
	v26 =	vld.idx.msk [tilespmem:v24+s9+$0x0], $0xffff  }
.Ltmp3:
0x85: {  	s25 =	sshrl.u32 s21, $0x6;
	s0 =	sshrl.u32 s18, $0x6;
	v22 =	vld.idx.msk [tilespmem:v61+s9+$0x0], $0xffff;
	(pc) =	sbr.rel @!p1 .LBB2_4-.Ltmp3, $4  }
0x86: {  	s29 =	sshrl.u32 s29, $0x6;
	s3 =	sand.u32 $0xFFC0, s2;
	s2 =	sshrl.u32 s14, $0x6;
	v24 =	vld.idx.msk [tilespmem:v21+s9+$0x0], $0xffff  }
0x87: {  	s14 =	sshrl.u32 s13, $0x6;
	s13 =	sshrl.u32 s23, $0x6;
	s23 =	sshrl.u32 s20, $0x6;
	v21 =	vld.idx.msk [tilespmem:v62+s9+$0x0], $0xffff  }
0x88: {  	s20 =	smul.u32 $0x7D, s25;
	s31 =	sand.u32 $0xFFC0, s7;
	s21 =	sshrl.u32 s3, $0x6;
	v19 =	vld.idx.msk [tilespmem:v20+s9+$0x0], $0xffff  }
0x89: {  	[tilespmem:s19+$0x5280] =	vst v34;
	s3 =	sshrl.u32 s31, $0x6;
	s31 =	sshrl.u32 s5, $0x6;
	s5 =	smul.u32 $0x7D, s4;
	v20 =	vld.idx.msk [tilespmem:v63+s9+$0x0], $0xffff  }
.LBB2_5:
0x8a: {  	s19 =	smul.u32 $0x7D, s30  }
0x8b: {  	s9 =	smul.u32 $0x7D, s21  }
0x8c: {  	s25 =	smul.u32 $0x1F40, s25  }
0x8d: {  	s4 =	smul.u32 $0x1F40, s4  }
0x8e: {  	s30 =	smul.u32 $0x1F40, s30  }
0x8f: {  	s21 =	smul.u32 $0x1F40, s21  }
0x90: {  	s6 =	ssub.s32 s6, s20;
	s20 =	smul.u32 $0x7D, s3  }
0x91: {  	s18 =	rddreg [dreg:$0x3];
	s3 =	smul.u32 $0x1F40, s3;
	s6 =	sand.u32 $0xFFFF, s6  }
0x92: {  	s5 =	ssub.s32 s10, s5;
	s7 =	ssub.s32 s8, s19;
	s8 =	smul.u32 $0x7D, s17  }
0x93: {  	s9 =	ssub.s32 s12, s9;
	s17 =	smul.u32 $0x1F40, s17;
	s25 =	sshrl.u32 s25, $0x2  }
0x94: {  	s4 =	sshrl.u32 s4, $0x2;
	s30 =	sshrl.u32 s30, $0x2;
	s5 =	sand.u32 $0xFFFF, s5  }
0x95: {  	s21 =	sshrl.u32 s21, $0x2;
	[smem:$0x7DC] =	sst s5;
	s5 =	smul.u32 $0x7D, s2  }
0x96: {  	s7 =	sand.u32 $0xFFFF, s7;
	s19 =	ssub.s32 s18, s8;
	s18 =	smul.u32 $0x7D, s13  }
0x97: {  	s9 =	sand.u32 $0xFFFF, s9;
	s15 =	ssub.s32 s15, s20;
	s2 =	smul.u32 $0x1F40, s2  }
0x98: {  	s6 =	sshll.u32 s6, $0x4;
	s3 =	sshrl.u32 s3, $0x2;
	s13 =	smul.u32 $0x1F40, s13  }
0x99: {  	s8 =	sand.u32 $0xFFFF, s15;
	s11 =	ssub.s32 s11, s5;
	s5 =	smul.u32 $0x7D, s14  }
0x9a: {  	s7 =	sshll.u32 s7, $0x4;
	s20 =	ssub.s32 s22, s18;
	s18 =	smul.u32 $0x7D, s28  }
0x9b: {  	s9 =	sshll.u32 s9, $0x4;
	s17 =	sshrl.u32 s17, $0x2;
	s22 =	smul.u32 $0x7D, s31  }
0x9c: {  	s6 =	sadd.s32 s6, s25;
	s8 =	sshll.u32 s8, $0x4;
	s14 =	smul.u32 $0x1F40, s14  }
0x9d: {  	s21 =	sadd.s32 s9, s21;
	s28 =	smul.u32 $0x1F40, s28;
	s2 =	sshrl.u32 s2, $0x2  }
0x9e: {  	s31 =	smul.u32 $0x1F40, s31;
	s13 =	sshrl.u32 s13, $0x2;
	s8 =	sadd.s32 s8, s3  }
0x9f: {  	s10 =	sand.u32 $0xFFFF, s11;
	s11 =	sand.u32 $0xFFFF, s19;
	s19 =	smul.u32 $0x7D, s16  }
0xa0: {  	s20 =	sand.u32 $0xFFFF, s20;
	s12 =	ssub.s32 s26, s5;
	s26 =	rddreg [dreg:$0x12]  }
0xa1: {  	s16 =	smul.u32 $0x1F40, s16;
	s5 =	sld [smem:$0x7EA];
	s10 =	sshll.u32 s10, $0x4  }
0xa2: {  	s11 =	sshll.u32 s11, $0x4;
	s20 =	sshll.u32 s20, $0x4;
	s14 =	sshrl.u32 s14, $0x2  }
0xa3: {  	s28 =	sshrl.u32 s28, $0x2;
	s25 =	sshrl.u32 s31, $0x2;
	s12 =	sand.u32 $0xFFFF, s12  }
0xa4: {  	s15 =	ssub.s32 s24, s19;
	s19 =	smul.u32 $0x7D, s23;
	s24 =	rddreg [dreg:$0x1c]  }
0xa5: {  	s23 =	smul.u32 $0x1F40, s23;
	s16 =	sshrl.u32 s16, $0x2;
	s2 =	sadd.s32 s10, s2  }
0xa6: {  	s13 =	sadd.s32 s20, s13;
	s18 =	ssub.s32 s24, s18;
	s24 =	smul.u32 $0x7D, s0  }
0xa7: {  	s15 =	sand.u32 $0xFFFF, s15;
	s12 =	sshll.u32 s12, $0x4;
	s0 =	smul.u32 $0x1F40, s0  }
0xa8: {  	[tilespmem:s2+$0x5280] =	vst v30;
	s2 =	simm.s32 $0x1400;
	s18 =	sand.u32 $0xFFFF, s18;
	s19 =	ssub.s32 s26, s19  }
0xa9: {  	s26 =	smul.u32 $0x7D, s29;
	s15 =	sshll.u32 s15, $0x4;
	s23 =	sshrl.u32 s23, $0x2  }
0xaa: {  	s9 =	sadd.s32 s12, s14;
	s19 =	sand.u32 $0xFFFF, s19;
	s24 =	ssub.s32 s5, s24  }
0xab: {  	s5 =	smov.u32 s29;
	s29 =	rddreg [dreg:$0x17];
	s18 =	sshll.u32 s18, $0x4  }
0xac: {  	s0 =	sshrl.u32 s0, $0x2;
	s10 =	sadd.s32 s15, s16;
	s16 =	sadd.s32 $0x10, s1  }
0xad: {  	s24 =	sand.u32 $0xFFFF, s24;
	s22 =	ssub.s32 s29, s22;
	s26 =	ssub.s32 s1, s26  }
0xae: {  	s29 =	sld [smem:$0x7DC];
	s19 =	sshll.u32 s19, $0x4;
	s12 =	sadd.s32 $0xFFFFFFF3, s16  }
0xaf: {  	s3 =	sadd.s32 $0xFFFFFFFF, s16;
	s20 =	sadd.s32 $0xFFFFFFF5, s16;
	[smem:$0x7E5] =	sst s12  }
0xb0: {  	[tilespmem:s21+$0x5280] =	vst v28;
	s21 =	sadd.s32 $0xFFFFFFF7, s16;
	s22 =	sand.u32 $0xFFFF, s22;
	[smem:$0x7E7] =	sst s20  }
0xb1: {  	s26 =	sand.u32 $0xFFFF, s26;
	[smem:$0x7E8] =	sst s21;
	s29 =	sshll.u32 s29, $0x4  }
0xb2: {  	s24 =	sshll.u32 s24, $0x4;
	s19 =	sadd.s32 s19, s23;
	[smem:$0x7DD] =	sst s29  }
0xb3: {  	[tilespmem:s6+$0x5280] =	vst v25;
	s23 =	sadd.s32 $0xFFFFFFF8, s16;
	s22 =	sshll.u32 s22, $0x4;
	s6 =	sld [smem:$0x7DD]  }
0xb4: {  	s26 =	sshll.u32 s26, $0x4;
	[smem:$0x7DE] =	sst s23;
	s29 =	smul.u32 $0x1F40, s5  }
0xb5: {  	[tilespmem:s13+$0x5280] =	vst v27;
	v27 =	vmov s23;
	s23 =	sadd.s32 $0xFFFFFFF9, s16;
	s15 =	sadd.s32 s22, s25;
	s22 =	sadd.s32 $0xFFFFFFF4, s16  }
0xb6: {  	[dreg:$0x8] =	wrdreg s22;
	s29 =	sshrl.u32 s29, $0x2;
	s4 =	sadd.s32 s6, s4  }
0xb7: {  	s6 =	sadd.s32 s7, s30;
	s7 =	sadd.s32 s11, s17;
	s17 =	sadd.s32 s18, s28;
	[tilespmem:s4+$0x5280] =	vst v18  }
0xb8: {  	s18 =	sadd.s32 s24, s0;
	s11 =	sadd.s32 $0xFFFFFFF2, s16;
	s0 =	smul.u32 $0x625, s16;
	[tilespmem:s6+$0x5280] =	vst v23  }
0xb9: {  	s6 =	sadd.s32 s26, s29;
	[smem:$0x7E6] =	sst s11;
	[tilespmem:s7+$0x5280] =	vst v29;
	s7 =	sadd.s32 $0xFFFFFFF6, s16  }
0xba: {  	v23 =	vmov s11;
	[tilespmem:s18+$0x5280] =	vst v21;
	s4 =	sadd.s32 $0xFFFFFFFA, s16;
	s11 =	sadd.s32 $0xFFFFFFFB, s16;
	s18 =	sadd.s32 $0xFFFFFFF1, s16  }
0xbb: {  	[tilespmem:s9+$0x5280] =	vst v32;
	v25 =	vmov s12;
	s9 =	sadd.s32 $0xFFFFA3D5, s0;
	s12 =	sadd.s32 $0xFFFFA9FA, s0;
	s24 =	sadd.s32 $0xFFFFF9DB, s0  }
0xbc: {  	[tilespmem:s8+$0x5280] =	vst v31;
	v59 =	vmov s21;
	s21 =	sadd.s32 $0xFFFFB01F, s0;
	s13 =	sadd.s32 $0xFFFFB644, s0;
	s14 =	sadd.s32 $0xFFFFBC69, s0  }
0xbd: {  	[tilespmem:s10+$0x5280] =	vst v26;
	s10 =	sadd.s32 $0xFFFFC28E, s0;
	s8 =	sadd.s32 $0xFFFFC8B3, s0;
	[dreg:$0xd] =	wrdreg s4  }
0xbe: {  	[tilespmem:s17+$0x5280] =	vst v22;
	s17 =	sadd.s32 $0xFFFFCED8, s0;
	s28 =	sadd.s32 $0xFFFFD4FD, s0;
	[smem:$0x7E4] =	sst s18  }
0xbf: {  	s29 =	sadd.s32 $0xFFFFE147, s0;
	[tilespmem:s6+$0x5280] =	vst v20;
	s6 =	sadd.s32 $0xFFFFFFFC, s16;
	[dreg:$0x3] =	wrdreg s7  }
0xc0: {  	[tilespmem:s19+$0x5280] =	vst v24;
	[dreg:$0x1c] =	wrdreg s11;
	s5 =	sshrl.u32 s24, $0x10;
	s19 =	sshrl.u32 s9, $0x10  }
0xc1: {  	s9 =	sshrl.u32 s8, $0x10;
	s8 =	sld [smem:$0x7E8];
	s25 =	ssub.s32 s3, s5  }
0xc2: {  	v30 =	vmov s20;
	s30 =	sadd.s32 $0xFFFFE76C, s0;
	[dreg:$0x12] =	wrdreg s6;
	s20 =	sand.u32 $0xFFFE, s25  }
0xc3: {  	v28 =	vmov s3;
	s10 =	sshrl.u32 s10, $0x10;
	[smem:$0x7DF] =	sst s19;
	s26 =	sshrl.u32 s20, $0x1  }
0xc4: {  	v28 =	vshrl.u32 v28, $0x3;
	s31 =	sadd.s32 $0xFFFFED91, s0;
	[smem:$0x7E1] =	sst s10;
	s5 =	sadd.s32 s5, s26  }
0xc5: {  	v28 =	vshll.u32 v28, v2;
	s24 =	sadd.s32 $0xFFFFFFFD, s16;
	[smem:$0x7E2] =	sst s9;
	s5 =	sand.u32 $0xFFC0, s5  }
0xc6: {  	v28 =	vbroadcast v28, $0x0;
	s13 =	sshrl.u32 s13, $0x10;
	[smem:$0x7EA] =	sst s24;
	s5 =	sshrl.u32 s5, $0x6  }
0xc7: {  	v24 =	vshrl.u32 v27, $0x3;
	s25 =	sadd.s32 $0xFFFFDB22, s0;
	s26 =	sadd.s32 $0xFFFFFFFE, s16;
	s1 =	smul.u32 $0x7D, s5  }
0xc8: {  	v25 =	vshrl.u32 v25, $0x3;
	v24 =	vshll.u32 v24, v2;
	v28 =	vadd.s32 v9, v28;
	s20 =	sadd.s32 $0xFFFFF3B6, s0;
	[dreg:$0x17] =	wrdreg s26;
	s5 =	smul.u32 $0x1F40, s5  }
0xc9: {  	[tilespmem:s15+$0x5280] =	vst v19;
	v24 =	vbroadcast v24, $0x0;
	v18 =	vmov s16;
	v29 =	vmov s22;
	s15 =	ssub.s32 s3, s1;
	s3 =	sshrl.u32 s12, $0x10;
	s1 =	sshrl.u32 s17, $0x10  }
0xca: {  	v21 =	vshll.u32 v25, v2;
	v31 =	vmov s7;
	v23 =	vshrl.u32 v23, $0x3;
	s17 =	sshrl.u32 s28, $0x10;
	s28 =	sshrl.u32 s29, $0x10;
	s29 =	sshrl.u32 s30, $0x10  }
0xcb: {  	v26 =	vshrl.u32 v29, $0x3;
	v29 =	vshrl.u32 v30, $0x3;
	v30 =	vshrl.u32 v59, $0x3;
	s30 =	sshrl.u32 s31, $0x10;
	s31 =	sshrl.u32 s20, $0x10;
	s20 =	sld [smem:$0x7E5]  }
0xcc: {  	v18 =	vshrl.u32 v18, $0x3;
	v21 =	vbroadcast v21, $0x0;
	v27 =	vmov s4;
	s12 =	sshrl.u32 s21, $0x10;
	s21 =	sshrl.u32 s0, $0x10;
	s0 =	sld [smem:$0x7E7]  }
0xcd: {  	v22 =	vshrl.u32 v31, $0x3;
	v23 =	vshll.u32 v23, v2;
	v25 =	vshll.u32 v26, v2;
	v28 =	vld.idx.msk [tilespmem:v28+s2+$0x0], $0xffff;
	s14 =	sshrl.u32 s14, $0x10;
	s25 =	sshrl.u32 s25, $0x10;
	[smem:$0x7E0] =	sst s12  }
0xce: {  	v26 =	vshll.u32 v29, v2;
	v18 =	vshll.u32 v18, v2;
	v29 =	vmov s11;
	s5 =	sshrl.u32 s5, $0x2;
	s15 =	sand.u32 $0xFFFF, s15;
	[smem:$0x7E3] =	sst s1  }
0xcf: {  	v31 =	vmov s18;
	v60 =	vmov s24;
	v33 =	vmov s26;
	s11 =	ssub.s32 s11, s28;
	s24 =	ssub.s32 s24, s30;
	s26 =	ssub.s32 s26, s31  }
0xd0: {  	v27 =	vshrl.u32 v27, $0x3;
	v19 =	vshll.u32 v22, v2;
	v22 =	vshll.u32 v30, v2;
	s15 =	sshll.u32 s15, $0x4;
	s11 =	sand.u32 $0xFFFE, s11;
	s24 =	sand.u32 $0xFFFE, s24  }
0xd1: {  	v20 =	vbroadcast v23, $0x0;
	v23 =	vbroadcast v25, $0x0;
	v25 =	vmov s23;
	s26 =	sand.u32 $0xFFFE, s26;
	s5 =	sadd.s32 s15, s5;
	s11 =	sshrl.u32 s11, $0x1  }
0xd2: {  	v30 =	vmov s6;
	v29 =	vshrl.u32 v29, $0x3;
	v27 =	vshll.u32 v27, v2;
	s24 =	sshrl.u32 s24, $0x1;
	s26 =	sshrl.u32 s26, $0x1;
	[tilespmem:s5+$0x5280] =	vst v28;
	s5 =	ssub.s32 s18, s19  }
0xd3: {  	v26 =	vbroadcast v26, $0x0;
	v21 =	vadd.s32 v4, v21;
	v35 =	vbroadcast v18, $0x0;
	s19 =	sld [smem:$0x7E6];
	s18 =	ssub.s32 s20, s12;
	s20 =	ssub.s32 s0, s14  }
0xd4: {  	v25 =	vshrl.u32 v25, $0x3;
	v30 =	vshrl.u32 v30, $0x3;
	v20 =	vadd.s32 v3, v20;
	s0 =	sld [smem:$0x7DE];
	s12 =	ssub.s32 s4, s25;
	s4 =	ssub.s32 s16, s21  }
0xd5: {  	v32 =	vshrl.u32 v60, $0x3;
	v29 =	vshll.u32 v29, v2;
	v19 =	vbroadcast v19, $0x0;
	s11 =	sadd.s32 s28, s11;
	s5 =	sand.u32 $0xFFFE, s5;
	s18 =	sand.u32 $0xFFFE, s18  }
0xd6: {  	v22 =	vbroadcast v22, $0x0;
	v27 =	vbroadcast v27, $0x0;
	v26 =	vadd.s32 v7, v26;
	s20 =	sand.u32 $0xFFFE, s20;
	s11 =	sand.u32 $0xFFC0, s11;
	s5 =	sshrl.u32 s5, $0x1  }
0xd7: {  	v25 =	vshll.u32 v25, v2;
	v30 =	vshll.u32 v30, v2;
	v19 =	vadd.s32 v8, v19;
	s18 =	sshrl.u32 s18, $0x1;
	s20 =	sshrl.u32 s20, $0x1;
	s28 =	sshrl.u32 s11, $0x6  }
0xd8: {  	v29 =	vbroadcast v29, $0x0;
	v61 =	vbroadcast v25, $0x0;
	v62 =	vadd.s32 v3, v27;
	s11 =	sld [smem:$0x7E7];
	s15 =	ssub.s32 s19, s3;
	s19 =	ssub.s32 s22, s13  }
0xd9: {  	v30 =	vbroadcast v30, $0x0;
	v18 =	vld.idx.msk [tilespmem:v20+s2+$0x0], $0xffff;
	v20 =	vadd.s32 v9, v22;
	v22 =	vadd.s32 v10, v24;
	s22 =	ssub.s32 s7, s10;
	s7 =	ssub.s32 s8, s9;
	s9 =	ssub.s32 s0, s1  }
0xda: {  	v32 =	vshll.u32 v32, v2;
	v34 =	vadd.s32 v6, v23;
	v23 =	vld.idx.msk [tilespmem:v21+s2+$0x0], $0xffff;
	v24 =	vadd.s32 v0, v61;
	s10 =	ssub.s32 s23, s17;
	s1 =	smov.u32 s17;
	s17 =	ssub.s32 s6, s29  }
0xdb: {  	v32 =	vbroadcast v32, $0x0;
	v36 =	vadd.s32 v4, v29;
	v21 =	vadd.s32 v6, v30;
	v30 =	vld.idx.msk [tilespmem:v26+s2+$0x0], $0xffff;
	s6 =	sand.u32 $0xFFFE, s4;
	s15 =	sand.u32 $0xFFFE, s15;
	s19 =	sand.u32 $0xFFFE, s19  }
0xdc: {  	v31 =	vshrl.u32 v31, $0x3;
	v29 =	vld.idx.msk [tilespmem:v19+s2+$0x0], $0xffff;
	s22 =	sand.u32 $0xFFFE, s22;
	s7 =	sand.u32 $0xFFFE, s7;
	s8 =	sand.u32 $0xFFFE, s9  }
0xdd: {  	v31 =	vshll.u32 v31, v2;
	v37 =	vadd.s32 v7, v32;
	v26 =	vld.idx.msk [tilespmem:v62+s2+$0x0], $0xffff;
	s9 =	sand.u32 $0xFFFE, s10;
	s10 =	sand.u32 $0xFFFE, s12;
	s12 =	sand.u32 $0xFFFE, s17  }
0xde: {  	v33 =	vshrl.u32 v33, $0x3;
	v28 =	vbroadcast v31, $0x0;
	v32 =	vld.idx.msk [tilespmem:v22+s2+$0x0], $0xffff;
	s6 =	sshrl.u32 s6, $0x1;
	s17 =	sld [smem:$0x7DF];
	s15 =	sshrl.u32 s15, $0x1  }
0xdf: {  	v63 =	vadd.s32 v10, v35;
	v31 =	vshll.u32 v33, v2;
	v27 =	vld.idx.msk [tilespmem:v24+s2+$0x0], $0xffff;
	s19 =	sshrl.u32 s19, $0x1;
	s22 =	sshrl.u32 s22, $0x1;
	s7 =	sshrl.u32 s7, $0x1  }
0xe0: {  	v22 =	vld.idx.msk [tilespmem:v36+s2+$0x0], $0xffff;
	v31 =	vbroadcast v31, $0x0;
	v28 =	vadd.s32 v0, v28;
	s8 =	sshrl.u32 s8, $0x1;
	s9 =	sshrl.u32 s9, $0x1;
	s10 =	sshrl.u32 s10, $0x1  }
0xe1: {  	v24 =	vld.idx.msk [tilespmem:v21+s2+$0x0], $0xffff;
	s12 =	sshrl.u32 s12, $0x1;
	s6 =	sadd.s32 s21, s6;
	s3 =	sadd.s32 s3, s15  }
0xe2: {  	v21 =	vld.idx.msk [tilespmem:v37+s2+$0x0], $0xffff;
	v38 =	vadd.s32 v8, v31;
	s15 =	sld [smem:$0x7E0];
	s9 =	sadd.s32 s1, s9;
	s10 =	sadd.s32 s25, s10  }
0xe3: {  	v31 =	vld.idx.msk [tilespmem:v20+s2+$0x0], $0xffff;
	s12 =	sadd.s32 s29, s12;
	s25 =	sadd.s32 s30, s24;
	s24 =	rddreg [dreg:$0xd]  }
0xe4: {  	v20 =	vld.idx.msk [tilespmem:v63+s2+$0x0], $0xffff;
	s17 =	sadd.s32 s17, s5;
	s5 =	sadd.s32 s13, s19;
	s19 =	sld [smem:$0x7E1]  }
0xe5: {  	s1 =	smov.u32 s16;
	v25 =	vld.idx.msk [tilespmem:v28+s2+$0x0], $0xffff;
	s13 =	sadd.s32 s14, s20;
	s20 =	sld [smem:$0x7E2]  }
0xe6: {  	v28 =	vld.idx.msk [tilespmem:v34+s2+$0x0], $0xffff;
	s3 =	sand.u32 $0xFFC0, s3;
	s9 =	sand.u32 $0xFFC0, s9;
	s10 =	sand.u32 $0xFFC0, s10  }
0xe7: {  	s12 =	sand.u32 $0xFFC0, s12;
	v19 =	vld.idx.msk [tilespmem:v38+s2+$0x0], $0xffff;
	s2 =	sadd.s32 s31, s26;
	s26 =	smov.u32 s0  }
0xe8: {  	s17 =	sand.u32 $0xFFC0, s17;
	s5 =	sand.u32 $0xFFC0, s5;
	s13 =	sand.u32 $0xFFC0, s13  }
0xe9: {  	s16 =	sshrl.u32 s10, $0x6;
	s10 =	sld [smem:$0x7E6];
	s4 =	sadd.s32 s15, s18  }
0xea: {  	s15 =	sand.u32 $0xFFC0, s25;
	s25 =	sshrl.u32 s17, $0x6;
	s21 =	sshrl.u32 s5, $0x6  }
0xeb: {  	s14 =	sadd.s32 s19, s22;
	s22 =	smov.u32 s23;
	s23 =	sld [smem:$0x7E3]  }
0xec: {  	s7 =	sadd.s32 s20, s7;
	s20 =	sand.u32 $0xFFC0, s6;
	s6 =	sld [smem:$0x7E4]  }
0xed: {  	s18 =	sand.u32 $0xFFC0, s4;
	s19 =	sand.u32 $0xFFC0, s2;
	s4 =	sshrl.u32 s3, $0x6  }
0xee: {  	s2 =	sshrl.u32 s13, $0x6;
	s13 =	sshrl.u32 s9, $0x6;
	s0 =	sshrl.u32 s15, $0x6  }
0xef: {  	s15 =	sld [smem:$0x7E8];
	s14 =	sand.u32 $0xFFC0, s14;
	p1 =	slt.u32 s6, $0x3D0  }
.Ltmp4:
0xf0: {  	s7 =	sand.u32 $0xFFC0, s7;
	s30 =	sshrl.u32 s18, $0x6;
	(pc) =	sbr.rel @p1 .LBB2_5-.Ltmp4, $4  }
0xf1: {  	s31 =	sshrl.u32 s19, $0x6;
	s29 =	sshrl.u32 s20, $0x6;
	s20 =	smul.u32 $0x7D, s25  }
0xf2: {  	s5 =	smul.u32 $0x7D, s4;
	s17 =	sshrl.u32 s14, $0x6;
	s8 =	sadd.s32 s23, s8  }
0xf3: {  	s23 =	sshrl.u32 s12, $0x6;
	s12 =	rddreg [dreg:$0x8];
	s8 =	sand.u32 $0xFFC0, s8  }
0xf4: {  	s3 =	sshrl.u32 s7, $0x6;
	s14 =	sshrl.u32 s8, $0x6;
	s8 =	sld [smem:$0x7E5]  }
0xf5: {  	_ = 	snop  }
0xf6: {  	s18 =	smov.u32 s6;
	[smem:$0x7E9] =	sst s22  }
0xf7: {  	s24 =	smov.u32 s11;
	s19 =	smov.u32 s10;
	s22 =	smov.u32 s8  }
.LBB2_7:
0xf8: {  	s6 =	smul.u32 $0x7D, s30  }
0xf9: {  	s7 =	smul.u32 $0x7D, s21  }
0xfa: {  	s8 =	smul.u32 $0x7D, s2  }
0xfb: {  	s9 =	smul.u32 $0x7D, s17  }
0xfc: {  	s10 =	smul.u32 $0x7D, s3  }
0xfd: {  	s11 =	smul.u32 $0x7D, s14  }
0xfe: {  	s12 =	smul.u32 $0x7D, s13  }
0xff: {  	s20 =	ssub.s32 s18, s20;
	s18 =	smul.u32 $0x7D, s16  }
0x100: {  	s19 =	ssub.s32 s19, s5;
	s5 =	smul.u32 $0x7D, s28  }
0x101: {  	s25 =	smul.u32 $0x1F40, s25  }
0x102: {  	s4 =	smul.u32 $0x1F40, s4  }
0x103: {  	s21 =	smul.u32 $0x1F40, s21;
	s6 =	ssub.s32 s22, s6;
	s22 =	rddreg [dreg:$0x8]  }
0x104: {  	s20 =	sand.u32 $0xFFFF, s20;
	s8 =	ssub.s32 s24, s8;
	s24 =	rddreg [dreg:$0x3]  }
0x105: {  	s19 =	sand.u32 $0xFFFF, s19;
	s11 =	ssub.s32 s26, s11;
	s26 =	rddreg [dreg:$0xd]  }
0x106: {  	s10 =	ssub.s32 s15, s10;
	s15 =	rddreg [dreg:$0x12];
	s25 =	sshrl.u32 s25, $0x2  }
0x107: {  	s4 =	sshrl.u32 s4, $0x2;
	[smem:$0x7DB] =	sst s6;
	s7 =	ssub.s32 s22, s7  }
0x108: {  	s6 =	smul.u32 $0x7D, s23;
	s9 =	ssub.s32 s24, s9;
	s24 =	sld [smem:$0x7E9]  }
0x109: {  	s22 =	smul.u32 $0x7D, s0;
	s18 =	ssub.s32 s26, s18;
	s26 =	rddreg [dreg:$0x1c]  }
0x10a: {  	s8 =	sand.u32 $0xFFFF, s8;
	s26 =	ssub.s32 s26, s5;
	s5 =	smul.u32 $0x7D, s29  }
0x10b: {  	s7 =	sand.u32 $0xFFFF, s7;
	s9 =	sand.u32 $0xFFFF, s9;
	s8 =	sshll.u32 s8, $0x4  }
0x10c: {  	s6 =	ssub.s32 s15, s6;
	s15 =	sld [smem:$0x7EA];
	s12 =	ssub.s32 s24, s12  }
0x10d: {  	s24 =	smul.u32 $0x7D, s31;
	s1 =	ssub.s32 s1, s5;
	s5 =	sshll.u32 s20, $0x4  }
0x10e: {  	s5 =	sadd.s32 s5, s25;
	s25 =	smul.u32 $0x1F40, s30;
	s30 =	sld [smem:$0x7DB]  }
0x10f: {  	s7 =	sshll.u32 s7, $0x4;
	s22 =	ssub.s32 s15, s22;
	s15 =	rddreg [dreg:$0x17]  }
0x110: {  	s9 =	sshll.u32 s9, $0x4;
	s24 =	ssub.s32 s15, s24;
	s15 =	sshll.u32 s19, $0x4  }
0x111: {  	s19 =	sshrl.u32 s25, $0x2;
	s25 =	smul.u32 $0x1F40, s2;
	s20 =	sand.u32 $0xFFFF, s30  }
0x112: {  	s6 =	sand.u32 $0xFFFF, s6;
	s30 =	smul.u32 $0x1F40, s17;
	s20 =	sshll.u32 s20, $0x4  }
0x113: {  	s4 =	sadd.s32 s15, s4;
	s15 =	sadd.s32 s20, s19;
	s20 =	smul.u32 $0x1F40, s3  }
0x114: {  	s12 =	sand.u32 $0xFFFF, s12;
	s17 =	sshrl.u32 s30, $0x2;
	s30 =	smul.u32 $0x1F40, s14  }
0x115: {  	s1 =	sand.u32 $0xFFFF, s1;
	s2 =	sshrl.u32 s25, $0x2;
	s14 =	smul.u32 $0x1F40, s16  }
0x116: {  	s25 =	sand.u32 $0xFFFF, s10;
	[tilespmem:s4+$0x5280] =	vst v18;
	s4 =	sshll.u32 s12, $0x4;
	s16 =	smul.u32 $0x1F40, s28  }
0x117: {  	s19 =	sshrl.u32 s21, $0x2;
	s2 =	sadd.s32 s8, s2;
	s28 =	smul.u32 $0x1F40, s29  }
0x118: {  	[tilespmem:s5+$0x5280] =	vst v25;
	s7 =	sadd.s32 s7, s19;
	s21 =	sadd.s32 s9, s17;
	s17 =	smul.u32 $0x1F40, s23  }
0x119: {  	s9 =	sshll.u32 s25, $0x4;
	[tilespmem:s15+$0x5280] =	vst v23;
	s15 =	sand.u32 $0xFFFF, s26;
	s19 =	smul.u32 $0x1F40, s0  }
0x11a: {  	[tilespmem:s2+$0x5280] =	vst v30;
	s25 =	smul.u32 $0x1F40, s31;
	s26 =	sand.u32 $0xFFFF, s24;
	s3 =	sshrl.u32 s20, $0x2  }
0x11b: {  	[tilespmem:s7+$0x5280] =	vst v28;
	s2 =	sshll.u32 s15, $0x4;
	s20 =	sshrl.u32 s16, $0x2;
	s3 =	sadd.s32 s9, s3  }
0x11c: {  	[tilespmem:s21+$0x5280] =	vst v29;
	s9 =	sand.u32 $0xFFFF, s11;
	s11 =	smul.u32 $0x1F40, s13;
	s13 =	sand.u32 $0xFFFF, s18  }
0x11d: {  	s18 =	sshll.u32 s6, $0x4;
	s21 =	sshrl.u32 s17, $0x2;
	s2 =	sadd.s32 s2, s20;
	[tilespmem:s3+$0x5280] =	vst v31  }
0x11e: {  	s10 =	sshrl.u32 s30, $0x2;
	s5 =	sshll.u32 s9, $0x4;
	s3 =	sadd.s32 s18, s21;
	[tilespmem:s2+$0x5280] =	vst v22  }
0x11f: {  	s29 =	sshrl.u32 s25, $0x2;
	s2 =	sshll.u32 s26, $0x4;
	s5 =	sadd.s32 s5, s10;
	[tilespmem:s3+$0x5280] =	vst v24  }
0x120: {  	s23 =	sand.u32 $0xFFFF, s22;
	s9 =	sshrl.u32 s11, $0x2;
	s2 =	sadd.s32 s2, s29;
	[tilespmem:s5+$0x5280] =	vst v32  }
0x121: {  	s7 =	sshll.u32 s13, $0x4;
	s4 =	sadd.s32 s4, s9;
	s9 =	sshrl.u32 s14, $0x2;
	[tilespmem:s2+$0x5280] =	vst v19  }
0x122: {  	s0 =	sshrl.u32 s19, $0x2;
	s7 =	sadd.s32 s7, s9;
	[tilespmem:s4+$0x5280] =	vst v27;
	s4 =	sshll.u32 s23, $0x4  }
0x123: {  	s30 =	sshll.u32 s1, $0x4;
	s31 =	sshrl.u32 s28, $0x2;
	[tilespmem:s7+$0x5280] =	vst v26;
	s0 =	sadd.s32 s4, s0  }
0x124: {  	[tilespmem:s0+$0x5280] =	vst v21;
	s0 =	sadd.s32 s30, s31  }
0x125: {  	s2 =	simm.s32 $0x3E0;
	s7 =	simm.s32 $0x1400;
	[tilespmem:s0+$0x5280] =	vst v20  }
.LBB2_8:
0x126: {  	s0 =	smul.u32 $0x625, s2;
	_ =	sdelay $0x1  }
0x127: {  	s0 =	sshrl.u32 s0, $0x10  }
0x128: {  	v18 =	vmov s2;
	s1 =	ssub.s32 s2, s0  }
0x129: {  	v18 =	vand.u32 $0x3FF, v18;
	s1 =	sand.u32 $0xFFFE, s1  }
0x12a: {  	v18 =	vadd.s32 v0, v18;
	s1 =	sshrl.u32 s1, $0x1  }
0x12b: {  	s0 =	sadd.s32 s0, s1  }
0x12c: {  	s0 =	sand.u32 $0xFFC0, s0  }
0x12d: {  	s0 =	sshrl.u32 s0, $0x6  }
0x12e: {  	s31 =	smul.u32 $0x7D, s0  }
0x12f: {  	p1 =	sne.s32 s2, $0x3E7;
	v18 =	vld.idx.msk [tilespmem:v18+s7+$0x0], $0xffff;
	s0 =	smul.u32 $0x1F40, s0  }
.Ltmp5:
0x130: {  	s1 =	ssub.s32 s2, s31;
	(pc) =	sbr.rel @p1 .LBB2_8-.Ltmp5, $4  }
0x131: {  	s1 =	sand.u32 $0xFFFF, s1  }
0x132: {  	s0 =	sshrl.u32 s0, $0x2;
	s1 =	sshll.u32 s1, $0x4  }
0x133: {  	s0 =	sadd.s32 s1, s0  }
0x134: {  	s2 =	sadd.s32 $0x1, s2;
	[tilespmem:s0+$0x5280] =	vst v18  }
0x135: {  	s0 =	rddreg [dreg:$0x1]  }
0x136: {  	s1 =	simm.s32 $0x0;
	s2 =	simm.s32 $0x7D;
	s3 =	simm.s32 $0x5280  }
0x137: {  	[spmem:s0] =	stream.indirect.scatter.add.f32 [tilespmem:s3], [sflag:$0x1], $0x10, s1, s2, $0xb8;
	[tilespmem:$0x10890] =	vst v63  }
0x138: {  	s5 =	simm.s32 $0x80;
	s6 =	simm.s32 $0x5A50  }
0x139: {  	[spmem:s0] =	stream.indirect.scatter.add.f32 [tilespmem:s6], [sflag:$0x1], $0x10, s5, s2, $0xb8;
	[tilespmem:$0x10890] =	vst v63  }
0x13a: {  	s8 =	simm.s32 $0x100;
	s9 =	simm.s32 $0x6220  }
0x13b: {  	[spmem:s0] =	stream.indirect.scatter.add.f32 [tilespmem:s9], [sflag:$0x1], $0x10, s8, s2, $0xb8;
	[tilespmem:$0x10890] =	vst v63  }
0x13c: {  	s10 =	simm.s32 $0x180;
	s11 =	simm.s32 $0x69F0  }
0x13d: {  	[spmem:s0] =	stream.indirect.scatter.add.f32 [tilespmem:s11], [sflag:$0x1], $0x10, s10, s2, $0xb8;
	[tilespmem:$0x10890] =	vst v63  }
0x13e: {  	s12 =	simm.s32 $0x200;
	s13 =	simm.s32 $0x71C0  }
0x13f: {  	[spmem:s0] =	stream.indirect.scatter.add.f32 [tilespmem:s13], [sflag:$0x1], $0x10, s12, s2, $0xb8;
	[tilespmem:$0x10890] =	vst v63  }
0x140: {  	s14 =	simm.s32 $0x280;
	s15 =	simm.s32 $0x7990  }
0x141: {  	[spmem:s0] =	stream.indirect.scatter.add.f32 [tilespmem:s15], [sflag:$0x1], $0x10, s14, s2, $0xb8;
	[tilespmem:$0x10890] =	vst v63  }
0x142: {  	s16 =	simm.s32 $0x300;
	s17 =	simm.s32 $0x8160  }
0x143: {  	[spmem:s0] =	stream.indirect.scatter.add.f32 [tilespmem:s17], [sflag:$0x1], $0x10, s16, s2, $0xb8;
	[tilespmem:$0x10890] =	vst v63  }
0x144: {  	s18 =	simm.s32 $0x380;
	s19 =	simm.s32 $0x8930;
	s20 =	simm.s32 $0x1  }
0x145: {  	[spmem:s0] =	stream.indirect.scatter.add.f32 [tilespmem:s19], [sflag:$0x1], $0x10, s18, s2, $0xb8;
	[tilespmem:$0x10890] =	vst v63  }
0x146: {  	_ =	swait.ge [sflag:s20], $0x7D0  }
0x147: {  	[sflag:s20] =	ssyncset.done $0x0  }
0x148: {  	[sflag:s20] =	ssyncadd.s32 $0xFFFFF830  }
0x149: {  	_ =	swait.ge [sflag:s20], $0x7D0  }
0x14a: {  	[sflag:s20] =	ssyncset.done $0x0  }
0x14b: {  	[sflag:s20] =	ssyncadd.s32 $0xFFFFF830  }
0x14c: {  	_ =	swait.ge [sflag:s20], $0x7D0  }
0x14d: {  	[sflag:s20] =	ssyncset.done $0x0  }
0x14e: {  	[sflag:s20] =	ssyncadd.s32 $0xFFFFF830  }
0x14f: {  	_ =	swait.ge [sflag:s20], $0x7D0  }
0x150: {  	[sflag:s20] =	ssyncset.done $0x0  }
0x151: {  	[sflag:s20] =	ssyncadd.s32 $0xFFFFF830  }
0x152: {  	s22 =	simm.s32 $0x3E8;
	_ =	swait.ge [sflag:s20], $0x7D0  }
0x153: {  	s4 =	simm.s32 $0x27100;
	s26 =	simm.s32 $0x7;
	[sflag:s20] =	ssyncset.done $0x0  }
0x154: {  	p1 =	por $0x1, $0x1;
	s1 =	simm.s32 $0xF;
	[sflag:s20] =	ssyncadd.s32 $0xFFFFF830  }
0x155: {  	s3 =	simm.s32 $0xE;
	s9 =	simm.s32 $0x1;
	_ =	swait.ge [sflag:s20], $0x7D0  }
0x156: {  	s8 =	simm.s32 $0x2;
	s10 =	simm.s32 $0x4;
	[sflag:s20] =	ssyncset.done $0x0  }
0x157: {  	s11 =	simm.s32 $0x5;
	s0 =	smul.u32 $0x625, s1;
	[sflag:s20] =	ssyncadd.s32 $0xFFFFF830  }
0x158: {  	s12 =	simm.s32 $0x3;
	s15 =	simm.s32 $0x6;
	_ =	swait.ge [sflag:s20], $0x7D0  }
0x159: {  	s23 =	sadd.s32 $0xFFFFF9DB, s0;
	s5 =	sadd.s32 $0xFFFFA3D5, s0;
	[sflag:s20] =	ssyncset.done $0x0  }
0x15a: {  	s6 =	sadd.s32 $0xFFFFA9FA, s0;
	s13 =	sadd.s32 $0xFFFFB01F, s0;
	[sflag:s20] =	ssyncadd.s32 $0xFFFFF830  }
0x15b: {  	s14 =	sadd.s32 $0xFFFFB644, s0;
	s25 =	sadd.s32 $0xFFFFBC69, s0;
	_ =	swait.ge [sflag:s20], $0x7D0  }
0x15c: {  	s16 =	sadd.s32 $0xFFFFC28E, s0;
	s17 =	sadd.s32 $0xFFFFC8B3, s0;
	s21 =	sld [smem:$0x7F4]  }
0x15d: {  	s19 =	sadd.s32 $0xFFFFE147, s0;
	s2 =	sshrl.u32 s23, $0x10;
	[sflag:s20] =	ssyncset.done $0x0  }
0x15e: {  	s18 =	sadd.s32 $0xFFFFE76C, s0;
	s24 =	ssub.s32 $0xE, s2;
	[sflag:s20] =	ssyncadd.s32 $0xFFFFF830  }
0x15f: {  	[tilespmem:s7], [sflag:$0x2] =	stream.strided.gather [hbm4b:s21+s22], $0x3E80, s4, s22, $0x38;
	[tilespmem:$0x10890] =	vst v63  }
0x160: {  	s5 =	sshrl.u32 s5, $0x10;
	s13 =	sshrl.u32 s13, $0x10;
	s4 =	sand.u32 $0xFFFE, s24  }
0x161: {  	s14 =	sshrl.u32 s14, $0x10;
	s16 =	sshrl.u32 s16, $0x10;
	s4 =	sshrl.u32 s4, $0x1  }
0x162: {  	s17 =	sshrl.u32 s17, $0x10;
	s28 =	sshrl.u32 s19, $0x10;
	s2 =	sadd.s32 s2, s4  }
0x163: {  	s30 =	sshrl.u32 s18, $0x10;
	s18 =	simm.s32 $0xA;
	s2 =	sand.u32 $0xFFC0, s2  }
0x164: {  	v18 =	vmov s3;
	s19 =	simm.s32 $0xB;
	s3 =	ssub.s32 $0x3, s14;
	s2 =	sshrl.u32 s2, $0x6  }
0x165: {  	v30 =	vmov s18;
	v31 =	vmov s19;
	s18 =	simm.s32 $0xD;
	s19 =	simm.s32 $0xC;
	s23 =	smul.u32 $0x7D, s2  }
0x166: {  	s31 =	ssub.s32 $0xB, s30;
	[smem:$0x7D4] =	sst s19;
	s20 =	sadd.s32 $0xFFFFCED8, s0  }
0x167: {  	s20 =	sshrl.u32 s20, $0x10;
	s2 =	smul.u32 $0x1F40, s2;
	s23 =	ssub.s32 $0xE, s23  }
0x168: {  	s21 =	sadd.s32 $0xFFFFD4FD, s0;
	s22 =	sadd.s32 $0xFFFFDB22, s0;
	s23 =	sand.u32 $0xFFFF, s23  }
0x169: {  	s24 =	sshrl.u32 s6, $0x10;
	s2 =	sshrl.u32 s2, $0x2;
	s6 =	sshll.u32 s23, $0x4  }
0x16a: {  	s23 =	sshrl.u32 s25, $0x10;
	s25 =	ssub.s32 $0x0, s5;
	s2 =	sadd.s32 s6, s2  }
0x16b: {  	s6 =	sand.u32 $0xFFFE, s25;
	s25 =	ssub.s32 $0x1, s24;
	[smem:$0x7DA] =	sst s2  }
0x16c: {  	s2 =	sshrl.u32 s6, $0x1;
	s6 =	ssub.s32 $0x2, s13;
	s4 =	sand.u32 $0xFFFE, s25  }
0x16d: {  	s2 =	sadd.s32 s5, s2;
	s5 =	sand.u32 $0xFFFE, s6;
	s4 =	sshrl.u32 s4, $0x1  }
0x16e: {  	s6 =	simm.s32 $0x0;
	[smem:$0x7D5] =	sst s2;
	s25 =	sadd.s32 s24, s4  }
0x16f: {  	s5 =	sshrl.u32 s5, $0x1;
	s2 =	sand.u32 $0xFFFE, s3;
	s24 =	sshrl.u32 s21, $0x10  }
0x170: {  	s4 =	ssub.s32 $0x5, s16;
	[smem:$0x7D6] =	sst s25;
	s13 =	sadd.s32 s13, s5  }
0x171: {  	s25 =	ssub.s32 $0x4, s23;
	s21 =	sand.u32 $0xFFFE, s4;
	[smem:$0x7D7] =	sst s13  }
0x172: {  	v26 =	vmov s26;
	s5 =	sand.u32 $0xFFFE, s25;
	s13 =	sshrl.u32 s2, $0x1;
	s25 =	sshrl.u32 s22, $0x10  }
0x173: {  	v26 =	vshrl.u32 v26, $0x3;
	s22 =	simm.s32 $0x8;
	s21 =	sshrl.u32 s21, $0x1;
	s2 =	ssub.s32 $0x8, s24  }
0x174: {  	v18 =	vshrl.u32 v18, $0x3;
	v26 =	vshll.u32 v26, v2;
	s3 =	sadd.s32 s14, s13;
	s5 =	sshrl.u32 s5, $0x1;
	s13 =	ssub.s32 $0x6, s17  }
0x175: {  	v19 =	vmov s1;
	v18 =	vshll.u32 v18, v2;
	v26 =	vbroadcast v26, $0x0;
	s29 =	sadd.s32 s16, s21;
	s16 =	ssub.s32 $0x7, s20;
	s4 =	ssub.s32 $0x9, s25  }
0x176: {  	v19 =	vshrl.u32 v19, $0x3;
	v18 =	vbroadcast v18, $0x0;
	v20 =	vmov s9;
	[smem:$0x7D8] =	sst s3;
	s14 =	sadd.s32 s23, s5;
	s5 =	sand.u32 $0xFFFE, s13  }
0x177: {  	v21 =	vmov s8;
	v26 =	vadd.s32 v10, v26;
	v20 =	vshrl.u32 v20, $0x3;
	s21 =	sand.u32 $0xFFFE, s16;
	s16 =	ssub.s32 $0xA, s28;
	s5 =	sshrl.u32 s5, $0x1  }
0x178: {  	v21 =	vshrl.u32 v21, $0x3;
	v18 =	vadd.s32 v9, v18;
	v23 =	vmov s10;
	s3 =	sshrl.u32 s21, $0x1;
	s21 =	simm.s32 $0xA;
	s14 =	sand.u32 $0xFFC0, s14  }
0x179: {  	v24 =	vmov s11;
	v20 =	vshll.u32 v20, v2;
	v21 =	vshll.u32 v21, v2;
	s23 =	sadd.s32 s17, s5;
	s5 =	sand.u32 $0xFFFE, s2;
	s13 =	sadd.s32 s20, s3  }
0x17a: {  	v23 =	vshrl.u32 v23, $0x3;
	v24 =	vshrl.u32 v24, $0x3;
	v20 =	vbroadcast v20, $0x0;
	s17 =	sand.u32 $0xFFFE, s4;
	[dreg:$0x1d] =	wrdreg s21;
	s21 =	sand.u32 $0xFFFE, s31  }
0x17b: {  	v21 =	vbroadcast v21, $0x0;
	v22 =	vmov s12;
	v23 =	vshll.u32 v23, v2;
	s4 =	sadd.s32 $0xFFFFED91, s0;
	[smem:$0x7D9] =	sst s23;
	s5 =	sshrl.u32 s5, $0x1  }
0x17c: {  	v24 =	vshll.u32 v24, v2;
	v22 =	vshrl.u32 v22, $0x3;
	v27 =	vmov s6;
	s20 =	sshrl.u32 s17, $0x1;
	s17 =	simm.s32 $0xC;
	s3 =	sshrl.u32 s21, $0x1  }
0x17d: {  	v20 =	vadd.s32 v3, v20;
	v23 =	vbroadcast v23, $0x0;
	v27 =	vshrl.u32 v27, $0x3;
	s13 =	sand.u32 $0xFFC0, s13;
	s23 =	sadd.s32 s24, s5;
	s5 =	sand.u32 $0xFFFE, s16  }
0x17e: {  	v25 =	vmov s15;
	v27 =	vshll.u32 v27, v2;
	s24 =	simm.s32 $0x9;
	s16 =	simm.s32 $0xB;
	v32 =	vmov s17;
	s17 =	sshrl.u32 s0, $0x10  }
0x17f: {  	v22 =	vshll.u32 v22, v2;
	v25 =	vshrl.u32 v25, $0x3;
	v27 =	vbroadcast v27, $0x0;
	[dreg:$0x13] =	wrdreg s16;
	s16 =	sadd.s32 s25, s20;
	s20 =	simm.s32 $0xD  }
0x180: {  	v21 =	vadd.s32 v4, v21;
	v22 =	vbroadcast v22, $0x0;
	v25 =	vshll.u32 v25, v2;
	s5 =	sshrl.u32 s5, $0x1;
	s25 =	simm.s32 $0x2;
	[dreg:$0x18] =	wrdreg s20  }
0x181: {  	v24 =	vbroadcast v24, $0x0;
	v25 =	vbroadcast v25, $0x0;
	v27 =	vadd.s32 v0, v27;
	s19 =	ssub.s32 $0xF, s17;
	s23 =	sand.u32 $0xFFC0, s23;
	_ =	swait.ge [sflag:s25], $0x3E80  }
0x182: {  	v35 =	vadd.s32 v7, v23;
	v22 =	vadd.s32 v6, v22;
	v28 =	vmov s22;
	s28 =	sadd.s32 s28, s5;
	s20 =	sadd.s32 s30, s3;
	[sflag:s25] =	ssyncset.done $0x0  }
0x183: {  	v36 =	vadd.s32 v9, v25;
	v33 =	vmov s18;
	v28 =	vshrl.u32 v28, $0x3;
	s5 =	sshrl.u32 s4, $0x10;
	s30 =	sadd.s32 $0xFFFFF3B6, s0;
	[sflag:s25] =	ssyncadd.s32 $0xFFFFC180  }
0x184: {  	v30 =	vshrl.u32 v30, $0x3;
	v23 =	vshll.u32 v28, v2;
	v29 =	vmov s24;
	s2 =	sand.u32 $0xFFFE, s19;
	s16 =	sand.u32 $0xFFC0, s16;
	s30 =	sshrl.u32 s30, $0x10;
	v34 =	vld.idx.msk [tilespmem:v18+s7+$0x0], $0xffff  }
0x185: {  	v31 =	vshrl.u32 v31, $0x3;
	v28 =	vbroadcast v23, $0x0;
	v29 =	vshrl.u32 v29, $0x3;
	s31 =	ssub.s32 $0xC, s5;
	s2 =	sshrl.u32 s2, $0x1;
	s21 =	sld [smem:$0x7D5];
	v18 =	vld.idx.msk [tilespmem:v20+s7+$0x0], $0xffff  }
0x186: {  	v33 =	vshrl.u32 v33, $0x3;
	s28 =	sand.u32 $0xFFC0, s28;
	s17 =	sadd.s32 s17, s2;
	s2 =	sld [smem:$0x7D6];
	v20 =	vadd.s32 v8, v24;
	v24 =	vshll.u32 v29, v2;
	v25 =	vld.idx.msk [tilespmem:v27+s7+$0x0], $0xffff  }
0x187: {  	v37 =	vadd.s32 v0, v28;
	s20 =	sand.u32 $0xFFC0, s20;
	s16 =	sshrl.u32 s16, $0x6;
	s3 =	sld [smem:$0x7D7];
	v27 =	vshll.u32 v30, v2;
	v23 =	vld.idx.msk [tilespmem:v21+s7+$0x0], $0xffff;
	v24 =	vbroadcast v24, $0x0  }
0x188: {  	v32 =	vshrl.u32 v32, $0x3;
	s31 =	sand.u32 $0xFFFE, s31;
	s18 =	ssub.s32 $0xD, s30;
	s19 =	sld [smem:$0x7D9];
	v21 =	vshll.u32 v31, v2;
	v28 =	vld.idx.msk [tilespmem:v22+s7+$0x0], $0xffff;
	v27 =	vbroadcast v27, $0x0  }
0x189: {  	s28 =	sshrl.u32 s28, $0x6;
	s0 =	sand.u32 $0xFFFE, s18;
	s31 =	sshrl.u32 s31, $0x1;
	v22 =	vshll.u32 v32, v2;
	v30 =	vld.idx.msk [tilespmem:v35+s7+$0x0], $0xffff;
	v21 =	vbroadcast v21, $0x0;
	v24 =	vadd.s32 v3, v24  }
0x18a: {  	s18 =	sld [smem:$0x7D8];
	s25 =	sadd.s32 s5, s31;
	s0 =	sshrl.u32 s0, $0x1;
	v31 =	vshll.u32 v33, v2;
	v32 =	vld.idx.msk [tilespmem:v26+s7+$0x0], $0xffff;
	v22 =	vbroadcast v22, $0x0;
	v61 =	vadd.s32 v4, v27  }
0x18b: {  	v19 =	vshll.u32 v19, v2;
	s5 =	sadd.s32 s30, s0;
	s21 =	sand.u32 $0xFFC0, s21;
	s4 =	sand.u32 $0xFFC0, s2;
	v21 =	vadd.s32 v6, v21;
	v29 =	vld.idx.msk [tilespmem:v20+s7+$0x0], $0xffff;
	v20 =	vbroadcast v31, $0x0  }
0x18c: {  	v19 =	vbroadcast v19, $0x0;
	s30 =	sand.u32 $0xFFC0, s3;
	s3 =	sand.u32 $0xFFC0, s29;
	s31 =	sand.u32 $0xFFC0, s19;
	v62 =	vadd.s32 v7, v22;
	v27 =	vld.idx.msk [tilespmem:v37+s7+$0x0], $0xffff  }
0x18d: {  	s29 =	sand.u32 $0xFFC0, s17;
	s19 =	sld [smem:$0x7DA];
	s2 =	sand.u32 $0xFFC0, s18;
	v31 =	vld.idx.msk [tilespmem:v36+s7+$0x0], $0xffff;
	v20 =	vadd.s32 v8, v20  }
0x18e: {  	v63 =	vadd.s32 v10, v19;
	s18 =	sand.u32 $0xFFC0, s25;
	s5 =	sand.u32 $0xFFC0, s5;
	s25 =	sshrl.u32 s21, $0x6;
	v26 =	vld.idx.msk [tilespmem:v24+s7+$0x0], $0xffff  }
.Ltmp6:
0x18f: {  	s4 =	sshrl.u32 s4, $0x6;
	s30 =	sshrl.u32 s30, $0x6;
	v22 =	vld.idx.msk [tilespmem:v61+s7+$0x0], $0xffff;
	(pc) =	sbr.rel @!p1 .LBB2_10-.Ltmp6, $4  }
0x190: {  	s17 =	sshrl.u32 s3, $0x6;
	s3 =	sshrl.u32 s31, $0x6;
	s29 =	sshrl.u32 s29, $0x6;
	v24 =	vld.idx.msk [tilespmem:v21+s7+$0x0], $0xffff  }
0x191: {  	s21 =	sshrl.u32 s2, $0x6;
	s2 =	sshrl.u32 s14, $0x6;
	s14 =	sshrl.u32 s13, $0x6;
	v21 =	vld.idx.msk [tilespmem:v62+s7+$0x0], $0xffff  }
0x192: {  	s13 =	sshrl.u32 s23, $0x6;
	s23 =	sshrl.u32 s20, $0x6;
	s20 =	smul.u32 $0x7D, s25;
	v19 =	vld.idx.msk [tilespmem:v20+s7+$0x0], $0xffff  }
0x193: {  	s0 =	sshrl.u32 s18, $0x6;
	s31 =	sshrl.u32 s5, $0x6;
	s5 =	smul.u32 $0x7D, s4;
	[tilespmem:s19+$0x5280] =	vst v34;
	v20 =	vld.idx.msk [tilespmem:v63+s7+$0x0], $0xffff  }
.LBB2_11:
0x194: {  	s18 =	smul.u32 $0x7D, s30  }
0x195: {  	s19 =	smul.u32 $0x7D, s21  }
0x196: {  	s25 =	smul.u32 $0x1F40, s25  }
0x197: {  	s4 =	smul.u32 $0x1F40, s4  }
0x198: {  	s30 =	smul.u32 $0x1F40, s30  }
0x199: {  	s21 =	smul.u32 $0x1F40, s21  }
0x19a: {  	s7 =	ssub.s32 s8, s18;
	s8 =	smul.u32 $0x7D, s2  }
0x19b: {  	s18 =	smul.u32 $0x7D, s17  }
0x19c: {  	s5 =	ssub.s32 s9, s5;
	s9 =	ssub.s32 s12, s19;
	s19 =	smul.u32 $0x7D, s3  }
0x19d: {  	s6 =	ssub.s32 s6, s20;
	s2 =	smul.u32 $0x1F40, s2  }
0x19e: {  	s6 =	sand.u32 $0xFFFF, s6;
	s17 =	smul.u32 $0x1F40, s17  }
0x19f: {  	s3 =	smul.u32 $0x1F40, s3;
	s25 =	sshrl.u32 s25, $0x2;
	s5 =	sand.u32 $0xFFFF, s5  }
0x1a0: {  	s4 =	sshrl.u32 s4, $0x2;
	[smem:$0x7C6] =	sst s5;
	s5 =	smul.u32 $0x7D, s14  }
0x1a1: {  	s30 =	sshrl.u32 s30, $0x2;
	s11 =	ssub.s32 s11, s18;
	s18 =	smul.u32 $0x7D, s13  }
0x1a2: {  	s21 =	sshrl.u32 s21, $0x2;
	s15 =	ssub.s32 s15, s19;
	s19 =	smul.u32 $0x7D, s16  }
0x1a3: {  	s7 =	sand.u32 $0xFFFF, s7;
	s9 =	sand.u32 $0xFFFF, s9;
	s14 =	smul.u32 $0x1F40, s14  }
0x1a4: {  	s6 =	sshll.u32 s6, $0x4;
	s10 =	ssub.s32 s10, s8;
	s13 =	smul.u32 $0x1F40, s13  }
0x1a5: {  	s7 =	sshll.u32 s7, $0x4;
	s9 =	sshll.u32 s9, $0x4;
	s16 =	smul.u32 $0x1F40, s16  }
0x1a6: {  	s2 =	sshrl.u32 s2, $0x2;
	s17 =	sshrl.u32 s17, $0x2;
	s3 =	sshrl.u32 s3, $0x2  }
0x1a7: {  	s6 =	sadd.s32 s6, s25;
	s10 =	sand.u32 $0xFFFF, s10;
	s11 =	sand.u32 $0xFFFF, s11  }
0x1a8: {  	s8 =	sand.u32 $0xFFFF, s15;
	s7 =	sadd.s32 s7, s30;
	s20 =	ssub.s32 s22, s18  }
0x1a9: {  	s18 =	smul.u32 $0x7D, s28;
	s15 =	ssub.s32 s24, s19;
	s24 =	rddreg [dreg:$0x1d]  }
0x1aa: {  	s12 =	ssub.s32 s26, s5;
	s19 =	smul.u32 $0x7D, s23;
	s26 =	rddreg [dreg:$0x13]  }
0x1ab: {  	s9 =	sadd.s32 s9, s21;
	s22 =	smul.u32 $0x7D, s31;
	s5 =	sld [smem:$0x7D4]  }
0x1ac: {  	s10 =	sshll.u32 s10, $0x4;
	s11 =	sshll.u32 s11, $0x4;
	s28 =	smul.u32 $0x1F40, s28  }
0x1ad: {  	s8 =	sshll.u32 s8, $0x4;
	s23 =	smul.u32 $0x1F40, s23;
	s14 =	sshrl.u32 s14, $0x2  }
0x1ae: {  	s31 =	smul.u32 $0x1F40, s31;
	s13 =	sshrl.u32 s13, $0x2;
	s16 =	sshrl.u32 s16, $0x2  }
0x1af: {  	s12 =	sand.u32 $0xFFFF, s12;
	s20 =	sand.u32 $0xFFFF, s20;
	s15 =	sand.u32 $0xFFFF, s15  }
0x1b0: {  	s2 =	sadd.s32 s10, s2;
	s10 =	sadd.s32 s11, s17;
	s8 =	sadd.s32 s8, s3  }
0x1b1: {  	s3 =	simm.s32 $0x1400;
	s18 =	ssub.s32 s24, s18;
	s24 =	smul.u32 $0x7D, s0  }
0x1b2: {  	s19 =	ssub.s32 s26, s19;
	s26 =	smul.u32 $0x7D, s29;
	s12 =	sshll.u32 s12, $0x4  }
0x1b3: {  	s20 =	sshll.u32 s20, $0x4;
	s15 =	sshll.u32 s15, $0x4;
	s0 =	smul.u32 $0x1F40, s0  }
0x1b4: {  	s28 =	sshrl.u32 s28, $0x2;
	s23 =	sshrl.u32 s23, $0x2;
	s25 =	sshrl.u32 s31, $0x2  }
0x1b5: {  	s18 =	sand.u32 $0xFFFF, s18;
	s19 =	sand.u32 $0xFFFF, s19;
	s14 =	sadd.s32 s12, s14  }
0x1b6: {  	s13 =	sadd.s32 s20, s13;
	s17 =	sadd.s32 s15, s16;
	s16 =	sadd.s32 $0x10, s1  }
0x1b7: {  	s24 =	ssub.s32 s5, s24;
	s5 =	smov.u32 s29;
	s29 =	rddreg [dreg:$0x18]  }
0x1b8: {  	s26 =	ssub.s32 s1, s26;
	s18 =	sshll.u32 s18, $0x4;
	s19 =	sshll.u32 s19, $0x4  }
0x1b9: {  	s0 =	sshrl.u32 s0, $0x2;
	s12 =	sadd.s32 $0xFFFFFFF2, s16;
	s20 =	sadd.s32 $0xFFFFFFF3, s16  }
0x1ba: {  	[tilespmem:s9+$0x5280] =	vst v28;
	s9 =	sadd.s32 $0xFFFFFFFF, s16;
	s22 =	ssub.s32 s29, s22;
	s29 =	sld [smem:$0x7C6]  }
0x1bb: {  	s21 =	sadd.s32 $0xFFFFFFF4, s16;
	s24 =	sand.u32 $0xFFFF, s24;
	[smem:$0x7D0] =	sst s12  }
0x1bc: {  	s26 =	sand.u32 $0xFFFF, s26;
	s18 =	sadd.s32 s18, s28;
	[smem:$0x7CF] =	sst s20  }
0x1bd: {  	s19 =	sadd.s32 s19, s23;
	[dreg:$0x9] =	wrdreg s21;
	s23 =	sadd.s32 $0xFFFFFFF7, s16  }
0x1be: {  	[tilespmem:s7+$0x5280] =	vst v23;
	v23 =	vmov s12;
	s12 =	sadd.s32 $0xFFFFFFF6, s16;
	s22 =	sand.u32 $0xFFFF, s22;
	[smem:$0x7D2] =	sst s23  }
0x1bf: {  	s24 =	sshll.u32 s24, $0x4;
	s26 =	sshll.u32 s26, $0x4;
	[dreg:$0x4] =	wrdreg s12  }
0x1c0: {  	v59 =	vmov s23;
	[tilespmem:s18+$0x5280] =	vst v22;
	s23 =	sadd.s32 $0xFFFFFFF9, s16;
	s18 =	sadd.s32 $0xFFFFFFF1, s16;
	s22 =	sshll.u32 s22, $0x4  }
0x1c1: {  	s15 =	sadd.s32 s24, s0;
	s24 =	sadd.s32 $0xFFFFFFF8, s16;
	[smem:$0x7CE] =	sst s18  }
0x1c2: {  	[tilespmem:s10+$0x5280] =	vst v29;
	s0 =	smul.u32 $0x625, s16;
	s29 =	sshll.u32 s29, $0x4;
	[smem:$0x7C8] =	sst s24  }
0x1c3: {  	[tilespmem:s13+$0x5280] =	vst v27;
	v27 =	vmov s24;
	s24 =	sadd.s32 $0xFFFFFFFD, s16;
	[smem:$0x7C7] =	sst s29;
	s29 =	smul.u32 $0x1F40, s5  }
0x1c4: {  	[tilespmem:s8+$0x5280] =	vst v31;
	v29 =	vmov s21;
	s10 =	sadd.s32 $0xFFFFA3D5, s0;
	s21 =	sadd.s32 $0xFFFFB01F, s0;
	s13 =	sadd.s32 $0xFFFFB644, s0  }
0x1c5: {  	[tilespmem:s14+$0x5280] =	vst v32;
	s14 =	sadd.s32 $0xFFFFBC69, s0;
	s7 =	sadd.s32 $0xFFFFC28E, s0;
	s8 =	sadd.s32 $0xFFFFC8B3, s0  }
0x1c6: {  	[tilespmem:s17+$0x5280] =	vst v26;
	s17 =	sadd.s32 $0xFFFFCED8, s0;
	s28 =	sadd.s32 $0xFFFFD4FD, s0;
	[smem:$0x7D4] =	sst s24  }
0x1c7: {  	[tilespmem:s6+$0x5280] =	vst v25;
	s30 =	sadd.s32 $0xFFFFE76C, s0;
	s31 =	sadd.s32 $0xFFFFF3B6, s0;
	s6 =	sld [smem:$0x7C7]  }
0x1c8: {  	[tilespmem:s19+$0x5280] =	vst v24;
	s19 =	sshrl.u32 s10, $0x10;
	s10 =	sshrl.u32 s21, $0x10;
	s13 =	sshrl.u32 s13, $0x10  }
0x1c9: {  	s14 =	sshrl.u32 s14, $0x10;
	s8 =	sshrl.u32 s8, $0x10;
	[smem:$0x7CA] =	sst s10  }
0x1ca: {  	v28 =	vmov s9;
	s21 =	sshrl.u32 s0, $0x10;
	s29 =	sshrl.u32 s29, $0x2;
	[smem:$0x7CC] =	sst s8  }
0x1cb: {  	v25 =	vmov s20;
	v28 =	vshrl.u32 v28, $0x3;
	s11 =	sadd.s32 s26, s29;
	s29 =	sadd.s32 $0xFFFFE147, s0;
	s4 =	sadd.s32 s6, s4  }
0x1cc: {  	[tilespmem:s2+$0x5280] =	vst v30;
	v31 =	vmov s12;
	v23 =	vshrl.u32 v23, $0x3;
	v25 =	vshrl.u32 v25, $0x3;
	s6 =	sadd.s32 s22, s25;
	s22 =	sadd.s32 $0xFFFFFFF5, s16;
	s25 =	sadd.s32 $0xFFFFF9DB, s0  }
0x1cd: {  	v26 =	vshrl.u32 v29, $0x3;
	v28 =	vshll.u32 v28, v2;
	v22 =	vshrl.u32 v31, $0x3;
	[tilespmem:s11+$0x5280] =	vst v20;
	s11 =	sadd.s32 $0xFFFFFFFB, s16;
	[smem:$0x7D1] =	sst s22;
	s5 =	sshrl.u32 s25, $0x10  }
0x1ce: {  	v23 =	vshll.u32 v23, v2;
	v31 =	vmov s18;
	[tilespmem:s15+$0x5280] =	vst v21;
	v30 =	vmov s22;
	s22 =	sadd.s32 $0xFFFFA9FA, s0;
	s25 =	sadd.s32 $0xFFFFDB22, s0;
	s26 =	ssub.s32 s9, s5  }
0x1cf: {  	v28 =	vbroadcast v28, $0x0;
	v21 =	vshll.u32 v25, v2;
	v25 =	vshll.u32 v26, v2;
	[tilespmem:s4+$0x5280] =	vst v18;
	s4 =	sadd.s32 $0xFFFFFFFA, s16;
	[dreg:$0x1d] =	wrdreg s11;
	s20 =	sand.u32 $0xFFFE, s26  }
0x1d0: {  	v24 =	vshrl.u32 v27, $0x3;
	v21 =	vbroadcast v21, $0x0;
	v60 =	vmov s24;
	[tilespmem:s6+$0x5280] =	vst v19;
	s6 =	sadd.s32 $0xFFFFFFFC, s16;
	[dreg:$0xe] =	wrdreg s4;
	s1 =	sshrl.u32 s20, $0x1  }
0x1d1: {  	v28 =	vadd.s32 v9, v28;
	v24 =	vshll.u32 v24, v2;
	v32 =	vshrl.u32 v60, $0x3;
	s22 =	sshrl.u32 s22, $0x10;
	[dreg:$0x13] =	wrdreg s6;
	s5 =	sadd.s32 s5, s1  }
0x1d2: {  	v32 =	vshll.u32 v32, v2;
	v24 =	vbroadcast v24, $0x0;
	v21 =	vadd.s32 v4, v21;
	s26 =	sadd.s32 $0xFFFFFFFE, s16;
	[smem:$0x7C9] =	sst s22;
	s5 =	sand.u32 $0xFFC0, s5  }
0x1d3: {  	v20 =	vbroadcast v23, $0x0;
	v23 =	vbroadcast v25, $0x0;
	v25 =	vmov s23;
	s20 =	sadd.s32 $0xFFFFED91, s0;
	s0 =	sld [smem:$0x7C8];
	s5 =	sshrl.u32 s5, $0x6  }
0x1d4: {  	s31 =	sshrl.u32 s31, $0x10;
	v18 =	vmov s16;
	v19 =	vshll.u32 v22, v2;
	v25 =	vshrl.u32 v25, $0x3;
	[dreg:$0x18] =	wrdreg s26;
	s2 =	smul.u32 $0x7D, s5  }
0x1d5: {  	v29 =	vshrl.u32 v30, $0x3;
	v30 =	vshrl.u32 v59, $0x3;
	v33 =	vmov s26;
	s26 =	ssub.s32 s26, s31;
	s1 =	sshrl.u32 s7, $0x10;
	s5 =	smul.u32 $0x1F40, s5  }
0x1d6: {  	v18 =	vshrl.u32 v18, $0x3;
	v27 =	vmov s4;
	v25 =	vshll.u32 v25, v2;
	s25 =	sshrl.u32 s25, $0x10;
	s26 =	sand.u32 $0xFFFE, s26;
	[smem:$0x7CB] =	sst s1  }
0x1d7: {  	v20 =	vadd.s32 v3, v20;
	v19 =	vbroadcast v19, $0x0;
	v26 =	vshll.u32 v29, v2;
	s26 =	sshrl.u32 s26, $0x1;
	s15 =	ssub.s32 s9, s2;
	s5 =	sshrl.u32 s5, $0x2  }
0x1d8: {  	v28 =	vld.idx.msk [tilespmem:v28+s3+$0x0], $0xffff;
	v22 =	vshll.u32 v30, v2;
	v18 =	vshll.u32 v18, v2;
	v29 =	vmov s11;
	s9 =	sshrl.u32 s17, $0x10;
	s2 =	sshrl.u32 s28, $0x10;
	s28 =	sshrl.u32 s29, $0x10  }
0x1d9: {  	v30 =	vmov s6;
	v27 =	vshrl.u32 v27, $0x3;
	v61 =	vbroadcast v25, $0x0;
	s29 =	sshrl.u32 s30, $0x10;
	s30 =	sshrl.u32 s20, $0x10;
	s20 =	rddreg [dreg:$0x9]  }
0x1da: {  	v29 =	vshrl.u32 v29, $0x3;
	v30 =	vshrl.u32 v30, $0x3;
	v26 =	vbroadcast v26, $0x0;
	s17 =	smov.u32 s19;
	s15 =	sand.u32 $0xFFFF, s15;
	[smem:$0x7CD] =	sst s2  }
0x1db: {  	v27 =	vshll.u32 v27, v2;
	v22 =	vbroadcast v22, $0x0;
	v19 =	vadd.s32 v8, v19;
	s11 =	ssub.s32 s11, s28;
	s24 =	ssub.s32 s24, s30;
	s15 =	sshll.u32 s15, $0x4  }
0x1dc: {  	v35 =	vbroadcast v18, $0x0;
	v29 =	vshll.u32 v29, v2;
	v26 =	vadd.s32 v7, v26;
	s11 =	sand.u32 $0xFFFE, s11;
	s24 =	sand.u32 $0xFFFE, s24;
	s5 =	sadd.s32 s15, s5  }
0x1dd: {  	v27 =	vbroadcast v27, $0x0;
	v18 =	vld.idx.msk [tilespmem:v20+s3+$0x0], $0xffff;
	v20 =	vadd.s32 v9, v22;
	v22 =	vadd.s32 v10, v24;
	s11 =	sshrl.u32 s11, $0x1;
	[tilespmem:s5+$0x5280] =	vst v28;
	s5 =	ssub.s32 s18, s19;
	s18 =	sld [smem:$0x7D0]  }
0x1de: {  	v30 =	vshll.u32 v30, v2;
	v29 =	vbroadcast v29, $0x0;
	v24 =	vadd.s32 v0, v61;
	s19 =	sld [smem:$0x7CF];
	s11 =	sadd.s32 s28, s11;
	s5 =	sand.u32 $0xFFFE, s5  }
0x1df: {  	v34 =	vadd.s32 v6, v23;
	v23 =	vld.idx.msk [tilespmem:v21+s3+$0x0], $0xffff;
	v30 =	vbroadcast v30, $0x0;
	v62 =	vadd.s32 v3, v27;
	s24 =	sshrl.u32 s24, $0x1;
	s11 =	sand.u32 $0xFFC0, s11;
	s5 =	sshrl.u32 s5, $0x1  }
0x1e0: {  	v32 =	vbroadcast v32, $0x0;
	v36 =	vadd.s32 v4, v29;
	v29 =	vld.idx.msk [tilespmem:v19+s3+$0x0], $0xffff;
	s28 =	sshrl.u32 s11, $0x6;
	s11 =	rddreg [dreg:$0x4];
	s15 =	ssub.s32 s18, s22  }
0x1e1: {  	v31 =	vshrl.u32 v31, $0x3;
	v21 =	vadd.s32 v6, v30;
	v30 =	vld.idx.msk [tilespmem:v26+s3+$0x0], $0xffff;
	s18 =	ssub.s32 s19, s10;
	s19 =	ssub.s32 s20, s13;
	s22 =	sld [smem:$0x7D1]  }
0x1e2: {  	v31 =	vshll.u32 v31, v2;
	v37 =	vadd.s32 v7, v32;
	v32 =	vld.idx.msk [tilespmem:v22+s3+$0x0], $0xffff;
	s10 =	ssub.s32 s23, s2;
	s2 =	ssub.s32 s6, s29;
	s17 =	sadd.s32 s17, s5  }
0x1e3: {  	v33 =	vshrl.u32 v33, $0x3;
	v27 =	vld.idx.msk [tilespmem:v24+s3+$0x0], $0xffff;
	v28 =	vbroadcast v31, $0x0;
	s5 =	sld [smem:$0x7CA];
	s15 =	sand.u32 $0xFFFE, s15;
	s19 =	sand.u32 $0xFFFE, s19  }
0x1e4: {  	v63 =	vadd.s32 v10, v35;
	v26 =	vld.idx.msk [tilespmem:v62+s3+$0x0], $0xffff;
	v31 =	vshll.u32 v33, v2;
	s18 =	sand.u32 $0xFFFE, s18;
	s15 =	sshrl.u32 s15, $0x1;
	s19 =	sshrl.u32 s19, $0x1  }
0x1e5: {  	v22 =	vld.idx.msk [tilespmem:v36+s3+$0x0], $0xffff;
	v31 =	vbroadcast v31, $0x0;
	v28 =	vadd.s32 v0, v28;
	s20 =	ssub.s32 s22, s14;
	s22 =	ssub.s32 s12, s1;
	s1 =	sld [smem:$0x7D2]  }
0x1e6: {  	v24 =	vld.idx.msk [tilespmem:v21+s3+$0x0], $0xffff;
	s12 =	ssub.s32 s4, s25;
	s4 =	ssub.s32 s16, s21;
	s13 =	sadd.s32 s13, s19  }
0x1e7: {  	v21 =	vld.idx.msk [tilespmem:v37+s3+$0x0], $0xffff;
	v38 =	vadd.s32 v8, v31;
	s20 =	sand.u32 $0xFFFE, s20;
	s22 =	sand.u32 $0xFFFE, s22;
	s6 =	sand.u32 $0xFFFE, s4  }
0x1e8: {  	v31 =	vld.idx.msk [tilespmem:v20+s3+$0x0], $0xffff;
	s20 =	sshrl.u32 s20, $0x1;
	s22 =	sshrl.u32 s22, $0x1;
	s6 =	sshrl.u32 s6, $0x1  }
0x1e9: {  	v20 =	vld.idx.msk [tilespmem:v63+s3+$0x0], $0xffff;
	s7 =	ssub.s32 s1, s8;
	s8 =	ssub.s32 s0, s9;
	s1 =	smov.u32 s9  }
0x1ea: {  	v25 =	vld.idx.msk [tilespmem:v28+s3+$0x0], $0xffff;
	s9 =	sand.u32 $0xFFFE, s10;
	s10 =	sand.u32 $0xFFFE, s12;
	s12 =	sand.u32 $0xFFFE, s2  }
0x1eb: {  	v28 =	vld.idx.msk [tilespmem:v34+s3+$0x0], $0xffff;
	s2 =	sshrl.u32 s18, $0x1;
	s18 =	sld [smem:$0x7C9];
	s14 =	sadd.s32 s14, s20  }
0x1ec: {  	v19 =	vld.idx.msk [tilespmem:v38+s3+$0x0], $0xffff;
	s20 =	sld [smem:$0x7CC];
	s3 =	sadd.s32 s21, s6;
	s6 =	sand.u32 $0xFFC0, s17  }
0x1ed: {  	s7 =	sand.u32 $0xFFFE, s7;
	s8 =	sand.u32 $0xFFFE, s8;
	s9 =	sshrl.u32 s9, $0x1  }
0x1ee: {  	s10 =	sshrl.u32 s10, $0x1;
	s12 =	sshrl.u32 s12, $0x1;
	s4 =	sadd.s32 s5, s2  }
0x1ef: {  	s2 =	sadd.s32 s31, s26;
	s26 =	smov.u32 s0;
	s5 =	sand.u32 $0xFFC0, s13  }
0x1f0: {  	s13 =	sand.u32 $0xFFC0, s14;
	s7 =	sshrl.u32 s7, $0x1;
	s8 =	sshrl.u32 s8, $0x1  }
0x1f1: {  	s10 =	sadd.s32 s25, s10;
	s12 =	sadd.s32 s29, s12;
	s25 =	sadd.s32 s30, s24  }
0x1f2: {  	s24 =	rddreg [dreg:$0xe];
	s21 =	sshrl.u32 s5, $0x6;
	s18 =	sadd.s32 s18, s15  }
0x1f3: {  	s15 =	sld [smem:$0x7CB];
	s7 =	sadd.s32 s20, s7;
	s8 =	sadd.s32 s1, s8  }
0x1f4: {  	s1 =	smov.u32 s16;
	s10 =	sand.u32 $0xFFC0, s10;
	s12 =	sand.u32 $0xFFC0, s12  }
0x1f5: {  	s20 =	sand.u32 $0xFFC0, s3;
	s17 =	sand.u32 $0xFFC0, s18;
	s18 =	sand.u32 $0xFFC0, s4  }
0x1f6: {  	s7 =	sand.u32 $0xFFC0, s7;
	s8 =	sand.u32 $0xFFC0, s8;
	s16 =	sshrl.u32 s10, $0x6  }
0x1f7: {  	s10 =	sld [smem:$0x7D1];
	s29 =	sshrl.u32 s20, $0x6;
	s19 =	sadd.s32 s15, s22  }
0x1f8: {  	s15 =	sand.u32 $0xFFC0, s25;
	s25 =	sshrl.u32 s6, $0x6;
	s6 =	sld [smem:$0x7CE]  }
0x1f9: {  	s4 =	sshrl.u32 s17, $0x6;
	s30 =	sshrl.u32 s18, $0x6;
	s3 =	sshrl.u32 s7, $0x6  }
0x1fa: {  	s22 =	smov.u32 s23;
	s23 =	sld [smem:$0x7CD];
	s5 =	smul.u32 $0x7D, s4  }
0x1fb: {  	s14 =	sand.u32 $0xFFC0, s19;
	s19 =	sand.u32 $0xFFC0, s2;
	p1 =	slt.u32 s6, $0x3D0  }
.Ltmp7:
0x1fc: {  	s2 =	sshrl.u32 s13, $0x6;
	s0 =	sshrl.u32 s15, $0x6;
	(pc) =	sbr.rel @p1 .LBB2_11-.Ltmp7, $4  }
0x1fd: {  	s15 =	sld [smem:$0x7D2];
	s20 =	smul.u32 $0x7D, s25;
	s17 =	sshrl.u32 s14, $0x6  }
0x1fe: {  	s14 =	sshrl.u32 s8, $0x6;
	s8 =	sld [smem:$0x7CF];
	s9 =	sadd.s32 s23, s9  }
0x1ff: {  	s23 =	sshrl.u32 s12, $0x6;
	s12 =	rddreg [dreg:$0x9];
	s9 =	sand.u32 $0xFFC0, s9  }
0x200: {  	s31 =	sshrl.u32 s19, $0x6;
	s13 =	sshrl.u32 s9, $0x6;
	s9 =	sld [smem:$0x7D0]  }
0x201: {  	_ = 	snop  }
0x202: {  	s18 =	smov.u32 s6;
	[smem:$0x7D3] =	sst s22  }
0x203: {  	s24 =	smov.u32 s10;
	s22 =	smov.u32 s8;
	s19 =	smov.u32 s9  }
.LBB2_13:
0x204: {  	s6 =	smul.u32 $0x7D, s30  }
0x205: {  	s7 =	smul.u32 $0x7D, s21  }
0x206: {  	s8 =	smul.u32 $0x7D, s2  }
0x207: {  	s9 =	smul.u32 $0x7D, s17  }
0x208: {  	s10 =	smul.u32 $0x7D, s3  }
0x209: {  	s11 =	smul.u32 $0x7D, s14  }
0x20a: {  	s12 =	smul.u32 $0x7D, s13  }
0x20b: {  	s20 =	ssub.s32 s18, s20;
	s18 =	smul.u32 $0x7D, s16  }
0x20c: {  	s19 =	ssub.s32 s19, s5;
	s5 =	smul.u32 $0x7D, s28  }
0x20d: {  	s25 =	smul.u32 $0x1F40, s25  }
0x20e: {  	s4 =	smul.u32 $0x1F40, s4  }
0x20f: {  	s21 =	smul.u32 $0x1F40, s21;
	s6 =	ssub.s32 s22, s6;
	s22 =	rddreg [dreg:$0x9]  }
0x210: {  	s20 =	sand.u32 $0xFFFF, s20;
	s8 =	ssub.s32 s24, s8;
	s24 =	rddreg [dreg:$0x4]  }
0x211: {  	s19 =	sand.u32 $0xFFFF, s19;
	s11 =	ssub.s32 s26, s11;
	s26 =	rddreg [dreg:$0xe]  }
0x212: {  	s10 =	ssub.s32 s15, s10;
	s15 =	rddreg [dreg:$0x13];
	s25 =	sshrl.u32 s25, $0x2  }
0x213: {  	s4 =	sshrl.u32 s4, $0x2;
	[smem:$0x7C5] =	sst s6;
	s7 =	ssub.s32 s22, s7  }
0x214: {  	s6 =	smul.u32 $0x7D, s23;
	s9 =	ssub.s32 s24, s9;
	s24 =	sld [smem:$0x7D3]  }
0x215: {  	s22 =	smul.u32 $0x7D, s0;
	s18 =	ssub.s32 s26, s18;
	s26 =	rddreg [dreg:$0x1d]  }
0x216: {  	s8 =	sand.u32 $0xFFFF, s8;
	s26 =	ssub.s32 s26, s5;
	s5 =	smul.u32 $0x7D, s29  }
0x217: {  	s7 =	sand.u32 $0xFFFF, s7;
	s9 =	sand.u32 $0xFFFF, s9;
	s8 =	sshll.u32 s8, $0x4  }
0x218: {  	s6 =	ssub.s32 s15, s6;
	s15 =	sld [smem:$0x7D4];
	s12 =	ssub.s32 s24, s12  }
0x219: {  	s24 =	smul.u32 $0x7D, s31;
	s1 =	ssub.s32 s1, s5;
	s5 =	sshll.u32 s20, $0x4  }
0x21a: {  	s5 =	sadd.s32 s5, s25;
	s25 =	smul.u32 $0x1F40, s30;
	s30 =	sld [smem:$0x7C5]  }
0x21b: {  	s7 =	sshll.u32 s7, $0x4;
	s22 =	ssub.s32 s15, s22;
	s15 =	rddreg [dreg:$0x18]  }
0x21c: {  	s9 =	sshll.u32 s9, $0x4;
	s24 =	ssub.s32 s15, s24;
	s15 =	sshll.u32 s19, $0x4  }
0x21d: {  	s19 =	sshrl.u32 s25, $0x2;
	s25 =	smul.u32 $0x1F40, s2;
	s20 =	sand.u32 $0xFFFF, s30  }
0x21e: {  	s6 =	sand.u32 $0xFFFF, s6;
	s30 =	smul.u32 $0x1F40, s17;
	s20 =	sshll.u32 s20, $0x4  }
0x21f: {  	s4 =	sadd.s32 s15, s4;
	s15 =	sadd.s32 s20, s19;
	s20 =	smul.u32 $0x1F40, s3  }
0x220: {  	s12 =	sand.u32 $0xFFFF, s12;
	s17 =	sshrl.u32 s30, $0x2;
	s30 =	smul.u32 $0x1F40, s14  }
0x221: {  	s1 =	sand.u32 $0xFFFF, s1;
	s2 =	sshrl.u32 s25, $0x2;
	s14 =	smul.u32 $0x1F40, s16  }
0x222: {  	s25 =	sand.u32 $0xFFFF, s10;
	[tilespmem:s4+$0x5280] =	vst v18;
	s4 =	sshll.u32 s12, $0x4;
	s16 =	smul.u32 $0x1F40, s28  }
0x223: {  	s19 =	sshrl.u32 s21, $0x2;
	s2 =	sadd.s32 s8, s2;
	s28 =	smul.u32 $0x1F40, s29  }
0x224: {  	[tilespmem:s5+$0x5280] =	vst v25;
	s7 =	sadd.s32 s7, s19;
	s21 =	sadd.s32 s9, s17;
	s17 =	smul.u32 $0x1F40, s23  }
0x225: {  	s9 =	sshll.u32 s25, $0x4;
	[tilespmem:s15+$0x5280] =	vst v23;
	s15 =	sand.u32 $0xFFFF, s26;
	s19 =	smul.u32 $0x1F40, s0  }
0x226: {  	[tilespmem:s2+$0x5280] =	vst v30;
	s25 =	smul.u32 $0x1F40, s31;
	s26 =	sand.u32 $0xFFFF, s24;
	s3 =	sshrl.u32 s20, $0x2  }
0x227: {  	[tilespmem:s7+$0x5280] =	vst v28;
	s2 =	sshll.u32 s15, $0x4;
	s20 =	sshrl.u32 s16, $0x2;
	s3 =	sadd.s32 s9, s3  }
0x228: {  	[tilespmem:s21+$0x5280] =	vst v29;
	s9 =	sand.u32 $0xFFFF, s11;
	s11 =	smul.u32 $0x1F40, s13;
	s13 =	sand.u32 $0xFFFF, s18  }
0x229: {  	s18 =	sshll.u32 s6, $0x4;
	s21 =	sshrl.u32 s17, $0x2;
	s2 =	sadd.s32 s2, s20;
	[tilespmem:s3+$0x5280] =	vst v31  }
0x22a: {  	s10 =	sshrl.u32 s30, $0x2;
	s5 =	sshll.u32 s9, $0x4;
	s3 =	sadd.s32 s18, s21;
	[tilespmem:s2+$0x5280] =	vst v22  }
0x22b: {  	s29 =	sshrl.u32 s25, $0x2;
	s2 =	sshll.u32 s26, $0x4;
	s5 =	sadd.s32 s5, s10;
	[tilespmem:s3+$0x5280] =	vst v24  }
0x22c: {  	s23 =	sand.u32 $0xFFFF, s22;
	s9 =	sshrl.u32 s11, $0x2;
	s2 =	sadd.s32 s2, s29;
	[tilespmem:s5+$0x5280] =	vst v32  }
0x22d: {  	s7 =	sshll.u32 s13, $0x4;
	s4 =	sadd.s32 s4, s9;
	s9 =	sshrl.u32 s14, $0x2;
	[tilespmem:s2+$0x5280] =	vst v19  }
0x22e: {  	s0 =	sshrl.u32 s19, $0x2;
	s7 =	sadd.s32 s7, s9;
	[tilespmem:s4+$0x5280] =	vst v27;
	s4 =	sshll.u32 s23, $0x4  }
0x22f: {  	s30 =	sshll.u32 s1, $0x4;
	s31 =	sshrl.u32 s28, $0x2;
	[tilespmem:s7+$0x5280] =	vst v26;
	s0 =	sadd.s32 s4, s0  }
0x230: {  	[tilespmem:s0+$0x5280] =	vst v21;
	s0 =	sadd.s32 s30, s31  }
0x231: {  	s2 =	simm.s32 $0x3E0;
	s7 =	simm.s32 $0x1400;
	[tilespmem:s0+$0x5280] =	vst v20  }
.LBB2_14:
0x232: {  	s0 =	smul.u32 $0x625, s2;
	_ =	sdelay $0x1  }
0x233: {  	s0 =	sshrl.u32 s0, $0x10  }
0x234: {  	v18 =	vmov s2;
	s1 =	ssub.s32 s2, s0  }
0x235: {  	v18 =	vand.u32 $0x3FF, v18;
	s1 =	sand.u32 $0xFFFE, s1  }
0x236: {  	v18 =	vadd.s32 v0, v18;
	s1 =	sshrl.u32 s1, $0x1  }
0x237: {  	s0 =	sadd.s32 s0, s1  }
0x238: {  	s0 =	sand.u32 $0xFFC0, s0  }
0x239: {  	s0 =	sshrl.u32 s0, $0x6  }
0x23a: {  	s31 =	smul.u32 $0x7D, s0  }
0x23b: {  	p1 =	sne.s32 s2, $0x3E7;
	v18 =	vld.idx.msk [tilespmem:v18+s7+$0x0], $0xffff;
	s0 =	smul.u32 $0x1F40, s0  }
.Ltmp8:
0x23c: {  	s1 =	ssub.s32 s2, s31;
	(pc) =	sbr.rel @p1 .LBB2_14-.Ltmp8, $4  }
0x23d: {  	s1 =	sand.u32 $0xFFFF, s1  }
0x23e: {  	s0 =	sshrl.u32 s0, $0x2;
	s1 =	sshll.u32 s1, $0x4  }
0x23f: {  	s0 =	sadd.s32 s1, s0  }
0x240: {  	s2 =	sadd.s32 $0x1, s2;
	[tilespmem:s0+$0x5280] =	vst v18  }
0x241: {  	s0 =	rddreg [dreg:$0x1]  }
0x242: {  	s1 =	simm.s32 $0x7D;
	s2 =	simm.s32 $0x5280;
	s3 =	simm.s32 $0x400  }
0x243: {  	[spmem:s0] =	stream.indirect.scatter.add.f32 [tilespmem:s2], [sflag:$0x1], $0x10, s3, s1, $0xb8;
	[tilespmem:$0x10890] =	vst v63  }
0x244: {  	s5 =	simm.s32 $0x5A50;
	s6 =	simm.s32 $0x480  }
0x245: {  	[spmem:s0] =	stream.indirect.scatter.add.f32 [tilespmem:s5], [sflag:$0x1], $0x10, s6, s1, $0xb8;
	[tilespmem:$0x10890] =	vst v63  }
0x246: {  	s8 =	simm.s32 $0x6220;
	s9 =	simm.s32 $0x500  }
0x247: {  	[spmem:s0] =	stream.indirect.scatter.add.f32 [tilespmem:s8], [sflag:$0x1], $0x10, s9, s1, $0xb8;
	[tilespmem:$0x10890] =	vst v63  }
0x248: {  	s10 =	simm.s32 $0x69F0;
	s11 =	simm.s32 $0x580  }
0x249: {  	[spmem:s0] =	stream.indirect.scatter.add.f32 [tilespmem:s10], [sflag:$0x1], $0x10, s11, s1, $0xb8;
	[tilespmem:$0x10890] =	vst v63  }
0x24a: {  	s12 =	simm.s32 $0x71C0;
	s13 =	simm.s32 $0x600  }
0x24b: {  	[spmem:s0] =	stream.indirect.scatter.add.f32 [tilespmem:s12], [sflag:$0x1], $0x10, s13, s1, $0xb8;
	[tilespmem:$0x10890] =	vst v63  }
0x24c: {  	s14 =	simm.s32 $0x7990;
	s15 =	simm.s32 $0x680  }
0x24d: {  	[spmem:s0] =	stream.indirect.scatter.add.f32 [tilespmem:s14], [sflag:$0x1], $0x10, s15, s1, $0xb8;
	[tilespmem:$0x10890] =	vst v63  }
0x24e: {  	s16 =	simm.s32 $0x8160;
	s17 =	simm.s32 $0x700  }
0x24f: {  	[spmem:s0] =	stream.indirect.scatter.add.f32 [tilespmem:s16], [sflag:$0x1], $0x10, s17, s1, $0xb8;
	[tilespmem:$0x10890] =	vst v63  }
0x250: {  	s18 =	simm.s32 $0x8930;
	s19 =	simm.s32 $0x780;
	s20 =	simm.s32 $0x1  }
0x251: {  	[spmem:s0] =	stream.indirect.scatter.add.f32 [tilespmem:s18], [sflag:$0x1], $0x10, s19, s1, $0xb8;
	[tilespmem:$0x10890] =	vst v63  }
0x252: {  	_ =	swait.ge [sflag:s20], $0x7D0  }
0x253: {  	[sflag:s20] =	ssyncset.done $0x0  }
0x254: {  	[sflag:s20] =	ssyncadd.s32 $0xFFFFF830  }
0x255: {  	_ =	swait.ge [sflag:s20], $0x7D0  }
0x256: {  	[sflag:s20] =	ssyncset.done $0x0  }
0x257: {  	[sflag:s20] =	ssyncadd.s32 $0xFFFFF830  }
0x258: {  	_ =	swait.ge [sflag:s20], $0x7D0  }
0x259: {  	[sflag:s20] =	ssyncset.done $0x0  }
0x25a: {  	[sflag:s20] =	ssyncadd.s32 $0xFFFFF830  }
0x25b: {  	_ =	swait.ge [sflag:s20], $0x7D0  }
0x25c: {  	[sflag:s20] =	ssyncset.done $0x0  }
0x25d: {  	[sflag:s20] =	ssyncadd.s32 $0xFFFFF830  }
0x25e: {  	s22 =	simm.s32 $0x3E8;
	_ =	swait.ge [sflag:s20], $0x7D0  }
0x25f: {  	s4 =	simm.s32 $0x27100;
	s26 =	simm.s32 $0x7;
	[sflag:s20] =	ssyncset.done $0x0  }
0x260: {  	p1 =	por $0x1, $0x1;
	s3 =	simm.s32 $0xE;
	[sflag:s20] =	ssyncadd.s32 $0xFFFFF830  }
0x261: {  	s9 =	simm.s32 $0x1;
	s8 =	simm.s32 $0x2;
	_ =	swait.ge [sflag:s20], $0x7D0  }
0x262: {  	s10 =	simm.s32 $0x4;
	s1 =	simm.s32 $0xF;
	[sflag:s20] =	ssyncset.done $0x0  }
0x263: {  	s11 =	simm.s32 $0x5;
	s0 =	smul.u32 $0x625, s1;
	[sflag:s20] =	ssyncadd.s32 $0xFFFFF830  }
0x264: {  	s12 =	simm.s32 $0x3;
	s15 =	simm.s32 $0x6;
	_ =	swait.ge [sflag:s20], $0x7D0  }
0x265: {  	s23 =	sadd.s32 $0xFFFFF9DB, s0;
	s5 =	sadd.s32 $0xFFFFA3D5, s0;
	[sflag:s20] =	ssyncset.done $0x0  }
0x266: {  	s6 =	sadd.s32 $0xFFFFA9FA, s0;
	s13 =	sadd.s32 $0xFFFFB01F, s0;
	[sflag:s20] =	ssyncadd.s32 $0xFFFFF830  }
0x267: {  	s14 =	sadd.s32 $0xFFFFB644, s0;
	s25 =	sadd.s32 $0xFFFFBC69, s0;
	_ =	swait.ge [sflag:s20], $0x7D0  }
0x268: {  	s16 =	sadd.s32 $0xFFFFC28E, s0;
	s17 =	sadd.s32 $0xFFFFC8B3, s0;
	s21 =	sld [smem:$0x7F5]  }
0x269: {  	s19 =	sadd.s32 $0xFFFFE147, s0;
	s2 =	sshrl.u32 s23, $0x10;
	[sflag:s20] =	ssyncset.done $0x0  }
0x26a: {  	s18 =	sadd.s32 $0xFFFFE76C, s0;
	s24 =	ssub.s32 $0xE, s2;
	[sflag:s20] =	ssyncadd.s32 $0xFFFFF830  }
0x26b: {  	[tilespmem:s7], [sflag:$0x2] =	stream.strided.gather [hbm4b:s21+s22], $0x3E80, s4, s22, $0x38;
	[tilespmem:$0x10890] =	vst v63  }
0x26c: {  	s5 =	sshrl.u32 s5, $0x10;
	s13 =	sshrl.u32 s13, $0x10;
	s4 =	sand.u32 $0xFFFE, s24  }
0x26d: {  	s14 =	sshrl.u32 s14, $0x10;
	s16 =	sshrl.u32 s16, $0x10;
	s4 =	sshrl.u32 s4, $0x1  }
0x26e: {  	s17 =	sshrl.u32 s17, $0x10;
	s28 =	sshrl.u32 s19, $0x10;
	s2 =	sadd.s32 s2, s4  }
0x26f: {  	s30 =	sshrl.u32 s18, $0x10;
	s18 =	simm.s32 $0xA;
	s2 =	sand.u32 $0xFFC0, s2  }
0x270: {  	v18 =	vmov s3;
	s19 =	simm.s32 $0xB;
	s3 =	ssub.s32 $0x3, s14;
	s2 =	sshrl.u32 s2, $0x6  }
0x271: {  	v30 =	vmov s18;
	v31 =	vmov s19;
	s18 =	simm.s32 $0xD;
	s19 =	simm.s32 $0xC;
	s23 =	smul.u32 $0x7D, s2  }
0x272: {  	s31 =	ssub.s32 $0xB, s30;
	[smem:$0x7BE] =	sst s19;
	s20 =	sadd.s32 $0xFFFFCED8, s0  }
0x273: {  	s20 =	sshrl.u32 s20, $0x10;
	s2 =	smul.u32 $0x1F40, s2;
	s23 =	ssub.s32 $0xE, s23  }
0x274: {  	s21 =	sadd.s32 $0xFFFFD4FD, s0;
	s22 =	sadd.s32 $0xFFFFDB22, s0;
	s23 =	sand.u32 $0xFFFF, s23  }
0x275: {  	s24 =	sshrl.u32 s6, $0x10;
	s2 =	sshrl.u32 s2, $0x2;
	s6 =	sshll.u32 s23, $0x4  }
0x276: {  	s23 =	sshrl.u32 s25, $0x10;
	s25 =	ssub.s32 $0x0, s5;
	s2 =	sadd.s32 s6, s2  }
0x277: {  	s6 =	sand.u32 $0xFFFE, s25;
	s25 =	ssub.s32 $0x1, s24;
	[smem:$0x7C4] =	sst s2  }
0x278: {  	s2 =	sshrl.u32 s6, $0x1;
	s6 =	ssub.s32 $0x2, s13;
	s4 =	sand.u32 $0xFFFE, s25  }
0x279: {  	s2 =	sadd.s32 s5, s2;
	s5 =	sand.u32 $0xFFFE, s6;
	s4 =	sshrl.u32 s4, $0x1  }
0x27a: {  	s6 =	simm.s32 $0x0;
	[smem:$0x7BF] =	sst s2;
	s25 =	sadd.s32 s24, s4  }
0x27b: {  	s5 =	sshrl.u32 s5, $0x1;
	s2 =	sand.u32 $0xFFFE, s3;
	s24 =	sshrl.u32 s21, $0x10  }
0x27c: {  	s4 =	ssub.s32 $0x5, s16;
	[smem:$0x7C0] =	sst s25;
	s13 =	sadd.s32 s13, s5  }
0x27d: {  	v26 =	vmov s26;
	s25 =	ssub.s32 $0x4, s23;
	s21 =	sand.u32 $0xFFFE, s4;
	[smem:$0x7C1] =	sst s13  }
0x27e: {  	v26 =	vshrl.u32 v26, $0x3;
	s5 =	sand.u32 $0xFFFE, s25;
	s13 =	sshrl.u32 s2, $0x1;
	s25 =	sshrl.u32 s22, $0x10  }
0x27f: {  	v18 =	vshrl.u32 v18, $0x3;
	v26 =	vshll.u32 v26, v2;
	s22 =	simm.s32 $0x8;
	s21 =	sshrl.u32 s21, $0x1;
	s2 =	ssub.s32 $0x8, s24  }
0x280: {  	v18 =	vshll.u32 v18, v2;
	v26 =	vbroadcast v26, $0x0;
	s3 =	sadd.s32 s14, s13;
	s5 =	sshrl.u32 s5, $0x1;
	s13 =	ssub.s32 $0x6, s17  }
0x281: {  	v18 =	vbroadcast v18, $0x0;
	s29 =	sadd.s32 s16, s21;
	s16 =	ssub.s32 $0x7, s20;
	s4 =	ssub.s32 $0x9, s25  }
0x282: {  	v20 =	vmov s9;
	v21 =	vmov s8;
	v26 =	vadd.s32 v10, v26;
	[smem:$0x7C2] =	sst s3;
	s14 =	sadd.s32 s23, s5;
	s5 =	sand.u32 $0xFFFE, s13  }
0x283: {  	v20 =	vshrl.u32 v20, $0x3;
	v21 =	vshrl.u32 v21, $0x3;
	v18 =	vadd.s32 v9, v18;
	s21 =	sand.u32 $0xFFFE, s16;
	s16 =	ssub.s32 $0xA, s28;
	s5 =	sshrl.u32 s5, $0x1  }
0x284: {  	v23 =	vmov s10;
	v24 =	vmov s11;
	v20 =	vshll.u32 v20, v2;
	s3 =	sshrl.u32 s21, $0x1;
	s21 =	simm.s32 $0xA;
	s14 =	sand.u32 $0xFFC0, s14  }
0x285: {  	v21 =	vshll.u32 v21, v2;
	v23 =	vshrl.u32 v23, $0x3;
	v24 =	vshrl.u32 v24, $0x3;
	s23 =	sadd.s32 s17, s5;
	s5 =	sand.u32 $0xFFFE, s2;
	s13 =	sadd.s32 s20, s3  }
0x286: {  	v20 =	vbroadcast v20, $0x0;
	v21 =	vbroadcast v21, $0x0;
	v22 =	vmov s12;
	s17 =	sand.u32 $0xFFFE, s4;
	[dreg:$0x1e] =	wrdreg s21;
	s21 =	sand.u32 $0xFFFE, s31  }
0x287: {  	v23 =	vshll.u32 v23, v2;
	v24 =	vshll.u32 v24, v2;
	v22 =	vshrl.u32 v22, $0x3;
	s4 =	sadd.s32 $0xFFFFED91, s0;
	[smem:$0x7C3] =	sst s23;
	s5 =	sshrl.u32 s5, $0x1  }
0x288: {  	v20 =	vadd.s32 v3, v20;
	v23 =	vbroadcast v23, $0x0;
	v27 =	vmov s6;
	s20 =	sshrl.u32 s17, $0x1;
	s17 =	simm.s32 $0xC;
	s3 =	sshrl.u32 s21, $0x1  }
0x289: {  	v21 =	vadd.s32 v4, v21;
	v24 =	vbroadcast v24, $0x0;
	v27 =	vshrl.u32 v27, $0x3;
	s13 =	sand.u32 $0xFFC0, s13;
	s23 =	sadd.s32 s24, s5;
	s5 =	sand.u32 $0xFFFE, s16  }
0x28a: {  	v25 =	vmov s15;
	v27 =	vshll.u32 v27, v2;
	s24 =	simm.s32 $0x9;
	s16 =	simm.s32 $0xB;
	v32 =	vmov s17;
	s17 =	sshrl.u32 s0, $0x10  }
0x28b: {  	v22 =	vshll.u32 v22, v2;
	v25 =	vshrl.u32 v25, $0x3;
	v27 =	vbroadcast v27, $0x0;
	[dreg:$0x14] =	wrdreg s16;
	s16 =	sadd.s32 s25, s20;
	s20 =	simm.s32 $0xD  }
0x28c: {  	v22 =	vbroadcast v22, $0x0;
	v35 =	vadd.s32 v7, v23;
	v25 =	vshll.u32 v25, v2;
	s5 =	sshrl.u32 s5, $0x1;
	s25 =	simm.s32 $0x2;
	[dreg:$0x19] =	wrdreg s20  }
0x28d: {  	v25 =	vbroadcast v25, $0x0;
	v19 =	vmov s1;
	v27 =	vadd.s32 v0, v27;
	s19 =	ssub.s32 $0xF, s17;
	s23 =	sand.u32 $0xFFC0, s23;
	_ =	swait.ge [sflag:s25], $0x3E80  }
0x28e: {  	v22 =	vadd.s32 v6, v22;
	v19 =	vshrl.u32 v19, $0x3;
	v28 =	vmov s22;
	s28 =	sadd.s32 s28, s5;
	s20 =	sadd.s32 s30, s3;
	[sflag:s25] =	ssyncset.done $0x0  }
0x28f: {  	v36 =	vadd.s32 v9, v25;
	v33 =	vmov s18;
	v28 =	vshrl.u32 v28, $0x3;
	s5 =	sshrl.u32 s4, $0x10;
	s30 =	sadd.s32 $0xFFFFF3B6, s0;
	[sflag:s25] =	ssyncadd.s32 $0xFFFFC180  }
0x290: {  	v30 =	vshrl.u32 v30, $0x3;
	v23 =	vshll.u32 v28, v2;
	v29 =	vmov s24;
	s2 =	sand.u32 $0xFFFE, s19;
	s16 =	sand.u32 $0xFFC0, s16;
	s30 =	sshrl.u32 s30, $0x10;
	v34 =	vld.idx.msk [tilespmem:v18+s7+$0x0], $0xffff  }
0x291: {  	v31 =	vshrl.u32 v31, $0x3;
	v28 =	vbroadcast v23, $0x0;
	v29 =	vshrl.u32 v29, $0x3;
	s31 =	ssub.s32 $0xC, s5;
	s2 =	sshrl.u32 s2, $0x1;
	s21 =	sld [smem:$0x7BF];
	v18 =	vld.idx.msk [tilespmem:v20+s7+$0x0], $0xffff  }
0x292: {  	v33 =	vshrl.u32 v33, $0x3;
	s28 =	sand.u32 $0xFFC0, s28;
	s17 =	sadd.s32 s17, s2;
	s2 =	sld [smem:$0x7C0];
	v20 =	vadd.s32 v8, v24;
	v24 =	vshll.u32 v29, v2;
	v25 =	vld.idx.msk [tilespmem:v27+s7+$0x0], $0xffff  }
0x293: {  	v37 =	vadd.s32 v0, v28;
	s20 =	sand.u32 $0xFFC0, s20;
	s16 =	sshrl.u32 s16, $0x6;
	s3 =	sld [smem:$0x7C1];
	v27 =	vshll.u32 v30, v2;
	v23 =	vld.idx.msk [tilespmem:v21+s7+$0x0], $0xffff;
	v24 =	vbroadcast v24, $0x0  }
0x294: {  	v32 =	vshrl.u32 v32, $0x3;
	s31 =	sand.u32 $0xFFFE, s31;
	s18 =	ssub.s32 $0xD, s30;
	s19 =	sld [smem:$0x7C3];
	v21 =	vshll.u32 v31, v2;
	v28 =	vld.idx.msk [tilespmem:v22+s7+$0x0], $0xffff;
	v27 =	vbroadcast v27, $0x0  }
0x295: {  	s28 =	sshrl.u32 s28, $0x6;
	s0 =	sand.u32 $0xFFFE, s18;
	s31 =	sshrl.u32 s31, $0x1;
	v22 =	vshll.u32 v32, v2;
	v30 =	vld.idx.msk [tilespmem:v35+s7+$0x0], $0xffff;
	v21 =	vbroadcast v21, $0x0;
	v24 =	vadd.s32 v3, v24  }
0x296: {  	s18 =	sld [smem:$0x7C2];
	s25 =	sadd.s32 s5, s31;
	s0 =	sshrl.u32 s0, $0x1;
	v31 =	vshll.u32 v33, v2;
	v32 =	vld.idx.msk [tilespmem:v26+s7+$0x0], $0xffff;
	v22 =	vbroadcast v22, $0x0;
	v61 =	vadd.s32 v4, v27  }
0x297: {  	v19 =	vshll.u32 v19, v2;
	s5 =	sadd.s32 s30, s0;
	s21 =	sand.u32 $0xFFC0, s21;
	s4 =	sand.u32 $0xFFC0, s2;
	v21 =	vadd.s32 v6, v21;
	v29 =	vld.idx.msk [tilespmem:v20+s7+$0x0], $0xffff;
	v20 =	vbroadcast v31, $0x0  }
0x298: {  	v19 =	vbroadcast v19, $0x0;
	s30 =	sand.u32 $0xFFC0, s3;
	s3 =	sand.u32 $0xFFC0, s29;
	s31 =	sand.u32 $0xFFC0, s19;
	v62 =	vadd.s32 v7, v22;
	v27 =	vld.idx.msk [tilespmem:v37+s7+$0x0], $0xffff  }
0x299: {  	s29 =	sand.u32 $0xFFC0, s17;
	s19 =	sld [smem:$0x7C4];
	s2 =	sand.u32 $0xFFC0, s18;
	v31 =	vld.idx.msk [tilespmem:v36+s7+$0x0], $0xffff;
	v20 =	vadd.s32 v8, v20  }
0x29a: {  	v63 =	vadd.s32 v10, v19;
	s18 =	sand.u32 $0xFFC0, s25;
	s5 =	sand.u32 $0xFFC0, s5;
	s25 =	sshrl.u32 s21, $0x6;
	v26 =	vld.idx.msk [tilespmem:v24+s7+$0x0], $0xffff  }
.Ltmp9:
0x29b: {  	s4 =	sshrl.u32 s4, $0x6;
	s30 =	sshrl.u32 s30, $0x6;
	v22 =	vld.idx.msk [tilespmem:v61+s7+$0x0], $0xffff;
	(pc) =	sbr.rel @!p1 .LBB2_16-.Ltmp9, $4  }
0x29c: {  	s17 =	sshrl.u32 s3, $0x6;
	s3 =	sshrl.u32 s31, $0x6;
	s29 =	sshrl.u32 s29, $0x6;
	v24 =	vld.idx.msk [tilespmem:v21+s7+$0x0], $0xffff  }
0x29d: {  	s21 =	sshrl.u32 s2, $0x6;
	s2 =	sshrl.u32 s14, $0x6;
	s14 =	sshrl.u32 s13, $0x6;
	v21 =	vld.idx.msk [tilespmem:v62+s7+$0x0], $0xffff  }
0x29e: {  	s13 =	sshrl.u32 s23, $0x6;
	s23 =	sshrl.u32 s20, $0x6;
	s20 =	smul.u32 $0x7D, s25;
	v19 =	vld.idx.msk [tilespmem:v20+s7+$0x0], $0xffff  }
0x29f: {  	s0 =	sshrl.u32 s18, $0x6;
	s31 =	sshrl.u32 s5, $0x6;
	s5 =	smul.u32 $0x7D, s4;
	[tilespmem:s19+$0x5280] =	vst v34;
	v20 =	vld.idx.msk [tilespmem:v63+s7+$0x0], $0xffff  }
.LBB2_17:
0x2a0: {  	s18 =	smul.u32 $0x7D, s30  }
0x2a1: {  	s19 =	smul.u32 $0x7D, s21  }
0x2a2: {  	s25 =	smul.u32 $0x1F40, s25  }
0x2a3: {  	s4 =	smul.u32 $0x1F40, s4  }
0x2a4: {  	s30 =	smul.u32 $0x1F40, s30  }
0x2a5: {  	s21 =	smul.u32 $0x1F40, s21  }
0x2a6: {  	s7 =	ssub.s32 s8, s18;
	s8 =	smul.u32 $0x7D, s2  }
0x2a7: {  	s18 =	smul.u32 $0x7D, s17  }
0x2a8: {  	s5 =	ssub.s32 s9, s5;
	s9 =	ssub.s32 s12, s19;
	s19 =	smul.u32 $0x7D, s3  }
0x2a9: {  	s6 =	ssub.s32 s6, s20;
	s2 =	smul.u32 $0x1F40, s2  }
0x2aa: {  	s6 =	sand.u32 $0xFFFF, s6;
	s17 =	smul.u32 $0x1F40, s17  }
0x2ab: {  	s3 =	smul.u32 $0x1F40, s3;
	s25 =	sshrl.u32 s25, $0x2;
	s5 =	sand.u32 $0xFFFF, s5  }
0x2ac: {  	s4 =	sshrl.u32 s4, $0x2;
	[smem:$0x7B0] =	sst s5;
	s5 =	smul.u32 $0x7D, s14  }
0x2ad: {  	s30 =	sshrl.u32 s30, $0x2;
	s11 =	ssub.s32 s11, s18;
	s18 =	smul.u32 $0x7D, s13  }
0x2ae: {  	s21 =	sshrl.u32 s21, $0x2;
	s15 =	ssub.s32 s15, s19;
	s19 =	smul.u32 $0x7D, s16  }
0x2af: {  	s7 =	sand.u32 $0xFFFF, s7;
	s9 =	sand.u32 $0xFFFF, s9;
	s14 =	smul.u32 $0x1F40, s14  }
0x2b0: {  	s6 =	sshll.u32 s6, $0x4;
	s10 =	ssub.s32 s10, s8;
	s13 =	smul.u32 $0x1F40, s13  }
0x2b1: {  	s7 =	sshll.u32 s7, $0x4;
	s9 =	sshll.u32 s9, $0x4;
	s16 =	smul.u32 $0x1F40, s16  }
0x2b2: {  	s2 =	sshrl.u32 s2, $0x2;
	s17 =	sshrl.u32 s17, $0x2;
	s3 =	sshrl.u32 s3, $0x2  }
0x2b3: {  	s6 =	sadd.s32 s6, s25;
	s10 =	sand.u32 $0xFFFF, s10;
	s11 =	sand.u32 $0xFFFF, s11  }
0x2b4: {  	s8 =	sand.u32 $0xFFFF, s15;
	s7 =	sadd.s32 s7, s30;
	s20 =	ssub.s32 s22, s18  }
0x2b5: {  	s18 =	smul.u32 $0x7D, s28;
	s15 =	ssub.s32 s24, s19;
	s24 =	rddreg [dreg:$0x1e]  }
0x2b6: {  	s12 =	ssub.s32 s26, s5;
	s19 =	smul.u32 $0x7D, s23;
	s26 =	rddreg [dreg:$0x14]  }
0x2b7: {  	s9 =	sadd.s32 s9, s21;
	s22 =	smul.u32 $0x7D, s31;
	s5 =	sld [smem:$0x7BE]  }
0x2b8: {  	s10 =	sshll.u32 s10, $0x4;
	s11 =	sshll.u32 s11, $0x4;
	s28 =	smul.u32 $0x1F40, s28  }
0x2b9: {  	s8 =	sshll.u32 s8, $0x4;
	s23 =	smul.u32 $0x1F40, s23;
	s14 =	sshrl.u32 s14, $0x2  }
0x2ba: {  	s31 =	smul.u32 $0x1F40, s31;
	s13 =	sshrl.u32 s13, $0x2;
	s16 =	sshrl.u32 s16, $0x2  }
0x2bb: {  	s12 =	sand.u32 $0xFFFF, s12;
	s20 =	sand.u32 $0xFFFF, s20;
	s15 =	sand.u32 $0xFFFF, s15  }
0x2bc: {  	s2 =	sadd.s32 s10, s2;
	s10 =	sadd.s32 s11, s17;
	s8 =	sadd.s32 s8, s3  }
0x2bd: {  	s3 =	simm.s32 $0x1400;
	s18 =	ssub.s32 s24, s18;
	s24 =	smul.u32 $0x7D, s0  }
0x2be: {  	s19 =	ssub.s32 s26, s19;
	s26 =	smul.u32 $0x7D, s29;
	s12 =	sshll.u32 s12, $0x4  }
0x2bf: {  	s20 =	sshll.u32 s20, $0x4;
	s15 =	sshll.u32 s15, $0x4;
	s0 =	smul.u32 $0x1F40, s0  }
0x2c0: {  	s28 =	sshrl.u32 s28, $0x2;
	s23 =	sshrl.u32 s23, $0x2;
	s25 =	sshrl.u32 s31, $0x2  }
0x2c1: {  	s18 =	sand.u32 $0xFFFF, s18;
	s19 =	sand.u32 $0xFFFF, s19;
	s14 =	sadd.s32 s12, s14  }
0x2c2: {  	s13 =	sadd.s32 s20, s13;
	s17 =	sadd.s32 s15, s16;
	s16 =	sadd.s32 $0x10, s1  }
0x2c3: {  	s24 =	ssub.s32 s5, s24;
	s5 =	smov.u32 s29;
	s29 =	rddreg [dreg:$0x19]  }
0x2c4: {  	s26 =	ssub.s32 s1, s26;
	s18 =	sshll.u32 s18, $0x4;
	s19 =	sshll.u32 s19, $0x4  }
0x2c5: {  	s0 =	sshrl.u32 s0, $0x2;
	s12 =	sadd.s32 $0xFFFFFFF2, s16;
	s20 =	sadd.s32 $0xFFFFFFF3, s16  }
0x2c6: {  	[tilespmem:s9+$0x5280] =	vst v28;
	s9 =	sadd.s32 $0xFFFFFFFF, s16;
	s22 =	ssub.s32 s29, s22;
	s29 =	sld [smem:$0x7B0]  }
0x2c7: {  	s21 =	sadd.s32 $0xFFFFFFF4, s16;
	s24 =	sand.u32 $0xFFFF, s24;
	[smem:$0x7BA] =	sst s12  }
0x2c8: {  	s26 =	sand.u32 $0xFFFF, s26;
	s18 =	sadd.s32 s18, s28;
	[smem:$0x7B9] =	sst s20  }
0x2c9: {  	s19 =	sadd.s32 s19, s23;
	[dreg:$0xa] =	wrdreg s21;
	s23 =	sadd.s32 $0xFFFFFFF7, s16  }
0x2ca: {  	[tilespmem:s7+$0x5280] =	vst v23;
	v23 =	vmov s12;
	s12 =	sadd.s32 $0xFFFFFFF6, s16;
	s22 =	sand.u32 $0xFFFF, s22;
	[smem:$0x7BC] =	sst s23  }
0x2cb: {  	s24 =	sshll.u32 s24, $0x4;
	s26 =	sshll.u32 s26, $0x4;
	[dreg:$0x5] =	wrdreg s12  }
0x2cc: {  	v59 =	vmov s23;
	[tilespmem:s18+$0x5280] =	vst v22;
	s23 =	sadd.s32 $0xFFFFFFF9, s16;
	s18 =	sadd.s32 $0xFFFFFFF1, s16;
	s22 =	sshll.u32 s22, $0x4  }
0x2cd: {  	s15 =	sadd.s32 s24, s0;
	s24 =	sadd.s32 $0xFFFFFFF8, s16;
	[smem:$0x7B8] =	sst s18  }
0x2ce: {  	[tilespmem:s10+$0x5280] =	vst v29;
	s0 =	smul.u32 $0x625, s16;
	s29 =	sshll.u32 s29, $0x4;
	[smem:$0x7B2] =	sst s24  }
0x2cf: {  	[tilespmem:s13+$0x5280] =	vst v27;
	v27 =	vmov s24;
	s24 =	sadd.s32 $0xFFFFFFFD, s16;
	[smem:$0x7B1] =	sst s29;
	s29 =	smul.u32 $0x1F40, s5  }
0x2d0: {  	[tilespmem:s8+$0x5280] =	vst v31;
	v29 =	vmov s21;
	s10 =	sadd.s32 $0xFFFFA3D5, s0;
	s21 =	sadd.s32 $0xFFFFB01F, s0;
	s13 =	sadd.s32 $0xFFFFB644, s0  }
0x2d1: {  	[tilespmem:s14+$0x5280] =	vst v32;
	s14 =	sadd.s32 $0xFFFFBC69, s0;
	s7 =	sadd.s32 $0xFFFFC28E, s0;
	s8 =	sadd.s32 $0xFFFFC8B3, s0  }
0x2d2: {  	[tilespmem:s17+$0x5280] =	vst v26;
	s17 =	sadd.s32 $0xFFFFCED8, s0;
	s28 =	sadd.s32 $0xFFFFD4FD, s0;
	[smem:$0x7BE] =	sst s24  }
0x2d3: {  	[tilespmem:s6+$0x5280] =	vst v25;
	s30 =	sadd.s32 $0xFFFFE76C, s0;
	s31 =	sadd.s32 $0xFFFFF3B6, s0;
	s6 =	sld [smem:$0x7B1]  }
0x2d4: {  	[tilespmem:s19+$0x5280] =	vst v24;
	s19 =	sshrl.u32 s10, $0x10;
	s10 =	sshrl.u32 s21, $0x10;
	s13 =	sshrl.u32 s13, $0x10  }
0x2d5: {  	s14 =	sshrl.u32 s14, $0x10;
	s8 =	sshrl.u32 s8, $0x10;
	[smem:$0x7B4] =	sst s10  }
0x2d6: {  	v28 =	vmov s9;
	s21 =	sshrl.u32 s0, $0x10;
	s29 =	sshrl.u32 s29, $0x2;
	[smem:$0x7B6] =	sst s8  }
0x2d7: {  	v25 =	vmov s20;
	v28 =	vshrl.u32 v28, $0x3;
	s11 =	sadd.s32 s26, s29;
	s29 =	sadd.s32 $0xFFFFE147, s0;
	s4 =	sadd.s32 s6, s4  }
0x2d8: {  	[tilespmem:s2+$0x5280] =	vst v30;
	v31 =	vmov s12;
	v23 =	vshrl.u32 v23, $0x3;
	v25 =	vshrl.u32 v25, $0x3;
	s6 =	sadd.s32 s22, s25;
	s22 =	sadd.s32 $0xFFFFFFF5, s16;
	s25 =	sadd.s32 $0xFFFFF9DB, s0  }
0x2d9: {  	v26 =	vshrl.u32 v29, $0x3;
	v28 =	vshll.u32 v28, v2;
	v22 =	vshrl.u32 v31, $0x3;
	[tilespmem:s11+$0x5280] =	vst v20;
	s11 =	sadd.s32 $0xFFFFFFFB, s16;
	[smem:$0x7BB] =	sst s22;
	s5 =	sshrl.u32 s25, $0x10  }
0x2da: {  	v23 =	vshll.u32 v23, v2;
	v31 =	vmov s18;
	[tilespmem:s15+$0x5280] =	vst v21;
	v30 =	vmov s22;
	s22 =	sadd.s32 $0xFFFFA9FA, s0;
	s25 =	sadd.s32 $0xFFFFDB22, s0;
	s26 =	ssub.s32 s9, s5  }
0x2db: {  	v28 =	vbroadcast v28, $0x0;
	v21 =	vshll.u32 v25, v2;
	v25 =	vshll.u32 v26, v2;
	[tilespmem:s4+$0x5280] =	vst v18;
	s4 =	sadd.s32 $0xFFFFFFFA, s16;
	[dreg:$0x1e] =	wrdreg s11;
	s20 =	sand.u32 $0xFFFE, s26  }
0x2dc: {  	v24 =	vshrl.u32 v27, $0x3;
	v21 =	vbroadcast v21, $0x0;
	v60 =	vmov s24;
	[tilespmem:s6+$0x5280] =	vst v19;
	s6 =	sadd.s32 $0xFFFFFFFC, s16;
	[dreg:$0xf] =	wrdreg s4;
	s1 =	sshrl.u32 s20, $0x1  }
0x2dd: {  	v28 =	vadd.s32 v9, v28;
	v24 =	vshll.u32 v24, v2;
	v32 =	vshrl.u32 v60, $0x3;
	s22 =	sshrl.u32 s22, $0x10;
	[dreg:$0x14] =	wrdreg s6;
	s5 =	sadd.s32 s5, s1  }
0x2de: {  	v32 =	vshll.u32 v32, v2;
	v24 =	vbroadcast v24, $0x0;
	v21 =	vadd.s32 v4, v21;
	s26 =	sadd.s32 $0xFFFFFFFE, s16;
	[smem:$0x7B3] =	sst s22;
	s5 =	sand.u32 $0xFFC0, s5  }
0x2df: {  	v20 =	vbroadcast v23, $0x0;
	v23 =	vbroadcast v25, $0x0;
	v25 =	vmov s23;
	s20 =	sadd.s32 $0xFFFFED91, s0;
	s0 =	sld [smem:$0x7B2];
	s5 =	sshrl.u32 s5, $0x6  }
0x2e0: {  	s31 =	sshrl.u32 s31, $0x10;
	v18 =	vmov s16;
	v19 =	vshll.u32 v22, v2;
	v25 =	vshrl.u32 v25, $0x3;
	[dreg:$0x19] =	wrdreg s26;
	s2 =	smul.u32 $0x7D, s5  }
0x2e1: {  	v29 =	vshrl.u32 v30, $0x3;
	v30 =	vshrl.u32 v59, $0x3;
	v33 =	vmov s26;
	s26 =	ssub.s32 s26, s31;
	s1 =	sshrl.u32 s7, $0x10;
	s5 =	smul.u32 $0x1F40, s5  }
0x2e2: {  	v18 =	vshrl.u32 v18, $0x3;
	v27 =	vmov s4;
	v25 =	vshll.u32 v25, v2;
	s25 =	sshrl.u32 s25, $0x10;
	s26 =	sand.u32 $0xFFFE, s26;
	[smem:$0x7B5] =	sst s1  }
0x2e3: {  	v20 =	vadd.s32 v3, v20;
	v19 =	vbroadcast v19, $0x0;
	v26 =	vshll.u32 v29, v2;
	s26 =	sshrl.u32 s26, $0x1;
	s15 =	ssub.s32 s9, s2;
	s5 =	sshrl.u32 s5, $0x2  }
0x2e4: {  	v28 =	vld.idx.msk [tilespmem:v28+s3+$0x0], $0xffff;
	v22 =	vshll.u32 v30, v2;
	v18 =	vshll.u32 v18, v2;
	v29 =	vmov s11;
	s9 =	sshrl.u32 s17, $0x10;
	s2 =	sshrl.u32 s28, $0x10;
	s28 =	sshrl.u32 s29, $0x10  }
0x2e5: {  	v30 =	vmov s6;
	v27 =	vshrl.u32 v27, $0x3;
	v61 =	vbroadcast v25, $0x0;
	s29 =	sshrl.u32 s30, $0x10;
	s30 =	sshrl.u32 s20, $0x10;
	s20 =	rddreg [dreg:$0xa]  }
0x2e6: {  	v29 =	vshrl.u32 v29, $0x3;
	v30 =	vshrl.u32 v30, $0x3;
	v26 =	vbroadcast v26, $0x0;
	s17 =	smov.u32 s19;
	s15 =	sand.u32 $0xFFFF, s15;
	[smem:$0x7B7] =	sst s2  }
0x2e7: {  	v27 =	vshll.u32 v27, v2;
	v22 =	vbroadcast v22, $0x0;
	v19 =	vadd.s32 v8, v19;
	s11 =	ssub.s32 s11, s28;
	s24 =	ssub.s32 s24, s30;
	s15 =	sshll.u32 s15, $0x4  }
0x2e8: {  	v35 =	vbroadcast v18, $0x0;
	v29 =	vshll.u32 v29, v2;
	v26 =	vadd.s32 v7, v26;
	s11 =	sand.u32 $0xFFFE, s11;
	s24 =	sand.u32 $0xFFFE, s24;
	s5 =	sadd.s32 s15, s5  }
0x2e9: {  	v27 =	vbroadcast v27, $0x0;
	v18 =	vld.idx.msk [tilespmem:v20+s3+$0x0], $0xffff;
	v20 =	vadd.s32 v9, v22;
	v22 =	vadd.s32 v10, v24;
	s11 =	sshrl.u32 s11, $0x1;
	[tilespmem:s5+$0x5280] =	vst v28;
	s5 =	ssub.s32 s18, s19;
	s18 =	sld [smem:$0x7BA]  }
0x2ea: {  	v30 =	vshll.u32 v30, v2;
	v29 =	vbroadcast v29, $0x0;
	v24 =	vadd.s32 v0, v61;
	s19 =	sld [smem:$0x7B9];
	s11 =	sadd.s32 s28, s11;
	s5 =	sand.u32 $0xFFFE, s5  }
0x2eb: {  	v34 =	vadd.s32 v6, v23;
	v23 =	vld.idx.msk [tilespmem:v21+s3+$0x0], $0xffff;
	v30 =	vbroadcast v30, $0x0;
	v62 =	vadd.s32 v3, v27;
	s24 =	sshrl.u32 s24, $0x1;
	s11 =	sand.u32 $0xFFC0, s11;
	s5 =	sshrl.u32 s5, $0x1  }
0x2ec: {  	v32 =	vbroadcast v32, $0x0;
	v36 =	vadd.s32 v4, v29;
	v29 =	vld.idx.msk [tilespmem:v19+s3+$0x0], $0xffff;
	s28 =	sshrl.u32 s11, $0x6;
	s11 =	rddreg [dreg:$0x5];
	s15 =	ssub.s32 s18, s22  }
0x2ed: {  	v31 =	vshrl.u32 v31, $0x3;
	v21 =	vadd.s32 v6, v30;
	v30 =	vld.idx.msk [tilespmem:v26+s3+$0x0], $0xffff;
	s18 =	ssub.s32 s19, s10;
	s19 =	ssub.s32 s20, s13;
	s22 =	sld [smem:$0x7BB]  }
0x2ee: {  	v31 =	vshll.u32 v31, v2;
	v37 =	vadd.s32 v7, v32;
	v32 =	vld.idx.msk [tilespmem:v22+s3+$0x0], $0xffff;
	s10 =	ssub.s32 s23, s2;
	s2 =	ssub.s32 s6, s29;
	s17 =	sadd.s32 s17, s5  }
0x2ef: {  	v33 =	vshrl.u32 v33, $0x3;
	v27 =	vld.idx.msk [tilespmem:v24+s3+$0x0], $0xffff;
	v28 =	vbroadcast v31, $0x0;
	s5 =	sld [smem:$0x7B4];
	s15 =	sand.u32 $0xFFFE, s15;
	s19 =	sand.u32 $0xFFFE, s19  }
0x2f0: {  	v63 =	vadd.s32 v10, v35;
	v26 =	vld.idx.msk [tilespmem:v62+s3+$0x0], $0xffff;
	v31 =	vshll.u32 v33, v2;
	s18 =	sand.u32 $0xFFFE, s18;
	s15 =	sshrl.u32 s15, $0x1;
	s19 =	sshrl.u32 s19, $0x1  }
0x2f1: {  	v22 =	vld.idx.msk [tilespmem:v36+s3+$0x0], $0xffff;
	v31 =	vbroadcast v31, $0x0;
	v28 =	vadd.s32 v0, v28;
	s20 =	ssub.s32 s22, s14;
	s22 =	ssub.s32 s12, s1;
	s1 =	sld [smem:$0x7BC]  }
0x2f2: {  	v24 =	vld.idx.msk [tilespmem:v21+s3+$0x0], $0xffff;
	s12 =	ssub.s32 s4, s25;
	s4 =	ssub.s32 s16, s21;
	s13 =	sadd.s32 s13, s19  }
0x2f3: {  	v21 =	vld.idx.msk [tilespmem:v37+s3+$0x0], $0xffff;
	v38 =	vadd.s32 v8, v31;
	s20 =	sand.u32 $0xFFFE, s20;
	s22 =	sand.u32 $0xFFFE, s22;
	s6 =	sand.u32 $0xFFFE, s4  }
0x2f4: {  	v31 =	vld.idx.msk [tilespmem:v20+s3+$0x0], $0xffff;
	s20 =	sshrl.u32 s20, $0x1;
	s22 =	sshrl.u32 s22, $0x1;
	s6 =	sshrl.u32 s6, $0x1  }
0x2f5: {  	v20 =	vld.idx.msk [tilespmem:v63+s3+$0x0], $0xffff;
	s7 =	ssub.s32 s1, s8;
	s8 =	ssub.s32 s0, s9;
	s1 =	smov.u32 s9  }
0x2f6: {  	v25 =	vld.idx.msk [tilespmem:v28+s3+$0x0], $0xffff;
	s9 =	sand.u32 $0xFFFE, s10;
	s10 =	sand.u32 $0xFFFE, s12;
	s12 =	sand.u32 $0xFFFE, s2  }
0x2f7: {  	v28 =	vld.idx.msk [tilespmem:v34+s3+$0x0], $0xffff;
	s2 =	sshrl.u32 s18, $0x1;
	s18 =	sld [smem:$0x7B3];
	s14 =	sadd.s32 s14, s20  }
0x2f8: {  	v19 =	vld.idx.msk [tilespmem:v38+s3+$0x0], $0xffff;
	s20 =	sld [smem:$0x7B6];
	s3 =	sadd.s32 s21, s6;
	s6 =	sand.u32 $0xFFC0, s17  }
0x2f9: {  	s7 =	sand.u32 $0xFFFE, s7;
	s8 =	sand.u32 $0xFFFE, s8;
	s9 =	sshrl.u32 s9, $0x1  }
0x2fa: {  	s10 =	sshrl.u32 s10, $0x1;
	s12 =	sshrl.u32 s12, $0x1;
	s4 =	sadd.s32 s5, s2  }
0x2fb: {  	s2 =	sadd.s32 s31, s26;
	s26 =	smov.u32 s0;
	s5 =	sand.u32 $0xFFC0, s13  }
0x2fc: {  	s13 =	sand.u32 $0xFFC0, s14;
	s7 =	sshrl.u32 s7, $0x1;
	s8 =	sshrl.u32 s8, $0x1  }
0x2fd: {  	s10 =	sadd.s32 s25, s10;
	s12 =	sadd.s32 s29, s12;
	s25 =	sadd.s32 s30, s24  }
0x2fe: {  	s24 =	rddreg [dreg:$0xf];
	s21 =	sshrl.u32 s5, $0x6;
	s18 =	sadd.s32 s18, s15  }
0x2ff: {  	s15 =	sld [smem:$0x7B5];
	s7 =	sadd.s32 s20, s7;
	s8 =	sadd.s32 s1, s8  }
0x300: {  	s1 =	smov.u32 s16;
	s10 =	sand.u32 $0xFFC0, s10;
	s12 =	sand.u32 $0xFFC0, s12  }
0x301: {  	s20 =	sand.u32 $0xFFC0, s3;
	s17 =	sand.u32 $0xFFC0, s18;
	s18 =	sand.u32 $0xFFC0, s4  }
0x302: {  	s7 =	sand.u32 $0xFFC0, s7;
	s8 =	sand.u32 $0xFFC0, s8;
	s16 =	sshrl.u32 s10, $0x6  }
0x303: {  	s10 =	sld [smem:$0x7BB];
	s29 =	sshrl.u32 s20, $0x6;
	s19 =	sadd.s32 s15, s22  }
0x304: {  	s15 =	sand.u32 $0xFFC0, s25;
	s25 =	sshrl.u32 s6, $0x6;
	s6 =	sld [smem:$0x7B8]  }
0x305: {  	s4 =	sshrl.u32 s17, $0x6;
	s30 =	sshrl.u32 s18, $0x6;
	s3 =	sshrl.u32 s7, $0x6  }
0x306: {  	s22 =	smov.u32 s23;
	s23 =	sld [smem:$0x7B7];
	s5 =	smul.u32 $0x7D, s4  }
0x307: {  	s14 =	sand.u32 $0xFFC0, s19;
	s19 =	sand.u32 $0xFFC0, s2;
	p1 =	slt.u32 s6, $0x3D0  }
.Ltmp10:
0x308: {  	s2 =	sshrl.u32 s13, $0x6;
	s0 =	sshrl.u32 s15, $0x6;
	(pc) =	sbr.rel @p1 .LBB2_17-.Ltmp10, $4  }
0x309: {  	s15 =	sld [smem:$0x7BC];
	s20 =	smul.u32 $0x7D, s25;
	s17 =	sshrl.u32 s14, $0x6  }
0x30a: {  	s14 =	sshrl.u32 s8, $0x6;
	s8 =	sld [smem:$0x7B9];
	s9 =	sadd.s32 s23, s9  }
0x30b: {  	s23 =	sshrl.u32 s12, $0x6;
	s12 =	rddreg [dreg:$0xa];
	s9 =	sand.u32 $0xFFC0, s9  }
0x30c: {  	s31 =	sshrl.u32 s19, $0x6;
	s13 =	sshrl.u32 s9, $0x6;
	s9 =	sld [smem:$0x7BA]  }
0x30d: {  	_ = 	snop  }
0x30e: {  	s18 =	smov.u32 s6;
	[smem:$0x7BD] =	sst s22  }
0x30f: {  	s24 =	smov.u32 s10;
	s22 =	smov.u32 s8;
	s19 =	smov.u32 s9  }
.LBB2_19:
0x310: {  	s6 =	smul.u32 $0x7D, s30  }
0x311: {  	s7 =	smul.u32 $0x7D, s21  }
0x312: {  	s8 =	smul.u32 $0x7D, s2  }
0x313: {  	s9 =	smul.u32 $0x7D, s17  }
0x314: {  	s10 =	smul.u32 $0x7D, s3  }
0x315: {  	s11 =	smul.u32 $0x7D, s14  }
0x316: {  	s12 =	smul.u32 $0x7D, s13  }
0x317: {  	s20 =	ssub.s32 s18, s20;
	s18 =	smul.u32 $0x7D, s16  }
0x318: {  	s19 =	ssub.s32 s19, s5;
	s5 =	smul.u32 $0x7D, s28  }
0x319: {  	s25 =	smul.u32 $0x1F40, s25  }
0x31a: {  	s4 =	smul.u32 $0x1F40, s4  }
0x31b: {  	s21 =	smul.u32 $0x1F40, s21;
	s6 =	ssub.s32 s22, s6;
	s22 =	rddreg [dreg:$0xa]  }
0x31c: {  	s20 =	sand.u32 $0xFFFF, s20;
	s8 =	ssub.s32 s24, s8;
	s24 =	rddreg [dreg:$0x5]  }
0x31d: {  	s19 =	sand.u32 $0xFFFF, s19;
	s11 =	ssub.s32 s26, s11;
	s26 =	rddreg [dreg:$0xf]  }
0x31e: {  	s10 =	ssub.s32 s15, s10;
	s15 =	rddreg [dreg:$0x14];
	s25 =	sshrl.u32 s25, $0x2  }
0x31f: {  	s4 =	sshrl.u32 s4, $0x2;
	[smem:$0x7AF] =	sst s6;
	s7 =	ssub.s32 s22, s7  }
0x320: {  	s6 =	smul.u32 $0x7D, s23;
	s9 =	ssub.s32 s24, s9;
	s24 =	sld [smem:$0x7BD]  }
0x321: {  	s22 =	smul.u32 $0x7D, s0;
	s18 =	ssub.s32 s26, s18;
	s26 =	rddreg [dreg:$0x1e]  }
0x322: {  	s8 =	sand.u32 $0xFFFF, s8;
	s26 =	ssub.s32 s26, s5;
	s5 =	smul.u32 $0x7D, s29  }
0x323: {  	s7 =	sand.u32 $0xFFFF, s7;
	s9 =	sand.u32 $0xFFFF, s9;
	s8 =	sshll.u32 s8, $0x4  }
0x324: {  	s6 =	ssub.s32 s15, s6;
	s15 =	sld [smem:$0x7BE];
	s12 =	ssub.s32 s24, s12  }
0x325: {  	s24 =	smul.u32 $0x7D, s31;
	s1 =	ssub.s32 s1, s5;
	s5 =	sshll.u32 s20, $0x4  }
0x326: {  	s5 =	sadd.s32 s5, s25;
	s25 =	smul.u32 $0x1F40, s30;
	s30 =	sld [smem:$0x7AF]  }
0x327: {  	s7 =	sshll.u32 s7, $0x4;
	s22 =	ssub.s32 s15, s22;
	s15 =	rddreg [dreg:$0x19]  }
0x328: {  	s9 =	sshll.u32 s9, $0x4;
	s24 =	ssub.s32 s15, s24;
	s15 =	sshll.u32 s19, $0x4  }
0x329: {  	s19 =	sshrl.u32 s25, $0x2;
	s25 =	smul.u32 $0x1F40, s2;
	s20 =	sand.u32 $0xFFFF, s30  }
0x32a: {  	s6 =	sand.u32 $0xFFFF, s6;
	s30 =	smul.u32 $0x1F40, s17;
	s20 =	sshll.u32 s20, $0x4  }
0x32b: {  	s4 =	sadd.s32 s15, s4;
	s15 =	sadd.s32 s20, s19;
	s20 =	smul.u32 $0x1F40, s3  }
0x32c: {  	s12 =	sand.u32 $0xFFFF, s12;
	s17 =	sshrl.u32 s30, $0x2;
	s30 =	smul.u32 $0x1F40, s14  }
0x32d: {  	s1 =	sand.u32 $0xFFFF, s1;
	s2 =	sshrl.u32 s25, $0x2;
	s14 =	smul.u32 $0x1F40, s16  }
0x32e: {  	s25 =	sand.u32 $0xFFFF, s10;
	[tilespmem:s4+$0x5280] =	vst v18;
	s4 =	sshll.u32 s12, $0x4;
	s16 =	smul.u32 $0x1F40, s28  }
0x32f: {  	s19 =	sshrl.u32 s21, $0x2;
	s2 =	sadd.s32 s8, s2;
	s28 =	smul.u32 $0x1F40, s29  }
0x330: {  	[tilespmem:s5+$0x5280] =	vst v25;
	s7 =	sadd.s32 s7, s19;
	s21 =	sadd.s32 s9, s17;
	s17 =	smul.u32 $0x1F40, s23  }
0x331: {  	s9 =	sshll.u32 s25, $0x4;
	[tilespmem:s15+$0x5280] =	vst v23;
	s15 =	sand.u32 $0xFFFF, s26;
	s19 =	smul.u32 $0x1F40, s0  }
0x332: {  	[tilespmem:s2+$0x5280] =	vst v30;
	s25 =	smul.u32 $0x1F40, s31;
	s26 =	sand.u32 $0xFFFF, s24;
	s3 =	sshrl.u32 s20, $0x2  }
0x333: {  	[tilespmem:s7+$0x5280] =	vst v28;
	s2 =	sshll.u32 s15, $0x4;
	s20 =	sshrl.u32 s16, $0x2;
	s3 =	sadd.s32 s9, s3  }
0x334: {  	[tilespmem:s21+$0x5280] =	vst v29;
	s9 =	sand.u32 $0xFFFF, s11;
	s11 =	smul.u32 $0x1F40, s13;
	s13 =	sand.u32 $0xFFFF, s18  }
0x335: {  	s18 =	sshll.u32 s6, $0x4;
	s21 =	sshrl.u32 s17, $0x2;
	s2 =	sadd.s32 s2, s20;
	[tilespmem:s3+$0x5280] =	vst v31  }
0x336: {  	s10 =	sshrl.u32 s30, $0x2;
	s5 =	sshll.u32 s9, $0x4;
	s3 =	sadd.s32 s18, s21;
	[tilespmem:s2+$0x5280] =	vst v22  }
0x337: {  	s29 =	sshrl.u32 s25, $0x2;
	s2 =	sshll.u32 s26, $0x4;
	s5 =	sadd.s32 s5, s10;
	[tilespmem:s3+$0x5280] =	vst v24  }
0x338: {  	s23 =	sand.u32 $0xFFFF, s22;
	s9 =	sshrl.u32 s11, $0x2;
	s2 =	sadd.s32 s2, s29;
	[tilespmem:s5+$0x5280] =	vst v32  }
0x339: {  	s7 =	sshll.u32 s13, $0x4;
	s4 =	sadd.s32 s4, s9;
	s9 =	sshrl.u32 s14, $0x2;
	[tilespmem:s2+$0x5280] =	vst v19  }
0x33a: {  	s0 =	sshrl.u32 s19, $0x2;
	s7 =	sadd.s32 s7, s9;
	[tilespmem:s4+$0x5280] =	vst v27;
	s4 =	sshll.u32 s23, $0x4  }
0x33b: {  	s30 =	sshll.u32 s1, $0x4;
	s31 =	sshrl.u32 s28, $0x2;
	[tilespmem:s7+$0x5280] =	vst v26;
	s0 =	sadd.s32 s4, s0  }
0x33c: {  	[tilespmem:s0+$0x5280] =	vst v21;
	s0 =	sadd.s32 s30, s31  }
0x33d: {  	s2 =	simm.s32 $0x3E0;
	s7 =	simm.s32 $0x1400;
	[tilespmem:s0+$0x5280] =	vst v20  }
.LBB2_20:
0x33e: {  	s0 =	smul.u32 $0x625, s2;
	_ =	sdelay $0x1  }
0x33f: {  	s0 =	sshrl.u32 s0, $0x10  }
0x340: {  	v18 =	vmov s2;
	s1 =	ssub.s32 s2, s0  }
0x341: {  	v18 =	vand.u32 $0x3FF, v18;
	s1 =	sand.u32 $0xFFFE, s1  }
0x342: {  	v18 =	vadd.s32 v0, v18;
	s1 =	sshrl.u32 s1, $0x1  }
0x343: {  	s0 =	sadd.s32 s0, s1  }
0x344: {  	s0 =	sand.u32 $0xFFC0, s0  }
0x345: {  	s0 =	sshrl.u32 s0, $0x6  }
0x346: {  	s31 =	smul.u32 $0x7D, s0  }
0x347: {  	p1 =	sne.s32 s2, $0x3E7;
	v18 =	vld.idx.msk [tilespmem:v18+s7+$0x0], $0xffff;
	s0 =	smul.u32 $0x1F40, s0  }
.Ltmp11:
0x348: {  	s1 =	ssub.s32 s2, s31;
	(pc) =	sbr.rel @p1 .LBB2_20-.Ltmp11, $4  }
0x349: {  	s1 =	sand.u32 $0xFFFF, s1  }
0x34a: {  	s0 =	sshrl.u32 s0, $0x2;
	s1 =	sshll.u32 s1, $0x4  }
0x34b: {  	s0 =	sadd.s32 s1, s0  }
0x34c: {  	s2 =	sadd.s32 $0x1, s2;
	[tilespmem:s0+$0x5280] =	vst v18  }
0x34d: {  	s0 =	rddreg [dreg:$0x1]  }
0x34e: {  	s1 =	simm.s32 $0x7D;
	s2 =	simm.s32 $0x5280;
	s3 =	simm.s32 $0x800  }
0x34f: {  	[spmem:s0] =	stream.indirect.scatter.add.f32 [tilespmem:s2], [sflag:$0x1], $0x10, s3, s1, $0xb8;
	[tilespmem:$0x10890] =	vst v63  }
0x350: {  	s5 =	simm.s32 $0x5A50;
	s6 =	simm.s32 $0x880  }
0x351: {  	[spmem:s0] =	stream.indirect.scatter.add.f32 [tilespmem:s5], [sflag:$0x1], $0x10, s6, s1, $0xb8;
	[tilespmem:$0x10890] =	vst v63  }
0x352: {  	s8 =	simm.s32 $0x6220;
	s9 =	simm.s32 $0x900  }
0x353: {  	[spmem:s0] =	stream.indirect.scatter.add.f32 [tilespmem:s8], [sflag:$0x1], $0x10, s9, s1, $0xb8;
	[tilespmem:$0x10890] =	vst v63  }
0x354: {  	s10 =	simm.s32 $0x69F0;
	s11 =	simm.s32 $0x980  }
0x355: {  	[spmem:s0] =	stream.indirect.scatter.add.f32 [tilespmem:s10], [sflag:$0x1], $0x10, s11, s1, $0xb8;
	[tilespmem:$0x10890] =	vst v63  }
0x356: {  	s12 =	simm.s32 $0x71C0;
	s13 =	simm.s32 $0xA00  }
0x357: {  	[spmem:s0] =	stream.indirect.scatter.add.f32 [tilespmem:s12], [sflag:$0x1], $0x10, s13, s1, $0xb8;
	[tilespmem:$0x10890] =	vst v63  }
0x358: {  	s14 =	simm.s32 $0x7990;
	s15 =	simm.s32 $0xA80  }
0x359: {  	[spmem:s0] =	stream.indirect.scatter.add.f32 [tilespmem:s14], [sflag:$0x1], $0x10, s15, s1, $0xb8;
	[tilespmem:$0x10890] =	vst v63  }
0x35a: {  	s16 =	simm.s32 $0x8160;
	s17 =	simm.s32 $0xB00  }
0x35b: {  	[spmem:s0] =	stream.indirect.scatter.add.f32 [tilespmem:s16], [sflag:$0x1], $0x10, s17, s1, $0xb8;
	[tilespmem:$0x10890] =	vst v63  }
0x35c: {  	s18 =	simm.s32 $0x8930;
	s19 =	simm.s32 $0xB80;
	s20 =	simm.s32 $0x1  }
0x35d: {  	[spmem:s0] =	stream.indirect.scatter.add.f32 [tilespmem:s18], [sflag:$0x1], $0x10, s19, s1, $0xb8;
	[tilespmem:$0x10890] =	vst v63  }
0x35e: {  	_ =	swait.ge [sflag:s20], $0x7D0  }
0x35f: {  	[sflag:s20] =	ssyncset.done $0x0  }
0x360: {  	[sflag:s20] =	ssyncadd.s32 $0xFFFFF830  }
0x361: {  	_ =	swait.ge [sflag:s20], $0x7D0  }
0x362: {  	[sflag:s20] =	ssyncset.done $0x0  }
0x363: {  	[sflag:s20] =	ssyncadd.s32 $0xFFFFF830  }
0x364: {  	_ =	swait.ge [sflag:s20], $0x7D0  }
0x365: {  	[sflag:s20] =	ssyncset.done $0x0  }
0x366: {  	[sflag:s20] =	ssyncadd.s32 $0xFFFFF830  }
0x367: {  	_ =	swait.ge [sflag:s20], $0x7D0  }
0x368: {  	[sflag:s20] =	ssyncset.done $0x0  }
0x369: {  	[sflag:s20] =	ssyncadd.s32 $0xFFFFF830  }
0x36a: {  	s22 =	simm.s32 $0x3E8;
	_ =	swait.ge [sflag:s20], $0x7D0  }
0x36b: {  	s4 =	simm.s32 $0x27100;
	s26 =	simm.s32 $0x7;
	[sflag:s20] =	ssyncset.done $0x0  }
0x36c: {  	p1 =	por $0x1, $0x1;
	s3 =	simm.s32 $0xE;
	[sflag:s20] =	ssyncadd.s32 $0xFFFFF830  }
0x36d: {  	s9 =	simm.s32 $0x1;
	s8 =	simm.s32 $0x2;
	_ =	swait.ge [sflag:s20], $0x7D0  }
0x36e: {  	s10 =	simm.s32 $0x4;
	s1 =	simm.s32 $0xF;
	[sflag:s20] =	ssyncset.done $0x0  }
0x36f: {  	s11 =	simm.s32 $0x5;
	s0 =	smul.u32 $0x625, s1;
	[sflag:s20] =	ssyncadd.s32 $0xFFFFF830  }
0x370: {  	s12 =	simm.s32 $0x3;
	s15 =	simm.s32 $0x6;
	_ =	swait.ge [sflag:s20], $0x7D0  }
0x371: {  	s23 =	sadd.s32 $0xFFFFF9DB, s0;
	s5 =	sadd.s32 $0xFFFFA3D5, s0;
	[sflag:s20] =	ssyncset.done $0x0  }
0x372: {  	s6 =	sadd.s32 $0xFFFFA9FA, s0;
	s13 =	sadd.s32 $0xFFFFB01F, s0;
	[sflag:s20] =	ssyncadd.s32 $0xFFFFF830  }
0x373: {  	s14 =	sadd.s32 $0xFFFFB644, s0;
	s25 =	sadd.s32 $0xFFFFBC69, s0;
	_ =	swait.ge [sflag:s20], $0x7D0  }
0x374: {  	s16 =	sadd.s32 $0xFFFFC28E, s0;
	s17 =	sadd.s32 $0xFFFFC8B3, s0;
	s21 =	sld [smem:$0x7F6]  }
0x375: {  	s19 =	sadd.s32 $0xFFFFE147, s0;
	s2 =	sshrl.u32 s23, $0x10;
	[sflag:s20] =	ssyncset.done $0x0  }
0x376: {  	s18 =	sadd.s32 $0xFFFFE76C, s0;
	s24 =	ssub.s32 $0xE, s2;
	[sflag:s20] =	ssyncadd.s32 $0xFFFFF830  }
0x377: {  	[tilespmem:s7], [sflag:$0x2] =	stream.strided.gather [hbm4b:s21+s22], $0x3E80, s4, s22, $0x38;
	[tilespmem:$0x10890] =	vst v63  }
0x378: {  	s5 =	sshrl.u32 s5, $0x10;
	s13 =	sshrl.u32 s13, $0x10;
	s4 =	sand.u32 $0xFFFE, s24  }
0x379: {  	s14 =	sshrl.u32 s14, $0x10;
	s16 =	sshrl.u32 s16, $0x10;
	s4 =	sshrl.u32 s4, $0x1  }
0x37a: {  	s17 =	sshrl.u32 s17, $0x10;
	s28 =	sshrl.u32 s19, $0x10;
	s2 =	sadd.s32 s2, s4  }
0x37b: {  	s30 =	sshrl.u32 s18, $0x10;
	s18 =	simm.s32 $0xA;
	s2 =	sand.u32 $0xFFC0, s2  }
0x37c: {  	v18 =	vmov s3;
	s19 =	simm.s32 $0xB;
	s3 =	ssub.s32 $0x3, s14;
	s2 =	sshrl.u32 s2, $0x6  }
0x37d: {  	v30 =	vmov s18;
	v31 =	vmov s19;
	s18 =	simm.s32 $0xD;
	s19 =	simm.s32 $0xC;
	s23 =	smul.u32 $0x7D, s2  }
0x37e: {  	s31 =	ssub.s32 $0xB, s30;
	[smem:$0x7A8] =	sst s19;
	s20 =	sadd.s32 $0xFFFFCED8, s0  }
0x37f: {  	s20 =	sshrl.u32 s20, $0x10;
	s2 =	smul.u32 $0x1F40, s2;
	s23 =	ssub.s32 $0xE, s23  }
0x380: {  	s21 =	sadd.s32 $0xFFFFD4FD, s0;
	s22 =	sadd.s32 $0xFFFFDB22, s0;
	s23 =	sand.u32 $0xFFFF, s23  }
0x381: {  	s24 =	sshrl.u32 s6, $0x10;
	s2 =	sshrl.u32 s2, $0x2;
	s6 =	sshll.u32 s23, $0x4  }
0x382: {  	s23 =	sshrl.u32 s25, $0x10;
	s25 =	ssub.s32 $0x0, s5;
	s2 =	sadd.s32 s6, s2  }
0x383: {  	s6 =	sand.u32 $0xFFFE, s25;
	s25 =	ssub.s32 $0x1, s24;
	[smem:$0x7AE] =	sst s2  }
0x384: {  	s2 =	sshrl.u32 s6, $0x1;
	s6 =	ssub.s32 $0x2, s13;
	s4 =	sand.u32 $0xFFFE, s25  }
0x385: {  	s2 =	sadd.s32 s5, s2;
	s5 =	sand.u32 $0xFFFE, s6;
	s4 =	sshrl.u32 s4, $0x1  }
0x386: {  	s6 =	simm.s32 $0x0;
	[smem:$0x7A9] =	sst s2;
	s25 =	sadd.s32 s24, s4  }
0x387: {  	s5 =	sshrl.u32 s5, $0x1;
	s2 =	sand.u32 $0xFFFE, s3;
	s24 =	sshrl.u32 s21, $0x10  }
0x388: {  	s4 =	ssub.s32 $0x5, s16;
	[smem:$0x7AA] =	sst s25;
	s13 =	sadd.s32 s13, s5  }
0x389: {  	v26 =	vmov s26;
	s25 =	ssub.s32 $0x4, s23;
	s21 =	sand.u32 $0xFFFE, s4;
	[smem:$0x7AB] =	sst s13  }
0x38a: {  	v26 =	vshrl.u32 v26, $0x3;
	s5 =	sand.u32 $0xFFFE, s25;
	s13 =	sshrl.u32 s2, $0x1;
	s25 =	sshrl.u32 s22, $0x10  }
0x38b: {  	v18 =	vshrl.u32 v18, $0x3;
	v26 =	vshll.u32 v26, v2;
	s22 =	simm.s32 $0x8;
	s21 =	sshrl.u32 s21, $0x1;
	s2 =	ssub.s32 $0x8, s24  }
0x38c: {  	v18 =	vshll.u32 v18, v2;
	v26 =	vbroadcast v26, $0x0;
	s3 =	sadd.s32 s14, s13;
	s5 =	sshrl.u32 s5, $0x1;
	s13 =	ssub.s32 $0x6, s17  }
0x38d: {  	v18 =	vbroadcast v18, $0x0;
	s29 =	sadd.s32 s16, s21;
	s16 =	ssub.s32 $0x7, s20;
	s4 =	ssub.s32 $0x9, s25  }
0x38e: {  	v20 =	vmov s9;
	v21 =	vmov s8;
	v26 =	vadd.s32 v10, v26;
	[smem:$0x7AC] =	sst s3;
	s14 =	sadd.s32 s23, s5;
	s5 =	sand.u32 $0xFFFE, s13  }
0x38f: {  	v20 =	vshrl.u32 v20, $0x3;
	v21 =	vshrl.u32 v21, $0x3;
	v18 =	vadd.s32 v9, v18;
	s21 =	sand.u32 $0xFFFE, s16;
	s16 =	ssub.s32 $0xA, s28;
	s5 =	sshrl.u32 s5, $0x1  }
0x390: {  	v23 =	vmov s10;
	v24 =	vmov s11;
	v20 =	vshll.u32 v20, v2;
	s3 =	sshrl.u32 s21, $0x1;
	s21 =	simm.s32 $0xA;
	s14 =	sand.u32 $0xFFC0, s14  }
0x391: {  	v21 =	vshll.u32 v21, v2;
	v23 =	vshrl.u32 v23, $0x3;
	v24 =	vshrl.u32 v24, $0x3;
	s23 =	sadd.s32 s17, s5;
	s5 =	sand.u32 $0xFFFE, s2;
	s13 =	sadd.s32 s20, s3  }
0x392: {  	v20 =	vbroadcast v20, $0x0;
	v21 =	vbroadcast v21, $0x0;
	v22 =	vmov s12;
	s17 =	sand.u32 $0xFFFE, s4;
	[dreg:$0x1f] =	wrdreg s21;
	s21 =	sand.u32 $0xFFFE, s31  }
0x393: {  	v23 =	vshll.u32 v23, v2;
	v24 =	vshll.u32 v24, v2;
	v22 =	vshrl.u32 v22, $0x3;
	s4 =	sadd.s32 $0xFFFFED91, s0;
	[smem:$0x7AD] =	sst s23;
	s5 =	sshrl.u32 s5, $0x1  }
0x394: {  	v20 =	vadd.s32 v3, v20;
	v23 =	vbroadcast v23, $0x0;
	v27 =	vmov s6;
	s20 =	sshrl.u32 s17, $0x1;
	s17 =	simm.s32 $0xC;
	s3 =	sshrl.u32 s21, $0x1  }
0x395: {  	v21 =	vadd.s32 v4, v21;
	v24 =	vbroadcast v24, $0x0;
	v27 =	vshrl.u32 v27, $0x3;
	s13 =	sand.u32 $0xFFC0, s13;
	s23 =	sadd.s32 s24, s5;
	s5 =	sand.u32 $0xFFFE, s16  }
0x396: {  	v25 =	vmov s15;
	v27 =	vshll.u32 v27, v2;
	s24 =	simm.s32 $0x9;
	s16 =	simm.s32 $0xB;
	v32 =	vmov s17;
	s17 =	sshrl.u32 s0, $0x10  }
0x397: {  	v22 =	vshll.u32 v22, v2;
	v25 =	vshrl.u32 v25, $0x3;
	v27 =	vbroadcast v27, $0x0;
	[dreg:$0x15] =	wrdreg s16;
	s16 =	sadd.s32 s25, s20;
	s20 =	simm.s32 $0xD  }
0x398: {  	v22 =	vbroadcast v22, $0x0;
	v35 =	vadd.s32 v7, v23;
	v25 =	vshll.u32 v25, v2;
	s5 =	sshrl.u32 s5, $0x1;
	s25 =	simm.s32 $0x2;
	[dreg:$0x1a] =	wrdreg s20  }
0x399: {  	v25 =	vbroadcast v25, $0x0;
	v19 =	vmov s1;
	v27 =	vadd.s32 v0, v27;
	s19 =	ssub.s32 $0xF, s17;
	s23 =	sand.u32 $0xFFC0, s23;
	_ =	swait.ge [sflag:s25], $0x3E80  }
0x39a: {  	v22 =	vadd.s32 v6, v22;
	v19 =	vshrl.u32 v19, $0x3;
	v28 =	vmov s22;
	s28 =	sadd.s32 s28, s5;
	s20 =	sadd.s32 s30, s3;
	[sflag:s25] =	ssyncset.done $0x0  }
0x39b: {  	v36 =	vadd.s32 v9, v25;
	v33 =	vmov s18;
	v28 =	vshrl.u32 v28, $0x3;
	s5 =	sshrl.u32 s4, $0x10;
	s30 =	sadd.s32 $0xFFFFF3B6, s0;
	[sflag:s25] =	ssyncadd.s32 $0xFFFFC180  }
0x39c: {  	v30 =	vshrl.u32 v30, $0x3;
	v23 =	vshll.u32 v28, v2;
	v29 =	vmov s24;
	s2 =	sand.u32 $0xFFFE, s19;
	s16 =	sand.u32 $0xFFC0, s16;
	s30 =	sshrl.u32 s30, $0x10;
	v34 =	vld.idx.msk [tilespmem:v18+s7+$0x0], $0xffff  }
0x39d: {  	v31 =	vshrl.u32 v31, $0x3;
	v28 =	vbroadcast v23, $0x0;
	v29 =	vshrl.u32 v29, $0x3;
	s31 =	ssub.s32 $0xC, s5;
	s2 =	sshrl.u32 s2, $0x1;
	s21 =	sld [smem:$0x7A9];
	v18 =	vld.idx.msk [tilespmem:v20+s7+$0x0], $0xffff  }
0x39e: {  	v33 =	vshrl.u32 v33, $0x3;
	s28 =	sand.u32 $0xFFC0, s28;
	s17 =	sadd.s32 s17, s2;
	s2 =	sld [smem:$0x7AA];
	v20 =	vadd.s32 v8, v24;
	v24 =	vshll.u32 v29, v2;
	v25 =	vld.idx.msk [tilespmem:v27+s7+$0x0], $0xffff  }
0x39f: {  	v37 =	vadd.s32 v0, v28;
	s20 =	sand.u32 $0xFFC0, s20;
	s16 =	sshrl.u32 s16, $0x6;
	s3 =	sld [smem:$0x7AB];
	v27 =	vshll.u32 v30, v2;
	v23 =	vld.idx.msk [tilespmem:v21+s7+$0x0], $0xffff;
	v24 =	vbroadcast v24, $0x0  }
0x3a0: {  	v32 =	vshrl.u32 v32, $0x3;
	s31 =	sand.u32 $0xFFFE, s31;
	s18 =	ssub.s32 $0xD, s30;
	s19 =	sld [smem:$0x7AD];
	v21 =	vshll.u32 v31, v2;
	v28 =	vld.idx.msk [tilespmem:v22+s7+$0x0], $0xffff;
	v27 =	vbroadcast v27, $0x0  }
0x3a1: {  	s28 =	sshrl.u32 s28, $0x6;
	s0 =	sand.u32 $0xFFFE, s18;
	s31 =	sshrl.u32 s31, $0x1;
	v22 =	vshll.u32 v32, v2;
	v30 =	vld.idx.msk [tilespmem:v35+s7+$0x0], $0xffff;
	v21 =	vbroadcast v21, $0x0;
	v24 =	vadd.s32 v3, v24  }
0x3a2: {  	s18 =	sld [smem:$0x7AC];
	s25 =	sadd.s32 s5, s31;
	s0 =	sshrl.u32 s0, $0x1;
	v31 =	vshll.u32 v33, v2;
	v32 =	vld.idx.msk [tilespmem:v26+s7+$0x0], $0xffff;
	v22 =	vbroadcast v22, $0x0;
	v61 =	vadd.s32 v4, v27  }
0x3a3: {  	v19 =	vshll.u32 v19, v2;
	s5 =	sadd.s32 s30, s0;
	s21 =	sand.u32 $0xFFC0, s21;
	s4 =	sand.u32 $0xFFC0, s2;
	v21 =	vadd.s32 v6, v21;
	v29 =	vld.idx.msk [tilespmem:v20+s7+$0x0], $0xffff;
	v20 =	vbroadcast v31, $0x0  }
0x3a4: {  	v19 =	vbroadcast v19, $0x0;
	s30 =	sand.u32 $0xFFC0, s3;
	s3 =	sand.u32 $0xFFC0, s29;
	s31 =	sand.u32 $0xFFC0, s19;
	v62 =	vadd.s32 v7, v22;
	v27 =	vld.idx.msk [tilespmem:v37+s7+$0x0], $0xffff  }
0x3a5: {  	s29 =	sand.u32 $0xFFC0, s17;
	s19 =	sld [smem:$0x7AE];
	s2 =	sand.u32 $0xFFC0, s18;
	v31 =	vld.idx.msk [tilespmem:v36+s7+$0x0], $0xffff;
	v20 =	vadd.s32 v8, v20  }
0x3a6: {  	v63 =	vadd.s32 v10, v19;
	s18 =	sand.u32 $0xFFC0, s25;
	s5 =	sand.u32 $0xFFC0, s5;
	s25 =	sshrl.u32 s21, $0x6;
	v26 =	vld.idx.msk [tilespmem:v24+s7+$0x0], $0xffff  }
.Ltmp12:
0x3a7: {  	s4 =	sshrl.u32 s4, $0x6;
	s30 =	sshrl.u32 s30, $0x6;
	v22 =	vld.idx.msk [tilespmem:v61+s7+$0x0], $0xffff;
	(pc) =	sbr.rel @!p1 .LBB2_22-.Ltmp12, $4  }
0x3a8: {  	s17 =	sshrl.u32 s3, $0x6;
	s3 =	sshrl.u32 s31, $0x6;
	s29 =	sshrl.u32 s29, $0x6;
	v24 =	vld.idx.msk [tilespmem:v21+s7+$0x0], $0xffff  }
0x3a9: {  	s21 =	sshrl.u32 s2, $0x6;
	s2 =	sshrl.u32 s14, $0x6;
	s14 =	sshrl.u32 s13, $0x6;
	v21 =	vld.idx.msk [tilespmem:v62+s7+$0x0], $0xffff  }
0x3aa: {  	s13 =	sshrl.u32 s23, $0x6;
	s23 =	sshrl.u32 s20, $0x6;
	s20 =	smul.u32 $0x7D, s25;
	v19 =	vld.idx.msk [tilespmem:v20+s7+$0x0], $0xffff  }
0x3ab: {  	s0 =	sshrl.u32 s18, $0x6;
	s31 =	sshrl.u32 s5, $0x6;
	s5 =	smul.u32 $0x7D, s4;
	[tilespmem:s19+$0x5280] =	vst v34;
	v20 =	vld.idx.msk [tilespmem:v63+s7+$0x0], $0xffff  }
.LBB2_23:
0x3ac: {  	s18 =	smul.u32 $0x7D, s30  }
0x3ad: {  	s19 =	smul.u32 $0x7D, s21  }
0x3ae: {  	s25 =	smul.u32 $0x1F40, s25  }
0x3af: {  	s4 =	smul.u32 $0x1F40, s4  }
0x3b0: {  	s30 =	smul.u32 $0x1F40, s30  }
0x3b1: {  	s21 =	smul.u32 $0x1F40, s21  }
0x3b2: {  	s7 =	ssub.s32 s8, s18;
	s8 =	smul.u32 $0x7D, s2  }
0x3b3: {  	s18 =	smul.u32 $0x7D, s17  }
0x3b4: {  	s5 =	ssub.s32 s9, s5;
	s9 =	ssub.s32 s12, s19;
	s19 =	smul.u32 $0x7D, s3  }
0x3b5: {  	s6 =	ssub.s32 s6, s20;
	s2 =	smul.u32 $0x1F40, s2  }
0x3b6: {  	s6 =	sand.u32 $0xFFFF, s6;
	s17 =	smul.u32 $0x1F40, s17  }
0x3b7: {  	s3 =	smul.u32 $0x1F40, s3;
	s25 =	sshrl.u32 s25, $0x2;
	s5 =	sand.u32 $0xFFFF, s5  }
0x3b8: {  	s4 =	sshrl.u32 s4, $0x2;
	[smem:$0x79A] =	sst s5;
	s5 =	smul.u32 $0x7D, s14  }
0x3b9: {  	s30 =	sshrl.u32 s30, $0x2;
	s11 =	ssub.s32 s11, s18;
	s18 =	smul.u32 $0x7D, s13  }
0x3ba: {  	s21 =	sshrl.u32 s21, $0x2;
	s15 =	ssub.s32 s15, s19;
	s19 =	smul.u32 $0x7D, s16  }
0x3bb: {  	s7 =	sand.u32 $0xFFFF, s7;
	s9 =	sand.u32 $0xFFFF, s9;
	s14 =	smul.u32 $0x1F40, s14  }
0x3bc: {  	s6 =	sshll.u32 s6, $0x4;
	s10 =	ssub.s32 s10, s8;
	s13 =	smul.u32 $0x1F40, s13  }
0x3bd: {  	s7 =	sshll.u32 s7, $0x4;
	s9 =	sshll.u32 s9, $0x4;
	s16 =	smul.u32 $0x1F40, s16  }
0x3be: {  	s2 =	sshrl.u32 s2, $0x2;
	s17 =	sshrl.u32 s17, $0x2;
	s3 =	sshrl.u32 s3, $0x2  }
0x3bf: {  	s6 =	sadd.s32 s6, s25;
	s10 =	sand.u32 $0xFFFF, s10;
	s11 =	sand.u32 $0xFFFF, s11  }
0x3c0: {  	s8 =	sand.u32 $0xFFFF, s15;
	s7 =	sadd.s32 s7, s30;
	s20 =	ssub.s32 s22, s18  }
0x3c1: {  	s18 =	smul.u32 $0x7D, s28;
	s15 =	ssub.s32 s24, s19;
	s24 =	rddreg [dreg:$0x1f]  }
0x3c2: {  	s12 =	ssub.s32 s26, s5;
	s19 =	smul.u32 $0x7D, s23;
	s26 =	rddreg [dreg:$0x15]  }
0x3c3: {  	s9 =	sadd.s32 s9, s21;
	s22 =	smul.u32 $0x7D, s31;
	s5 =	sld [smem:$0x7A8]  }
0x3c4: {  	s10 =	sshll.u32 s10, $0x4;
	s11 =	sshll.u32 s11, $0x4;
	s28 =	smul.u32 $0x1F40, s28  }
0x3c5: {  	s8 =	sshll.u32 s8, $0x4;
	s23 =	smul.u32 $0x1F40, s23;
	s14 =	sshrl.u32 s14, $0x2  }
0x3c6: {  	s31 =	smul.u32 $0x1F40, s31;
	s13 =	sshrl.u32 s13, $0x2;
	s16 =	sshrl.u32 s16, $0x2  }
0x3c7: {  	s12 =	sand.u32 $0xFFFF, s12;
	s20 =	sand.u32 $0xFFFF, s20;
	s15 =	sand.u32 $0xFFFF, s15  }
0x3c8: {  	s2 =	sadd.s32 s10, s2;
	s10 =	sadd.s32 s11, s17;
	s8 =	sadd.s32 s8, s3  }
0x3c9: {  	s3 =	simm.s32 $0x1400;
	s18 =	ssub.s32 s24, s18;
	s24 =	smul.u32 $0x7D, s0  }
0x3ca: {  	s19 =	ssub.s32 s26, s19;
	s26 =	smul.u32 $0x7D, s29;
	s12 =	sshll.u32 s12, $0x4  }
0x3cb: {  	s20 =	sshll.u32 s20, $0x4;
	s15 =	sshll.u32 s15, $0x4;
	s0 =	smul.u32 $0x1F40, s0  }
0x3cc: {  	s28 =	sshrl.u32 s28, $0x2;
	s23 =	sshrl.u32 s23, $0x2;
	s25 =	sshrl.u32 s31, $0x2  }
0x3cd: {  	s18 =	sand.u32 $0xFFFF, s18;
	s19 =	sand.u32 $0xFFFF, s19;
	s14 =	sadd.s32 s12, s14  }
0x3ce: {  	s13 =	sadd.s32 s20, s13;
	s17 =	sadd.s32 s15, s16;
	s16 =	sadd.s32 $0x10, s1  }
0x3cf: {  	s24 =	ssub.s32 s5, s24;
	s5 =	smov.u32 s29;
	s29 =	rddreg [dreg:$0x1a]  }
0x3d0: {  	s26 =	ssub.s32 s1, s26;
	s18 =	sshll.u32 s18, $0x4;
	s19 =	sshll.u32 s19, $0x4  }
0x3d1: {  	s0 =	sshrl.u32 s0, $0x2;
	s12 =	sadd.s32 $0xFFFFFFF2, s16;
	s20 =	sadd.s32 $0xFFFFFFF3, s16  }
0x3d2: {  	[tilespmem:s9+$0x5280] =	vst v28;
	s9 =	sadd.s32 $0xFFFFFFFF, s16;
	s22 =	ssub.s32 s29, s22;
	s29 =	sld [smem:$0x79A]  }
0x3d3: {  	s21 =	sadd.s32 $0xFFFFFFF4, s16;
	s24 =	sand.u32 $0xFFFF, s24;
	[smem:$0x7A4] =	sst s12  }
0x3d4: {  	s26 =	sand.u32 $0xFFFF, s26;
	s18 =	sadd.s32 s18, s28;
	[smem:$0x7A3] =	sst s20  }
0x3d5: {  	s19 =	sadd.s32 s19, s23;
	[dreg:$0xb] =	wrdreg s21;
	s23 =	sadd.s32 $0xFFFFFFF7, s16  }
0x3d6: {  	[tilespmem:s7+$0x5280] =	vst v23;
	v23 =	vmov s12;
	s12 =	sadd.s32 $0xFFFFFFF6, s16;
	s22 =	sand.u32 $0xFFFF, s22;
	[smem:$0x7A6] =	sst s23  }
0x3d7: {  	s24 =	sshll.u32 s24, $0x4;
	s26 =	sshll.u32 s26, $0x4;
	[dreg:$0x6] =	wrdreg s12  }
0x3d8: {  	v59 =	vmov s23;
	[tilespmem:s18+$0x5280] =	vst v22;
	s23 =	sadd.s32 $0xFFFFFFF9, s16;
	s18 =	sadd.s32 $0xFFFFFFF1, s16;
	s22 =	sshll.u32 s22, $0x4  }
0x3d9: {  	s15 =	sadd.s32 s24, s0;
	s24 =	sadd.s32 $0xFFFFFFF8, s16;
	[smem:$0x7A2] =	sst s18  }
0x3da: {  	[tilespmem:s10+$0x5280] =	vst v29;
	s0 =	smul.u32 $0x625, s16;
	s29 =	sshll.u32 s29, $0x4;
	[smem:$0x79C] =	sst s24  }
0x3db: {  	[tilespmem:s13+$0x5280] =	vst v27;
	v27 =	vmov s24;
	s24 =	sadd.s32 $0xFFFFFFFD, s16;
	[smem:$0x79B] =	sst s29;
	s29 =	smul.u32 $0x1F40, s5  }
0x3dc: {  	[tilespmem:s8+$0x5280] =	vst v31;
	v29 =	vmov s21;
	s10 =	sadd.s32 $0xFFFFA3D5, s0;
	s21 =	sadd.s32 $0xFFFFB01F, s0;
	s13 =	sadd.s32 $0xFFFFB644, s0  }
0x3dd: {  	[tilespmem:s14+$0x5280] =	vst v32;
	s14 =	sadd.s32 $0xFFFFBC69, s0;
	s7 =	sadd.s32 $0xFFFFC28E, s0;
	s8 =	sadd.s32 $0xFFFFC8B3, s0  }
0x3de: {  	[tilespmem:s17+$0x5280] =	vst v26;
	s17 =	sadd.s32 $0xFFFFCED8, s0;
	s28 =	sadd.s32 $0xFFFFD4FD, s0;
	[smem:$0x7A8] =	sst s24  }
0x3df: {  	[tilespmem:s6+$0x5280] =	vst v25;
	s30 =	sadd.s32 $0xFFFFE76C, s0;
	s31 =	sadd.s32 $0xFFFFF3B6, s0;
	s6 =	sld [smem:$0x79B]  }
0x3e0: {  	[tilespmem:s19+$0x5280] =	vst v24;
	s19 =	sshrl.u32 s10, $0x10;
	s10 =	sshrl.u32 s21, $0x10;
	s13 =	sshrl.u32 s13, $0x10  }
0x3e1: {  	s14 =	sshrl.u32 s14, $0x10;
	s8 =	sshrl.u32 s8, $0x10;
	[smem:$0x79E] =	sst s10  }
0x3e2: {  	v28 =	vmov s9;
	s21 =	sshrl.u32 s0, $0x10;
	s29 =	sshrl.u32 s29, $0x2;
	[smem:$0x7A0] =	sst s8  }
0x3e3: {  	v25 =	vmov s20;
	v28 =	vshrl.u32 v28, $0x3;
	s11 =	sadd.s32 s26, s29;
	s29 =	sadd.s32 $0xFFFFE147, s0;
	s4 =	sadd.s32 s6, s4  }
0x3e4: {  	[tilespmem:s2+$0x5280] =	vst v30;
	v31 =	vmov s12;
	v23 =	vshrl.u32 v23, $0x3;
	v25 =	vshrl.u32 v25, $0x3;
	s6 =	sadd.s32 s22, s25;
	s22 =	sadd.s32 $0xFFFFFFF5, s16;
	s25 =	sadd.s32 $0xFFFFF9DB, s0  }
0x3e5: {  	v26 =	vshrl.u32 v29, $0x3;
	v28 =	vshll.u32 v28, v2;
	v22 =	vshrl.u32 v31, $0x3;
	[tilespmem:s11+$0x5280] =	vst v20;
	s11 =	sadd.s32 $0xFFFFFFFB, s16;
	[smem:$0x7A5] =	sst s22;
	s5 =	sshrl.u32 s25, $0x10  }
0x3e6: {  	v23 =	vshll.u32 v23, v2;
	v31 =	vmov s18;
	[tilespmem:s15+$0x5280] =	vst v21;
	v30 =	vmov s22;
	s22 =	sadd.s32 $0xFFFFA9FA, s0;
	s25 =	sadd.s32 $0xFFFFDB22, s0;
	s26 =	ssub.s32 s9, s5  }
0x3e7: {  	v28 =	vbroadcast v28, $0x0;
	v21 =	vshll.u32 v25, v2;
	v25 =	vshll.u32 v26, v2;
	[tilespmem:s4+$0x5280] =	vst v18;
	s4 =	sadd.s32 $0xFFFFFFFA, s16;
	[dreg:$0x1f] =	wrdreg s11;
	s20 =	sand.u32 $0xFFFE, s26  }
0x3e8: {  	v24 =	vshrl.u32 v27, $0x3;
	v21 =	vbroadcast v21, $0x0;
	v60 =	vmov s24;
	[tilespmem:s6+$0x5280] =	vst v19;
	s6 =	sadd.s32 $0xFFFFFFFC, s16;
	[dreg:$0x10] =	wrdreg s4;
	s1 =	sshrl.u32 s20, $0x1  }
0x3e9: {  	v28 =	vadd.s32 v9, v28;
	v24 =	vshll.u32 v24, v2;
	v32 =	vshrl.u32 v60, $0x3;
	s22 =	sshrl.u32 s22, $0x10;
	[dreg:$0x15] =	wrdreg s6;
	s5 =	sadd.s32 s5, s1  }
0x3ea: {  	v32 =	vshll.u32 v32, v2;
	v24 =	vbroadcast v24, $0x0;
	v21 =	vadd.s32 v4, v21;
	s26 =	sadd.s32 $0xFFFFFFFE, s16;
	[smem:$0x79D] =	sst s22;
	s5 =	sand.u32 $0xFFC0, s5  }
0x3eb: {  	v20 =	vbroadcast v23, $0x0;
	v23 =	vbroadcast v25, $0x0;
	v25 =	vmov s23;
	s20 =	sadd.s32 $0xFFFFED91, s0;
	s0 =	sld [smem:$0x79C];
	s5 =	sshrl.u32 s5, $0x6  }
0x3ec: {  	s31 =	sshrl.u32 s31, $0x10;
	v18 =	vmov s16;
	v19 =	vshll.u32 v22, v2;
	v25 =	vshrl.u32 v25, $0x3;
	[dreg:$0x1a] =	wrdreg s26;
	s2 =	smul.u32 $0x7D, s5  }
0x3ed: {  	v29 =	vshrl.u32 v30, $0x3;
	v30 =	vshrl.u32 v59, $0x3;
	v33 =	vmov s26;
	s26 =	ssub.s32 s26, s31;
	s1 =	sshrl.u32 s7, $0x10;
	s5 =	smul.u32 $0x1F40, s5  }
0x3ee: {  	v18 =	vshrl.u32 v18, $0x3;
	v27 =	vmov s4;
	v25 =	vshll.u32 v25, v2;
	s25 =	sshrl.u32 s25, $0x10;
	s26 =	sand.u32 $0xFFFE, s26;
	[smem:$0x79F] =	sst s1  }
0x3ef: {  	v20 =	vadd.s32 v3, v20;
	v19 =	vbroadcast v19, $0x0;
	v26 =	vshll.u32 v29, v2;
	s26 =	sshrl.u32 s26, $0x1;
	s15 =	ssub.s32 s9, s2;
	s5 =	sshrl.u32 s5, $0x2  }
0x3f0: {  	v28 =	vld.idx.msk [tilespmem:v28+s3+$0x0], $0xffff;
	v22 =	vshll.u32 v30, v2;
	v18 =	vshll.u32 v18, v2;
	v29 =	vmov s11;
	s9 =	sshrl.u32 s17, $0x10;
	s2 =	sshrl.u32 s28, $0x10;
	s28 =	sshrl.u32 s29, $0x10  }
0x3f1: {  	v30 =	vmov s6;
	v27 =	vshrl.u32 v27, $0x3;
	v61 =	vbroadcast v25, $0x0;
	s29 =	sshrl.u32 s30, $0x10;
	s30 =	sshrl.u32 s20, $0x10;
	s20 =	rddreg [dreg:$0xb]  }
0x3f2: {  	v29 =	vshrl.u32 v29, $0x3;
	v30 =	vshrl.u32 v30, $0x3;
	v26 =	vbroadcast v26, $0x0;
	s17 =	smov.u32 s19;
	s15 =	sand.u32 $0xFFFF, s15;
	[smem:$0x7A1] =	sst s2  }
0x3f3: {  	v27 =	vshll.u32 v27, v2;
	v22 =	vbroadcast v22, $0x0;
	v19 =	vadd.s32 v8, v19;
	s11 =	ssub.s32 s11, s28;
	s24 =	ssub.s32 s24, s30;
	s15 =	sshll.u32 s15, $0x4  }
0x3f4: {  	v35 =	vbroadcast v18, $0x0;
	v29 =	vshll.u32 v29, v2;
	v26 =	vadd.s32 v7, v26;
	s11 =	sand.u32 $0xFFFE, s11;
	s24 =	sand.u32 $0xFFFE, s24;
	s5 =	sadd.s32 s15, s5  }
0x3f5: {  	v27 =	vbroadcast v27, $0x0;
	v18 =	vld.idx.msk [tilespmem:v20+s3+$0x0], $0xffff;
	v20 =	vadd.s32 v9, v22;
	v22 =	vadd.s32 v10, v24;
	s11 =	sshrl.u32 s11, $0x1;
	[tilespmem:s5+$0x5280] =	vst v28;
	s5 =	ssub.s32 s18, s19;
	s18 =	sld [smem:$0x7A4]  }
0x3f6: {  	v30 =	vshll.u32 v30, v2;
	v29 =	vbroadcast v29, $0x0;
	v24 =	vadd.s32 v0, v61;
	s19 =	sld [smem:$0x7A3];
	s11 =	sadd.s32 s28, s11;
	s5 =	sand.u32 $0xFFFE, s5  }
0x3f7: {  	v34 =	vadd.s32 v6, v23;
	v23 =	vld.idx.msk [tilespmem:v21+s3+$0x0], $0xffff;
	v30 =	vbroadcast v30, $0x0;
	v62 =	vadd.s32 v3, v27;
	s24 =	sshrl.u32 s24, $0x1;
	s11 =	sand.u32 $0xFFC0, s11;
	s5 =	sshrl.u32 s5, $0x1  }
0x3f8: {  	v32 =	vbroadcast v32, $0x0;
	v36 =	vadd.s32 v4, v29;
	v29 =	vld.idx.msk [tilespmem:v19+s3+$0x0], $0xffff;
	s28 =	sshrl.u32 s11, $0x6;
	s11 =	rddreg [dreg:$0x6];
	s15 =	ssub.s32 s18, s22  }
0x3f9: {  	v31 =	vshrl.u32 v31, $0x3;
	v21 =	vadd.s32 v6, v30;
	v30 =	vld.idx.msk [tilespmem:v26+s3+$0x0], $0xffff;
	s18 =	ssub.s32 s19, s10;
	s19 =	ssub.s32 s20, s13;
	s22 =	sld [smem:$0x7A5]  }
0x3fa: {  	v31 =	vshll.u32 v31, v2;
	v37 =	vadd.s32 v7, v32;
	v32 =	vld.idx.msk [tilespmem:v22+s3+$0x0], $0xffff;
	s10 =	ssub.s32 s23, s2;
	s2 =	ssub.s32 s6, s29;
	s17 =	sadd.s32 s17, s5  }
0x3fb: {  	v33 =	vshrl.u32 v33, $0x3;
	v27 =	vld.idx.msk [tilespmem:v24+s3+$0x0], $0xffff;
	v28 =	vbroadcast v31, $0x0;
	s5 =	sld [smem:$0x79E];
	s15 =	sand.u32 $0xFFFE, s15;
	s19 =	sand.u32 $0xFFFE, s19  }
0x3fc: {  	v63 =	vadd.s32 v10, v35;
	v26 =	vld.idx.msk [tilespmem:v62+s3+$0x0], $0xffff;
	v31 =	vshll.u32 v33, v2;
	s18 =	sand.u32 $0xFFFE, s18;
	s15 =	sshrl.u32 s15, $0x1;
	s19 =	sshrl.u32 s19, $0x1  }
0x3fd: {  	v22 =	vld.idx.msk [tilespmem:v36+s3+$0x0], $0xffff;
	v31 =	vbroadcast v31, $0x0;
	v28 =	vadd.s32 v0, v28;
	s20 =	ssub.s32 s22, s14;
	s22 =	ssub.s32 s12, s1;
	s1 =	sld [smem:$0x7A6]  }
0x3fe: {  	v24 =	vld.idx.msk [tilespmem:v21+s3+$0x0], $0xffff;
	s12 =	ssub.s32 s4, s25;
	s4 =	ssub.s32 s16, s21;
	s13 =	sadd.s32 s13, s19  }
0x3ff: {  	v21 =	vld.idx.msk [tilespmem:v37+s3+$0x0], $0xffff;
	v38 =	vadd.s32 v8, v31;
	s20 =	sand.u32 $0xFFFE, s20;
	s22 =	sand.u32 $0xFFFE, s22;
	s6 =	sand.u32 $0xFFFE, s4  }
0x400: {  	v31 =	vld.idx.msk [tilespmem:v20+s3+$0x0], $0xffff;
	s20 =	sshrl.u32 s20, $0x1;
	s22 =	sshrl.u32 s22, $0x1;
	s6 =	sshrl.u32 s6, $0x1  }
0x401: {  	v20 =	vld.idx.msk [tilespmem:v63+s3+$0x0], $0xffff;
	s7 =	ssub.s32 s1, s8;
	s8 =	ssub.s32 s0, s9;
	s1 =	smov.u32 s9  }
0x402: {  	v25 =	vld.idx.msk [tilespmem:v28+s3+$0x0], $0xffff;
	s9 =	sand.u32 $0xFFFE, s10;
	s10 =	sand.u32 $0xFFFE, s12;
	s12 =	sand.u32 $0xFFFE, s2  }
0x403: {  	v28 =	vld.idx.msk [tilespmem:v34+s3+$0x0], $0xffff;
	s2 =	sshrl.u32 s18, $0x1;
	s18 =	sld [smem:$0x79D];
	s14 =	sadd.s32 s14, s20  }
0x404: {  	v19 =	vld.idx.msk [tilespmem:v38+s3+$0x0], $0xffff;
	s20 =	sld [smem:$0x7A0];
	s3 =	sadd.s32 s21, s6;
	s6 =	sand.u32 $0xFFC0, s17  }
0x405: {  	s7 =	sand.u32 $0xFFFE, s7;
	s8 =	sand.u32 $0xFFFE, s8;
	s9 =	sshrl.u32 s9, $0x1  }
0x406: {  	s10 =	sshrl.u32 s10, $0x1;
	s12 =	sshrl.u32 s12, $0x1;
	s4 =	sadd.s32 s5, s2  }
0x407: {  	s2 =	sadd.s32 s31, s26;
	s26 =	smov.u32 s0;
	s5 =	sand.u32 $0xFFC0, s13  }
0x408: {  	s13 =	sand.u32 $0xFFC0, s14;
	s7 =	sshrl.u32 s7, $0x1;
	s8 =	sshrl.u32 s8, $0x1  }
0x409: {  	s10 =	sadd.s32 s25, s10;
	s12 =	sadd.s32 s29, s12;
	s25 =	sadd.s32 s30, s24  }
0x40a: {  	s24 =	rddreg [dreg:$0x10];
	s21 =	sshrl.u32 s5, $0x6;
	s18 =	sadd.s32 s18, s15  }
0x40b: {  	s15 =	sld [smem:$0x79F];
	s7 =	sadd.s32 s20, s7;
	s8 =	sadd.s32 s1, s8  }
0x40c: {  	s1 =	smov.u32 s16;
	s10 =	sand.u32 $0xFFC0, s10;
	s12 =	sand.u32 $0xFFC0, s12  }
0x40d: {  	s20 =	sand.u32 $0xFFC0, s3;
	s17 =	sand.u32 $0xFFC0, s18;
	s18 =	sand.u32 $0xFFC0, s4  }
0x40e: {  	s7 =	sand.u32 $0xFFC0, s7;
	s8 =	sand.u32 $0xFFC0, s8;
	s16 =	sshrl.u32 s10, $0x6  }
0x40f: {  	s10 =	sld [smem:$0x7A5];
	s29 =	sshrl.u32 s20, $0x6;
	s19 =	sadd.s32 s15, s22  }
0x410: {  	s15 =	sand.u32 $0xFFC0, s25;
	s25 =	sshrl.u32 s6, $0x6;
	s6 =	sld [smem:$0x7A2]  }
0x411: {  	s4 =	sshrl.u32 s17, $0x6;
	s30 =	sshrl.u32 s18, $0x6;
	s3 =	sshrl.u32 s7, $0x6  }
0x412: {  	s22 =	smov.u32 s23;
	s23 =	sld [smem:$0x7A1];
	s5 =	smul.u32 $0x7D, s4  }
0x413: {  	s14 =	sand.u32 $0xFFC0, s19;
	s19 =	sand.u32 $0xFFC0, s2;
	p1 =	slt.u32 s6, $0x3D0  }
.Ltmp13:
0x414: {  	s2 =	sshrl.u32 s13, $0x6;
	s0 =	sshrl.u32 s15, $0x6;
	(pc) =	sbr.rel @p1 .LBB2_23-.Ltmp13, $4  }
0x415: {  	s15 =	sld [smem:$0x7A6];
	s20 =	smul.u32 $0x7D, s25;
	s17 =	sshrl.u32 s14, $0x6  }
0x416: {  	s14 =	sshrl.u32 s8, $0x6;
	s8 =	sld [smem:$0x7A3];
	s9 =	sadd.s32 s23, s9  }
0x417: {  	s23 =	sshrl.u32 s12, $0x6;
	s12 =	rddreg [dreg:$0xb];
	s9 =	sand.u32 $0xFFC0, s9  }
0x418: {  	s31 =	sshrl.u32 s19, $0x6;
	s13 =	sshrl.u32 s9, $0x6;
	s9 =	sld [smem:$0x7A4]  }
0x419: {  	_ = 	snop  }
0x41a: {  	s18 =	smov.u32 s6;
	[smem:$0x7A7] =	sst s22  }
0x41b: {  	s24 =	smov.u32 s10;
	s22 =	smov.u32 s8;
	s19 =	smov.u32 s9  }
.LBB2_25:
0x41c: {  	s6 =	smul.u32 $0x7D, s30  }
0x41d: {  	s7 =	smul.u32 $0x7D, s21  }
0x41e: {  	s8 =	smul.u32 $0x7D, s2  }
0x41f: {  	s9 =	smul.u32 $0x7D, s17  }
0x420: {  	s10 =	smul.u32 $0x7D, s3  }
0x421: {  	s11 =	smul.u32 $0x7D, s14  }
0x422: {  	s12 =	smul.u32 $0x7D, s13  }
0x423: {  	s20 =	ssub.s32 s18, s20;
	s18 =	smul.u32 $0x7D, s16  }
0x424: {  	s19 =	ssub.s32 s19, s5;
	s5 =	smul.u32 $0x7D, s28  }
0x425: {  	s25 =	smul.u32 $0x1F40, s25  }
0x426: {  	s4 =	smul.u32 $0x1F40, s4  }
0x427: {  	s21 =	smul.u32 $0x1F40, s21;
	s6 =	ssub.s32 s22, s6;
	s22 =	rddreg [dreg:$0xb]  }
0x428: {  	s20 =	sand.u32 $0xFFFF, s20;
	s8 =	ssub.s32 s24, s8;
	s24 =	rddreg [dreg:$0x6]  }
0x429: {  	s19 =	sand.u32 $0xFFFF, s19;
	s11 =	ssub.s32 s26, s11;
	s26 =	rddreg [dreg:$0x10]  }
0x42a: {  	s10 =	ssub.s32 s15, s10;
	s15 =	rddreg [dreg:$0x15];
	s25 =	sshrl.u32 s25, $0x2  }
0x42b: {  	s4 =	sshrl.u32 s4, $0x2;
	[smem:$0x799] =	sst s6;
	s7 =	ssub.s32 s22, s7  }
0x42c: {  	s6 =	smul.u32 $0x7D, s23;
	s9 =	ssub.s32 s24, s9;
	s24 =	sld [smem:$0x7A7]  }
0x42d: {  	s22 =	smul.u32 $0x7D, s0;
	s18 =	ssub.s32 s26, s18;
	s26 =	rddreg [dreg:$0x1f]  }
0x42e: {  	s8 =	sand.u32 $0xFFFF, s8;
	s26 =	ssub.s32 s26, s5;
	s5 =	smul.u32 $0x7D, s29  }
0x42f: {  	s7 =	sand.u32 $0xFFFF, s7;
	s9 =	sand.u32 $0xFFFF, s9;
	s8 =	sshll.u32 s8, $0x4  }
0x430: {  	s6 =	ssub.s32 s15, s6;
	s15 =	sld [smem:$0x7A8];
	s12 =	ssub.s32 s24, s12  }
0x431: {  	s24 =	smul.u32 $0x7D, s31;
	s1 =	ssub.s32 s1, s5;
	s5 =	sshll.u32 s20, $0x4  }
0x432: {  	s5 =	sadd.s32 s5, s25;
	s25 =	smul.u32 $0x1F40, s30;
	s30 =	sld [smem:$0x799]  }
0x433: {  	s7 =	sshll.u32 s7, $0x4;
	s22 =	ssub.s32 s15, s22;
	s15 =	rddreg [dreg:$0x1a]  }
0x434: {  	s9 =	sshll.u32 s9, $0x4;
	s24 =	ssub.s32 s15, s24;
	s15 =	sshll.u32 s19, $0x4  }
0x435: {  	s19 =	sshrl.u32 s25, $0x2;
	s25 =	smul.u32 $0x1F40, s2;
	s20 =	sand.u32 $0xFFFF, s30  }
0x436: {  	s6 =	sand.u32 $0xFFFF, s6;
	s30 =	smul.u32 $0x1F40, s17;
	s20 =	sshll.u32 s20, $0x4  }
0x437: {  	s4 =	sadd.s32 s15, s4;
	s15 =	sadd.s32 s20, s19;
	s20 =	smul.u32 $0x1F40, s3  }
0x438: {  	s12 =	sand.u32 $0xFFFF, s12;
	s17 =	sshrl.u32 s30, $0x2;
	s30 =	smul.u32 $0x1F40, s14  }
0x439: {  	s1 =	sand.u32 $0xFFFF, s1;
	s2 =	sshrl.u32 s25, $0x2;
	s14 =	smul.u32 $0x1F40, s16  }
0x43a: {  	s25 =	sand.u32 $0xFFFF, s10;
	[tilespmem:s4+$0x5280] =	vst v18;
	s4 =	sshll.u32 s12, $0x4;
	s16 =	smul.u32 $0x1F40, s28  }
0x43b: {  	s19 =	sshrl.u32 s21, $0x2;
	s2 =	sadd.s32 s8, s2;
	s28 =	smul.u32 $0x1F40, s29  }
0x43c: {  	[tilespmem:s5+$0x5280] =	vst v25;
	s7 =	sadd.s32 s7, s19;
	s21 =	sadd.s32 s9, s17;
	s17 =	smul.u32 $0x1F40, s23  }
0x43d: {  	s9 =	sshll.u32 s25, $0x4;
	[tilespmem:s15+$0x5280] =	vst v23;
	s15 =	sand.u32 $0xFFFF, s26;
	s19 =	smul.u32 $0x1F40, s0  }
0x43e: {  	[tilespmem:s2+$0x5280] =	vst v30;
	s25 =	smul.u32 $0x1F40, s31;
	s26 =	sand.u32 $0xFFFF, s24;
	s3 =	sshrl.u32 s20, $0x2  }
0x43f: {  	[tilespmem:s7+$0x5280] =	vst v28;
	s2 =	sshll.u32 s15, $0x4;
	s20 =	sshrl.u32 s16, $0x2;
	s3 =	sadd.s32 s9, s3  }
0x440: {  	[tilespmem:s21+$0x5280] =	vst v29;
	s9 =	sand.u32 $0xFFFF, s11;
	s11 =	smul.u32 $0x1F40, s13;
	s13 =	sand.u32 $0xFFFF, s18  }
0x441: {  	s18 =	sshll.u32 s6, $0x4;
	s21 =	sshrl.u32 s17, $0x2;
	s2 =	sadd.s32 s2, s20;
	[tilespmem:s3+$0x5280] =	vst v31  }
0x442: {  	s10 =	sshrl.u32 s30, $0x2;
	s5 =	sshll.u32 s9, $0x4;
	s3 =	sadd.s32 s18, s21;
	[tilespmem:s2+$0x5280] =	vst v22  }
0x443: {  	s29 =	sshrl.u32 s25, $0x2;
	s2 =	sshll.u32 s26, $0x4;
	s5 =	sadd.s32 s5, s10;
	[tilespmem:s3+$0x5280] =	vst v24  }
0x444: {  	s23 =	sand.u32 $0xFFFF, s22;
	s9 =	sshrl.u32 s11, $0x2;
	s2 =	sadd.s32 s2, s29;
	[tilespmem:s5+$0x5280] =	vst v32  }
0x445: {  	s7 =	sshll.u32 s13, $0x4;
	s4 =	sadd.s32 s4, s9;
	s9 =	sshrl.u32 s14, $0x2;
	[tilespmem:s2+$0x5280] =	vst v19  }
0x446: {  	s0 =	sshrl.u32 s19, $0x2;
	s7 =	sadd.s32 s7, s9;
	[tilespmem:s4+$0x5280] =	vst v27;
	s4 =	sshll.u32 s23, $0x4  }
0x447: {  	s30 =	sshll.u32 s1, $0x4;
	s31 =	sshrl.u32 s28, $0x2;
	[tilespmem:s7+$0x5280] =	vst v26;
	s0 =	sadd.s32 s4, s0  }
0x448: {  	[tilespmem:s0+$0x5280] =	vst v21;
	s0 =	sadd.s32 s30, s31  }
0x449: {  	s2 =	simm.s32 $0x3E0;
	s7 =	simm.s32 $0x1400;
	[tilespmem:s0+$0x5280] =	vst v20  }
.LBB2_26:
0x44a: {  	s0 =	smul.u32 $0x625, s2;
	_ =	sdelay $0x1  }
0x44b: {  	s0 =	sshrl.u32 s0, $0x10  }
0x44c: {  	v18 =	vmov s2;
	s1 =	ssub.s32 s2, s0  }
0x44d: {  	v18 =	vand.u32 $0x3FF, v18;
	s1 =	sand.u32 $0xFFFE, s1  }
0x44e: {  	v18 =	vadd.s32 v0, v18;
	s1 =	sshrl.u32 s1, $0x1  }
0x44f: {  	s0 =	sadd.s32 s0, s1  }
0x450: {  	s0 =	sand.u32 $0xFFC0, s0  }
0x451: {  	s0 =	sshrl.u32 s0, $0x6  }
0x452: {  	s31 =	smul.u32 $0x7D, s0  }
0x453: {  	p1 =	sne.s32 s2, $0x3E7;
	v18 =	vld.idx.msk [tilespmem:v18+s7+$0x0], $0xffff;
	s0 =	smul.u32 $0x1F40, s0  }
.Ltmp14:
0x454: {  	s1 =	ssub.s32 s2, s31;
	(pc) =	sbr.rel @p1 .LBB2_26-.Ltmp14, $4  }
0x455: {  	s1 =	sand.u32 $0xFFFF, s1  }
0x456: {  	s0 =	sshrl.u32 s0, $0x2;
	s1 =	sshll.u32 s1, $0x4  }
0x457: {  	s0 =	sadd.s32 s1, s0  }
0x458: {  	s2 =	sadd.s32 $0x1, s2;
	[tilespmem:s0+$0x5280] =	vst v18  }
0x459: {  	s0 =	rddreg [dreg:$0x1]  }
0x45a: {  	s1 =	simm.s32 $0x7D;
	s2 =	simm.s32 $0x5280;
	s3 =	simm.s32 $0xC00  }
0x45b: {  	[spmem:s0] =	stream.indirect.scatter.add.f32 [tilespmem:s2], [sflag:$0x1], $0x10, s3, s1, $0xb8;
	[tilespmem:$0x10890] =	vst v63  }
0x45c: {  	s5 =	simm.s32 $0x5A50;
	s6 =	simm.s32 $0xC80  }
0x45d: {  	[spmem:s0] =	stream.indirect.scatter.add.f32 [tilespmem:s5], [sflag:$0x1], $0x10, s6, s1, $0xb8;
	[tilespmem:$0x10890] =	vst v63  }
0x45e: {  	s8 =	simm.s32 $0x6220;
	s9 =	simm.s32 $0xD00  }
0x45f: {  	[spmem:s0] =	stream.indirect.scatter.add.f32 [tilespmem:s8], [sflag:$0x1], $0x10, s9, s1, $0xb8;
	[tilespmem:$0x10890] =	vst v63  }
0x460: {  	s10 =	simm.s32 $0x69F0;
	s11 =	simm.s32 $0xD80  }
0x461: {  	[spmem:s0] =	stream.indirect.scatter.add.f32 [tilespmem:s10], [sflag:$0x1], $0x10, s11, s1, $0xb8;
	[tilespmem:$0x10890] =	vst v63  }
0x462: {  	s12 =	simm.s32 $0x71C0;
	s13 =	simm.s32 $0xE00  }
0x463: {  	[spmem:s0] =	stream.indirect.scatter.add.f32 [tilespmem:s12], [sflag:$0x1], $0x10, s13, s1, $0xb8;
	[tilespmem:$0x10890] =	vst v63  }
0x464: {  	s14 =	simm.s32 $0x7990;
	s15 =	simm.s32 $0xE80  }
0x465: {  	[spmem:s0] =	stream.indirect.scatter.add.f32 [tilespmem:s14], [sflag:$0x1], $0x10, s15, s1, $0xb8;
	[tilespmem:$0x10890] =	vst v63  }
0x466: {  	s16 =	simm.s32 $0x8160;
	s17 =	simm.s32 $0xF00  }
0x467: {  	[spmem:s0] =	stream.indirect.scatter.add.f32 [tilespmem:s16], [sflag:$0x1], $0x10, s17, s1, $0xb8;
	[tilespmem:$0x10890] =	vst v63  }
0x468: {  	s18 =	simm.s32 $0x8930;
	s19 =	simm.s32 $0xF80;
	s20 =	simm.s32 $0x1  }
0x469: {  	[spmem:s0] =	stream.indirect.scatter.add.f32 [tilespmem:s18], [sflag:$0x1], $0x10, s19, s1, $0xb8;
	[tilespmem:$0x10890] =	vst v63  }
0x46a: {  	_ =	swait.ge [sflag:s20], $0x7D0  }
0x46b: {  	[sflag:s20] =	ssyncset.done $0x0  }
0x46c: {  	[sflag:s20] =	ssyncadd.s32 $0xFFFFF830  }
0x46d: {  	_ =	swait.ge [sflag:s20], $0x7D0  }
0x46e: {  	[sflag:s20] =	ssyncset.done $0x0  }
0x46f: {  	[sflag:s20] =	ssyncadd.s32 $0xFFFFF830  }
0x470: {  	_ =	swait.ge [sflag:s20], $0x7D0  }
0x471: {  	[sflag:s20] =	ssyncset.done $0x0  }
0x472: {  	[sflag:s20] =	ssyncadd.s32 $0xFFFFF830  }
0x473: {  	_ =	swait.ge [sflag:s20], $0x7D0  }
0x474: {  	[sflag:s20] =	ssyncset.done $0x0  }
0x475: {  	[sflag:s20] =	ssyncadd.s32 $0xFFFFF830  }
0x476: {  	s22 =	simm.s32 $0x3E8;
	_ =	swait.ge [sflag:s20], $0x7D0  }
0x477: {  	s4 =	simm.s32 $0x27100;
	s26 =	simm.s32 $0x7;
	[sflag:s20] =	ssyncset.done $0x0  }
0x478: {  	p1 =	por $0x1, $0x1;
	s3 =	simm.s32 $0xE;
	[sflag:s20] =	ssyncadd.s32 $0xFFFFF830  }
0x479: {  	s9 =	simm.s32 $0x1;
	s8 =	simm.s32 $0x2;
	_ =	swait.ge [sflag:s20], $0x7D0  }
0x47a: {  	s10 =	simm.s32 $0x4;
	s1 =	simm.s32 $0xF;
	[sflag:s20] =	ssyncset.done $0x0  }
0x47b: {  	s11 =	simm.s32 $0x5;
	s0 =	smul.u32 $0x625, s1;
	[sflag:s20] =	ssyncadd.s32 $0xFFFFF830  }
0x47c: {  	s12 =	simm.s32 $0x3;
	s15 =	simm.s32 $0x6;
	_ =	swait.ge [sflag:s20], $0x7D0  }
0x47d: {  	s23 =	sadd.s32 $0xFFFFF9DB, s0;
	s5 =	sadd.s32 $0xFFFFA3D5, s0;
	[sflag:s20] =	ssyncset.done $0x0  }
0x47e: {  	s6 =	sadd.s32 $0xFFFFA9FA, s0;
	s13 =	sadd.s32 $0xFFFFB01F, s0;
	[sflag:s20] =	ssyncadd.s32 $0xFFFFF830  }
0x47f: {  	s14 =	sadd.s32 $0xFFFFB644, s0;
	s25 =	sadd.s32 $0xFFFFBC69, s0;
	_ =	swait.ge [sflag:s20], $0x7D0  }
0x480: {  	s16 =	sadd.s32 $0xFFFFC28E, s0;
	s17 =	sadd.s32 $0xFFFFC8B3, s0;
	s21 =	sld [smem:$0x7F8]  }
0x481: {  	s19 =	sadd.s32 $0xFFFFE147, s0;
	s2 =	sshrl.u32 s23, $0x10;
	[sflag:s20] =	ssyncset.done $0x0  }
0x482: {  	s18 =	sadd.s32 $0xFFFFE76C, s0;
	s24 =	ssub.s32 $0xE, s2;
	[sflag:s20] =	ssyncadd.s32 $0xFFFFF830  }
0x483: {  	[tilespmem:s7], [sflag:$0x2] =	stream.strided.gather [hbm4b:s21+s22], $0x3E80, s4, s22, $0x38;
	[tilespmem:$0x10890] =	vst v63  }
0x484: {  	s5 =	sshrl.u32 s5, $0x10;
	s13 =	sshrl.u32 s13, $0x10;
	s4 =	sand.u32 $0xFFFE, s24  }
0x485: {  	s14 =	sshrl.u32 s14, $0x10;
	s16 =	sshrl.u32 s16, $0x10;
	s4 =	sshrl.u32 s4, $0x1  }
0x486: {  	s17 =	sshrl.u32 s17, $0x10;
	s28 =	sshrl.u32 s19, $0x10;
	s2 =	sadd.s32 s2, s4  }
0x487: {  	s30 =	sshrl.u32 s18, $0x10;
	s18 =	simm.s32 $0xA;
	s2 =	sand.u32 $0xFFC0, s2  }
0x488: {  	v18 =	vmov s3;
	s19 =	simm.s32 $0xB;
	s3 =	ssub.s32 $0x3, s14;
	s2 =	sshrl.u32 s2, $0x6  }
0x489: {  	v30 =	vmov s18;
	v31 =	vmov s19;
	s18 =	simm.s32 $0xD;
	s19 =	simm.s32 $0xC;
	s23 =	smul.u32 $0x7D, s2  }
0x48a: {  	s31 =	ssub.s32 $0xB, s30;
	[smem:$0x792] =	sst s19;
	s20 =	sadd.s32 $0xFFFFCED8, s0  }
0x48b: {  	s20 =	sshrl.u32 s20, $0x10;
	s2 =	smul.u32 $0x1F40, s2;
	s23 =	ssub.s32 $0xE, s23  }
0x48c: {  	s21 =	sadd.s32 $0xFFFFD4FD, s0;
	s22 =	sadd.s32 $0xFFFFDB22, s0;
	s23 =	sand.u32 $0xFFFF, s23  }
0x48d: {  	s24 =	sshrl.u32 s6, $0x10;
	s2 =	sshrl.u32 s2, $0x2;
	s6 =	sshll.u32 s23, $0x4  }
0x48e: {  	s23 =	sshrl.u32 s25, $0x10;
	s25 =	ssub.s32 $0x0, s5;
	s2 =	sadd.s32 s6, s2  }
0x48f: {  	s6 =	sand.u32 $0xFFFE, s25;
	s25 =	ssub.s32 $0x1, s24;
	[smem:$0x798] =	sst s2  }
0x490: {  	s2 =	sshrl.u32 s6, $0x1;
	s6 =	ssub.s32 $0x2, s13;
	s4 =	sand.u32 $0xFFFE, s25  }
0x491: {  	s2 =	sadd.s32 s5, s2;
	s5 =	sand.u32 $0xFFFE, s6;
	s4 =	sshrl.u32 s4, $0x1  }
0x492: {  	s6 =	simm.s32 $0x0;
	[smem:$0x793] =	sst s2;
	s25 =	sadd.s32 s24, s4  }
0x493: {  	s5 =	sshrl.u32 s5, $0x1;
	s2 =	sand.u32 $0xFFFE, s3;
	s24 =	sshrl.u32 s21, $0x10  }
0x494: {  	s4 =	ssub.s32 $0x5, s16;
	[smem:$0x794] =	sst s25;
	s13 =	sadd.s32 s13, s5  }
0x495: {  	v26 =	vmov s26;
	s25 =	ssub.s32 $0x4, s23;
	s21 =	sand.u32 $0xFFFE, s4;
	[smem:$0x795] =	sst s13  }
0x496: {  	v26 =	vshrl.u32 v26, $0x3;
	s5 =	sand.u32 $0xFFFE, s25;
	s13 =	sshrl.u32 s2, $0x1;
	s25 =	sshrl.u32 s22, $0x10  }
0x497: {  	v18 =	vshrl.u32 v18, $0x3;
	v26 =	vshll.u32 v26, v2;
	s22 =	simm.s32 $0x8;
	s21 =	sshrl.u32 s21, $0x1;
	s2 =	ssub.s32 $0x8, s24  }
0x498: {  	v18 =	vshll.u32 v18, v2;
	v26 =	vbroadcast v26, $0x0;
	s3 =	sadd.s32 s14, s13;
	s5 =	sshrl.u32 s5, $0x1;
	s13 =	ssub.s32 $0x6, s17  }
0x499: {  	v18 =	vbroadcast v18, $0x0;
	s29 =	sadd.s32 s16, s21;
	s16 =	ssub.s32 $0x7, s20;
	s4 =	ssub.s32 $0x9, s25  }
0x49a: {  	v20 =	vmov s9;
	v21 =	vmov s8;
	v26 =	vadd.s32 v10, v26;
	[smem:$0x796] =	sst s3;
	s14 =	sadd.s32 s23, s5;
	s5 =	sand.u32 $0xFFFE, s13  }
0x49b: {  	v20 =	vshrl.u32 v20, $0x3;
	v21 =	vshrl.u32 v21, $0x3;
	v18 =	vadd.s32 v9, v18;
	s21 =	sand.u32 $0xFFFE, s16;
	s16 =	ssub.s32 $0xA, s28;
	s5 =	sshrl.u32 s5, $0x1  }
0x49c: {  	v23 =	vmov s10;
	v24 =	vmov s11;
	v20 =	vshll.u32 v20, v2;
	s3 =	sshrl.u32 s21, $0x1;
	s21 =	simm.s32 $0xA;
	s14 =	sand.u32 $0xFFC0, s14  }
0x49d: {  	v21 =	vshll.u32 v21, v2;
	v23 =	vshrl.u32 v23, $0x3;
	v24 =	vshrl.u32 v24, $0x3;
	s23 =	sadd.s32 s17, s5;
	s5 =	sand.u32 $0xFFFE, s2;
	s13 =	sadd.s32 s20, s3  }
0x49e: {  	v20 =	vbroadcast v20, $0x0;
	v21 =	vbroadcast v21, $0x0;
	v22 =	vmov s12;
	s17 =	sand.u32 $0xFFFE, s4;
	[smem:$0x791] =	sst s21;
	s21 =	sand.u32 $0xFFFE, s31  }
0x49f: {  	v23 =	vshll.u32 v23, v2;
	v24 =	vshll.u32 v24, v2;
	v22 =	vshrl.u32 v22, $0x3;
	s4 =	sadd.s32 $0xFFFFED91, s0;
	[smem:$0x797] =	sst s23;
	s5 =	sshrl.u32 s5, $0x1  }
0x4a0: {  	v20 =	vadd.s32 v3, v20;
	v23 =	vbroadcast v23, $0x0;
	v27 =	vmov s6;
	s20 =	sshrl.u32 s17, $0x1;
	s17 =	simm.s32 $0xC;
	s3 =	sshrl.u32 s21, $0x1  }
0x4a1: {  	v21 =	vadd.s32 v4, v21;
	v24 =	vbroadcast v24, $0x0;
	v27 =	vshrl.u32 v27, $0x3;
	s13 =	sand.u32 $0xFFC0, s13;
	s23 =	sadd.s32 s24, s5;
	s5 =	sand.u32 $0xFFFE, s16  }
0x4a2: {  	v25 =	vmov s15;
	v27 =	vshll.u32 v27, v2;
	s24 =	simm.s32 $0x9;
	s16 =	simm.s32 $0xB;
	v32 =	vmov s17;
	s17 =	sshrl.u32 s0, $0x10  }
0x4a3: {  	v22 =	vshll.u32 v22, v2;
	v25 =	vshrl.u32 v25, $0x3;
	v27 =	vbroadcast v27, $0x0;
	[dreg:$0x16] =	wrdreg s16;
	s16 =	sadd.s32 s25, s20;
	s20 =	simm.s32 $0xD  }
0x4a4: {  	v22 =	vbroadcast v22, $0x0;
	v35 =	vadd.s32 v7, v23;
	v25 =	vshll.u32 v25, v2;
	s5 =	sshrl.u32 s5, $0x1;
	s25 =	simm.s32 $0x2;
	[dreg:$0x1b] =	wrdreg s20  }
0x4a5: {  	v25 =	vbroadcast v25, $0x0;
	v19 =	vmov s1;
	v27 =	vadd.s32 v0, v27;
	s19 =	ssub.s32 $0xF, s17;
	s23 =	sand.u32 $0xFFC0, s23;
	_ =	swait.ge [sflag:s25], $0x3E80  }
0x4a6: {  	v22 =	vadd.s32 v6, v22;
	v19 =	vshrl.u32 v19, $0x3;
	v28 =	vmov s22;
	s28 =	sadd.s32 s28, s5;
	s20 =	sadd.s32 s30, s3;
	[sflag:s25] =	ssyncset.done $0x0  }
0x4a7: {  	v36 =	vadd.s32 v9, v25;
	v33 =	vmov s18;
	v28 =	vshrl.u32 v28, $0x3;
	s5 =	sshrl.u32 s4, $0x10;
	s30 =	sadd.s32 $0xFFFFF3B6, s0;
	[sflag:s25] =	ssyncadd.s32 $0xFFFFC180  }
0x4a8: {  	v30 =	vshrl.u32 v30, $0x3;
	v23 =	vshll.u32 v28, v2;
	v29 =	vmov s24;
	s2 =	sand.u32 $0xFFFE, s19;
	s16 =	sand.u32 $0xFFC0, s16;
	s30 =	sshrl.u32 s30, $0x10;
	v34 =	vld.idx.msk [tilespmem:v18+s7+$0x0], $0xffff  }
0x4a9: {  	v31 =	vshrl.u32 v31, $0x3;
	v28 =	vbroadcast v23, $0x0;
	v29 =	vshrl.u32 v29, $0x3;
	s31 =	ssub.s32 $0xC, s5;
	s2 =	sshrl.u32 s2, $0x1;
	s21 =	sld [smem:$0x793];
	v18 =	vld.idx.msk [tilespmem:v20+s7+$0x0], $0xffff  }
0x4aa: {  	v33 =	vshrl.u32 v33, $0x3;
	s28 =	sand.u32 $0xFFC0, s28;
	s17 =	sadd.s32 s17, s2;
	s2 =	sld [smem:$0x794];
	v20 =	vadd.s32 v8, v24;
	v24 =	vshll.u32 v29, v2;
	v25 =	vld.idx.msk [tilespmem:v27+s7+$0x0], $0xffff  }
0x4ab: {  	v37 =	vadd.s32 v0, v28;
	s20 =	sand.u32 $0xFFC0, s20;
	s16 =	sshrl.u32 s16, $0x6;
	s3 =	sld [smem:$0x795];
	v27 =	vshll.u32 v30, v2;
	v23 =	vld.idx.msk [tilespmem:v21+s7+$0x0], $0xffff;
	v24 =	vbroadcast v24, $0x0  }
0x4ac: {  	v32 =	vshrl.u32 v32, $0x3;
	s31 =	sand.u32 $0xFFFE, s31;
	s18 =	ssub.s32 $0xD, s30;
	s19 =	sld [smem:$0x797];
	v21 =	vshll.u32 v31, v2;
	v28 =	vld.idx.msk [tilespmem:v22+s7+$0x0], $0xffff;
	v27 =	vbroadcast v27, $0x0  }
0x4ad: {  	s28 =	sshrl.u32 s28, $0x6;
	s0 =	sand.u32 $0xFFFE, s18;
	s31 =	sshrl.u32 s31, $0x1;
	v22 =	vshll.u32 v32, v2;
	v30 =	vld.idx.msk [tilespmem:v35+s7+$0x0], $0xffff;
	v21 =	vbroadcast v21, $0x0;
	v24 =	vadd.s32 v3, v24  }
0x4ae: {  	s18 =	sld [smem:$0x796];
	s25 =	sadd.s32 s5, s31;
	s0 =	sshrl.u32 s0, $0x1;
	v31 =	vshll.u32 v33, v2;
	v32 =	vld.idx.msk [tilespmem:v26+s7+$0x0], $0xffff;
	v22 =	vbroadcast v22, $0x0;
	v61 =	vadd.s32 v4, v27  }
0x4af: {  	v19 =	vshll.u32 v19, v2;
	s5 =	sadd.s32 s30, s0;
	s21 =	sand.u32 $0xFFC0, s21;
	s4 =	sand.u32 $0xFFC0, s2;
	v21 =	vadd.s32 v6, v21;
	v29 =	vld.idx.msk [tilespmem:v20+s7+$0x0], $0xffff;
	v20 =	vbroadcast v31, $0x0  }
0x4b0: {  	v19 =	vbroadcast v19, $0x0;
	s30 =	sand.u32 $0xFFC0, s3;
	s3 =	sand.u32 $0xFFC0, s29;
	s31 =	sand.u32 $0xFFC0, s19;
	v62 =	vadd.s32 v7, v22;
	v27 =	vld.idx.msk [tilespmem:v37+s7+$0x0], $0xffff  }
0x4b1: {  	s29 =	sand.u32 $0xFFC0, s17;
	s19 =	sld [smem:$0x798];
	s2 =	sand.u32 $0xFFC0, s18;
	v31 =	vld.idx.msk [tilespmem:v36+s7+$0x0], $0xffff;
	v20 =	vadd.s32 v8, v20  }
0x4b2: {  	v63 =	vadd.s32 v10, v19;
	s18 =	sand.u32 $0xFFC0, s25;
	s5 =	sand.u32 $0xFFC0, s5;
	s25 =	sshrl.u32 s21, $0x6;
	v26 =	vld.idx.msk [tilespmem:v24+s7+$0x0], $0xffff  }
.Ltmp15:
0x4b3: {  	s4 =	sshrl.u32 s4, $0x6;
	s30 =	sshrl.u32 s30, $0x6;
	v22 =	vld.idx.msk [tilespmem:v61+s7+$0x0], $0xffff;
	(pc) =	sbr.rel @!p1 .LBB2_28-.Ltmp15, $4  }
0x4b4: {  	s17 =	sshrl.u32 s3, $0x6;
	s3 =	sshrl.u32 s31, $0x6;
	s29 =	sshrl.u32 s29, $0x6;
	v24 =	vld.idx.msk [tilespmem:v21+s7+$0x0], $0xffff  }
0x4b5: {  	s21 =	sshrl.u32 s2, $0x6;
	s2 =	sshrl.u32 s14, $0x6;
	s14 =	sshrl.u32 s13, $0x6;
	v21 =	vld.idx.msk [tilespmem:v62+s7+$0x0], $0xffff  }
0x4b6: {  	s13 =	sshrl.u32 s23, $0x6;
	s23 =	sshrl.u32 s20, $0x6;
	s20 =	smul.u32 $0x7D, s25;
	v19 =	vld.idx.msk [tilespmem:v20+s7+$0x0], $0xffff  }
0x4b7: {  	s0 =	sshrl.u32 s18, $0x6;
	s31 =	sshrl.u32 s5, $0x6;
	s5 =	smul.u32 $0x7D, s4;
	[tilespmem:s19+$0x5280] =	vst v34;
	v20 =	vld.idx.msk [tilespmem:v63+s7+$0x0], $0xffff  }
.LBB2_29:
0x4b8: {  	s18 =	smul.u32 $0x7D, s30  }
0x4b9: {  	s19 =	smul.u32 $0x7D, s21  }
0x4ba: {  	s25 =	smul.u32 $0x1F40, s25  }
0x4bb: {  	s4 =	smul.u32 $0x1F40, s4  }
0x4bc: {  	s30 =	smul.u32 $0x1F40, s30  }
0x4bd: {  	s21 =	smul.u32 $0x1F40, s21  }
0x4be: {  	s7 =	ssub.s32 s8, s18;
	s8 =	smul.u32 $0x7D, s2  }
0x4bf: {  	s18 =	smul.u32 $0x7D, s17  }
0x4c0: {  	s5 =	ssub.s32 s9, s5;
	s9 =	ssub.s32 s12, s19;
	s19 =	smul.u32 $0x7D, s3  }
0x4c1: {  	s6 =	ssub.s32 s6, s20;
	s2 =	smul.u32 $0x1F40, s2  }
0x4c2: {  	s6 =	sand.u32 $0xFFFF, s6;
	s17 =	smul.u32 $0x1F40, s17  }
0x4c3: {  	s3 =	smul.u32 $0x1F40, s3;
	s25 =	sshrl.u32 s25, $0x2;
	s5 =	sand.u32 $0xFFFF, s5  }
0x4c4: {  	s4 =	sshrl.u32 s4, $0x2;
	[smem:$0x783] =	sst s5;
	s5 =	smul.u32 $0x7D, s14  }
0x4c5: {  	s30 =	sshrl.u32 s30, $0x2;
	s11 =	ssub.s32 s11, s18;
	s18 =	smul.u32 $0x7D, s13  }
0x4c6: {  	s21 =	sshrl.u32 s21, $0x2;
	s15 =	ssub.s32 s15, s19;
	s19 =	smul.u32 $0x7D, s16  }
0x4c7: {  	s7 =	sand.u32 $0xFFFF, s7;
	s9 =	sand.u32 $0xFFFF, s9;
	s14 =	smul.u32 $0x1F40, s14  }
0x4c8: {  	s6 =	sshll.u32 s6, $0x4;
	s10 =	ssub.s32 s10, s8;
	s13 =	smul.u32 $0x1F40, s13  }
0x4c9: {  	s7 =	sshll.u32 s7, $0x4;
	s9 =	sshll.u32 s9, $0x4;
	s16 =	smul.u32 $0x1F40, s16  }
0x4ca: {  	s2 =	sshrl.u32 s2, $0x2;
	s17 =	sshrl.u32 s17, $0x2;
	s3 =	sshrl.u32 s3, $0x2  }
0x4cb: {  	s6 =	sadd.s32 s6, s25;
	s10 =	sand.u32 $0xFFFF, s10;
	s11 =	sand.u32 $0xFFFF, s11  }
0x4cc: {  	s8 =	sand.u32 $0xFFFF, s15;
	s7 =	sadd.s32 s7, s30;
	s20 =	ssub.s32 s22, s18  }
0x4cd: {  	s18 =	smul.u32 $0x7D, s28;
	s15 =	ssub.s32 s24, s19;
	s24 =	sld [smem:$0x791]  }
0x4ce: {  	s12 =	ssub.s32 s26, s5;
	s19 =	smul.u32 $0x7D, s23;
	s26 =	rddreg [dreg:$0x16]  }
0x4cf: {  	s9 =	sadd.s32 s9, s21;
	s22 =	smul.u32 $0x7D, s31;
	s5 =	sld [smem:$0x792]  }
0x4d0: {  	s10 =	sshll.u32 s10, $0x4;
	s11 =	sshll.u32 s11, $0x4;
	s28 =	smul.u32 $0x1F40, s28  }
0x4d1: {  	s8 =	sshll.u32 s8, $0x4;
	s23 =	smul.u32 $0x1F40, s23;
	s14 =	sshrl.u32 s14, $0x2  }
0x4d2: {  	s31 =	smul.u32 $0x1F40, s31;
	s13 =	sshrl.u32 s13, $0x2;
	s16 =	sshrl.u32 s16, $0x2  }
0x4d3: {  	s12 =	sand.u32 $0xFFFF, s12;
	s20 =	sand.u32 $0xFFFF, s20;
	s15 =	sand.u32 $0xFFFF, s15  }
0x4d4: {  	s2 =	sadd.s32 s10, s2;
	s10 =	sadd.s32 s11, s17;
	s8 =	sadd.s32 s8, s3  }
0x4d5: {  	s3 =	simm.s32 $0x1400;
	s19 =	ssub.s32 s26, s19;
	s26 =	smul.u32 $0x7D, s29  }
0x4d6: {  	s12 =	sshll.u32 s12, $0x4;
	s20 =	sshll.u32 s20, $0x4;
	s15 =	sshll.u32 s15, $0x4  }
0x4d7: {  	s28 =	sshrl.u32 s28, $0x2;
	s23 =	sshrl.u32 s23, $0x2;
	s25 =	sshrl.u32 s31, $0x2  }
0x4d8: {  	s18 =	ssub.s32 s24, s18;
	s24 =	smul.u32 $0x7D, s0;
	s19 =	sand.u32 $0xFFFF, s19  }
0x4d9: {  	s0 =	smul.u32 $0x1F40, s0;
	s14 =	sadd.s32 s12, s14;
	s13 =	sadd.s32 s20, s13  }
0x4da: {  	s17 =	sadd.s32 s15, s16;
	s16 =	sadd.s32 $0x10, s1;
	s18 =	sand.u32 $0xFFFF, s18  }
0x4db: {  	s26 =	ssub.s32 s1, s26;
	s19 =	sshll.u32 s19, $0x4;
	s12 =	sadd.s32 $0xFFFFFFF2, s16  }
0x4dc: {  	[tilespmem:s9+$0x5280] =	vst v28;
	s20 =	sadd.s32 $0xFFFFFFF3, s16;
	s9 =	sadd.s32 $0xFFFFFFFF, s16;
	s21 =	sadd.s32 $0xFFFFFFF4, s16  }
0x4dd: {  	s24 =	ssub.s32 s5, s24;
	s5 =	smov.u32 s29;
	s29 =	rddreg [dreg:$0x1b]  }
0x4de: {  	s26 =	sand.u32 $0xFFFF, s26;
	s18 =	sshll.u32 s18, $0x4;
	[smem:$0x78D] =	sst s12  }
0x4df: {  	s0 =	sshrl.u32 s0, $0x2;
	s19 =	sadd.s32 s19, s23;
	[smem:$0x78C] =	sst s20  }
0x4e0: {  	[tilespmem:s7+$0x5280] =	vst v23;
	v23 =	vmov s12;
	[dreg:$0xc] =	wrdreg s21;
	s12 =	sadd.s32 $0xFFFFFFF6, s16;
	s23 =	sadd.s32 $0xFFFFFFF7, s16  }
0x4e1: {  	s24 =	sand.u32 $0xFFFF, s24;
	s22 =	ssub.s32 s29, s22;
	s29 =	sld [smem:$0x783]  }
0x4e2: {  	s26 =	sshll.u32 s26, $0x4;
	s18 =	sadd.s32 s18, s28;
	[smem:$0x78F] =	sst s23  }
0x4e3: {  	[dreg:$0x7] =	wrdreg s12;
	v59 =	vmov s23;
	s23 =	sadd.s32 $0xFFFFFFF9, s16;
	s22 =	sand.u32 $0xFFFF, s22  }
0x4e4: {  	s24 =	sshll.u32 s24, $0x4;
	[tilespmem:s18+$0x5280] =	vst v22;
	s18 =	sadd.s32 $0xFFFFFFF1, s16;
	s22 =	sshll.u32 s22, $0x4  }
0x4e5: {  	s15 =	sadd.s32 s24, s0;
	s24 =	sadd.s32 $0xFFFFFFF8, s16;
	[smem:$0x78B] =	sst s18  }
0x4e6: {  	[tilespmem:s10+$0x5280] =	vst v29;
	s0 =	smul.u32 $0x625, s16;
	s29 =	sshll.u32 s29, $0x4;
	[smem:$0x785] =	sst s24  }
0x4e7: {  	[tilespmem:s13+$0x5280] =	vst v27;
	v27 =	vmov s24;
	s24 =	sadd.s32 $0xFFFFFFFD, s16;
	[smem:$0x784] =	sst s29;
	s29 =	smul.u32 $0x1F40, s5  }
0x4e8: {  	[tilespmem:s8+$0x5280] =	vst v31;
	v29 =	vmov s21;
	s10 =	sadd.s32 $0xFFFFA3D5, s0;
	s21 =	sadd.s32 $0xFFFFB01F, s0;
	s13 =	sadd.s32 $0xFFFFB644, s0  }
0x4e9: {  	[tilespmem:s14+$0x5280] =	vst v32;
	s14 =	sadd.s32 $0xFFFFBC69, s0;
	s7 =	sadd.s32 $0xFFFFC28E, s0;
	s8 =	sadd.s32 $0xFFFFC8B3, s0  }
0x4ea: {  	[tilespmem:s17+$0x5280] =	vst v26;
	s17 =	sadd.s32 $0xFFFFCED8, s0;
	s28 =	sadd.s32 $0xFFFFD4FD, s0;
	[smem:$0x792] =	sst s24  }
0x4eb: {  	[tilespmem:s6+$0x5280] =	vst v25;
	s30 =	sadd.s32 $0xFFFFE76C, s0;
	s31 =	sadd.s32 $0xFFFFF3B6, s0;
	s6 =	sld [smem:$0x784]  }
0x4ec: {  	[tilespmem:s19+$0x5280] =	vst v24;
	s19 =	sshrl.u32 s10, $0x10;
	s10 =	sshrl.u32 s21, $0x10;
	s13 =	sshrl.u32 s13, $0x10  }
0x4ed: {  	s14 =	sshrl.u32 s14, $0x10;
	s8 =	sshrl.u32 s8, $0x10;
	[smem:$0x787] =	sst s10  }
0x4ee: {  	v28 =	vmov s9;
	s21 =	sshrl.u32 s0, $0x10;
	s29 =	sshrl.u32 s29, $0x2;
	[smem:$0x789] =	sst s8  }
0x4ef: {  	v25 =	vmov s20;
	v28 =	vshrl.u32 v28, $0x3;
	s11 =	sadd.s32 s26, s29;
	s29 =	sadd.s32 $0xFFFFE147, s0;
	s4 =	sadd.s32 s6, s4  }
0x4f0: {  	[tilespmem:s2+$0x5280] =	vst v30;
	v31 =	vmov s12;
	v23 =	vshrl.u32 v23, $0x3;
	v25 =	vshrl.u32 v25, $0x3;
	s6 =	sadd.s32 s22, s25;
	s22 =	sadd.s32 $0xFFFFFFF5, s16;
	s25 =	sadd.s32 $0xFFFFF9DB, s0  }
0x4f1: {  	v26 =	vshrl.u32 v29, $0x3;
	v28 =	vshll.u32 v28, v2;
	v22 =	vshrl.u32 v31, $0x3;
	[tilespmem:s11+$0x5280] =	vst v20;
	s11 =	sadd.s32 $0xFFFFFFFB, s16;
	[smem:$0x78E] =	sst s22;
	s5 =	sshrl.u32 s25, $0x10  }
0x4f2: {  	v23 =	vshll.u32 v23, v2;
	v28 =	vbroadcast v28, $0x0;
	[tilespmem:s15+$0x5280] =	vst v21;
	v30 =	vmov s22;
	s22 =	sadd.s32 $0xFFFFA9FA, s0;
	s25 =	sadd.s32 $0xFFFFDB22, s0;
	s26 =	ssub.s32 s9, s5  }
0x4f3: {  	v31 =	vmov s18;
	v21 =	vshll.u32 v25, v2;
	v25 =	vshll.u32 v26, v2;
	[tilespmem:s4+$0x5280] =	vst v18;
	s4 =	sadd.s32 $0xFFFFFFFA, s16;
	[smem:$0x791] =	sst s11;
	s20 =	sand.u32 $0xFFFE, s26  }
0x4f4: {  	v24 =	vshrl.u32 v27, $0x3;
	v21 =	vbroadcast v21, $0x0;
	v60 =	vmov s24;
	[tilespmem:s6+$0x5280] =	vst v19;
	s6 =	sadd.s32 $0xFFFFFFFC, s16;
	[dreg:$0x11] =	wrdreg s4;
	s1 =	sshrl.u32 s20, $0x1  }
0x4f5: {  	v28 =	vadd.s32 v9, v28;
	v24 =	vshll.u32 v24, v2;
	v32 =	vshrl.u32 v60, $0x3;
	s22 =	sshrl.u32 s22, $0x10;
	[dreg:$0x16] =	wrdreg s6;
	s5 =	sadd.s32 s5, s1  }
0x4f6: {  	v32 =	vshll.u32 v32, v2;
	v24 =	vbroadcast v24, $0x0;
	v21 =	vadd.s32 v4, v21;
	s26 =	sadd.s32 $0xFFFFFFFE, s16;
	[smem:$0x786] =	sst s22;
	s5 =	sand.u32 $0xFFC0, s5  }
0x4f7: {  	v20 =	vbroadcast v23, $0x0;
	v23 =	vbroadcast v25, $0x0;
	v25 =	vmov s23;
	s20 =	sadd.s32 $0xFFFFED91, s0;
	s0 =	sld [smem:$0x785];
	s5 =	sshrl.u32 s5, $0x6  }
0x4f8: {  	s31 =	sshrl.u32 s31, $0x10;
	v18 =	vmov s16;
	v19 =	vshll.u32 v22, v2;
	v25 =	vshrl.u32 v25, $0x3;
	[dreg:$0x1b] =	wrdreg s26;
	s2 =	smul.u32 $0x7D, s5  }
0x4f9: {  	v29 =	vshrl.u32 v30, $0x3;
	v30 =	vshrl.u32 v59, $0x3;
	v33 =	vmov s26;
	s26 =	ssub.s32 s26, s31;
	s1 =	sshrl.u32 s7, $0x10;
	s5 =	smul.u32 $0x1F40, s5  }
0x4fa: {  	v18 =	vshrl.u32 v18, $0x3;
	v27 =	vmov s4;
	v25 =	vshll.u32 v25, v2;
	s25 =	sshrl.u32 s25, $0x10;
	s26 =	sand.u32 $0xFFFE, s26;
	[smem:$0x788] =	sst s1  }
0x4fb: {  	v20 =	vadd.s32 v3, v20;
	v19 =	vbroadcast v19, $0x0;
	v26 =	vshll.u32 v29, v2;
	s26 =	sshrl.u32 s26, $0x1;
	s15 =	ssub.s32 s9, s2;
	s5 =	sshrl.u32 s5, $0x2  }
0x4fc: {  	v28 =	vld.idx.msk [tilespmem:v28+s3+$0x0], $0xffff;
	v22 =	vshll.u32 v30, v2;
	v18 =	vshll.u32 v18, v2;
	v29 =	vmov s11;
	s9 =	sshrl.u32 s17, $0x10;
	s2 =	sshrl.u32 s28, $0x10;
	s28 =	sshrl.u32 s29, $0x10  }
0x4fd: {  	v30 =	vmov s6;
	v27 =	vshrl.u32 v27, $0x3;
	v61 =	vbroadcast v25, $0x0;
	s29 =	sshrl.u32 s30, $0x10;
	s30 =	sshrl.u32 s20, $0x10;
	s20 =	rddreg [dreg:$0xc]  }
0x4fe: {  	v29 =	vshrl.u32 v29, $0x3;
	v30 =	vshrl.u32 v30, $0x3;
	v26 =	vbroadcast v26, $0x0;
	s17 =	smov.u32 s19;
	s15 =	sand.u32 $0xFFFF, s15;
	[smem:$0x78A] =	sst s2  }
0x4ff: {  	v27 =	vshll.u32 v27, v2;
	v22 =	vbroadcast v22, $0x0;
	v19 =	vadd.s32 v8, v19;
	s11 =	ssub.s32 s11, s28;
	s24 =	ssub.s32 s24, s30;
	s15 =	sshll.u32 s15, $0x4  }
0x500: {  	v35 =	vbroadcast v18, $0x0;
	v29 =	vshll.u32 v29, v2;
	v26 =	vadd.s32 v7, v26;
	s11 =	sand.u32 $0xFFFE, s11;
	s24 =	sand.u32 $0xFFFE, s24;
	s5 =	sadd.s32 s15, s5  }
0x501: {  	v27 =	vbroadcast v27, $0x0;
	v18 =	vld.idx.msk [tilespmem:v20+s3+$0x0], $0xffff;
	v20 =	vadd.s32 v9, v22;
	v22 =	vadd.s32 v10, v24;
	s11 =	sshrl.u32 s11, $0x1;
	[tilespmem:s5+$0x5280] =	vst v28;
	s5 =	ssub.s32 s18, s19;
	s18 =	sld [smem:$0x78D]  }
0x502: {  	v30 =	vshll.u32 v30, v2;
	v29 =	vbroadcast v29, $0x0;
	v24 =	vadd.s32 v0, v61;
	s19 =	sld [smem:$0x78C];
	s11 =	sadd.s32 s28, s11;
	s5 =	sand.u32 $0xFFFE, s5  }
0x503: {  	v34 =	vadd.s32 v6, v23;
	v23 =	vld.idx.msk [tilespmem:v21+s3+$0x0], $0xffff;
	v30 =	vbroadcast v30, $0x0;
	v62 =	vadd.s32 v3, v27;
	s24 =	sshrl.u32 s24, $0x1;
	s11 =	sand.u32 $0xFFC0, s11;
	s5 =	sshrl.u32 s5, $0x1  }
0x504: {  	v32 =	vbroadcast v32, $0x0;
	v36 =	vadd.s32 v4, v29;
	v29 =	vld.idx.msk [tilespmem:v19+s3+$0x0], $0xffff;
	s28 =	sshrl.u32 s11, $0x6;
	s11 =	rddreg [dreg:$0x7];
	s15 =	ssub.s32 s18, s22  }
0x505: {  	v31 =	vshrl.u32 v31, $0x3;
	v21 =	vadd.s32 v6, v30;
	v30 =	vld.idx.msk [tilespmem:v26+s3+$0x0], $0xffff;
	s18 =	ssub.s32 s19, s10;
	s19 =	ssub.s32 s20, s13;
	s22 =	sld [smem:$0x78E]  }
0x506: {  	v31 =	vshll.u32 v31, v2;
	v37 =	vadd.s32 v7, v32;
	v32 =	vld.idx.msk [tilespmem:v22+s3+$0x0], $0xffff;
	s10 =	ssub.s32 s23, s2;
	s2 =	ssub.s32 s6, s29;
	s17 =	sadd.s32 s17, s5  }
0x507: {  	v33 =	vshrl.u32 v33, $0x3;
	v27 =	vld.idx.msk [tilespmem:v24+s3+$0x0], $0xffff;
	v28 =	vbroadcast v31, $0x0;
	s5 =	sld [smem:$0x787];
	s15 =	sand.u32 $0xFFFE, s15;
	s19 =	sand.u32 $0xFFFE, s19  }
0x508: {  	v63 =	vadd.s32 v10, v35;
	v26 =	vld.idx.msk [tilespmem:v62+s3+$0x0], $0xffff;
	v31 =	vshll.u32 v33, v2;
	s18 =	sand.u32 $0xFFFE, s18;
	s15 =	sshrl.u32 s15, $0x1;
	s19 =	sshrl.u32 s19, $0x1  }
0x509: {  	v22 =	vld.idx.msk [tilespmem:v36+s3+$0x0], $0xffff;
	v31 =	vbroadcast v31, $0x0;
	v28 =	vadd.s32 v0, v28;
	s20 =	ssub.s32 s22, s14;
	s22 =	ssub.s32 s12, s1;
	s1 =	sld [smem:$0x78F]  }
0x50a: {  	v24 =	vld.idx.msk [tilespmem:v21+s3+$0x0], $0xffff;
	s12 =	ssub.s32 s4, s25;
	s4 =	ssub.s32 s16, s21;
	s13 =	sadd.s32 s13, s19  }
0x50b: {  	v21 =	vld.idx.msk [tilespmem:v37+s3+$0x0], $0xffff;
	v38 =	vadd.s32 v8, v31;
	s20 =	sand.u32 $0xFFFE, s20;
	s22 =	sand.u32 $0xFFFE, s22;
	s6 =	sand.u32 $0xFFFE, s4  }
0x50c: {  	v31 =	vld.idx.msk [tilespmem:v20+s3+$0x0], $0xffff;
	s20 =	sshrl.u32 s20, $0x1;
	s22 =	sshrl.u32 s22, $0x1;
	s6 =	sshrl.u32 s6, $0x1  }
0x50d: {  	v20 =	vld.idx.msk [tilespmem:v63+s3+$0x0], $0xffff;
	s7 =	ssub.s32 s1, s8;
	s8 =	ssub.s32 s0, s9;
	s1 =	smov.u32 s9  }
0x50e: {  	v25 =	vld.idx.msk [tilespmem:v28+s3+$0x0], $0xffff;
	s9 =	sand.u32 $0xFFFE, s10;
	s10 =	sand.u32 $0xFFFE, s12;
	s12 =	sand.u32 $0xFFFE, s2  }
0x50f: {  	v28 =	vld.idx.msk [tilespmem:v34+s3+$0x0], $0xffff;
	s2 =	sshrl.u32 s18, $0x1;
	s18 =	sld [smem:$0x786];
	s14 =	sadd.s32 s14, s20  }
0x510: {  	v19 =	vld.idx.msk [tilespmem:v38+s3+$0x0], $0xffff;
	s20 =	sld [smem:$0x789];
	s3 =	sadd.s32 s21, s6;
	s6 =	sand.u32 $0xFFC0, s17  }
0x511: {  	s7 =	sand.u32 $0xFFFE, s7;
	s8 =	sand.u32 $0xFFFE, s8;
	s9 =	sshrl.u32 s9, $0x1  }
0x512: {  	s10 =	sshrl.u32 s10, $0x1;
	s12 =	sshrl.u32 s12, $0x1;
	s4 =	sadd.s32 s5, s2  }
0x513: {  	s2 =	sadd.s32 s31, s26;
	s26 =	smov.u32 s0;
	s5 =	sand.u32 $0xFFC0, s13  }
0x514: {  	s13 =	sand.u32 $0xFFC0, s14;
	s7 =	sshrl.u32 s7, $0x1;
	s8 =	sshrl.u32 s8, $0x1  }
0x515: {  	s10 =	sadd.s32 s25, s10;
	s12 =	sadd.s32 s29, s12;
	s25 =	sadd.s32 s30, s24  }
0x516: {  	s24 =	rddreg [dreg:$0x11];
	s21 =	sshrl.u32 s5, $0x6;
	s18 =	sadd.s32 s18, s15  }
0x517: {  	s15 =	sld [smem:$0x788];
	s7 =	sadd.s32 s20, s7;
	s8 =	sadd.s32 s1, s8  }
0x518: {  	s1 =	smov.u32 s16;
	s10 =	sand.u32 $0xFFC0, s10;
	s12 =	sand.u32 $0xFFC0, s12  }
0x519: {  	s20 =	sand.u32 $0xFFC0, s3;
	s17 =	sand.u32 $0xFFC0, s18;
	s18 =	sand.u32 $0xFFC0, s4  }
0x51a: {  	s7 =	sand.u32 $0xFFC0, s7;
	s8 =	sand.u32 $0xFFC0, s8;
	s16 =	sshrl.u32 s10, $0x6  }
0x51b: {  	s10 =	sld [smem:$0x78E];
	s29 =	sshrl.u32 s20, $0x6;
	s19 =	sadd.s32 s15, s22  }
0x51c: {  	s15 =	sand.u32 $0xFFC0, s25;
	s25 =	sshrl.u32 s6, $0x6;
	s6 =	sld [smem:$0x78B]  }
0x51d: {  	s4 =	sshrl.u32 s17, $0x6;
	s30 =	sshrl.u32 s18, $0x6;
	s3 =	sshrl.u32 s7, $0x6  }
0x51e: {  	s22 =	smov.u32 s23;
	s23 =	sld [smem:$0x78A];
	s5 =	smul.u32 $0x7D, s4  }
0x51f: {  	s14 =	sand.u32 $0xFFC0, s19;
	s19 =	sand.u32 $0xFFC0, s2;
	p1 =	slt.u32 s6, $0x3D0  }
.Ltmp16:
0x520: {  	s2 =	sshrl.u32 s13, $0x6;
	s0 =	sshrl.u32 s15, $0x6;
	(pc) =	sbr.rel @p1 .LBB2_29-.Ltmp16, $4  }
0x521: {  	s15 =	sld [smem:$0x78F];
	s20 =	smul.u32 $0x7D, s25;
	s17 =	sshrl.u32 s14, $0x6  }
0x522: {  	s14 =	sshrl.u32 s8, $0x6;
	s8 =	sld [smem:$0x78C];
	s9 =	sadd.s32 s23, s9  }
0x523: {  	s23 =	sshrl.u32 s12, $0x6;
	s12 =	rddreg [dreg:$0xc];
	s9 =	sand.u32 $0xFFC0, s9  }
0x524: {  	s31 =	sshrl.u32 s19, $0x6;
	s13 =	sshrl.u32 s9, $0x6;
	s9 =	sld [smem:$0x78D]  }
0x525: {  	_ = 	snop  }
0x526: {  	s18 =	smov.u32 s6;
	[smem:$0x790] =	sst s22  }
0x527: {  	s24 =	smov.u32 s10;
	s22 =	smov.u32 s8;
	s19 =	smov.u32 s9  }
.LBB2_31:
0x528: {  	s6 =	smul.u32 $0x7D, s30  }
0x529: {  	s7 =	smul.u32 $0x7D, s21  }
0x52a: {  	s8 =	smul.u32 $0x7D, s2  }
0x52b: {  	s9 =	smul.u32 $0x7D, s17  }
0x52c: {  	s10 =	smul.u32 $0x7D, s3  }
0x52d: {  	s11 =	smul.u32 $0x7D, s14  }
0x52e: {  	s12 =	smul.u32 $0x7D, s13  }
0x52f: {  	s20 =	ssub.s32 s18, s20;
	s18 =	smul.u32 $0x7D, s16  }
0x530: {  	s19 =	ssub.s32 s19, s5;
	s5 =	smul.u32 $0x7D, s28  }
0x531: {  	s25 =	smul.u32 $0x1F40, s25  }
0x532: {  	s4 =	smul.u32 $0x1F40, s4  }
0x533: {  	s21 =	smul.u32 $0x1F40, s21;
	s6 =	ssub.s32 s22, s6;
	s22 =	rddreg [dreg:$0xc]  }
0x534: {  	s20 =	sand.u32 $0xFFFF, s20;
	s8 =	ssub.s32 s24, s8;
	s24 =	rddreg [dreg:$0x7]  }
0x535: {  	s19 =	sand.u32 $0xFFFF, s19;
	s11 =	ssub.s32 s26, s11;
	s26 =	rddreg [dreg:$0x11]  }
0x536: {  	s10 =	ssub.s32 s15, s10;
	s15 =	rddreg [dreg:$0x16];
	s25 =	sshrl.u32 s25, $0x2  }
0x537: {  	s4 =	sshrl.u32 s4, $0x2;
	[smem:$0x782] =	sst s6;
	s7 =	ssub.s32 s22, s7  }
0x538: {  	s6 =	smul.u32 $0x7D, s23;
	s18 =	ssub.s32 s26, s18;
	s26 =	sld [smem:$0x791]  }
0x539: {  	s9 =	ssub.s32 s24, s9;
	s22 =	smul.u32 $0x7D, s0;
	s24 =	sld [smem:$0x790]  }
0x53a: {  	s8 =	sand.u32 $0xFFFF, s8;
	s7 =	sand.u32 $0xFFFF, s7;
	s9 =	sand.u32 $0xFFFF, s9  }
0x53b: {  	s8 =	sshll.u32 s8, $0x4;
	s26 =	ssub.s32 s26, s5;
	s5 =	smul.u32 $0x7D, s29  }
0x53c: {  	s6 =	ssub.s32 s15, s6;
	s15 =	sld [smem:$0x792];
	s12 =	ssub.s32 s24, s12  }
0x53d: {  	s24 =	smul.u32 $0x7D, s31;
	s1 =	ssub.s32 s1, s5;
	s5 =	sshll.u32 s20, $0x4  }
0x53e: {  	s5 =	sadd.s32 s5, s25;
	s25 =	smul.u32 $0x1F40, s30;
	s30 =	sld [smem:$0x782]  }
0x53f: {  	s7 =	sshll.u32 s7, $0x4;
	s22 =	ssub.s32 s15, s22;
	s15 =	rddreg [dreg:$0x1b]  }
0x540: {  	s9 =	sshll.u32 s9, $0x4;
	s24 =	ssub.s32 s15, s24;
	s15 =	sshll.u32 s19, $0x4  }
0x541: {  	s19 =	sshrl.u32 s25, $0x2;
	s25 =	smul.u32 $0x1F40, s2;
	s20 =	sand.u32 $0xFFFF, s30  }
0x542: {  	s6 =	sand.u32 $0xFFFF, s6;
	s30 =	smul.u32 $0x1F40, s17;
	s20 =	sshll.u32 s20, $0x4  }
0x543: {  	s4 =	sadd.s32 s15, s4;
	s15 =	sadd.s32 s20, s19;
	s20 =	smul.u32 $0x1F40, s3  }
0x544: {  	s12 =	sand.u32 $0xFFFF, s12;
	s17 =	sshrl.u32 s30, $0x2;
	s30 =	smul.u32 $0x1F40, s14  }
0x545: {  	s1 =	sand.u32 $0xFFFF, s1;
	[tilespmem:s4+$0x5280] =	vst v18;
	s4 =	sshll.u32 s12, $0x4;
	s14 =	smul.u32 $0x1F40, s16  }
0x546: {  	s2 =	sshrl.u32 s25, $0x2;
	s25 =	sand.u32 $0xFFFF, s10;
	s16 =	smul.u32 $0x1F40, s28  }
0x547: {  	s19 =	sshrl.u32 s21, $0x2;
	s2 =	sadd.s32 s8, s2;
	s28 =	smul.u32 $0x1F40, s29  }
0x548: {  	[tilespmem:s5+$0x5280] =	vst v25;
	s7 =	sadd.s32 s7, s19;
	s21 =	sadd.s32 s9, s17;
	s17 =	smul.u32 $0x1F40, s23  }
0x549: {  	s9 =	sshll.u32 s25, $0x4;
	[tilespmem:s15+$0x5280] =	vst v23;
	s15 =	sand.u32 $0xFFFF, s26;
	s19 =	smul.u32 $0x1F40, s0  }
0x54a: {  	[tilespmem:s2+$0x5280] =	vst v30;
	s25 =	smul.u32 $0x1F40, s31;
	s26 =	sand.u32 $0xFFFF, s24;
	s3 =	sshrl.u32 s20, $0x2  }
0x54b: {  	[tilespmem:s7+$0x5280] =	vst v28;
	s2 =	sshll.u32 s15, $0x4;
	s20 =	sshrl.u32 s16, $0x2;
	s3 =	sadd.s32 s9, s3  }
0x54c: {  	[tilespmem:s21+$0x5280] =	vst v29;
	s9 =	sand.u32 $0xFFFF, s11;
	s11 =	smul.u32 $0x1F40, s13;
	s13 =	sand.u32 $0xFFFF, s18  }
0x54d: {  	s18 =	sshll.u32 s6, $0x4;
	s21 =	sshrl.u32 s17, $0x2;
	s2 =	sadd.s32 s2, s20;
	[tilespmem:s3+$0x5280] =	vst v31  }
0x54e: {  	s10 =	sshrl.u32 s30, $0x2;
	s5 =	sshll.u32 s9, $0x4;
	s3 =	sadd.s32 s18, s21;
	[tilespmem:s2+$0x5280] =	vst v22  }
0x54f: {  	s29 =	sshrl.u32 s25, $0x2;
	s2 =	sshll.u32 s26, $0x4;
	s5 =	sadd.s32 s5, s10;
	[tilespmem:s3+$0x5280] =	vst v24  }
0x550: {  	s23 =	sand.u32 $0xFFFF, s22;
	s9 =	sshrl.u32 s11, $0x2;
	s2 =	sadd.s32 s2, s29;
	[tilespmem:s5+$0x5280] =	vst v32  }
0x551: {  	s7 =	sshll.u32 s13, $0x4;
	s4 =	sadd.s32 s4, s9;
	s9 =	sshrl.u32 s14, $0x2;
	[tilespmem:s2+$0x5280] =	vst v19  }
0x552: {  	s0 =	sshrl.u32 s19, $0x2;
	s7 =	sadd.s32 s7, s9;
	[tilespmem:s4+$0x5280] =	vst v27;
	s4 =	sshll.u32 s23, $0x4  }
0x553: {  	s30 =	sshll.u32 s1, $0x4;
	s31 =	sshrl.u32 s28, $0x2;
	[tilespmem:s7+$0x5280] =	vst v26;
	s0 =	sadd.s32 s4, s0  }
0x554: {  	[tilespmem:s0+$0x5280] =	vst v21;
	s0 =	sadd.s32 s30, s31  }
0x555: {  	s2 =	simm.s32 $0x3E0;
	s9 =	simm.s32 $0x1400;
	[tilespmem:s0+$0x5280] =	vst v20  }
.LBB2_32:
0x556: {  	s0 =	smul.u32 $0x625, s2;
	_ =	sdelay $0x1  }
0x557: {  	s0 =	sshrl.u32 s0, $0x10  }
0x558: {  	v18 =	vmov s2;
	s1 =	ssub.s32 s2, s0  }
0x559: {  	v18 =	vand.u32 $0x3FF, v18;
	s1 =	sand.u32 $0xFFFE, s1  }
0x55a: {  	v18 =	vadd.s32 v0, v18;
	s1 =	sshrl.u32 s1, $0x1  }
0x55b: {  	s0 =	sadd.s32 s0, s1  }
0x55c: {  	s0 =	sand.u32 $0xFFC0, s0  }
0x55d: {  	s0 =	sshrl.u32 s0, $0x6  }
0x55e: {  	s31 =	smul.u32 $0x7D, s0  }
0x55f: {  	p1 =	sne.s32 s2, $0x3E7;
	v18 =	vld.idx.msk [tilespmem:v18+s9+$0x0], $0xffff;
	s0 =	smul.u32 $0x1F40, s0  }
.Ltmp17:
0x560: {  	s1 =	ssub.s32 s2, s31;
	(pc) =	sbr.rel @p1 .LBB2_32-.Ltmp17, $4  }
0x561: {  	s1 =	sand.u32 $0xFFFF, s1  }
0x562: {  	s0 =	sshrl.u32 s0, $0x2;
	s1 =	sshll.u32 s1, $0x4  }
0x563: {  	s0 =	sadd.s32 s1, s0  }
0x564: {  	s2 =	sadd.s32 $0x1, s2;
	[tilespmem:s0+$0x5280] =	vst v18  }
0x565: {  	s0 =	rddreg [dreg:$0x1]  }
0x566: {  	s1 =	simm.s32 $0x7D;
	s2 =	simm.s32 $0x5280;
	s3 =	simm.s32 $0x1000  }
0x567: {  	[spmem:s0] =	stream.indirect.scatter.add.f32 [tilespmem:s2], [sflag:$0x1], $0x10, s3, s1, $0xb8;
	[tilespmem:$0x10890] =	vst v63  }
0x568: {  	s11 =	simm.s32 $0x5A50;
	s12 =	simm.s32 $0x1080  }
0x569: {  	[spmem:s0] =	stream.indirect.scatter.add.f32 [tilespmem:s11], [sflag:$0x1], $0x10, s12, s1, $0xb8;
	[tilespmem:$0x10890] =	vst v63  }
0x56a: {  	s13 =	simm.s32 $0x6220;
	s14 =	simm.s32 $0x1100  }
0x56b: {  	[spmem:s0] =	stream.indirect.scatter.add.f32 [tilespmem:s13], [sflag:$0x1], $0x10, s14, s1, $0xb8;
	[tilespmem:$0x10890] =	vst v63  }
0x56c: {  	s15 =	simm.s32 $0x69F0;
	s16 =	simm.s32 $0x1180  }
0x56d: {  	[spmem:s0] =	stream.indirect.scatter.add.f32 [tilespmem:s15], [sflag:$0x1], $0x10, s16, s1, $0xb8;
	[tilespmem:$0x10890] =	vst v63  }
0x56e: {  	s17 =	simm.s32 $0x71C0;
	s18 =	simm.s32 $0x1200  }
0x56f: {  	[spmem:s0] =	stream.indirect.scatter.add.f32 [tilespmem:s17], [sflag:$0x1], $0x10, s18, s1, $0xb8;
	[tilespmem:$0x10890] =	vst v63  }
0x570: {  	s19 =	simm.s32 $0x7990;
	s20 =	simm.s32 $0x1280  }
0x571: {  	[spmem:s0] =	stream.indirect.scatter.add.f32 [tilespmem:s19], [sflag:$0x1], $0x10, s20, s1, $0xb8;
	[tilespmem:$0x10890] =	vst v63  }
0x572: {  	s21 =	simm.s32 $0x8160;
	s22 =	simm.s32 $0x1300  }
0x573: {  	[spmem:s0] =	stream.indirect.scatter.add.f32 [tilespmem:s21], [sflag:$0x1], $0x10, s22, s1, $0xb8;
	[tilespmem:$0x10890] =	vst v63  }
0x574: {  	s23 =	simm.s32 $0x8930;
	s24 =	simm.s32 $0x1380;
	s25 =	simm.s32 $0x1  }
0x575: {  	[spmem:s0] =	stream.indirect.scatter.add.f32 [tilespmem:s23], [sflag:$0x1], $0x10, s24, s1, $0xb8;
	[tilespmem:$0x10890] =	vst v63  }
0x576: {  	_ =	swait.ge [sflag:s25], $0x7D0  }
0x577: {  	[sflag:s25] =	ssyncset.done $0x0  }
0x578: {  	[sflag:s25] =	ssyncadd.s32 $0xFFFFF830  }
0x579: {  	_ =	swait.ge [sflag:s25], $0x7D0  }
0x57a: {  	[sflag:s25] =	ssyncset.done $0x0  }
0x57b: {  	[sflag:s25] =	ssyncadd.s32 $0xFFFFF830  }
0x57c: {  	_ =	swait.ge [sflag:s25], $0x7D0  }
0x57d: {  	[sflag:s25] =	ssyncset.done $0x0  }
0x57e: {  	[sflag:s25] =	ssyncadd.s32 $0xFFFFF830  }
0x57f: {  	_ =	swait.ge [sflag:s25], $0x7D0  }
0x580: {  	[sflag:s25] =	ssyncset.done $0x0  }
0x581: {  	[sflag:s25] =	ssyncadd.s32 $0xFFFFF830  }
0x582: {  	_ =	swait.ge [sflag:s25], $0x7D0  }
0x583: {  	[sflag:s25] =	ssyncset.done $0x0  }
0x584: {  	[sflag:s25] =	ssyncadd.s32 $0xFFFFF830  }
0x585: {  	_ =	swait.ge [sflag:s25], $0x7D0  }
0x586: {  	[sflag:s25] =	ssyncset.done $0x0  }
0x587: {  	[sflag:s25] =	ssyncadd.s32 $0xFFFFF830  }
0x588: {  	_ =	swait.ge [sflag:s25], $0x7D0  }
0x589: {  	[sflag:s25] =	ssyncset.done $0x0  }
0x58a: {  	[sflag:s25] =	ssyncadd.s32 $0xFFFFF830  }
0x58b: {  	_ =	swait.ge [sflag:s25], $0x7D0  }
0x58c: {  	[sflag:s25] =	ssyncset.done $0x0  }
0x58d: {  	s26 =	simm.s32 $0x0;
	s28 =	simm.s32 $0x1;
	[sflag:s25] =	ssyncadd.s32 $0xFFFFF830  }
0x58e: {  	s29 =	simm.s32 $0x2;
	s30 =	simm.s32 $0x3;
	[bflag:$0x0] =	sbarrier.arrive $0xFFFF  }
0x58f: {  	s31 =	simm.s32 $0x4;
	s4 =	simm.s32 $0x5;
	s1 =	sld [smem:$0x7FA]  }
0x590: {  	s5 =	simm.s32 $0x6;
	s6 =	simm.s32 $0x7;
	s7 =	simm.s32 $0x8;
	v18 =	vmov s26;
	v19 =	vmov s28;
	v20 =	vmov s29  }
0x591: {  	s8 =	simm.s32 $0x9;
	s10 =	simm.s32 $0xA;
	v21 =	vmov s30;
	v22 =	vmov s31;
	v23 =	vmov s4;
	s0 =	simm.s32 @p0 $0x9100  }
0x592: {  	v24 =	vmov s5;
	v25 =	vmov s6;
	v26 =	vmov s7;
	[tilespmem:s0], [sflag:$0x2] =	stream.linear.gather @p0 [spmem:s1], $0x2080, $0x38;
	[tilespmem:$0x10890] =	vst v63  }
0x593: {  	v27 =	vmov s8;
	v28 =	vmov s10;
	v18 =	vshrl.u32 v18, $0x3;
	s1 =	simm.s32 @p0 $0x2  }
0x594: {  	v19 =	vshrl.u32 v19, $0x3;
	v20 =	vshrl.u32 v20, $0x3;
	v21 =	vshrl.u32 v21, $0x3;
	_ =	swait.ge @p0 [sflag:s1], $0x2080  }
0x595: {  	v22 =	vshrl.u32 v22, $0x3;
	v23 =	vshrl.u32 v23, $0x3;
	v24 =	vshrl.u32 v24, $0x3;
	s2 =	sld [smem:$0x7F9]  }
0x596: {  	v25 =	vshrl.u32 v25, $0x3;
	v26 =	vshrl.u32 v26, $0x3;
	v27 =	vshrl.u32 v27, $0x3;
	[sflag:s1] =	ssyncset.done @p0 $0x0  }
0x597: {  	v28 =	vshrl.u32 v28, $0x3;
	v19 =	vshll.u32 v19, v2;
	v20 =	vshll.u32 v20, v2;
	s15 =	simm.s32 $0xF;
	s0 =	simm.s32 @!p0 $0x9100;
	[sflag:s1] =	ssyncadd.s32 @p0 $0xFFFFDF80  }
0x598: {  	v21 =	vshll.u32 v21, v2;
	v22 =	vshll.u32 v22, v2;
	v33 =	vmov s15;
	[tilespmem:s0], [sflag:$0x2] =	stream.linear.gather @!p0 [spmem:s2], $0x2780, $0x38;
	[tilespmem:$0x10890] =	vst v63  }
0x599: {  	v23 =	vshll.u32 v23, v2;
	v24 =	vshll.u32 v24, v2;
	v33 =	vshrl.u32 v33, $0x3;
	s0 =	simm.s32 @!p0 $0x2  }
0x59a: {  	v25 =	vshll.u32 v25, v2;
	v26 =	vshll.u32 v26, v2;
	v33 =	vshll.u32 v33, v2;
	_ =	swait.ge @!p0 [sflag:s0], $0x2780  }
0x59b: {  	s11 =	simm.s32 $0xB;
	v27 =	vshll.u32 v27, v2;
	v28 =	vshll.u32 v28, v2;
	v33 =	vbroadcast v33, $0x0;
	[sflag:s0] =	ssyncset.done @!p0 $0x0  }
0x59c: {  	s12 =	simm.s32 $0xC;
	v18 =	vshll.u32 v18, v2;
	v29 =	vmov s11;
	v19 =	vbroadcast v19, $0x0;
	s1 =	simm.s32 $0x9180;
	[sflag:s0] =	ssyncadd.s32 @!p0 $0xFFFFD880  }
0x59d: {  	v30 =	vmov s12;
	v20 =	vbroadcast v20, $0x0;
	v33 =	vadd.s32 v17, v33;
	v34 =	vld [tilespmem:s1+$0x70]  }
0x59e: {  	v21 =	vbroadcast v21, $0x0;
	v22 =	vbroadcast v22, $0x0;
	v19 =	vadd.s32 v11, v19;
	v35 =	vld [tilespmem:s1+$0xFFFFFF90]  }
0x59f: {  	v23 =	vbroadcast v23, $0x0;
	v24 =	vbroadcast v24, $0x0;
	v20 =	vadd.s32 v12, v20;
	v36 =	vld [tilespmem:s1+$0xFFFFFFA0]  }
0x5a0: {  	v25 =	vbroadcast v25, $0x0;
	v26 =	vbroadcast v26, $0x0;
	v21 =	vadd.s32 v13, v21;
	v37 =	vld [tilespmem:s1+$0xFFFFFFB0]  }
0x5a1: {  	s5 =	simm.s32 $0xB900;
	v27 =	vbroadcast v27, $0x0;
	v29 =	vshrl.u32 v29, $0x3;
	v22 =	vadd.s32 v14, v22;
	v38 =	vld [tilespmem:s1+$0xFFFFFFC0]  }
0x5a2: {  	v28 =	vbroadcast v28, $0x0;
	v23 =	vadd.s32 v15, v23;
	v29 =	vshll.u32 v29, v2;
	v39 =	vld [tilespmem:s1+$0xFFFFFFD0];
	[tilespmem:v33+s5+$0x0] =	vst.idx.msk $0xffff, v34  }
0x5a3: {  	s13 =	simm.s32 $0xD;
	v30 =	vshrl.u32 v30, $0x3;
	v24 =	vadd.s32 v16, v24;
	v29 =	vbroadcast v29, $0x0;
	[tilespmem:v19+s5+$0x0] =	vst.idx.msk $0xffff, v35;
	v19 =	vld [tilespmem:s1+$0xFFFFFFE0]  }
0x5a4: {  	s14 =	simm.s32 $0xE;
	v31 =	vmov s13;
	v25 =	vadd.s32 v17, v25;
	v26 =	vadd.s32 v5, v26;
	[tilespmem:v20+s5+$0x0] =	vst.idx.msk $0xffff, v36;
	v20 =	vld [tilespmem:s1+$0xFFFFFFF0]  }
0x5a5: {  	v32 =	vmov s14;
	v30 =	vshll.u32 v30, v2;
	v29 =	vadd.s32 v13, v29;
	v55 =	vld [tilespmem:s1+$0x30];
	[tilespmem:v21+s5+$0x0] =	vst.idx.msk $0xffff, v37  }
0x5a6: {  	v27 =	vadd.s32 v11, v27;
	v28 =	vadd.s32 v12, v28;
	v31 =	vshrl.u32 v31, $0x3;
	v21 =	vld [tilespmem:s1+$0x0];
	[tilespmem:v22+s5+$0x0] =	vst.idx.msk $0xffff, v38  }
0x5a7: {  	v32 =	vshrl.u32 v32, $0x3;
	v30 =	vbroadcast v30, $0x0;
	v31 =	vshll.u32 v31, v2;
	s17 =	simm.s32 $0x11;
	v22 =	vld [tilespmem:s1+$0x10];
	[tilespmem:v23+s5+$0x0] =	vst.idx.msk $0xffff, v39  }
0x5a8: {  	v32 =	vshll.u32 v32, v2;
	s18 =	simm.s32 $0x12;
	v57 =	vmov s17;
	v23 =	vld [tilespmem:s1+$0x20];
	[tilespmem:v24+s5+$0x0] =	vst.idx.msk $0xffff, v19;
	v19 =	vbroadcast v31, $0x0  }
0x5a9: {  	s16 =	simm.s32 $0x10;
	v58 =	vmov s18;
	v24 =	vld [tilespmem:s1+$0x40];
	v31 =	vbroadcast v32, $0x0;
	[tilespmem:v25+s5+$0x0] =	vst.idx.msk $0xffff, v20;
	v20 =	vadd.s32 v14, v30  }
0x5aa: {  	s19 =	simm.s32 $0x13;
	v56 =	vld [tilespmem:s1+$0x50];
	[tilespmem:v29+s5+$0x0] =	vst.idx.msk $0xffff, v55;
	v25 =	vmov s16;
	v30 =	vbroadcast v18, $0x0;
	v19 =	vadd.s32 v15, v19  }
0x5ab: {  	s20 =	simm.s32 $0x14;
	v61 =	vmov s19;
	s21 =	simm.s32 $0x15;
	[tilespmem:v26+s5+$0x0] =	vst.idx.msk $0xffff, v21;
	v21 =	vld [tilespmem:s1+$0x60];
	v18 =	vshrl.u32 v25, $0x3;
	v25 =	vadd.s32 v16, v31  }
0x5ac: {  	s30 =	simm.s32 $0x1D;
	v62 =	vmov s20;
	s22 =	simm.s32 $0x16;
	v40 =	vmov s21;
	s23 =	simm.s32 $0x17;
	v59 =	vld [tilespmem:s1+$0xFFFFFF80];
	[tilespmem:v27+s5+$0x0] =	vst.idx.msk $0xffff, v22;
	v60 =	vadd.s32 v5, v30  }
0x5ad: {  	s26 =	simm.s32 $0x1A;
	v63 =	vmov s22;
	s24 =	simm.s32 $0x18;
	s25 =	simm.s32 $0x19;
	v29 =	vmov s30;
	[tilespmem:v28+s5+$0x0] =	vst.idx.msk $0xffff, v23;
	v22 =	vmov s23  }
0x5ae: {  	s28 =	simm.s32 $0x1B;
	s29 =	simm.s32 $0x1C;
	v23 =	vmov s24;
	v27 =	vmov s25;
	v28 =	vmov s26;
	[tilespmem:v20+s5+$0x0] =	vst.idx.msk $0xffff, v24  }
0x5af: {  	s31 =	simm.s32 $0x1E;
	v26 =	vmov s28;
	v32 =	vshrl.u32 v57, $0x3;
	v31 =	vmov s29;
	[tilespmem:v19+s5+$0x0] =	vst.idx.msk $0xffff, v56  }
0x5b0: {  	v30 =	vshrl.u32 v58, $0x3;
	v24 =	vmov s31;
	v20 =	vshrl.u32 v40, $0x3;
	[tilespmem:v25+s5+$0x0] =	vst.idx.msk $0xffff, v21  }
0x5b1: {  	s2 =	simm.s32 $0x1F;
	s0 =	simm.s32 $0x20;
	v25 =	vshrl.u32 v61, $0x3;
	[tilespmem:v60+s5+$0x0] =	vst.idx.msk $0xffff, v59;
	v21 =	vshrl.u32 v62, $0x3;
	v19 =	vshrl.u32 v63, $0x3  }
.LBB2_34:
0x5b2: {  	p1 =	slt.u32 s0, $0x270;
	v22 =	vshrl.u32 v22, $0x3;
	v23 =	vshrl.u32 v23, $0x3;
	v33 =	vmov s2  }
0x5b3: {  	v27 =	vshrl.u32 v27, $0x3;
	v28 =	vshrl.u32 v28, $0x3;
	v33 =	vshrl.u32 v33, $0x3  }
0x5b4: {  	v26 =	vshrl.u32 v26, $0x3;
	v31 =	vshrl.u32 v31, $0x3;
	v33 =	vshll.u32 v33, v2  }
0x5b5: {  	v32 =	vshll.u32 v32, v2;
	v29 =	vshrl.u32 v29, $0x3;
	v33 =	vbroadcast v33, $0x0  }
0x5b6: {  	v30 =	vshll.u32 v30, v2;
	v24 =	vshrl.u32 v24, $0x3;
	s1 =	sadd.s32 $0x100, s1;
	v32 =	vbroadcast v32, $0x0  }
0x5b7: {  	v25 =	vshll.u32 v25, v2;
	v30 =	vbroadcast v30, $0x0;
	v34 =	vld [tilespmem:s1+$0x70];
	v33 =	vadd.s32 v17, v33  }
0x5b8: {  	v21 =	vshll.u32 v21, v2;
	v25 =	vbroadcast v25, $0x0;
	v32 =	vadd.s32 v11, v32;
	v35 =	vld [tilespmem:s1+$0xFFFFFF90]  }
0x5b9: {  	v20 =	vshll.u32 v20, v2;
	v21 =	vbroadcast v21, $0x0;
	v30 =	vadd.s32 v12, v30;
	v36 =	vld [tilespmem:s1+$0xFFFFFFA0]  }
0x5ba: {  	v19 =	vshll.u32 v19, v2;
	v20 =	vbroadcast v20, $0x0;
	v25 =	vadd.s32 v13, v25;
	v37 =	vld [tilespmem:s1+$0xFFFFFFB0]  }
0x5bb: {  	v19 =	vbroadcast v19, $0x0;
	v22 =	vshll.u32 v22, v2;
	v21 =	vadd.s32 v14, v21;
	v38 =	vld [tilespmem:s1+$0xFFFFFFC0]  }
0x5bc: {  	v23 =	vshll.u32 v23, v2;
	v22 =	vbroadcast v22, $0x0;
	v20 =	vadd.s32 v15, v20;
	v39 =	vld [tilespmem:s1+$0xFFFFFFD0];
	[tilespmem:v33+s5+$0x0] =	vst.idx.msk $0xffff, v34  }
0x5bd: {  	v27 =	vshll.u32 v27, v2;
	v23 =	vbroadcast v23, $0x0;
	v19 =	vadd.s32 v16, v19;
	[tilespmem:v32+s5+$0x0] =	vst.idx.msk $0xffff, v35;
	v32 =	vld [tilespmem:s1+$0xFFFFFFE0]  }
0x5be: {  	v28 =	vshll.u32 v28, v2;
	v27 =	vbroadcast v27, $0x0;
	v22 =	vadd.s32 v17, v22;
	[tilespmem:v30+s5+$0x0] =	vst.idx.msk $0xffff, v36;
	v30 =	vld [tilespmem:s1+$0xFFFFFFF0]  }
0x5bf: {  	v26 =	vshll.u32 v26, v2;
	v28 =	vbroadcast v28, $0x0;
	v23 =	vadd.s32 v5, v23;
	[tilespmem:v25+s5+$0x0] =	vst.idx.msk $0xffff, v37;
	v25 =	vld [tilespmem:s1+$0x0]  }
0x5c0: {  	v31 =	vshll.u32 v31, v2;
	v26 =	vbroadcast v26, $0x0;
	v27 =	vadd.s32 v11, v27;
	[tilespmem:v21+s5+$0x0] =	vst.idx.msk $0xffff, v38;
	v21 =	vld [tilespmem:s1+$0x10]  }
0x5c1: {  	v29 =	vshll.u32 v29, v2;
	v31 =	vbroadcast v31, $0x0;
	v28 =	vadd.s32 v12, v28;
	[tilespmem:v20+s5+$0x0] =	vst.idx.msk $0xffff, v39;
	v20 =	vld [tilespmem:s1+$0x20]  }
0x5c2: {  	v24 =	vshll.u32 v24, v2;
	v29 =	vbroadcast v29, $0x0;
	v26 =	vadd.s32 v13, v26;
	[tilespmem:v19+s5+$0x0] =	vst.idx.msk $0xffff, v32;
	v19 =	vld [tilespmem:s1+$0x30]  }
0x5c3: {  	v18 =	vshll.u32 v18, v2;
	v31 =	vadd.s32 v14, v31;
	[tilespmem:v22+s5+$0x0] =	vst.idx.msk $0xffff, v30;
	v30 =	vld [tilespmem:s1+$0x40];
	v22 =	vbroadcast v24, $0x0  }
0x5c4: {  	s2 =	sadd.s32 $0x1, s0;
	v29 =	vadd.s32 v15, v29;
	v32 =	vbroadcast v18, $0x0;
	v24 =	vmov s0;
	[tilespmem:v23+s5+$0x0] =	vst.idx.msk $0xffff, v25;
	v25 =	vld [tilespmem:s1+$0x50]  }
0x5c5: {  	s3 =	sadd.s32 $0x2, s0;
	s4 =	sadd.s32 $0x5, s0;
	v34 =	vmov s2;
	v18 =	vshrl.u32 v24, $0x3;
	[tilespmem:v27+s5+$0x0] =	vst.idx.msk $0xffff, v21;
	v21 =	vld [tilespmem:s1+$0x60];
	v33 =	vadd.s32 v16, v22  }
0x5c6: {  	s2 =	sadd.s32 $0x3, s0;
	v35 =	vmov s3;
	s3 =	sadd.s32 $0x4, s0;
	v39 =	vmov s4;
	s4 =	sadd.s32 $0x8, s0;
	v37 =	vadd.s32 v5, v32;
	v36 =	vld [tilespmem:s1+$0xFFFFFF80];
	[tilespmem:v28+s5+$0x0] =	vst.idx.msk $0xffff, v20  }
0x5c7: {  	v38 =	vmov s3;
	s3 =	sadd.s32 $0x7, s0;
	v23 =	vmov s4;
	s4 =	sadd.s32 $0xB, s0;
	v20 =	vmov s2;
	s2 =	sadd.s32 $0x6, s0;
	[tilespmem:v26+s5+$0x0] =	vst.idx.msk $0xffff, v19  }
.Ltmp18:
0x5c8: {  	v22 =	vmov s3;
	s3 =	sadd.s32 $0xA, s0;
	v19 =	vmov s2;
	s2 =	sadd.s32 $0x9, s0;
	[tilespmem:v31+s5+$0x0] =	vst.idx.msk $0xffff, v30;
	(pc) =	sbr.rel @p1 .LBB2_34-.Ltmp18, $4  }
0x5c9: {  	v28 =	vmov s3;
	s3 =	sadd.s32 $0xD, s0;
	v26 =	vmov s4;
	s4 =	sadd.s32 $0xE, s0;
	v27 =	vmov s2;
	s2 =	sadd.s32 $0xC, s0;
	[tilespmem:v29+s5+$0x0] =	vst.idx.msk $0xffff, v25  }
0x5ca: {  	v24 =	vmov s4;
	v31 =	vmov s2;
	v29 =	vmov s3;
	[tilespmem:v33+s5+$0x0] =	vst.idx.msk $0xffff, v21  }
0x5cb: {  	v32 =	vshrl.u32 v34, $0x3;
	v30 =	vshrl.u32 v35, $0x3;
	v25 =	vshrl.u32 v20, $0x3;
	[tilespmem:v37+s5+$0x0] =	vst.idx.msk $0xffff, v36  }
0x5cc: {  	v19 =	vshrl.u32 v19, $0x3;
	v20 =	vshrl.u32 v39, $0x3;
	s2 =	sadd.s32 $0xF, s0;
	s0 =	sadd.s32 $0x10, s0;
	v21 =	vshrl.u32 v38, $0x3  }
0x5cd: {  	v22 =	vshrl.u32 v22, $0x3;
	v23 =	vshrl.u32 v23, $0x3;
	v33 =	vmov s2  }
0x5ce: {  	v27 =	vshrl.u32 v27, $0x3;
	v28 =	vshrl.u32 v28, $0x3;
	v26 =	vshrl.u32 v26, $0x3  }
0x5cf: {  	v31 =	vshrl.u32 v31, $0x3;
	v32 =	vshll.u32 v32, v2;
	v29 =	vshrl.u32 v29, $0x3  }
0x5d0: {  	v30 =	vshll.u32 v30, v2;
	v24 =	vshrl.u32 v24, $0x3;
	v32 =	vbroadcast v32, $0x0  }
0x5d1: {  	s0 =	sadd.s32 $0x100, s1;
	v25 =	vshll.u32 v25, v2;
	v21 =	vshll.u32 v21, v2;
	v30 =	vbroadcast v30, $0x0  }
0x5d2: {  	v20 =	vshll.u32 v20, v2;
	v35 =	vld [tilespmem:s0+$0xFFFFFF90];
	v25 =	vbroadcast v25, $0x0;
	v32 =	vadd.s32 v11, v32  }
0x5d3: {  	v19 =	vshll.u32 v19, v2;
	v36 =	vld [tilespmem:s0+$0xFFFFFFA0];
	v21 =	vbroadcast v21, $0x0;
	v30 =	vadd.s32 v12, v30  }
0x5d4: {  	v18 =	vshll.u32 v18, v2;
	v37 =	vld [tilespmem:s0+$0xFFFFFFB0];
	v20 =	vbroadcast v20, $0x0;
	v25 =	vadd.s32 v13, v25  }
0x5d5: {  	v33 =	vshrl.u32 v33, $0x3;
	v38 =	vld [tilespmem:s0+$0xFFFFFFC0];
	v19 =	vbroadcast v19, $0x0;
	v21 =	vadd.s32 v14, v21  }
0x5d6: {  	v22 =	vshll.u32 v22, v2;
	v39 =	vld [tilespmem:s0+$0xFFFFFFD0];
	v18 =	vbroadcast v18, $0x0;
	v20 =	vadd.s32 v15, v20  }
0x5d7: {  	v23 =	vshll.u32 v23, v2;
	v53 =	vld [tilespmem:s0+$0xFFFFFFE0];
	v22 =	vbroadcast v22, $0x0;
	v19 =	vadd.s32 v16, v19;
	[tilespmem:v32+s5+$0x0] =	vst.idx.msk $0xffff, v35  }
0x5d8: {  	v27 =	vshll.u32 v27, v2;
	v63 =	vld [tilespmem:s0+$0xFFFFFF80];
	v23 =	vbroadcast v23, $0x0;
	v18 =	vadd.s32 v5, v18;
	[tilespmem:v30+s5+$0x0] =	vst.idx.msk $0xffff, v36  }
0x5d9: {  	v54 =	vld [tilespmem:s0+$0xFFFFFFF0];
	v28 =	vshll.u32 v28, v2;
	v27 =	vbroadcast v27, $0x0;
	v22 =	vadd.s32 v17, v22;
	[tilespmem:v25+s5+$0x0] =	vst.idx.msk $0xffff, v37  }
0x5da: {  	v55 =	vld [tilespmem:s0+$0x0];
	v31 =	vshll.u32 v31, v2;
	v28 =	vbroadcast v28, $0x0;
	v23 =	vadd.s32 v5, v23;
	[tilespmem:v21+s5+$0x0] =	vst.idx.msk $0xffff, v38  }
0x5db: {  	v56 =	vld [tilespmem:s0+$0x10];
	v29 =	vshll.u32 v29, v2;
	v31 =	vbroadcast v31, $0x0;
	v27 =	vadd.s32 v11, v27;
	[tilespmem:v20+s5+$0x0] =	vst.idx.msk $0xffff, v39  }
0x5dc: {  	v57 =	vld [tilespmem:s0+$0x20];
	v24 =	vshll.u32 v24, v2;
	v29 =	vbroadcast v29, $0x0;
	v28 =	vadd.s32 v12, v28;
	[tilespmem:v19+s5+$0x0] =	vst.idx.msk $0xffff, v53  }
0x5dd: {  	v58 =	vld [tilespmem:s0+$0x40];
	v33 =	vshll.u32 v33, v2;
	v24 =	vbroadcast v24, $0x0;
	v59 =	vadd.s32 v14, v31;
	[tilespmem:v18+s5+$0x0] =	vst.idx.msk $0xffff, v63  }
0x5de: {  	v26 =	vshll.u32 v26, v2;
	v60 =	vld [tilespmem:s0+$0x50];
	v33 =	vbroadcast v33, $0x0;
	v61 =	vadd.s32 v15, v29;
	[tilespmem:v22+s5+$0x0] =	vst.idx.msk $0xffff, v54  }
0x5df: {  	v62 =	vld [tilespmem:s0+$0x60];
	v26 =	vbroadcast v26, $0x0;
	v24 =	vadd.s32 v16, v24;
	[tilespmem:v23+s5+$0x0] =	vst.idx.msk $0xffff, v55  }
0x5e0: {  	v34 =	vld [tilespmem:s0+$0x70];
	v33 =	vadd.s32 v17, v33;
	[tilespmem:v27+s5+$0x0] =	vst.idx.msk $0xffff, v56  }
0x5e1: {  	v26 =	vadd.s32 v13, v26;
	v19 =	vld [tilespmem:s0+$0x30];
	[tilespmem:v28+s5+$0x0] =	vst.idx.msk $0xffff, v57  }
.Ltmp19:
0x5e2: {  	[tilespmem:v59+s5+$0x0] =	vst.idx.msk $0xffff, v58;
	(pc) =	sbr.rel @p0 .LBB2_37-.Ltmp19, $4  }
0x5e3: {  	[tilespmem:v61+s5+$0x0] =	vst.idx.msk $0xffff, v60  }
0x5e4: {  	[tilespmem:v24+s5+$0x0] =	vst.idx.msk $0xffff, v62  }
0x5e5: {  	[tilespmem:v33+s5+$0x0] =	vst.idx.msk $0xffff, v34  }
0x5e6: {  	s1 =	simm.s32 $0x0;
	[tilespmem:v26+s5+$0x0] =	vst.idx.msk $0xffff, v19  }
0x5e7: {  	s2 =	sld [smem:$0x7FB];
	_ =	sdelay $0x2  }
0x5e8: {  	[hbm4b:s2+s1] =	stream.linear.scatter [tilespmem:s5], [sflag:$0x2], $0x278, $0x38;
	[tilespmem:$0x10890] =	vst v63  }
0x5e9: {  	s3 =	simm.s32 $0xBB88;
	s0 =	sadd.s32 $0x4E2, s2  }
0x5ea: {  	[hbm4b:s0+s1] =	stream.linear.scatter [tilespmem:s3], [sflag:$0x2], $0x278, $0x38;
	[tilespmem:$0x10890] =	vst v63  }
0x5eb: {  	s31 =	simm.s32 $0xBE10;
	s30 =	sadd.s32 $0x9C4, s2  }
0x5ec: {  	[hbm4b:s30+s1] =	stream.linear.scatter [tilespmem:s31], [sflag:$0x2], $0x278, $0x38;
	[tilespmem:$0x10890] =	vst v63  }
0x5ed: {  	s4 =	simm.s32 $0xC098;
	s3 =	sadd.s32 $0xEA6, s2  }
0x5ee: {  	[hbm4b:s3+s1] =	stream.linear.scatter [tilespmem:s4], [sflag:$0x2], $0x278, $0x38;
	[tilespmem:$0x10890] =	vst v63  }
0x5ef: {  	s6 =	simm.s32 $0xC320;
	s5 =	sadd.s32 $0x1388, s2  }
0x5f0: {  	[hbm4b:s5+s1] =	stream.linear.scatter [tilespmem:s6], [sflag:$0x2], $0x278, $0x38;
	[tilespmem:$0x10890] =	vst v63  }
0x5f1: {  	s8 =	simm.s32 $0xC5A8;
	s7 =	sadd.s32 $0x186A, s2  }
0x5f2: {  	[hbm4b:s7+s1] =	stream.linear.scatter [tilespmem:s8], [sflag:$0x2], $0x278, $0x38;
	[tilespmem:$0x10890] =	vst v63  }
0x5f3: {  	s11 =	simm.s32 $0xC830;
	s10 =	sadd.s32 $0x1D4C, s2  }
0x5f4: {  	[hbm4b:s10+s1] =	stream.linear.scatter [tilespmem:s11], [sflag:$0x2], $0x278, $0x38;
	[tilespmem:$0x10890] =	vst v63  }
0x5f5: {  	s13 =	simm.s32 $0xCAB8;
	s12 =	sadd.s32 $0x222E, s2  }
0x5f6: {  	[hbm4b:s12+s1] =	stream.linear.scatter [tilespmem:s13], [sflag:$0x2], $0x278, $0x38;
	[tilespmem:$0x10890] =	vst v63  }
0x5f7: {  	s15 =	simm.s32 $0xCD40;
	s14 =	sadd.s32 $0x2710, s2  }
0x5f8: {  	[hbm4b:s14+s1] =	stream.linear.scatter [tilespmem:s15], [sflag:$0x2], $0x278, $0x38;
	[tilespmem:$0x10890] =	vst v63  }
0x5f9: {  	s17 =	simm.s32 $0xCFC8;
	s16 =	sadd.s32 $0x2BF2, s2  }
0x5fa: {  	[hbm4b:s16+s1] =	stream.linear.scatter [tilespmem:s17], [sflag:$0x2], $0x278, $0x38;
	[tilespmem:$0x10890] =	vst v63  }
0x5fb: {  	s19 =	simm.s32 $0xD250;
	s18 =	sadd.s32 $0x30D4, s2  }
0x5fc: {  	[hbm4b:s18+s1] =	stream.linear.scatter [tilespmem:s19], [sflag:$0x2], $0x278, $0x38;
	[tilespmem:$0x10890] =	vst v63  }
0x5fd: {  	s21 =	simm.s32 $0xD4D8;
	s20 =	sadd.s32 $0x35B6, s2  }
0x5fe: {  	[hbm4b:s20+s1] =	stream.linear.scatter [tilespmem:s21], [sflag:$0x2], $0x278, $0x38;
	[tilespmem:$0x10890] =	vst v63  }
0x5ff: {  	s23 =	simm.s32 $0xD760;
	s22 =	sadd.s32 $0x3A98, s2  }
0x600: {  	[hbm4b:s22+s1] =	stream.linear.scatter [tilespmem:s23], [sflag:$0x2], $0x278, $0x38;
	[tilespmem:$0x10890] =	vst v63  }
0x601: {  	s25 =	simm.s32 $0xD9E8;
	s24 =	sadd.s32 $0x3F7A, s2  }
0x602: {  	[hbm4b:s24+s1] =	stream.linear.scatter [tilespmem:s25], [sflag:$0x2], $0x278, $0x38;
	[tilespmem:$0x10890] =	vst v63  }
0x603: {  	s28 =	simm.s32 $0xDC70;
	s26 =	sadd.s32 $0x445C, s2;
	s29 =	sadd.s32 $0x493E, s2  }
0x604: {  	[hbm4b:s26+s1] =	stream.linear.scatter [tilespmem:s28], [sflag:$0x2], $0x278, $0x38;
	[tilespmem:$0x10890] =	vst v63  }
.Ltmp20:
0x605: {  	s30 =	simm.s32 $0xDEF8;
	s31 =	simm.s32 $0x2;
	(pc) =	sbr.rel .LBB2_38-.Ltmp20, $4  }
0x606: {  	[hbm4b:s29+s1] =	stream.linear.scatter [tilespmem:s30], [sflag:$0x2], $0x278, $0x38;
	[tilespmem:$0x10890] =	vst v63  }
0x607: {  	_ =	swait.ge [sflag:s31], $0x2780  }
0x608: {  	[sflag:s31] =	ssyncset.done $0x0  }
0x609: {  	s1 =	sld [smem:$0x7F1];
	[sflag:s31] =	ssyncadd.s32 $0xFFFFD880  }
.LBB2_4:
.Ltmp21:
0x60a: {  	(pc) =	sbr.rel .LBB2_7-.Ltmp21, $4  }
0x60b: {  	s6 =	simm.s32 $0x9;
	s18 =	simm.s32 $0x0  }
0x60c: {  	s22 =	simm.s32 $0x8;
	s24 =	simm.s32 $0x3;
	[dreg:$0xd] =	wrdreg s6  }
0x60d: {  	s19 =	simm.s32 $0x1;
	s15 =	simm.s32 $0x6;
	[smem:$0x7E9] =	sst s22  }
0x60e: {  	[dreg:$0x8] =	wrdreg s24;
	s24 =	simm.s32 $0x4;
	s22 =	simm.s32 $0x2  }
.LBB2_10:
0x60f: {  	s6 =	simm.s32 $0x9  }
.Ltmp22:
0x610: {  	s19 =	simm.s32 $0x8;
	[dreg:$0xe] =	wrdreg s6;
	(pc) =	sbr.rel .LBB2_13-.Ltmp22, $4  }
0x611: {  	s22 =	simm.s32 $0x3;
	[smem:$0x7D3] =	sst s19  }
0x612: {  	s24 =	simm.s32 $0x5;
	[dreg:$0x9] =	wrdreg s22  }
0x613: {  	s18 =	simm.s32 $0x0;
	s15 =	simm.s32 $0x6;
	[dreg:$0x4] =	wrdreg s24  }
0x614: {  	s24 =	simm.s32 $0x4;
	s19 =	simm.s32 $0x1;
	s22 =	simm.s32 $0x2  }
.LBB2_16:
0x615: {  	s6 =	simm.s32 $0x9  }
.Ltmp23:
0x616: {  	s19 =	simm.s32 $0x8;
	[dreg:$0xf] =	wrdreg s6;
	(pc) =	sbr.rel .LBB2_19-.Ltmp23, $4  }
0x617: {  	s22 =	simm.s32 $0x3;
	[smem:$0x7BD] =	sst s19  }
0x618: {  	s24 =	simm.s32 $0x5;
	[dreg:$0xa] =	wrdreg s22  }
0x619: {  	s18 =	simm.s32 $0x0;
	s15 =	simm.s32 $0x6;
	[dreg:$0x5] =	wrdreg s24  }
0x61a: {  	s24 =	simm.s32 $0x4;
	s19 =	simm.s32 $0x1;
	s22 =	simm.s32 $0x2  }
.LBB2_22:
0x61b: {  	s6 =	simm.s32 $0x9  }
.Ltmp24:
0x61c: {  	s19 =	simm.s32 $0x8;
	[dreg:$0x10] =	wrdreg s6;
	(pc) =	sbr.rel .LBB2_25-.Ltmp24, $4  }
0x61d: {  	s22 =	simm.s32 $0x3;
	[smem:$0x7A7] =	sst s19  }
0x61e: {  	s24 =	simm.s32 $0x5;
	[dreg:$0xb] =	wrdreg s22  }
0x61f: {  	s18 =	simm.s32 $0x0;
	s15 =	simm.s32 $0x6;
	[dreg:$0x6] =	wrdreg s24  }
0x620: {  	s24 =	simm.s32 $0x4;
	s19 =	simm.s32 $0x1;
	s22 =	simm.s32 $0x2  }
.LBB2_28:
0x621: {  	s6 =	simm.s32 $0x9  }
.Ltmp25:
0x622: {  	s19 =	simm.s32 $0x8;
	[dreg:$0x11] =	wrdreg s6;
	(pc) =	sbr.rel .LBB2_31-.Ltmp25, $4  }
0x623: {  	s22 =	simm.s32 $0x3;
	[smem:$0x790] =	sst s19  }
0x624: {  	s24 =	simm.s32 $0x5;
	[dreg:$0xc] =	wrdreg s22  }
0x625: {  	s18 =	simm.s32 $0x0;
	s15 =	simm.s32 $0x6;
	[dreg:$0x7] =	wrdreg s24  }
0x626: {  	s24 =	simm.s32 $0x4;
	s19 =	simm.s32 $0x1;
	s22 =	simm.s32 $0x2  }
.LBB2_39:
0x627: {  	_ =	sfence.sel $0x180000  }
0x628: {  	[bflag:$0x0] =	sbarrier.arrive $0xFFFF  }
0x629: {  	_ =	strace $0x9000004A  }
0x62a: {  	s0 =	stileid.u32;
	[bflag:$0x2] =	sbarrier.arrive $0xFFFF  }
0x62b: {  	p0 =	sne.s32 s0, $0x0;
	s0 =	rddreg [dreg:$0x2]  }
0x62c: {  	s0 =	sadd.s32 @!p0 $0x100000, s0  }
0x62d: {  	[sflag:s0] =	ssyncadd.tile.s32 @!p0 $0x1;
	_ =	shalt  }
.Lfunc_end2:
_tile_overlayer_lowered:
.L_overlay_start_2:
0x62e: {  	(tag) =	ssettag $0x2  }
0x62f: {  	s0 =	rddreg [dreg:$0x0];
	s2 =	stileid.u32  }
0x630: {  	s1 =	rddreg [dreg:$0x1];
	p0 =	sne.s32 s2, $0x0  }
0x631: {  	s3 =	rddreg [dreg:$0x2];
	[bflag:$0x3] =	sbarrier.arrive $0xFFFF;
	s2 =	simm.s32 @!p0 $0x1C02  }
0x632: {  	[timem:s3], [sflag:s2] =	dma.local @!p0 [hbm:s0], s1  }
0x633: {  	s0 =	simm.s32 @!p0 $0x2  }
0x634: {  	_ =	swait.ge @!p0 [sflag:s0], s1  }
0x635: {  	s1 =	ssub.s32 @!p0 $0x0, s1;
	[sflag:s0] =	ssyncset.done @!p0 $0x0  }
0x636: {  	[sflag:s0] =	ssyncadd.s32 @!p0 s1  }
0x637: {  	[bflag:$0x3] =	sbarrier.arrive $0xFFFF  }
0x638: {  	_ =	shalt  }

</sc_bundles>
